<compile_context>
chip_gen: v7x
topology: tpu7x:2x2x1
jax: 0.10.2.dev20260603
libtpu: 0.0.44.dev20260713+nightly
codegen_flags: <defaults>
</compile_context>

<pallas_src>
import functools

import jax
import jax.numpy as jnp
from jax import lax
from jax.experimental import pallas as pl
from jax.experimental.pallas import tpu as pltpu
from jax.experimental.pallas import tpu_sc as plsc

B = 16384
NC = 13
NF = 26
V = 100001
D = 32
NO = NC + NF

_NCORES = 2
_NSUB = 16
_NW = _NCORES * _NSUB
_ROWS_PER_W = B // _NW
_C = 16
_NCHUNK = _ROWS_PER_W // _C
_SR = 40


def _sc_body(tables, idx, x2, effw, effb, out,
             idx_v, x_v, effw_v, effb_v, rows_v, sem_g, sem_o):
    cid = lax.axis_index("c")
    sid = lax.axis_index("s")
    wid = sid * _NCORES + cid
    base0 = wid * _ROWS_PER_W

    pltpu.sync_copy(effw, effw_v)
    pltpu.sync_copy(effb, effb_v)

    def chunk(k, carry):
        base = base0 + k * _C
        pltpu.sync_copy(idx.at[pl.ds(base, _C), :], idx_v)
        pltpu.sync_copy(x2.at[pl.ds(base, _C), :], x_v)

        def row(bl, c2):
            v0 = idx_v[bl, pl.ds(0, 16)]
            v1 = idx_v[bl, pl.ds(10, 16)]
            srow = bl * _SR
            for f in range(NF):
                r = v0[f] if f < 16 else v1[f - 10]
                pltpu.async_copy(
                    tables.at[pl.ds(f, 1), pl.ds(r, 1), :],
                    rows_v.at[pl.ds(0, 1), pl.ds(srow + NC + f, 1), :],
                    sem_g,
                )
            xv = x_v[bl, pl.ds(0, 16)]
            for c in range(NC):
                s = xv[c]
                for h in range(2):
                    val = (s * effw_v[c, pl.ds(h * 16, 16)]
                           + effb_v[c, pl.ds(h * 16, 16)])
                    rows_v[0, srow + c, pl.ds(h * 16, 16)] = val
            @pl.when(bl > 1)
            def _():
                for f in range(NF):
                    pltpu.make_async_copy(
                        tables.at[pl.ds(0, 1), pl.ds(0, 1), :],
                        rows_v.at[pl.ds(0, 1), pl.ds(0, 1), :],
                        sem_g,
                    ).wait()
                pltpu.async_copy(
                    rows_v.at[pl.ds(0, 1), pl.ds((bl - 2) * _SR, NO), :],
                    out.at[pl.ds(base + bl - 2, 1), :, :],
                    sem_o,
                )
            return c2

        lax.fori_loop(0, _C, row, 0)
        for tail in (_C - 2, _C - 1):
            for f in range(NF):
                pltpu.make_async_copy(
                    tables.at[pl.ds(0, 1), pl.ds(0, 1), :],
                    rows_v.at[pl.ds(0, 1), pl.ds(0, 1), :],
                    sem_g,
                ).wait()
            pltpu.async_copy(
                rows_v.at[pl.ds(0, 1), pl.ds(tail * _SR, NO), :],
                out.at[pl.ds(base + tail, 1), :, :],
                sem_o,
            )
        for i in range(_C):
            pltpu.make_async_copy(
                rows_v.at[pl.ds(0, 1), pl.ds(0, NO), :],
                out.at[pl.ds(0, 1), :, :],
                sem_o,
            ).wait()
        return carry

    lax.fori_loop(0, _NCHUNK, chunk, 0)


_sc_embed = functools.partial(
    pl.kernel,
    out_type=jax.ShapeDtypeStruct((B, NO, D), jnp.float32),
    mesh=plsc.VectorSubcoreMesh(core_axis_name="c", subcore_axis_name="s"),
    scratch_types=[
        pltpu.VMEM((_C, NF), jnp.int32),
        pltpu.VMEM((_C, 16), jnp.float32),
        pltpu.VMEM((NC, D), jnp.float32),
        pltpu.VMEM((NC, D), jnp.float32),
        pltpu.VMEM((1, _C * _SR, D), jnp.float32),
        pltpu.SemaphoreType.DMA,
        pltpu.SemaphoreType.DMA,
    ],
)(_sc_body)


def _stats_body(xt_ref, w_ref, b_ref, effw_ref, effb_ref):
    xt = xt_ref[...]
    m = jnp.mean(xt, axis=1, keepdims=True)
    var = jnp.mean(xt * xt, axis=1, keepdims=True) - m * m
    r = lax.rsqrt(var + 1e-5)
    effw = w_ref[...] * r
    effw_ref[...] = effw
    effb_ref[...] = b_ref[...] - effw * m


def _stats(xt, w, b):
    return pl.pallas_call(
        _stats_body,
        out_shape=(
            jax.ShapeDtypeStruct((NC, D), jnp.float32),
            jax.ShapeDtypeStruct((NC, D), jnp.float32),
        ),
    )(xt, w, b)


def kernel(x, categorical, cont_w, cont_b, tables):
    effw, effb = _stats(x.T, cont_w, cont_b)
    xp = jnp.pad(x, ((0, 0), (0, 16 - NC)))
    return _sc_embed(tables, categorical.astype(jnp.int32), xp, effw, effb)

# --- scband reference (transcript-rebuilt; emitter-appended) ---
"""Pipeline reference for scband-embedding2d-5153960755308 (READ-ONLY COPY).

The authoritative reference and input builder live on the scoring server;
editing this copy changes nothing except your own understanding.
"""

import jax, jax.numpy as jnp
import numpy as np

B = 16384
NC = 13
NF = 26
V = 100001
D = 32


def setup_inputs(seed: int = 0) -> dict:
    key = jax.random.key(seed)
    k1, k2, k3, k4, k5 = jax.random.split(key, 5)
    s = 1.0 / np.sqrt(D)
    x = jax.random.normal(k1, (B, NC), dtype=jnp.float32)
    categorical = jax.random.randint(k2, (B, NF), 0, V)
    cont_w = jax.random.normal(k3, (NC, D), dtype=jnp.float32) * s
    cont_b = jax.random.normal(k4, (NC, D), dtype=jnp.float32) * s
    tables = jax.random.normal(k5, (NF, V, D), dtype=jnp.float32) * s
    return {"x": x, "categorical": categorical, "cont_w": cont_w, "cont_b": cont_b, "tables": tables}


def reference(x, categorical, cont_w, cont_b, tables):
    # BatchNorm1d in train mode with affine gamma=1, beta=0 (init values)
    eps = 1e-5
    mean = jnp.mean(x, axis=0, keepdims=True)
    var = jnp.var(x, axis=0, keepdims=True)
    xn = (x - mean) / jnp.sqrt(var + eps)
    # continuous embedding: [B, NC, D]
    x_cont = cont_w[None, :, :] * xn[:, :, None] + cont_b[None, :, :]
    # dropout p=0.0 -> identity
    # categorical embeddings: per-field gather then stack along field axis -> [B, NF, D]
    x_cat = jnp.stack([tables[i][categorical[:, i]] for i in range(NF)], axis=1)
    # concat continuous + categorical along field axis -> [B, NC+NF, D]
    x_res = jnp.concatenate([x_cont, x_cat], axis=1)
    return x_res

if __name__ == "__main__":
    import jax
    _d = setup_inputs()
    print(jax.jit(kernel)(*tuple(_d.values())))

</pallas_src>

<mosaic_0001>
#map = affine_map<(d0, d1) -> (0, 0, 0)>
#map1 = affine_map<(d0, d1) -> (0, 0)>
module attributes {stable_mosaic.version = 14 : i64} {
  func.func @_sc_body(%arg0: i32, %arg1: i32, %arg2: memref<26x100001x32xf32, #tpu.memory_space<hbm>>, %arg3: memref<16384x26xi32, #tpu.memory_space<hbm>>, %arg4: memref<16384x16xf32, #tpu.memory_space<hbm>>, %arg5: memref<13x32xf32, #tpu.memory_space<hbm>>, %arg6: memref<13x32xf32, #tpu.memory_space<hbm>>, %arg7: memref<16384x39x32xf32, #tpu.memory_space<hbm>>, %arg8: memref<16x26xi32, #tpu.memory_space<vmem>>, %arg9: memref<16x16xf32, #tpu.memory_space<vmem>>, %arg10: memref<13x32xf32, #tpu.memory_space<vmem>>, %arg11: memref<13x32xf32, #tpu.memory_space<vmem>>, %arg12: memref<1x640x32xf32, #tpu.memory_space<vmem>>, %arg13: memref<!tpu.dma_semaphore, #tpu.memory_space<semaphore_mem>>, %arg14: memref<!tpu.dma_semaphore, #tpu.memory_space<semaphore_mem>>) attributes {dimension_semantics = [#tpu.dimension_semantics<core_parallel>, #tpu.dimension_semantics<subcore_parallel>], iteration_bounds = array<i64: 2, 16>, scalar_prefetch = 0 : i64, scratch_operands = 7 : i64, tpu.core_type = #tpu.core_type<sc_vector_subcore>, window_params = [{transform_indices = #map}, {transform_indices = #map1}, {transform_indices = #map1}, {transform_indices = #map1}, {transform_indices = #map1}, {transform_indices = #map}]} {
    %mul3A = arith.constant 2 : i32
    %mul3A_0 = arith.muli %arg1, %mul3A : i32
    %add3A = arith.addi %mul3A_0, %arg0 : i32
    %mul3A_1 = arith.constant 512 : i32
    %mul3A_2 = arith.muli %add3A, %mul3A_1 : i32
    "tpu.region"() ({
      %run_scoped3A = tpu.sem_alloc : memref<!tpu.dma_semaphore, #tpu.memory_space<semaphore_mem>>
      tpu.enqueue_dma source(%arg5 : memref<13x32xf32, #tpu.memory_space<hbm>>) target(%arg10 : memref<13x32xf32, #tpu.memory_space<vmem>>) target_semaphore(%run_scoped3A : memref<!tpu.dma_semaphore, #tpu.memory_space<semaphore_mem>>)
      tpu.wait_dma2 semaphore(%run_scoped3A : memref<!tpu.dma_semaphore, #tpu.memory_space<semaphore_mem>>) src(%arg5 : memref<13x32xf32, #tpu.memory_space<hbm>>) dst(%arg10 : memref<13x32xf32, #tpu.memory_space<vmem>>)
      tpu.yield
    }) : () -> ()
    "tpu.region"() ({
      %run_scoped3A = tpu.sem_alloc : memref<!tpu.dma_semaphore, #tpu.memory_space<semaphore_mem>>
      tpu.enqueue_dma source(%arg6 : memref<13x32xf32, #tpu.memory_space<hbm>>) target(%arg11 : memref<13x32xf32, #tpu.memory_space<vmem>>) target_semaphore(%run_scoped3A : memref<!tpu.dma_semaphore, #tpu.memory_space<semaphore_mem>>)
      tpu.wait_dma2 semaphore(%run_scoped3A : memref<!tpu.dma_semaphore, #tpu.memory_space<semaphore_mem>>) src(%arg6 : memref<13x32xf32, #tpu.memory_space<hbm>>) dst(%arg11 : memref<13x32xf32, #tpu.memory_space<vmem>>)
      tpu.yield
    }) : () -> ()
    %scan3A = arith.constant 0 : i32
    %scan3A_3 = arith.constant 0 : i32
    %scan3A_4 = arith.constant 32 : i32
    %scan3A_5 = arith.addi %scan3A_3, %scan3A_4 : i32
    %scan3A_6 = arith.constant 1 : i32
    scf.for %scan3A_8 = %scan3A_3 to %scan3A_5 step %scan3A_6  : i32 {
      %mul3A_9 = arith.constant 16 : i32
      %mul3A_10 = arith.muli %scan3A_8, %mul3A_9 : i32
      %add3A_11 = arith.addi %mul3A_2, %mul3A_10 : i32
      "tpu.region"() ({
        %run_scoped3A = tpu.sem_alloc : memref<!tpu.dma_semaphore, #tpu.memory_space<semaphore_mem>>
        %dma_start3A_1136 = arith.constant 0 : i32
        %dma_start3A_1137 = tpu.memref_slice %arg3[%add3A_11, %dma_start3A_1136] : memref<16384x26xi32, #tpu.memory_space<hbm>> -> memref<16x26xi32, #tpu.memory_space<hbm>>
        %dma_start3A_1138 = arith.constant 0 : i32
        %dma_start3A_1139 = tpu.memref_slice %arg3[%add3A_11, %dma_start3A_1138] : memref<16384x26xi32, #tpu.memory_space<hbm>> -> memref<16x26xi32, #tpu.memory_space<hbm>>
        tpu.enqueue_dma source(%dma_start3A_1139 : memref<16x26xi32, #tpu.memory_space<hbm>>) target(%arg8 : memref<16x26xi32, #tpu.memory_space<vmem>>) target_semaphore(%run_scoped3A : memref<!tpu.dma_semaphore, #tpu.memory_space<semaphore_mem>>)
        %dma_wait3A_1140 = arith.constant 0 : i32
        %dma_wait3A_1141 = tpu.memref_slice %arg3[%add3A_11, %dma_wait3A_1140] : memref<16384x26xi32, #tpu.memory_space<hbm>> -> memref<16x26xi32, #tpu.memory_space<hbm>>
        %dma_wait3A_1142 = arith.constant 0 : i32
        %dma_wait3A_1143 = tpu.memref_slice %arg3[%add3A_11, %dma_wait3A_1142] : memref<16384x26xi32, #tpu.memory_space<hbm>> -> memref<16x26xi32, #tpu.memory_space<hbm>>
        tpu.wait_dma2 semaphore(%run_scoped3A : memref<!tpu.dma_semaphore, #tpu.memory_space<semaphore_mem>>) src(%dma_wait3A_1143 : memref<16x26xi32, #tpu.memory_space<hbm>>) dst(%arg8 : memref<16x26xi32, #tpu.memory_space<vmem>>)
        tpu.yield
      }) : () -> ()
      "tpu.region"() ({
        %run_scoped3A = tpu.sem_alloc : memref<!tpu.dma_semaphore, #tpu.memory_space<semaphore_mem>>
        %dma_start3A_1136 = arith.constant 0 : i32
        %dma_start3A_1137 = tpu.memref_slice %arg4[%add3A_11, %dma_start3A_1136] : memref<16384x16xf32, #tpu.memory_space<hbm>> -> memref<16x16xf32, #tpu.memory_space<hbm>>
        %dma_start3A_1138 = arith.constant 0 : i32
        %dma_start3A_1139 = tpu.memref_slice %arg4[%add3A_11, %dma_start3A_1138] : memref<16384x16xf32, #tpu.memory_space<hbm>> -> memref<16x16xf32, #tpu.memory_space<hbm>>
        tpu.enqueue_dma source(%dma_start3A_1139 : memref<16x16xf32, #tpu.memory_space<hbm>>) target(%arg9 : memref<16x16xf32, #tpu.memory_space<vmem>>) target_semaphore(%run_scoped3A : memref<!tpu.dma_semaphore, #tpu.memory_space<semaphore_mem>>)
        %dma_wait3A_1140 = arith.constant 0 : i32
        %dma_wait3A_1141 = tpu.memref_slice %arg4[%add3A_11, %dma_wait3A_1140] : memref<16384x16xf32, #tpu.memory_space<hbm>> -> memref<16x16xf32, #tpu.memory_space<hbm>>
        %dma_wait3A_1142 = arith.constant 0 : i32
        %dma_wait3A_1143 = tpu.memref_slice %arg4[%add3A_11, %dma_wait3A_1142] : memref<16384x16xf32, #tpu.memory_space<hbm>> -> memref<16x16xf32, #tpu.memory_space<hbm>>
        tpu.wait_dma2 semaphore(%run_scoped3A : memref<!tpu.dma_semaphore, #tpu.memory_space<semaphore_mem>>) src(%dma_wait3A_1143 : memref<16x16xf32, #tpu.memory_space<hbm>>) dst(%arg9 : memref<16x16xf32, #tpu.memory_space<vmem>>)
        tpu.yield
      }) : () -> ()
      %scan3A_12 = arith.constant 0 : i32
      %scan3A_13 = arith.constant 0 : i32
      %scan3A_14 = arith.constant 16 : i32
      %scan3A_15 = arith.addi %scan3A_13, %scan3A_14 : i32
      %scan3A_16 = arith.constant 1 : i32
      scf.for %scan3A_1136 = %scan3A_13 to %scan3A_15 step %scan3A_16  : i32 {
        %get3A = arith.index_cast %scan3A_1136 : i32 to index
        %get3A_1137 = arith.constant 0 : index
        %get3A_1138 = tpu.vector_load %arg8[%get3A, %get3A_1137] {strides = array<i32>} : memref<16x26xi32, #tpu.memory_space<vmem>>, vector<1x16xi32>,
        %get3A_1139 = vector.shape_cast %get3A_1138 : vector<1x16xi32> to vector<16xi32>
        %get3A_1140 = arith.index_cast %scan3A_1136 : i32 to index
        %get3A_1141 = arith.constant 10 : index
        %get3A_1142 = tpu.vector_load %arg8[%get3A_1140, %get3A_1141] {strides = array<i32>} : memref<16x26xi32, #tpu.memory_space<vmem>>, vector<1x16xi32>,
        %get3A_1143 = vector.shape_cast %get3A_1142 : vector<1x16xi32> to vector<16xi32>
        %mul3A_1144 = arith.constant 40 : i32
        %mul3A_1145 = arith.muli %scan3A_1136, %mul3A_1144 : i32
        %slice3A = vector.extract_strided_slice %get3A_1139 {offsets = [0], sizes = [1], strides = [1]} : vector<16xi32> to vector<1xi32>
        %squeeze3A = vector.extract %slice3A[0] : i32 from vector<1xi32>
        %add3A_1146 = arith.constant 13 : i32
        %add3A_1147 = arith.addi %mul3A_1145, %add3A_1146 : i32
        %add3A_1148 = arith.constant 0 : i32
        %add3A_1149 = arith.addi %add3A_1147, %add3A_1148 : i32
        %dma_start3A_1150 = arith.constant 0 : i32
        %dma_start3A_1151 = arith.constant 0 : i32
        %dma_start3A_1152 = tpu.memref_slice %arg12[%dma_start3A_1150, %add3A_1149, %dma_start3A_1151] : memref<1x640x32xf32, #tpu.memory_space<vmem>> -> memref<1x1x32xf32, #tpu.memory_space<vmem>>
        %dma_start3A_1153 = arith.constant 0 : i32
        %dma_start3A_1154 = arith.constant 0 : i32
        %dma_start3A_1155 = tpu.memref_slice %arg2[%dma_start3A_1153, %squeeze3A, %dma_start3A_1154] : memref<26x100001x32xf32, #tpu.memory_space<hbm>> -> memref<1x1x32xf32, #tpu.memory_space<hbm>>
        %dma_start3A_1156 = arith.constant 0 : i32
        %dma_start3A_1157 = arith.constant 0 : i32
        %dma_start3A_1158 = tpu.memref_slice %arg12[%dma_start3A_1156, %add3A_1149, %dma_start3A_1157] : memref<1x640x32xf32, #tpu.memory_space<vmem>> -> memref<1x1x32xf32, #tpu.memory_space<vmem>>
        %dma_start3A_1159 = arith.constant 0 : i32
        %dma_start3A_1160 = arith.constant 0 : i32
        %dma_start3A_1161 = tpu.memref_slice %arg2[%dma_start3A_1159, %squeeze3A, %dma_start3A_1160] : memref<26x100001x32xf32, #tpu.memory_space<hbm>> -> memref<1x1x32xf32, #tpu.memory_space<hbm>>
        tpu.enqueue_dma source(%dma_start3A_1161 : memref<1x1x32xf32, #tpu.memory_space<hbm>>) target(%dma_start3A_1158 : memref<1x1x32xf32, #tpu.memory_space<vmem>>) target_semaphore(%arg13 : memref<!tpu.dma_semaphore, #tpu.memory_space<semaphore_mem>>)
        %slice3A_1162 = vector.extract_strided_slice %get3A_1139 {offsets = [1], sizes = [1], strides = [1]} : vector<16xi32> to vector<1xi32>
        %squeeze3A_1163 = vector.extract %slice3A_1162[0] : i32 from vector<1xi32>
        %add3A_1164 = arith.constant 13 : i32
        %add3A_1165 = arith.addi %mul3A_1145, %add3A_1164 : i32
        %add3A_1166 = arith.constant 1 : i32
        %add3A_1167 = arith.addi %add3A_1165, %add3A_1166 : i32
        %dma_start3A_1168 = arith.constant 0 : i32
        %dma_start3A_1169 = arith.constant 0 : i32
        %dma_start3A_1170 = tpu.memref_slice %arg12[%dma_start3A_1168, %add3A_1167, %dma_start3A_1169] : memref<1x640x32xf32, #tpu.memory_space<vmem>> -> memref<1x1x32xf32, #tpu.memory_space<vmem>>
        %dma_start3A_1171 = arith.constant 1 : i32
        %dma_start3A_1172 = arith.constant 0 : i32
        %dma_start3A_1173 = tpu.memref_slice %arg2[%dma_start3A_1171, %squeeze3A_1163, %dma_start3A_1172] : memref<26x100001x32xf32, #tpu.memory_space<hbm>> -> memref<1x1x32xf32, #tpu.memory_space<hbm>>
        %dma_start3A_1174 = arith.constant 0 : i32
        %dma_start3A_1175 = arith.constant 0 : i32
        %dma_start3A_1176 = tpu.memref_slice %arg12[%dma_start3A_1174, %add3A_1167, %dma_start3A_1175] : memref<1x640x32xf32, #tpu.memory_space<vmem>> -> memref<1x1x32xf32, #tpu.memory_space<vmem>>
        %dma_start3A_1177 = arith.constant 1 : i32
        %dma_start3A_1178 = arith.constant 0 : i32
        %dma_start3A_1179 = tpu.memref_slice %arg2[%dma_start3A_1177, %squeeze3A_1163, %dma_start3A_1178] : memref<26x100001x32xf32, #tpu.memory_space<hbm>> -> memref<1x1x32xf32, #tpu.memory_space<hbm>>
        tpu.enqueue_dma source(%dma_start3A_1179 : memref<1x1x32xf32, #tpu.memory_space<hbm>>) target(%dma_start3A_1176 : memref<1x1x32xf32, #tpu.memory_space<vmem>>) target_semaphore(%arg13 : memref<!tpu.dma_semaphore, #tpu.memory_space<semaphore_mem>>)
        %slice3A_1180 = vector.extract_strided_slice %get3A_1139 {offsets = [2], sizes = [1], strides = [1]} : vector<16xi32> to vector<1xi32>
        %squeeze3A_1181 = vector.extract %slice3A_1180[0] : i32 from vector<1xi32>
        %add3A_1182 = arith.constant 13 : i32
        %add3A_1183 = arith.addi %mul3A_1145, %add3A_1182 : i32
        %add3A_1184 = arith.constant 2 : i32
        %add3A_1185 = arith.addi %add3A_1183, %add3A_1184 : i32
        %dma_start3A_1186 = arith.constant 0 : i32
        %dma_start3A_1187 = arith.constant 0 : i32
        %dma_start3A_1188 = tpu.memref_slice %arg12[%dma_start3A_1186, %add3A_1185, %dma_start3A_1187] : memref<1x640x32xf32, #tpu.memory_space<vmem>> -> memref<1x1x32xf32, #tpu.memory_space<vmem>>
        %dma_start3A_1189 = arith.constant 2 : i32
        %dma_start3A_1190 = arith.constant 0 : i32
        %dma_start3A_1191 = tpu.memref_slice %arg2[%dma_start3A_1189, %squeeze3A_1181, %dma_start3A_1190] : memref<26x100001x32xf32, #tpu.memory_space<hbm>> -> memref<1x1x32xf32, #tpu.memory_space<hbm>>
        %dma_start3A_1192 = arith.constant 0 : i32
        %dma_start3A_1193 = arith.constant 0 : i32
        %dma_start3A_1194 = tpu.memref_slice %arg12[%dma_start3A_1192, %add3A_1185, %dma_start3A_1193] : memref<1x640x32xf32, #tpu.memory_space<vmem>> -> memref<1x1x32xf32, #tpu.memory_space<vmem>>
        %dma_start3A_1195 = arith.constant 2 : i32
        %dma_start3A_1196 = arith.constant 0 : i32
        %dma_start3A_1197 = tpu.memref_slice %arg2[%dma_start3A_1195, %squeeze3A_1181, %dma_start3A_1196] : memref<26x100001x32xf32, #tpu.memory_space<hbm>> -> memref<1x1x32xf32, #tpu.memory_space<hbm>>
        tpu.enqueue_dma source(%dma_start3A_1197 : memref<1x1x32xf32, #tpu.memory_space<hbm>>) target(%dma_start3A_1194 : memref<1x1x32xf32, #tpu.memory_space<vmem>>) target_semaphore(%arg13 : memref<!tpu.dma_semaphore, #tpu.memory_space<semaphore_mem>>)
        %slice3A_1198 = vector.extract_strided_slice %get3A_1139 {offsets = [3], sizes = [1], strides = [1]} : vector<16xi32> to vector<1xi32>
        %squeeze3A_1199 = vector.extract %slice3A_1198[0] : i32 from vector<1xi32>
        %add3A_1200 = arith.constant 13 : i32
        %add3A_1201 = arith.addi %mul3A_1145, %add3A_1200 : i32
        %add3A_1202 = arith.constant 3 : i32
        %add3A_1203 = arith.addi %add3A_1201, %add3A_1202 : i32
        %dma_start3A_1204 = arith.constant 0 : i32
        %dma_start3A_1205 = arith.constant 0 : i32
        %dma_start3A_1206 = tpu.memref_slice %arg12[%dma_start3A_1204, %add3A_1203, %dma_start3A_1205] : memref<1x640x32xf32, #tpu.memory_space<vmem>> -> memref<1x1x32xf32, #tpu.memory_space<vmem>>
        %dma_start3A_1207 = arith.constant 3 : i32
        %dma_start3A_1208 = arith.constant 0 : i32
        %dma_start3A_1209 = tpu.memref_slice %arg2[%dma_start3A_1207, %squeeze3A_1199, %dma_start3A_1208] : memref<26x100001x32xf32, #tpu.memory_space<hbm>> -> memref<1x1x32xf32, #tpu.memory_space<hbm>>
        %dma_start3A_1210 = arith.constant 0 : i32
        %dma_start3A_1211 = arith.constant 0 : i32
        %dma_start3A_1212 = tpu.memref_slice %arg12[%dma_start3A_1210, %add3A_1203, %dma_start3A_1211] : memref<1x640x32xf32, #tpu.memory_space<vmem>> -> memref<1x1x32xf32, #tpu.memory_space<vmem>>
        %dma_start3A_1213 = arith.constant 3 : i32
        %dma_start3A_1214 = arith.constant 0 : i32
        %dma_start3A_1215 = tpu.memref_slice %arg2[%dma_start3A_1213, %squeeze3A_1199, %dma_start3A_1214] : memref<26x100001x32xf32, #tpu.memory_space<hbm>> -> memref<1x1x32xf32, #tpu.memory_space<hbm>>
        tpu.enqueue_dma source(%dma_start3A_1215 : memref<1x1x32xf32, #tpu.memory_space<hbm>>) target(%dma_start3A_1212 : memref<1x1x32xf32, #tpu.memory_space<vmem>>) target_semaphore(%arg13 : memref<!tpu.dma_semaphore, #tpu.memory_space<semaphore_mem>>)
        %slice3A_1216 = vector.extract_strided_slice %get3A_1139 {offsets = [4], sizes = [1], strides = [1]} : vector<16xi32> to vector<1xi32>
        %squeeze3A_1217 = vector.extract %slice3A_1216[0] : i32 from vector<1xi32>
        %add3A_1218 = arith.constant 13 : i32
        %add3A_1219 = arith.addi %mul3A_1145, %add3A_1218 : i32
        %add3A_1220 = arith.constant 4 : i32
        %add3A_1221 = arith.addi %add3A_1219, %add3A_1220 : i32
        %dma_start3A_1222 = arith.constant 0 : i32
        %dma_start3A_1223 = arith.constant 0 : i32
        %dma_start3A_1224 = tpu.memref_slice %arg12[%dma_start3A_1222, %add3A_1221, %dma_start3A_1223] : memref<1x640x32xf32, #tpu.memory_space<vmem>> -> memref<1x1x32xf32, #tpu.memory_space<vmem>>
        %dma_start3A_1225 = arith.constant 4 : i32
        %dma_start3A_1226 = arith.constant 0 : i32
        %dma_start3A_1227 = tpu.memref_slice %arg2[%dma_start3A_1225, %squeeze3A_1217, %dma_start3A_1226] : memref<26x100001x32xf32, #tpu.memory_space<hbm>> -> memref<1x1x32xf32, #tpu.memory_space<hbm>>
        %dma_start3A_1228 = arith.constant 0 : i32
        %dma_start3A_1229 = arith.constant 0 : i32
        %dma_start3A_1230 = tpu.memref_slice %arg12[%dma_start3A_1228, %add3A_1221, %dma_start3A_1229] : memref<1x640x32xf32, #tpu.memory_space<vmem>> -> memref<1x1x32xf32, #tpu.memory_space<vmem>>
        %dma_start3A_1231 = arith.constant 4 : i32
        %dma_start3A_1232 = arith.constant 0 : i32
        %dma_start3A_1233 = tpu.memref_slice %arg2[%dma_start3A_1231, %squeeze3A_1217, %dma_start3A_1232] : memref<26x100001x32xf32, #tpu.memory_space<hbm>> -> memref<1x1x32xf32, #tpu.memory_space<hbm>>
        tpu.enqueue_dma source(%dma_start3A_1233 : memref<1x1x32xf32, #tpu.memory_space<hbm>>) target(%dma_start3A_1230 : memref<1x1x32xf32, #tpu.memory_space<vmem>>) target_semaphore(%arg13 : memref<!tpu.dma_semaphore, #tpu.memory_space<semaphore_mem>>)
        %slice3A_1234 = vector.extract_strided_slice %get3A_1139 {offsets = [5], sizes = [1], strides = [1]} : vector<16xi32> to vector<1xi32>
        %squeeze3A_1235 = vector.extract %slice3A_1234[0] : i32 from vector<1xi32>
        %add3A_1236 = arith.constant 13 : i32
        %add3A_1237 = arith.addi %mul3A_1145, %add3A_1236 : i32
        %add3A_1238 = arith.constant 5 : i32
        %add3A_1239 = arith.addi %add3A_1237, %add3A_1238 : i32
        %dma_start3A_1240 = arith.constant 0 : i32
        %dma_start3A_1241 = arith.constant 0 : i32
        %dma_start3A_1242 = tpu.memref_slice %arg12[%dma_start3A_1240, %add3A_1239, %dma_start3A_1241] : memref<1x640x32xf32, #tpu.memory_space<vmem>> -> memref<1x1x32xf32, #tpu.memory_space<vmem>>
        %dma_start3A_1243 = arith.constant 5 : i32
        %dma_start3A_1244 = arith.constant 0 : i32
        %dma_start3A_1245 = tpu.memref_slice %arg2[%dma_start3A_1243, %squeeze3A_1235, %dma_start3A_1244] : memref<26x100001x32xf32, #tpu.memory_space<hbm>> -> memref<1x1x32xf32, #tpu.memory_space<hbm>>
        %dma_start3A_1246 = arith.constant 0 : i32
        %dma_start3A_1247 = arith.constant 0 : i32
        %dma_start3A_1248 = tpu.memref_slice %arg12[%dma_start3A_1246, %add3A_1239, %dma_start3A_1247] : memref<1x640x32xf32, #tpu.memory_space<vmem>> -> memref<1x1x32xf32, #tpu.memory_space<vmem>>
        %dma_start3A_1249 = arith.constant 5 : i32
        %dma_start3A_1250 = arith.constant 0 : i32
        %dma_start3A_1251 = tpu.memref_slice %arg2[%dma_start3A_1249, %squeeze3A_1235, %dma_start3A_1250] : memref<26x100001x32xf32, #tpu.memory_space<hbm>> -> memref<1x1x32xf32, #tpu.memory_space<hbm>>
        tpu.enqueue_dma source(%dma_start3A_1251 : memref<1x1x32xf32, #tpu.memory_space<hbm>>) target(%dma_start3A_1248 : memref<1x1x32xf32, #tpu.memory_space<vmem>>) target_semaphore(%arg13 : memref<!tpu.dma_semaphore, #tpu.memory_space<semaphore_mem>>)
        %slice3A_1252 = vector.extract_strided_slice %get3A_1139 {offsets = [6], sizes = [1], strides = [1]} : vector<16xi32> to vector<1xi32>
        %squeeze3A_1253 = vector.extract %slice3A_1252[0] : i32 from vector<1xi32>
        %add3A_1254 = arith.constant 13 : i32
        %add3A_1255 = arith.addi %mul3A_1145, %add3A_1254 : i32
        %add3A_1256 = arith.constant 6 : i32
        %add3A_1257 = arith.addi %add3A_1255, %add3A_1256 : i32
        %dma_start3A_1258 = arith.constant 0 : i32
        %dma_start3A_1259 = arith.constant 0 : i32
        %dma_start3A_1260 = tpu.memref_slice %arg12[%dma_start3A_1258, %add3A_1257, %dma_start3A_1259] : memref<1x640x32xf32, #tpu.memory_space<vmem>> -> memref<1x1x32xf32, #tpu.memory_space<vmem>>
        %dma_start3A_1261 = arith.constant 6 : i32
        %dma_start3A_1262 = arith.constant 0 : i32
        %dma_start3A_1263 = tpu.memref_slice %arg2[%dma_start3A_1261, %squeeze3A_1253, %dma_start3A_1262] : memref<26x100001x32xf32, #tpu.memory_space<hbm>> -> memref<1x1x32xf32, #tpu.memory_space<hbm>>
        %dma_start3A_1264 = arith.constant 0 : i32
        %dma_start3A_1265 = arith.constant 0 : i32
        %dma_start3A_1266 = tpu.memref_slice %arg12[%dma_start3A_1264, %add3A_1257, %dma_start3A_1265] : memref<1x640x32xf32, #tpu.memory_space<vmem>> -> memref<1x1x32xf32, #tpu.memory_space<vmem>>
        %dma_start3A_1267 = arith.constant 6 : i32
        %dma_start3A_1268 = arith.constant 0 : i32
        %dma_start3A_1269 = tpu.memref_slice %arg2[%dma_start3A_1267, %squeeze3A_1253, %dma_start3A_1268] : memref<26x100001x32xf32, #tpu.memory_space<hbm>> -> memref<1x1x32xf32, #tpu.memory_space<hbm>>
        tpu.enqueue_dma source(%dma_start3A_1269 : memref<1x1x32xf32, #tpu.memory_space<hbm>>) target(%dma_start3A_1266 : memref<1x1x32xf32, #tpu.memory_space<vmem>>) target_semaphore(%arg13 : memref<!tpu.dma_semaphore, #tpu.memory_space<semaphore_mem>>)
        %slice3A_1270 = vector.extract_strided_slice %get3A_1139 {offsets = [7], sizes = [1], strides = [1]} : vector<16xi32> to vector<1xi32>
        %squeeze3A_1271 = vector.extract %slice3A_1270[0] : i32 from vector<1xi32>
        %add3A_1272 = arith.constant 13 : i32
        %add3A_1273 = arith.addi %mul3A_1145, %add3A_1272 : i32
        %add3A_1274 = arith.constant 7 : i32
        %add3A_1275 = arith.addi %add3A_1273, %add3A_1274 : i32
        %dma_start3A_1276 = arith.constant 0 : i32
        %dma_start3A_1277 = arith.constant 0 : i32
        %dma_start3A_1278 = tpu.memref_slice %arg12[%dma_start3A_1276, %add3A_1275, %dma_start3A_1277] : memref<1x640x32xf32, #tpu.memory_space<vmem>> -> memref<1x1x32xf32, #tpu.memory_space<vmem>>
        %dma_start3A_1279 = arith.constant 7 : i32
        %dma_start3A_1280 = arith.constant 0 : i32
        %dma_start3A_1281 = tpu.memref_slice %arg2[%dma_start3A_1279, %squeeze3A_1271, %dma_start3A_1280] : memref<26x100001x32xf32, #tpu.memory_space<hbm>> -> memref<1x1x32xf32, #tpu.memory_space<hbm>>
        %dma_start3A_1282 = arith.constant 0 : i32
        %dma_start3A_1283 = arith.constant 0 : i32
        %dma_start3A_1284 = tpu.memref_slice %arg12[%dma_start3A_1282, %add3A_1275, %dma_start3A_1283] : memref<1x640x32xf32, #tpu.memory_space<vmem>> -> memref<1x1x32xf32, #tpu.memory_space<vmem>>
        %dma_start3A_1285 = arith.constant 7 : i32
        %dma_start3A_1286 = arith.constant 0 : i32
        %dma_start3A_1287 = tpu.memref_slice %arg2[%dma_start3A_1285, %squeeze3A_1271, %dma_start3A_1286] : memref<26x100001x32xf32, #tpu.memory_space<hbm>> -> memref<1x1x32xf32, #tpu.memory_space<hbm>>
        tpu.enqueue_dma source(%dma_start3A_1287 : memref<1x1x32xf32, #tpu.memory_space<hbm>>) target(%dma_start3A_1284 : memref<1x1x32xf32, #tpu.memory_space<vmem>>) target_semaphore(%arg13 : memref<!tpu.dma_semaphore, #tpu.memory_space<semaphore_mem>>)
        %slice3A_1288 = vector.extract_strided_slice %get3A_1139 {offsets = [8], sizes = [1], strides = [1]} : vector<16xi32> to vector<1xi32>
        %squeeze3A_1289 = vector.extract %slice3A_1288[0] : i32 from vector<1xi32>
        %add3A_1290 = arith.constant 13 : i32
        %add3A_1291 = arith.addi %mul3A_1145, %add3A_1290 : i32
        %add3A_1292 = arith.constant 8 : i32
        %add3A_1293 = arith.addi %add3A_1291, %add3A_1292 : i32
        %dma_start3A_1294 = arith.constant 0 : i32
        %dma_start3A_1295 = arith.constant 0 : i32
        %dma_start3A_1296 = tpu.memref_slice %arg12[%dma_start3A_1294, %add3A_1293, %dma_start3A_1295] : memref<1x640x32xf32, #tpu.memory_space<vmem>> -> memref<1x1x32xf32, #tpu.memory_space<vmem>>
        %dma_start3A_1297 = arith.constant 8 : i32
        %dma_start3A_1298 = arith.constant 0 : i32
        %dma_start3A_1299 = tpu.memref_slice %arg2[%dma_start3A_1297, %squeeze3A_1289, %dma_start3A_1298] : memref<26x100001x32xf32, #tpu.memory_space<hbm>> -> memref<1x1x32xf32, #tpu.memory_space<hbm>>
        %dma_start3A_1300 = arith.constant 0 : i32
        %dma_start3A_1301 = arith.constant 0 : i32
        %dma_start3A_1302 = tpu.memref_slice %arg12[%dma_start3A_1300, %add3A_1293, %dma_start3A_1301] : memref<1x640x32xf32, #tpu.memory_space<vmem>> -> memref<1x1x32xf32, #tpu.memory_space<vmem>>
        %dma_start3A_1303 = arith.constant 8 : i32
        %dma_start3A_1304 = arith.constant 0 : i32
        %dma_start3A_1305 = tpu.memref_slice %arg2[%dma_start3A_1303, %squeeze3A_1289, %dma_start3A_1304] : memref<26x100001x32xf32, #tpu.memory_space<hbm>> -> memref<1x1x32xf32, #tpu.memory_space<hbm>>
        tpu.enqueue_dma source(%dma_start3A_1305 : memref<1x1x32xf32, #tpu.memory_space<hbm>>) target(%dma_start3A_1302 : memref<1x1x32xf32, #tpu.memory_space<vmem>>) target_semaphore(%arg13 : memref<!tpu.dma_semaphore, #tpu.memory_space<semaphore_mem>>)
        %slice3A_1306 = vector.extract_strided_slice %get3A_1139 {offsets = [9], sizes = [1], strides = [1]} : vector<16xi32> to vector<1xi32>
        %squeeze3A_1307 = vector.extract %slice3A_1306[0] : i32 from vector<1xi32>
        %add3A_1308 = arith.constant 13 : i32
        %add3A_1309 = arith.addi %mul3A_1145, %add3A_1308 : i32
        %add3A_1310 = arith.constant 9 : i32
        %add3A_1311 = arith.addi %add3A_1309, %add3A_1310 : i32
        %dma_start3A_1312 = arith.constant 0 : i32
        %dma_start3A_1313 = arith.constant 0 : i32
        %dma_start3A_1314 = tpu.memref_slice %arg12[%dma_start3A_1312, %add3A_1311, %dma_start3A_1313] : memref<1x640x32xf32, #tpu.memory_space<vmem>> -> memref<1x1x32xf32, #tpu.memory_space<vmem>>
        %dma_start3A_1315 = arith.constant 9 : i32
        %dma_start3A_1316 = arith.constant 0 : i32
        %dma_start3A_1317 = tpu.memref_slice %arg2[%dma_start3A_1315, %squeeze3A_1307, %dma_start3A_1316] : memref<26x100001x32xf32, #tpu.memory_space<hbm>> -> memref<1x1x32xf32, #tpu.memory_space<hbm>>
        %dma_start3A_1318 = arith.constant 0 : i32
        %dma_start3A_1319 = arith.constant 0 : i32
        %dma_start3A_1320 = tpu.memref_slice %arg12[%dma_start3A_1318, %add3A_1311, %dma_start3A_1319] : memref<1x640x32xf32, #tpu.memory_space<vmem>> -> memref<1x1x32xf32, #tpu.memory_space<vmem>>
        %dma_start3A_1321 = arith.constant 9 : i32
        %dma_start3A_1322 = arith.constant 0 : i32
        %dma_start3A_1323 = tpu.memref_slice %arg2[%dma_start3A_1321, %squeeze3A_1307, %dma_start3A_1322] : memref<26x100001x32xf32, #tpu.memory_space<hbm>> -> memref<1x1x32xf32, #tpu.memory_space<hbm>>
        tpu.enqueue_dma source(%dma_start3A_1323 : memref<1x1x32xf32, #tpu.memory_space<hbm>>) target(%dma_start3A_1320 : memref<1x1x32xf32, #tpu.memory_space<vmem>>) target_semaphore(%arg13 : memref<!tpu.dma_semaphore, #tpu.memory_space<semaphore_mem>>)
        %slice3A_1324 = vector.extract_strided_slice %get3A_1139 {offsets = [10], sizes = [1], strides = [1]} : vector<16xi32> to vector<1xi32>
        %squeeze3A_1325 = vector.extract %slice3A_1324[0] : i32 from vector<1xi32>
        %add3A_1326 = arith.constant 13 : i32
        %add3A_1327 = arith.addi %mul3A_1145, %add3A_1326 : i32
        %add3A_1328 = arith.constant 10 : i32
        %add3A_1329 = arith.addi %add3A_1327, %add3A_1328 : i32
        %dma_start3A_1330 = arith.constant 0 : i32
        %dma_start3A_1331 = arith.constant 0 : i32
        %dma_start3A_1332 = tpu.memref_slice %arg12[%dma_start3A_1330, %add3A_1329, %dma_start3A_1331] : memref<1x640x32xf32, #tpu.memory_space<vmem>> -> memref<1x1x32xf32, #tpu.memory_space<vmem>>
        %dma_start3A_1333 = arith.constant 10 : i32
        %dma_start3A_1334 = arith.constant 0 : i32
        %dma_start3A_1335 = tpu.memref_slice %arg2[%dma_start3A_1333, %squeeze3A_1325, %dma_start3A_1334] : memref<26x100001x32xf32, #tpu.memory_space<hbm>> -> memref<1x1x32xf32, #tpu.memory_space<hbm>>
        %dma_start3A_1336 = arith.constant 0 : i32
        %dma_start3A_1337 = arith.constant 0 : i32
        %dma_start3A_1338 = tpu.memref_slice %arg12[%dma_start3A_1336, %add3A_1329, %dma_start3A_1337] : memref<1x640x32xf32, #tpu.memory_space<vmem>> -> memref<1x1x32xf32, #tpu.memory_space<vmem>>
        %dma_start3A_1339 = arith.constant 10 : i32
        %dma_start3A_1340 = arith.constant 0 : i32
        %dma_start3A_1341 = tpu.memref_slice %arg2[%dma_start3A_1339, %squeeze3A_1325, %dma_start3A_1340] : memref<26x100001x32xf32, #tpu.memory_space<hbm>> -> memref<1x1x32xf32, #tpu.memory_space<hbm>>
        tpu.enqueue_dma source(%dma_start3A_1341 : memref<1x1x32xf32, #tpu.memory_space<hbm>>) target(%dma_start3A_1338 : memref<1x1x32xf32, #tpu.memory_space<vmem>>) target_semaphore(%arg13 : memref<!tpu.dma_semaphore, #tpu.memory_space<semaphore_mem>>)
        %slice3A_1342 = vector.extract_strided_slice %get3A_1139 {offsets = [11], sizes = [1], strides = [1]} : vector<16xi32> to vector<1xi32>
        %squeeze3A_1343 = vector.extract %slice3A_1342[0] : i32 from vector<1xi32>
        %add3A_1344 = arith.constant 13 : i32
        %add3A_1345 = arith.addi %mul3A_1145, %add3A_1344 : i32
        %add3A_1346 = arith.constant 11 : i32
        %add3A_1347 = arith.addi %add3A_1345, %add3A_1346 : i32
        %dma_start3A_1348 = arith.constant 0 : i32
        %dma_start3A_1349 = arith.constant 0 : i32
        %dma_start3A_1350 = tpu.memref_slice %arg12[%dma_start3A_1348, %add3A_1347, %dma_start3A_1349] : memref<1x640x32xf32, #tpu.memory_space<vmem>> -> memref<1x1x32xf32, #tpu.memory_space<vmem>>
        %dma_start3A_1351 = arith.constant 11 : i32
        %dma_start3A_1352 = arith.constant 0 : i32
        %dma_start3A_1353 = tpu.memref_slice %arg2[%dma_start3A_1351, %squeeze3A_1343, %dma_start3A_1352] : memref<26x100001x32xf32, #tpu.memory_space<hbm>> -> memref<1x1x32xf32, #tpu.memory_space<hbm>>
        %dma_start3A_1354 = arith.constant 0 : i32
        %dma_start3A_1355 = arith.constant 0 : i32
        %dma_start3A_1356 = tpu.memref_slice %arg12[%dma_start3A_1354, %add3A_1347, %dma_start3A_1355] : memref<1x640x32xf32, #tpu.memory_space<vmem>> -> memref<1x1x32xf32, #tpu.memory_space<vmem>>
        %dma_start3A_1357 = arith.constant 11 : i32
        %dma_start3A_1358 = arith.constant 0 : i32
        %dma_start3A_1359 = tpu.memref_slice %arg2[%dma_start3A_1357, %squeeze3A_1343, %dma_start3A_1358] : memref<26x100001x32xf32, #tpu.memory_space<hbm>> -> memref<1x1x32xf32, #tpu.memory_space<hbm>>
        tpu.enqueue_dma source(%dma_start3A_1359 : memref<1x1x32xf32, #tpu.memory_space<hbm>>) target(%dma_start3A_1356 : memref<1x1x32xf32, #tpu.memory_space<vmem>>) target_semaphore(%arg13 : memref<!tpu.dma_semaphore, #tpu.memory_space<semaphore_mem>>)
        %slice3A_1360 = vector.extract_strided_slice %get3A_1139 {offsets = [12], sizes = [1], strides = [1]} : vector<16xi32> to vector<1xi32>
        %squeeze3A_1361 = vector.extract %slice3A_1360[0] : i32 from vector<1xi32>
        %add3A_1362 = arith.constant 13 : i32
        %add3A_1363 = arith.addi %mul3A_1145, %add3A_1362 : i32
        %add3A_1364 = arith.constant 12 : i32
        %add3A_1365 = arith.addi %add3A_1363, %add3A_1364 : i32
        %dma_start3A_1366 = arith.constant 0 : i32
        %dma_start3A_1367 = arith.constant 0 : i32
        %dma_start3A_1368 = tpu.memref_slice %arg12[%dma_start3A_1366, %add3A_1365, %dma_start3A_1367] : memref<1x640x32xf32, #tpu.memory_space<vmem>> -> memref<1x1x32xf32, #tpu.memory_space<vmem>>
        %dma_start3A_1369 = arith.constant 12 : i32
        %dma_start3A_1370 = arith.constant 0 : i32
        %dma_start3A_1371 = tpu.memref_slice %arg2[%dma_start3A_1369, %squeeze3A_1361, %dma_start3A_1370] : memref<26x100001x32xf32, #tpu.memory_space<hbm>> -> memref<1x1x32xf32, #tpu.memory_space<hbm>>
        %dma_start3A_1372 = arith.constant 0 : i32
        %dma_start3A_1373 = arith.constant 0 : i32
        %dma_start3A_1374 = tpu.memref_slice %arg12[%dma_start3A_1372, %add3A_1365, %dma_start3A_1373] : memref<1x640x32xf32, #tpu.memory_space<vmem>> -> memref<1x1x32xf32, #tpu.memory_space<vmem>>
        %dma_start3A_1375 = arith.constant 12 : i32
        %dma_start3A_1376 = arith.constant 0 : i32
        %dma_start3A_1377 = tpu.memref_slice %arg2[%dma_start3A_1375, %squeeze3A_1361, %dma_start3A_1376] : memref<26x100001x32xf32, #tpu.memory_space<hbm>> -> memref<1x1x32xf32, #tpu.memory_space<hbm>>
        tpu.enqueue_dma source(%dma_start3A_1377 : memref<1x1x32xf32, #tpu.memory_space<hbm>>) target(%dma_start3A_1374 : memref<1x1x32xf32, #tpu.memory_space<vmem>>) target_semaphore(%arg13 : memref<!tpu.dma_semaphore, #tpu.memory_space<semaphore_mem>>)
        %slice3A_1378 = vector.extract_strided_slice %get3A_1139 {offsets = [13], sizes = [1], strides = [1]} : vector<16xi32> to vector<1xi32>
        %squeeze3A_1379 = vector.extract %slice3A_1378[0] : i32 from vector<1xi32>
        %add3A_1380 = arith.constant 13 : i32
        %add3A_1381 = arith.addi %mul3A_1145, %add3A_1380 : i32
        %add3A_1382 = arith.constant 13 : i32
        %add3A_1383 = arith.addi %add3A_1381, %add3A_1382 : i32
        %dma_start3A_1384 = arith.constant 0 : i32
        %dma_start3A_1385 = arith.constant 0 : i32
        %dma_start3A_1386 = tpu.memref_slice %arg12[%dma_start3A_1384, %add3A_1383, %dma_start3A_1385] : memref<1x640x32xf32, #tpu.memory_space<vmem>> -> memref<1x1x32xf32, #tpu.memory_space<vmem>>
        %dma_start3A_1387 = arith.constant 13 : i32
        %dma_start3A_1388 = arith.constant 0 : i32
        %dma_start3A_1389 = tpu.memref_slice %arg2[%dma_start3A_1387, %squeeze3A_1379, %dma_start3A_1388] : memref<26x100001x32xf32, #tpu.memory_space<hbm>> -> memref<1x1x32xf32, #tpu.memory_space<hbm>>
        %dma_start3A_1390 = arith.constant 0 : i32
        %dma_start3A_1391 = arith.constant 0 : i32
        %dma_start3A_1392 = tpu.memref_slice %arg12[%dma_start3A_1390, %add3A_1383, %dma_start3A_1391] : memref<1x640x32xf32, #tpu.memory_space<vmem>> -> memref<1x1x32xf32, #tpu.memory_space<vmem>>
        %dma_start3A_1393 = arith.constant 13 : i32
        %dma_start3A_1394 = arith.constant 0 : i32
        %dma_start3A_1395 = tpu.memref_slice %arg2[%dma_start3A_1393, %squeeze3A_1379, %dma_start3A_1394] : memref<26x100001x32xf32, #tpu.memory_space<hbm>> -> memref<1x1x32xf32, #tpu.memory_space<hbm>>
        tpu.enqueue_dma source(%dma_start3A_1395 : memref<1x1x32xf32, #tpu.memory_space<hbm>>) target(%dma_start3A_1392 : memref<1x1x32xf32, #tpu.memory_space<vmem>>) target_semaphore(%arg13 : memref<!tpu.dma_semaphore, #tpu.memory_space<semaphore_mem>>)
        %slice3A_1396 = vector.extract_strided_slice %get3A_1139 {offsets = [14], sizes = [1], strides = [1]} : vector<16xi32> to vector<1xi32>
        %squeeze3A_1397 = vector.extract %slice3A_1396[0] : i32 from vector<1xi32>
        %add3A_1398 = arith.constant 13 : i32
        %add3A_1399 = arith.addi %mul3A_1145, %add3A_1398 : i32
        %add3A_1400 = arith.constant 14 : i32
        %add3A_1401 = arith.addi %add3A_1399, %add3A_1400 : i32
        %dma_start3A_1402 = arith.constant 0 : i32
        %dma_start3A_1403 = arith.constant 0 : i32
        %dma_start3A_1404 = tpu.memref_slice %arg12[%dma_start3A_1402, %add3A_1401, %dma_start3A_1403] : memref<1x640x32xf32, #tpu.memory_space<vmem>> -> memref<1x1x32xf32, #tpu.memory_space<vmem>>
        %dma_start3A_1405 = arith.constant 14 : i32
        %dma_start3A_1406 = arith.constant 0 : i32
        %dma_start3A_1407 = tpu.memref_slice %arg2[%dma_start3A_1405, %squeeze3A_1397, %dma_start3A_1406] : memref<26x100001x32xf32, #tpu.memory_space<hbm>> -> memref<1x1x32xf32, #tpu.memory_space<hbm>>
        %dma_start3A_1408 = arith.constant 0 : i32
        %dma_start3A_1409 = arith.constant 0 : i32
        %dma_start3A_1410 = tpu.memref_slice %arg12[%dma_start3A_1408, %add3A_1401, %dma_start3A_1409] : memref<1x640x32xf32, #tpu.memory_space<vmem>> -> memref<1x1x32xf32, #tpu.memory_space<vmem>>
        %dma_start3A_1411 = arith.constant 14 : i32
        %dma_start3A_1412 = arith.constant 0 : i32
        %dma_start3A_1413 = tpu.memref_slice %arg2[%dma_start3A_1411, %squeeze3A_1397, %dma_start3A_1412] : memref<26x100001x32xf32, #tpu.memory_space<hbm>> -> memref<1x1x32xf32, #tpu.memory_space<hbm>>
        tpu.enqueue_dma source(%dma_start3A_1413 : memref<1x1x32xf32, #tpu.memory_space<hbm>>) target(%dma_start3A_1410 : memref<1x1x32xf32, #tpu.memory_space<vmem>>) target_semaphore(%arg13 : memref<!tpu.dma_semaphore, #tpu.memory_space<semaphore_mem>>)
        %slice3A_1414 = vector.extract_strided_slice %get3A_1139 {offsets = [15], sizes = [1], strides = [1]} : vector<16xi32> to vector<1xi32>
        %squeeze3A_1415 = vector.extract %slice3A_1414[0] : i32 from vector<1xi32>
        %add3A_1416 = arith.constant 13 : i32
        %add3A_1417 = arith.addi %mul3A_1145, %add3A_1416 : i32
        %add3A_1418 = arith.constant 15 : i32
        %add3A_1419 = arith.addi %add3A_1417, %add3A_1418 : i32
        %dma_start3A_1420 = arith.constant 0 : i32
        %dma_start3A_1421 = arith.constant 0 : i32
        %dma_start3A_1422 = tpu.memref_slice %arg12[%dma_start3A_1420, %add3A_1419, %dma_start3A_1421] : memref<1x640x32xf32, #tpu.memory_space<vmem>> -> memref<1x1x32xf32, #tpu.memory_space<vmem>>
        %dma_start3A_1423 = arith.constant 15 : i32
        %dma_start3A_1424 = arith.constant 0 : i32
        %dma_start3A_1425 = tpu.memref_slice %arg2[%dma_start3A_1423, %squeeze3A_1415, %dma_start3A_1424] : memref<26x100001x32xf32, #tpu.memory_space<hbm>> -> memref<1x1x32xf32, #tpu.memory_space<hbm>>
        %dma_start3A_1426 = arith.constant 0 : i32
        %dma_start3A_1427 = arith.constant 0 : i32
        %dma_start3A_1428 = tpu.memref_slice %arg12[%dma_start3A_1426, %add3A_1419, %dma_start3A_1427] : memref<1x640x32xf32, #tpu.memory_space<vmem>> -> memref<1x1x32xf32, #tpu.memory_space<vmem>>
        %dma_start3A_1429 = arith.constant 15 : i32
        %dma_start3A_1430 = arith.constant 0 : i32
        %dma_start3A_1431 = tpu.memref_slice %arg2[%dma_start3A_1429, %squeeze3A_1415, %dma_start3A_1430] : memref<26x100001x32xf32, #tpu.memory_space<hbm>> -> memref<1x1x32xf32, #tpu.memory_space<hbm>>
        tpu.enqueue_dma source(%dma_start3A_1431 : memref<1x1x32xf32, #tpu.memory_space<hbm>>) target(%dma_start3A_1428 : memref<1x1x32xf32, #tpu.memory_space<vmem>>) target_semaphore(%arg13 : memref<!tpu.dma_semaphore, #tpu.memory_space<semaphore_mem>>)
        %slice3A_1432 = vector.extract_strided_slice %get3A_1143 {offsets = [6], sizes = [1], strides = [1]} : vector<16xi32> to vector<1xi32>
        %squeeze3A_1433 = vector.extract %slice3A_1432[0] : i32 from vector<1xi32>
        %add3A_1434 = arith.constant 13 : i32
        %add3A_1435 = arith.addi %mul3A_1145, %add3A_1434 : i32
        %add3A_1436 = arith.constant 16 : i32
        %add3A_1437 = arith.addi %add3A_1435, %add3A_1436 : i32
        %dma_start3A_1438 = arith.constant 0 : i32
        %dma_start3A_1439 = arith.constant 0 : i32
        %dma_start3A_1440 = tpu.memref_slice %arg12[%dma_start3A_1438, %add3A_1437, %dma_start3A_1439] : memref<1x640x32xf32, #tpu.memory_space<vmem>> -> memref<1x1x32xf32, #tpu.memory_space<vmem>>
        %dma_start3A_1441 = arith.constant 16 : i32
        %dma_start3A_1442 = arith.constant 0 : i32
        %dma_start3A_1443 = tpu.memref_slice %arg2[%dma_start3A_1441, %squeeze3A_1433, %dma_start3A_1442] : memref<26x100001x32xf32, #tpu.memory_space<hbm>> -> memref<1x1x32xf32, #tpu.memory_space<hbm>>
        %dma_start3A_1444 = arith.constant 0 : i32
        %dma_start3A_1445 = arith.constant 0 : i32
        %dma_start3A_1446 = tpu.memref_slice %arg12[%dma_start3A_1444, %add3A_1437, %dma_start3A_1445] : memref<1x640x32xf32, #tpu.memory_space<vmem>> -> memref<1x1x32xf32, #tpu.memory_space<vmem>>
        %dma_start3A_1447 = arith.constant 16 : i32
        %dma_start3A_1448 = arith.constant 0 : i32
        %dma_start3A_1449 = tpu.memref_slice %arg2[%dma_start3A_1447, %squeeze3A_1433, %dma_start3A_1448] : memref<26x100001x32xf32, #tpu.memory_space<hbm>> -> memref<1x1x32xf32, #tpu.memory_space<hbm>>
        tpu.enqueue_dma source(%dma_start3A_1449 : memref<1x1x32xf32, #tpu.memory_space<hbm>>) target(%dma_start3A_1446 : memref<1x1x32xf32, #tpu.memory_space<vmem>>) target_semaphore(%arg13 : memref<!tpu.dma_semaphore, #tpu.memory_space<semaphore_mem>>)
        %slice3A_1450 = vector.extract_strided_slice %get3A_1143 {offsets = [7], sizes = [1], strides = [1]} : vector<16xi32> to vector<1xi32>
        %squeeze3A_1451 = vector.extract %slice3A_1450[0] : i32 from vector<1xi32>
        %add3A_1452 = arith.constant 13 : i32
        %add3A_1453 = arith.addi %mul3A_1145, %add3A_1452 : i32
        %add3A_1454 = arith.constant 17 : i32
        %add3A_1455 = arith.addi %add3A_1453, %add3A_1454 : i32
        %dma_start3A_1456 = arith.constant 0 : i32
        %dma_start3A_1457 = arith.constant 0 : i32
        %dma_start3A_1458 = tpu.memref_slice %arg12[%dma_start3A_1456, %add3A_1455, %dma_start3A_1457] : memref<1x640x32xf32, #tpu.memory_space<vmem>> -> memref<1x1x32xf32, #tpu.memory_space<vmem>>
        %dma_start3A_1459 = arith.constant 17 : i32
        %dma_start3A_1460 = arith.constant 0 : i32
        %dma_start3A_1461 = tpu.memref_slice %arg2[%dma_start3A_1459, %squeeze3A_1451, %dma_start3A_1460] : memref<26x100001x32xf32, #tpu.memory_space<hbm>> -> memref<1x1x32xf32, #tpu.memory_space<hbm>>
        %dma_start3A_1462 = arith.constant 0 : i32
        %dma_start3A_1463 = arith.constant 0 : i32
        %dma_start3A_1464 = tpu.memref_slice %arg12[%dma_start3A_1462, %add3A_1455, %dma_start3A_1463] : memref<1x640x32xf32, #tpu.memory_space<vmem>> -> memref<1x1x32xf32, #tpu.memory_space<vmem>>
        %dma_start3A_1465 = arith.constant 17 : i32
        %dma_start3A_1466 = arith.constant 0 : i32
        %dma_start3A_1467 = tpu.memref_slice %arg2[%dma_start3A_1465, %squeeze3A_1451, %dma_start3A_1466] : memref<26x100001x32xf32, #tpu.memory_space<hbm>> -> memref<1x1x32xf32, #tpu.memory_space<hbm>>
        tpu.enqueue_dma source(%dma_start3A_1467 : memref<1x1x32xf32, #tpu.memory_space<hbm>>) target(%dma_start3A_1464 : memref<1x1x32xf32, #tpu.memory_space<vmem>>) target_semaphore(%arg13 : memref<!tpu.dma_semaphore, #tpu.memory_space<semaphore_mem>>)
        %slice3A_1468 = vector.extract_strided_slice %get3A_1143 {offsets = [8], sizes = [1], strides = [1]} : vector<16xi32> to vector<1xi32>
        %squeeze3A_1469 = vector.extract %slice3A_1468[0] : i32 from vector<1xi32>
        %add3A_1470 = arith.constant 13 : i32
        %add3A_1471 = arith.addi %mul3A_1145, %add3A_1470 : i32
        %add3A_1472 = arith.constant 18 : i32
        %add3A_1473 = arith.addi %add3A_1471, %add3A_1472 : i32
        %dma_start3A_1474 = arith.constant 0 : i32
        %dma_start3A_1475 = arith.constant 0 : i32
        %dma_start3A_1476 = tpu.memref_slice %arg12[%dma_start3A_1474, %add3A_1473, %dma_start3A_1475] : memref<1x640x32xf32, #tpu.memory_space<vmem>> -> memref<1x1x32xf32, #tpu.memory_space<vmem>>
        %dma_start3A_1477 = arith.constant 18 : i32
        %dma_start3A_1478 = arith.constant 0 : i32
        %dma_start3A_1479 = tpu.memref_slice %arg2[%dma_start3A_1477, %squeeze3A_1469, %dma_start3A_1478] : memref<26x100001x32xf32, #tpu.memory_space<hbm>> -> memref<1x1x32xf32, #tpu.memory_space<hbm>>
        %dma_start3A_1480 = arith.constant 0 : i32
        %dma_start3A_1481 = arith.constant 0 : i32
        %dma_start3A_1482 = tpu.memref_slice %arg12[%dma_start3A_1480, %add3A_1473, %dma_start3A_1481] : memref<1x640x32xf32, #tpu.memory_space<vmem>> -> memref<1x1x32xf32, #tpu.memory_space<vmem>>
        %dma_start3A_1483 = arith.constant 18 : i32
        %dma_start3A_1484 = arith.constant 0 : i32
        %dma_start3A_1485 = tpu.memref_slice %arg2[%dma_start3A_1483, %squeeze3A_1469, %dma_start3A_1484] : memref<26x100001x32xf32, #tpu.memory_space<hbm>> -> memref<1x1x32xf32, #tpu.memory_space<hbm>>
        tpu.enqueue_dma source(%dma_start3A_1485 : memref<1x1x32xf32, #tpu.memory_space<hbm>>) target(%dma_start3A_1482 : memref<1x1x32xf32, #tpu.memory_space<vmem>>) target_semaphore(%arg13 : memref<!tpu.dma_semaphore, #tpu.memory_space<semaphore_mem>>)
        %slice3A_1486 = vector.extract_strided_slice %get3A_1143 {offsets = [9], sizes = [1], strides = [1]} : vector<16xi32> to vector<1xi32>
        %squeeze3A_1487 = vector.extract %slice3A_1486[0] : i32 from vector<1xi32>
        %add3A_1488 = arith.constant 13 : i32
        %add3A_1489 = arith.addi %mul3A_1145, %add3A_1488 : i32
        %add3A_1490 = arith.constant 19 : i32
        %add3A_1491 = arith.addi %add3A_1489, %add3A_1490 : i32
        %dma_start3A_1492 = arith.constant 0 : i32
        %dma_start3A_1493 = arith.constant 0 : i32
        %dma_start3A_1494 = tpu.memref_slice %arg12[%dma_start3A_1492, %add3A_1491, %dma_start3A_1493] : memref<1x640x32xf32, #tpu.memory_space<vmem>> -> memref<1x1x32xf32, #tpu.memory_space<vmem>>
        %dma_start3A_1495 = arith.constant 19 : i32
        %dma_start3A_1496 = arith.constant 0 : i32
        %dma_start3A_1497 = tpu.memref_slice %arg2[%dma_start3A_1495, %squeeze3A_1487, %dma_start3A_1496] : memref<26x100001x32xf32, #tpu.memory_space<hbm>> -> memref<1x1x32xf32, #tpu.memory_space<hbm>>
        %dma_start3A_1498 = arith.constant 0 : i32
        %dma_start3A_1499 = arith.constant 0 : i32
        %dma_start3A_1500 = tpu.memref_slice %arg12[%dma_start3A_1498, %add3A_1491, %dma_start3A_1499] : memref<1x640x32xf32, #tpu.memory_space<vmem>> -> memref<1x1x32xf32, #tpu.memory_space<vmem>>
        %dma_start3A_1501 = arith.constant 19 : i32
        %dma_start3A_1502 = arith.constant 0 : i32
        %dma_start3A_1503 = tpu.memref_slice %arg2[%dma_start3A_1501, %squeeze3A_1487, %dma_start3A_1502] : memref<26x100001x32xf32, #tpu.memory_space<hbm>> -> memref<1x1x32xf32, #tpu.memory_space<hbm>>
        tpu.enqueue_dma source(%dma_start3A_1503 : memref<1x1x32xf32, #tpu.memory_space<hbm>>) target(%dma_start3A_1500 : memref<1x1x32xf32, #tpu.memory_space<vmem>>) target_semaphore(%arg13 : memref<!tpu.dma_semaphore, #tpu.memory_space<semaphore_mem>>)
        %slice3A_1504 = vector.extract_strided_slice %get3A_1143 {offsets = [10], sizes = [1], strides = [1]} : vector<16xi32> to vector<1xi32>
        %squeeze3A_1505 = vector.extract %slice3A_1504[0] : i32 from vector<1xi32>
        %add3A_1506 = arith.constant 13 : i32
        %add3A_1507 = arith.addi %mul3A_1145, %add3A_1506 : i32
        %add3A_1508 = arith.constant 20 : i32
        %add3A_1509 = arith.addi %add3A_1507, %add3A_1508 : i32
        %dma_start3A_1510 = arith.constant 0 : i32
        %dma_start3A_1511 = arith.constant 0 : i32
        %dma_start3A_1512 = tpu.memref_slice %arg12[%dma_start3A_1510, %add3A_1509, %dma_start3A_1511] : memref<1x640x32xf32, #tpu.memory_space<vmem>> -> memref<1x1x32xf32, #tpu.memory_space<vmem>>
        %dma_start3A_1513 = arith.constant 20 : i32
        %dma_start3A_1514 = arith.constant 0 : i32
        %dma_start3A_1515 = tpu.memref_slice %arg2[%dma_start3A_1513, %squeeze3A_1505, %dma_start3A_1514] : memref<26x100001x32xf32, #tpu.memory_space<hbm>> -> memref<1x1x32xf32, #tpu.memory_space<hbm>>
        %dma_start3A_1516 = arith.constant 0 : i32
        %dma_start3A_1517 = arith.constant 0 : i32
        %dma_start3A_1518 = tpu.memref_slice %arg12[%dma_start3A_1516, %add3A_1509, %dma_start3A_1517] : memref<1x640x32xf32, #tpu.memory_space<vmem>> -> memref<1x1x32xf32, #tpu.memory_space<vmem>>
        %dma_start3A_1519 = arith.constant 20 : i32
        %dma_start3A_1520 = arith.constant 0 : i32
        %dma_start3A_1521 = tpu.memref_slice %arg2[%dma_start3A_1519, %squeeze3A_1505, %dma_start3A_1520] : memref<26x100001x32xf32, #tpu.memory_space<hbm>> -> memref<1x1x32xf32, #tpu.memory_space<hbm>>
        tpu.enqueue_dma source(%dma_start3A_1521 : memref<1x1x32xf32, #tpu.memory_space<hbm>>) target(%dma_start3A_1518 : memref<1x1x32xf32, #tpu.memory_space<vmem>>) target_semaphore(%arg13 : memref<!tpu.dma_semaphore, #tpu.memory_space<semaphore_mem>>)
        %slice3A_1522 = vector.extract_strided_slice %get3A_1143 {offsets = [11], sizes = [1], strides = [1]} : vector<16xi32> to vector<1xi32>
        %squeeze3A_1523 = vector.extract %slice3A_1522[0] : i32 from vector<1xi32>
        %add3A_1524 = arith.constant 13 : i32
        %add3A_1525 = arith.addi %mul3A_1145, %add3A_1524 : i32
        %add3A_1526 = arith.constant 21 : i32
        %add3A_1527 = arith.addi %add3A_1525, %add3A_1526 : i32
        %dma_start3A_1528 = arith.constant 0 : i32
        %dma_start3A_1529 = arith.constant 0 : i32
        %dma_start3A_1530 = tpu.memref_slice %arg12[%dma_start3A_1528, %add3A_1527, %dma_start3A_1529] : memref<1x640x32xf32, #tpu.memory_space<vmem>> -> memref<1x1x32xf32, #tpu.memory_space<vmem>>
        %dma_start3A_1531 = arith.constant 21 : i32
        %dma_start3A_1532 = arith.constant 0 : i32
        %dma_start3A_1533 = tpu.memref_slice %arg2[%dma_start3A_1531, %squeeze3A_1523, %dma_start3A_1532] : memref<26x100001x32xf32, #tpu.memory_space<hbm>> -> memref<1x1x32xf32, #tpu.memory_space<hbm>>
        %dma_start3A_1534 = arith.constant 0 : i32
        %dma_start3A_1535 = arith.constant 0 : i32
        %dma_start3A_1536 = tpu.memref_slice %arg12[%dma_start3A_1534, %add3A_1527, %dma_start3A_1535] : memref<1x640x32xf32, #tpu.memory_space<vmem>> -> memref<1x1x32xf32, #tpu.memory_space<vmem>>
        %dma_start3A_1537 = arith.constant 21 : i32
        %dma_start3A_1538 = arith.constant 0 : i32
        %dma_start3A_1539 = tpu.memref_slice %arg2[%dma_start3A_1537, %squeeze3A_1523, %dma_start3A_1538] : memref<26x100001x32xf32, #tpu.memory_space<hbm>> -> memref<1x1x32xf32, #tpu.memory_space<hbm>>
        tpu.enqueue_dma source(%dma_start3A_1539 : memref<1x1x32xf32, #tpu.memory_space<hbm>>) target(%dma_start3A_1536 : memref<1x1x32xf32, #tpu.memory_space<vmem>>) target_semaphore(%arg13 : memref<!tpu.dma_semaphore, #tpu.memory_space<semaphore_mem>>)
        %slice3A_1540 = vector.extract_strided_slice %get3A_1143 {offsets = [12], sizes = [1], strides = [1]} : vector<16xi32> to vector<1xi32>
        %squeeze3A_1541 = vector.extract %slice3A_1540[0] : i32 from vector<1xi32>
        %add3A_1542 = arith.constant 13 : i32
        %add3A_1543 = arith.addi %mul3A_1145, %add3A_1542 : i32
        %add3A_1544 = arith.constant 22 : i32
        %add3A_1545 = arith.addi %add3A_1543, %add3A_1544 : i32
        %dma_start3A_1546 = arith.constant 0 : i32
        %dma_start3A_1547 = arith.constant 0 : i32
        %dma_start3A_1548 = tpu.memref_slice %arg12[%dma_start3A_1546, %add3A_1545, %dma_start3A_1547] : memref<1x640x32xf32, #tpu.memory_space<vmem>> -> memref<1x1x32xf32, #tpu.memory_space<vmem>>
        %dma_start3A_1549 = arith.constant 22 : i32
        %dma_start3A_1550 = arith.constant 0 : i32
        %dma_start3A_1551 = tpu.memref_slice %arg2[%dma_start3A_1549, %squeeze3A_1541, %dma_start3A_1550] : memref<26x100001x32xf32, #tpu.memory_space<hbm>> -> memref<1x1x32xf32, #tpu.memory_space<hbm>>
        %dma_start3A_1552 = arith.constant 0 : i32
        %dma_start3A_1553 = arith.constant 0 : i32
        %dma_start3A_1554 = tpu.memref_slice %arg12[%dma_start3A_1552, %add3A_1545, %dma_start3A_1553] : memref<1x640x32xf32, #tpu.memory_space<vmem>> -> memref<1x1x32xf32, #tpu.memory_space<vmem>>
        %dma_start3A_1555 = arith.constant 22 : i32
        %dma_start3A_1556 = arith.constant 0 : i32
        %dma_start3A_1557 = tpu.memref_slice %arg2[%dma_start3A_1555, %squeeze3A_1541, %dma_start3A_1556] : memref<26x100001x32xf32, #tpu.memory_space<hbm>> -> memref<1x1x32xf32, #tpu.memory_space<hbm>>
        tpu.enqueue_dma source(%dma_start3A_1557 : memref<1x1x32xf32, #tpu.memory_space<hbm>>) target(%dma_start3A_1554 : memref<1x1x32xf32, #tpu.memory_space<vmem>>) target_semaphore(%arg13 : memref<!tpu.dma_semaphore, #tpu.memory_space<semaphore_mem>>)
        %slice3A_1558 = vector.extract_strided_slice %get3A_1143 {offsets = [13], sizes = [1], strides = [1]} : vector<16xi32> to vector<1xi32>
        %squeeze3A_1559 = vector.extract %slice3A_1558[0] : i32 from vector<1xi32>
        %add3A_1560 = arith.constant 13 : i32
        %add3A_1561 = arith.addi %mul3A_1145, %add3A_1560 : i32
        %add3A_1562 = arith.constant 23 : i32
        %add3A_1563 = arith.addi %add3A_1561, %add3A_1562 : i32
        %dma_start3A_1564 = arith.constant 0 : i32
        %dma_start3A_1565 = arith.constant 0 : i32
        %dma_start3A_1566 = tpu.memref_slice %arg12[%dma_start3A_1564, %add3A_1563, %dma_start3A_1565] : memref<1x640x32xf32, #tpu.memory_space<vmem>> -> memref<1x1x32xf32, #tpu.memory_space<vmem>>
        %dma_start3A_1567 = arith.constant 23 : i32
        %dma_start3A_1568 = arith.constant 0 : i32
        %dma_start3A_1569 = tpu.memref_slice %arg2[%dma_start3A_1567, %squeeze3A_1559, %dma_start3A_1568] : memref<26x100001x32xf32, #tpu.memory_space<hbm>> -> memref<1x1x32xf32, #tpu.memory_space<hbm>>
        %dma_start3A_1570 = arith.constant 0 : i32
        %dma_start3A_1571 = arith.constant 0 : i32
        %dma_start3A_1572 = tpu.memref_slice %arg12[%dma_start3A_1570, %add3A_1563, %dma_start3A_1571] : memref<1x640x32xf32, #tpu.memory_space<vmem>> -> memref<1x1x32xf32, #tpu.memory_space<vmem>>
        %dma_start3A_1573 = arith.constant 23 : i32
        %dma_start3A_1574 = arith.constant 0 : i32
        %dma_start3A_1575 = tpu.memref_slice %arg2[%dma_start3A_1573, %squeeze3A_1559, %dma_start3A_1574] : memref<26x100001x32xf32, #tpu.memory_space<hbm>> -> memref<1x1x32xf32, #tpu.memory_space<hbm>>
        tpu.enqueue_dma source(%dma_start3A_1575 : memref<1x1x32xf32, #tpu.memory_space<hbm>>) target(%dma_start3A_1572 : memref<1x1x32xf32, #tpu.memory_space<vmem>>) target_semaphore(%arg13 : memref<!tpu.dma_semaphore, #tpu.memory_space<semaphore_mem>>)
        %slice3A_1576 = vector.extract_strided_slice %get3A_1143 {offsets = [14], sizes = [1], strides = [1]} : vector<16xi32> to vector<1xi32>
        %squeeze3A_1577 = vector.extract %slice3A_1576[0] : i32 from vector<1xi32>
        %add3A_1578 = arith.constant 13 : i32
        %add3A_1579 = arith.addi %mul3A_1145, %add3A_1578 : i32
        %add3A_1580 = arith.constant 24 : i32
        %add3A_1581 = arith.addi %add3A_1579, %add3A_1580 : i32
        %dma_start3A_1582 = arith.constant 0 : i32
        %dma_start3A_1583 = arith.constant 0 : i32
        %dma_start3A_1584 = tpu.memref_slice %arg12[%dma_start3A_1582, %add3A_1581, %dma_start3A_1583] : memref<1x640x32xf32, #tpu.memory_space<vmem>> -> memref<1x1x32xf32, #tpu.memory_space<vmem>>
        %dma_start3A_1585 = arith.constant 24 : i32
        %dma_start3A_1586 = arith.constant 0 : i32
        %dma_start3A_1587 = tpu.memref_slice %arg2[%dma_start3A_1585, %squeeze3A_1577, %dma_start3A_1586] : memref<26x100001x32xf32, #tpu.memory_space<hbm>> -> memref<1x1x32xf32, #tpu.memory_space<hbm>>
        %dma_start3A_1588 = arith.constant 0 : i32
        %dma_start3A_1589 = arith.constant 0 : i32
        %dma_start3A_1590 = tpu.memref_slice %arg12[%dma_start3A_1588, %add3A_1581, %dma_start3A_1589] : memref<1x640x32xf32, #tpu.memory_space<vmem>> -> memref<1x1x32xf32, #tpu.memory_space<vmem>>
        %dma_start3A_1591 = arith.constant 24 : i32
        %dma_start3A_1592 = arith.constant 0 : i32
        %dma_start3A_1593 = tpu.memref_slice %arg2[%dma_start3A_1591, %squeeze3A_1577, %dma_start3A_1592] : memref<26x100001x32xf32, #tpu.memory_space<hbm>> -> memref<1x1x32xf32, #tpu.memory_space<hbm>>
        tpu.enqueue_dma source(%dma_start3A_1593 : memref<1x1x32xf32, #tpu.memory_space<hbm>>) target(%dma_start3A_1590 : memref<1x1x32xf32, #tpu.memory_space<vmem>>) target_semaphore(%arg13 : memref<!tpu.dma_semaphore, #tpu.memory_space<semaphore_mem>>)
        %slice3A_1594 = vector.extract_strided_slice %get3A_1143 {offsets = [15], sizes = [1], strides = [1]} : vector<16xi32> to vector<1xi32>
        %squeeze3A_1595 = vector.extract %slice3A_1594[0] : i32 from vector<1xi32>
        %add3A_1596 = arith.constant 13 : i32
        %add3A_1597 = arith.addi %mul3A_1145, %add3A_1596 : i32
        %add3A_1598 = arith.constant 25 : i32
        %add3A_1599 = arith.addi %add3A_1597, %add3A_1598 : i32
        %dma_start3A_1600 = arith.constant 0 : i32
        %dma_start3A_1601 = arith.constant 0 : i32
        %dma_start3A_1602 = tpu.memref_slice %arg12[%dma_start3A_1600, %add3A_1599, %dma_start3A_1601] : memref<1x640x32xf32, #tpu.memory_space<vmem>> -> memref<1x1x32xf32, #tpu.memory_space<vmem>>
        %dma_start3A_1603 = arith.constant 25 : i32
        %dma_start3A_1604 = arith.constant 0 : i32
        %dma_start3A_1605 = tpu.memref_slice %arg2[%dma_start3A_1603, %squeeze3A_1595, %dma_start3A_1604] : memref<26x100001x32xf32, #tpu.memory_space<hbm>> -> memref<1x1x32xf32, #tpu.memory_space<hbm>>
        %dma_start3A_1606 = arith.constant 0 : i32
        %dma_start3A_1607 = arith.constant 0 : i32
        %dma_start3A_1608 = tpu.memref_slice %arg12[%dma_start3A_1606, %add3A_1599, %dma_start3A_1607] : memref<1x640x32xf32, #tpu.memory_space<vmem>> -> memref<1x1x32xf32, #tpu.memory_space<vmem>>
        %dma_start3A_1609 = arith.constant 25 : i32
        %dma_start3A_1610 = arith.constant 0 : i32
        %dma_start3A_1611 = tpu.memref_slice %arg2[%dma_start3A_1609, %squeeze3A_1595, %dma_start3A_1610] : memref<26x100001x32xf32, #tpu.memory_space<hbm>> -> memref<1x1x32xf32, #tpu.memory_space<hbm>>
        tpu.enqueue_dma source(%dma_start3A_1611 : memref<1x1x32xf32, #tpu.memory_space<hbm>>) target(%dma_start3A_1608 : memref<1x1x32xf32, #tpu.memory_space<vmem>>) target_semaphore(%arg13 : memref<!tpu.dma_semaphore, #tpu.memory_space<semaphore_mem>>)
        %get3A_1612 = arith.index_cast %scan3A_1136 : i32 to index
        %get3A_1613 = arith.constant 0 : index
        %get3A_1614 = tpu.vector_load %arg9[%get3A_1612, %get3A_1613] {strides = array<i32>} : memref<16x16xf32, #tpu.memory_space<vmem>>, vector<1x16xf32>,
        %get3A_1615 = vector.shape_cast %get3A_1614 : vector<1x16xf32> to vector<16xf32>
        %slice3A_1616 = vector.extract_strided_slice %get3A_1615 {offsets = [0], sizes = [1], strides = [1]} : vector<16xf32> to vector<1xf32>
        %squeeze3A_1617 = vector.extract %slice3A_1616[0] : f32 from vector<1xf32>
        %get3A_1618 = arith.constant 0 : i32
        %get3A_1619 = arith.index_cast %get3A_1618 : i32 to index
        %get3A_1620 = arith.constant 0 : index
        %get3A_1621 = tpu.vector_load %arg10[%get3A_1619, %get3A_1620] {strides = array<i32>} : memref<13x32xf32, #tpu.memory_space<vmem>>, vector<1x16xf32>,
        %get3A_1622 = vector.shape_cast %get3A_1621 : vector<1x16xf32> to vector<16xf32>
        %mul3A_1623 = vector.broadcast %squeeze3A_1617 : f32 to vector<16xf32>
        %mul3A_1624 = arith.mulf %mul3A_1623, %get3A_1622 : vector<16xf32>
        %get3A_1625 = arith.constant 0 : i32
        %get3A_1626 = arith.index_cast %get3A_1625 : i32 to index
        %get3A_1627 = arith.constant 0 : index
        %get3A_1628 = tpu.vector_load %arg11[%get3A_1626, %get3A_1627] {strides = array<i32>} : memref<13x32xf32, #tpu.memory_space<vmem>>, vector<1x16xf32>,
        %get3A_1629 = vector.shape_cast %get3A_1628 : vector<1x16xf32> to vector<16xf32>
        %add3A_1630 = arith.addf %mul3A_1624, %get3A_1629 : vector<16xf32>
        %add3A_1631 = arith.constant 0 : i32
        %add3A_1632 = arith.addi %mul3A_1145, %add3A_1631 : i32
        %swap3A = arith.constant 0 : i32
        %swap3A_1633 = arith.index_cast %swap3A : i32 to index
        %swap3A_1634 = arith.index_cast %add3A_1632 : i32 to index
        %swap3A_1635 = arith.constant 0 : index
        %swap3A_1636 = tpu.vector_load %arg12[%swap3A_1633, %swap3A_1634, %swap3A_1635] {strides = array<i32>} : memref<1x640x32xf32, #tpu.memory_space<vmem>>, vector<1x1x16xf32>,
        %swap3A_1637 = vector.shape_cast %swap3A_1636 : vector<1x1x16xf32> to vector<16xf32>
        %swap3A_1638 = vector.shape_cast %add3A_1630 : vector<16xf32> to vector<1x1x16xf32>
        tpu.vector_store %arg12[%swap3A_1633, %swap3A_1634, %swap3A_1635], %swap3A_1638 {strides = array<i32>} : memref<1x640x32xf32, #tpu.memory_space<vmem>>, vector<1x1x16xf32>,
        %get3A_1639 = arith.constant 0 : i32
        %get3A_1640 = arith.index_cast %get3A_1639 : i32 to index
        %get3A_1641 = arith.constant 16 : index
        %get3A_1642 = tpu.vector_load %arg10[%get3A_1640, %get3A_1641] {strides = array<i32>} : memref<13x32xf32, #tpu.memory_space<vmem>>, vector<1x16xf32>,
        %get3A_1643 = vector.shape_cast %get3A_1642 : vector<1x16xf32> to vector<16xf32>
        %mul3A_1644 = vector.broadcast %squeeze3A_1617 : f32 to vector<16xf32>
        %mul3A_1645 = arith.mulf %mul3A_1644, %get3A_1643 : vector<16xf32>
        %get3A_1646 = arith.constant 0 : i32
        %get3A_1647 = arith.index_cast %get3A_1646 : i32 to index
        %get3A_1648 = arith.constant 16 : index
        %get3A_1649 = tpu.vector_load %arg11[%get3A_1647, %get3A_1648] {strides = array<i32>} : memref<13x32xf32, #tpu.memory_space<vmem>>, vector<1x16xf32>,
        %get3A_1650 = vector.shape_cast %get3A_1649 : vector<1x16xf32> to vector<16xf32>
        %add3A_1651 = arith.addf %mul3A_1645, %get3A_1650 : vector<16xf32>
        %add3A_1652 = arith.constant 0 : i32
        %add3A_1653 = arith.addi %mul3A_1145, %add3A_1652 : i32
        %swap3A_1654 = arith.constant 0 : i32
        %swap3A_1655 = arith.index_cast %swap3A_1654 : i32 to index
        %swap3A_1656 = arith.index_cast %add3A_1653 : i32 to index
        %swap3A_1657 = arith.constant 16 : index
        %swap3A_1658 = tpu.vector_load %arg12[%swap3A_1655, %swap3A_1656, %swap3A_1657] {strides = array<i32>} : memref<1x640x32xf32, #tpu.memory_space<vmem>>, vector<1x1x16xf32>,
        %swap3A_1659 = vector.shape_cast %swap3A_1658 : vector<1x1x16xf32> to vector<16xf32>
        %swap3A_1660 = vector.shape_cast %add3A_1651 : vector<16xf32> to vector<1x1x16xf32>
        tpu.vector_store %arg12[%swap3A_1655, %swap3A_1656, %swap3A_1657], %swap3A_1660 {strides = array<i32>} : memref<1x640x32xf32, #tpu.memory_space<vmem>>, vector<1x1x16xf32>,
        %slice3A_1661 = vector.extract_strided_slice %get3A_1615 {offsets = [1], sizes = [1], strides = [1]} : vector<16xf32> to vector<1xf32>
        %squeeze3A_1662 = vector.extract %slice3A_1661[0] : f32 from vector<1xf32>
        %get3A_1663 = arith.constant 1 : i32
        %get3A_1664 = arith.index_cast %get3A_1663 : i32 to index
        %get3A_1665 = arith.constant 0 : index
        %get3A_1666 = tpu.vector_load %arg10[%get3A_1664, %get3A_1665] {strides = array<i32>} : memref<13x32xf32, #tpu.memory_space<vmem>>, vector<1x16xf32>,
        %get3A_1667 = vector.shape_cast %get3A_1666 : vector<1x16xf32> to vector<16xf32>
        %mul3A_1668 = vector.broadcast %squeeze3A_1662 : f32 to vector<16xf32>
        %mul3A_1669 = arith.mulf %mul3A_1668, %get3A_1667 : vector<16xf32>
        %get3A_1670 = arith.constant 1 : i32
        %get3A_1671 = arith.index_cast %get3A_1670 : i32 to index
        %get3A_1672 = arith.constant 0 : index
        %get3A_1673 = tpu.vector_load %arg11[%get3A_1671, %get3A_1672] {strides = array<i32>} : memref<13x32xf32, #tpu.memory_space<vmem>>, vector<1x16xf32>,
        %get3A_1674 = vector.shape_cast %get3A_1673 : vector<1x16xf32> to vector<16xf32>
        %add3A_1675 = arith.addf %mul3A_1669, %get3A_1674 : vector<16xf32>
        %add3A_1676 = arith.constant 1 : i32
        %add3A_1677 = arith.addi %mul3A_1145, %add3A_1676 : i32
        %swap3A_1678 = arith.constant 0 : i32
        %swap3A_1679 = arith.index_cast %swap3A_1678 : i32 to index
        %swap3A_1680 = arith.index_cast %add3A_1677 : i32 to index
        %swap3A_1681 = arith.constant 0 : index
        %swap3A_1682 = tpu.vector_load %arg12[%swap3A_1679, %swap3A_1680, %swap3A_1681] {strides = array<i32>} : memref<1x640x32xf32, #tpu.memory_space<vmem>>, vector<1x1x16xf32>,
        %swap3A_1683 = vector.shape_cast %swap3A_1682 : vector<1x1x16xf32> to vector<16xf32>
        %swap3A_1684 = vector.shape_cast %add3A_1675 : vector<16xf32> to vector<1x1x16xf32>
        tpu.vector_store %arg12[%swap3A_1679, %swap3A_1680, %swap3A_1681], %swap3A_1684 {strides = array<i32>} : memref<1x640x32xf32, #tpu.memory_space<vmem>>, vector<1x1x16xf32>,
        %get3A_1685 = arith.constant 1 : i32
        %get3A_1686 = arith.index_cast %get3A_1685 : i32 to index
        %get3A_1687 = arith.constant 16 : index
        %get3A_1688 = tpu.vector_load %arg10[%get3A_1686, %get3A_1687] {strides = array<i32>} : memref<13x32xf32, #tpu.memory_space<vmem>>, vector<1x16xf32>,
        %get3A_1689 = vector.shape_cast %get3A_1688 : vector<1x16xf32> to vector<16xf32>
        %mul3A_1690 = vector.broadcast %squeeze3A_1662 : f32 to vector<16xf32>
        %mul3A_1691 = arith.mulf %mul3A_1690, %get3A_1689 : vector<16xf32>
        %get3A_1692 = arith.constant 1 : i32
        %get3A_1693 = arith.index_cast %get3A_1692 : i32 to index
        %get3A_1694 = arith.constant 16 : index
        %get3A_1695 = tpu.vector_load %arg11[%get3A_1693, %get3A_1694] {strides = array<i32>} : memref<13x32xf32, #tpu.memory_space<vmem>>, vector<1x16xf32>,
        %get3A_1696 = vector.shape_cast %get3A_1695 : vector<1x16xf32> to vector<16xf32>
        %add3A_1697 = arith.addf %mul3A_1691, %get3A_1696 : vector<16xf32>
        %add3A_1698 = arith.constant 1 : i32
        %add3A_1699 = arith.addi %mul3A_1145, %add3A_1698 : i32
        %swap3A_1700 = arith.constant 0 : i32
        %swap3A_1701 = arith.index_cast %swap3A_1700 : i32 to index
        %swap3A_1702 = arith.index_cast %add3A_1699 : i32 to index
        %swap3A_1703 = arith.constant 16 : index
        %swap3A_1704 = tpu.vector_load %arg12[%swap3A_1701, %swap3A_1702, %swap3A_1703] {strides = array<i32>} : memref<1x640x32xf32, #tpu.memory_space<vmem>>, vector<1x1x16xf32>,
        %swap3A_1705 = vector.shape_cast %swap3A_1704 : vector<1x1x16xf32> to vector<16xf32>
        %swap3A_1706 = vector.shape_cast %add3A_1697 : vector<16xf32> to vector<1x1x16xf32>
        tpu.vector_store %arg12[%swap3A_1701, %swap3A_1702, %swap3A_1703], %swap3A_1706 {strides = array<i32>} : memref<1x640x32xf32, #tpu.memory_space<vmem>>, vector<1x1x16xf32>,
        %slice3A_1707 = vector.extract_strided_slice %get3A_1615 {offsets = [2], sizes = [1], strides = [1]} : vector<16xf32> to vector<1xf32>
        %squeeze3A_1708 = vector.extract %slice3A_1707[0] : f32 from vector<1xf32>
        %get3A_1709 = arith.constant 2 : i32
        %get3A_1710 = arith.index_cast %get3A_1709 : i32 to index
        %get3A_1711 = arith.constant 0 : index
        %get3A_1712 = tpu.vector_load %arg10[%get3A_1710, %get3A_1711] {strides = array<i32>} : memref<13x32xf32, #tpu.memory_space<vmem>>, vector<1x16xf32>,
        %get3A_1713 = vector.shape_cast %get3A_1712 : vector<1x16xf32> to vector<16xf32>
        %mul3A_1714 = vector.broadcast %squeeze3A_1708 : f32 to vector<16xf32>
        %mul3A_1715 = arith.mulf %mul3A_1714, %get3A_1713 : vector<16xf32>
        %get3A_1716 = arith.constant 2 : i32
        %get3A_1717 = arith.index_cast %get3A_1716 : i32 to index
        %get3A_1718 = arith.constant 0 : index
        %get3A_1719 = tpu.vector_load %arg11[%get3A_1717, %get3A_1718] {strides = array<i32>} : memref<13x32xf32, #tpu.memory_space<vmem>>, vector<1x16xf32>,
        %get3A_1720 = vector.shape_cast %get3A_1719 : vector<1x16xf32> to vector<16xf32>
        %add3A_1721 = arith.addf %mul3A_1715, %get3A_1720 : vector<16xf32>
        %add3A_1722 = arith.constant 2 : i32
        %add3A_1723 = arith.addi %mul3A_1145, %add3A_1722 : i32
        %swap3A_1724 = arith.constant 0 : i32
        %swap3A_1725 = arith.index_cast %swap3A_1724 : i32 to index
        %swap3A_1726 = arith.index_cast %add3A_1723 : i32 to index
        %swap3A_1727 = arith.constant 0 : index
        %swap3A_1728 = tpu.vector_load %arg12[%swap3A_1725, %swap3A_1726, %swap3A_1727] {strides = array<i32>} : memref<1x640x32xf32, #tpu.memory_space<vmem>>, vector<1x1x16xf32>,
        %swap3A_1729 = vector.shape_cast %swap3A_1728 : vector<1x1x16xf32> to vector<16xf32>
        %swap3A_1730 = vector.shape_cast %add3A_1721 : vector<16xf32> to vector<1x1x16xf32>
        tpu.vector_store %arg12[%swap3A_1725, %swap3A_1726, %swap3A_1727], %swap3A_1730 {strides = array<i32>} : memref<1x640x32xf32, #tpu.memory_space<vmem>>, vector<1x1x16xf32>,
        %get3A_1731 = arith.constant 2 : i32
        %get3A_1732 = arith.index_cast %get3A_1731 : i32 to index
        %get3A_1733 = arith.constant 16 : index
        %get3A_1734 = tpu.vector_load %arg10[%get3A_1732, %get3A_1733] {strides = array<i32>} : memref<13x32xf32, #tpu.memory_space<vmem>>, vector<1x16xf32>,
        %get3A_1735 = vector.shape_cast %get3A_1734 : vector<1x16xf32> to vector<16xf32>
        %mul3A_1736 = vector.broadcast %squeeze3A_1708 : f32 to vector<16xf32>
        %mul3A_1737 = arith.mulf %mul3A_1736, %get3A_1735 : vector<16xf32>
        %get3A_1738 = arith.constant 2 : i32
        %get3A_1739 = arith.index_cast %get3A_1738 : i32 to index
        %get3A_1740 = arith.constant 16 : index
        %get3A_1741 = tpu.vector_load %arg11[%get3A_1739, %get3A_1740] {strides = array<i32>} : memref<13x32xf32, #tpu.memory_space<vmem>>, vector<1x16xf32>,
        %get3A_1742 = vector.shape_cast %get3A_1741 : vector<1x16xf32> to vector<16xf32>
        %add3A_1743 = arith.addf %mul3A_1737, %get3A_1742 : vector<16xf32>
        %add3A_1744 = arith.constant 2 : i32
        %add3A_1745 = arith.addi %mul3A_1145, %add3A_1744 : i32
        %swap3A_1746 = arith.constant 0 : i32
        %swap3A_1747 = arith.index_cast %swap3A_1746 : i32 to index
        %swap3A_1748 = arith.index_cast %add3A_1745 : i32 to index
        %swap3A_1749 = arith.constant 16 : index
        %swap3A_1750 = tpu.vector_load %arg12[%swap3A_1747, %swap3A_1748, %swap3A_1749] {strides = array<i32>} : memref<1x640x32xf32, #tpu.memory_space<vmem>>, vector<1x1x16xf32>,
        %swap3A_1751 = vector.shape_cast %swap3A_1750 : vector<1x1x16xf32> to vector<16xf32>
        %swap3A_1752 = vector.shape_cast %add3A_1743 : vector<16xf32> to vector<1x1x16xf32>
        tpu.vector_store %arg12[%swap3A_1747, %swap3A_1748, %swap3A_1749], %swap3A_1752 {strides = array<i32>} : memref<1x640x32xf32, #tpu.memory_space<vmem>>, vector<1x1x16xf32>,
        %slice3A_1753 = vector.extract_strided_slice %get3A_1615 {offsets = [3], sizes = [1], strides = [1]} : vector<16xf32> to vector<1xf32>
        %squeeze3A_1754 = vector.extract %slice3A_1753[0] : f32 from vector<1xf32>
        %get3A_1755 = arith.constant 3 : i32
        %get3A_1756 = arith.index_cast %get3A_1755 : i32 to index
        %get3A_1757 = arith.constant 0 : index
        %get3A_1758 = tpu.vector_load %arg10[%get3A_1756, %get3A_1757] {strides = array<i32>} : memref<13x32xf32, #tpu.memory_space<vmem>>, vector<1x16xf32>,
        %get3A_1759 = vector.shape_cast %get3A_1758 : vector<1x16xf32> to vector<16xf32>
        %mul3A_1760 = vector.broadcast %squeeze3A_1754 : f32 to vector<16xf32>
        %mul3A_1761 = arith.mulf %mul3A_1760, %get3A_1759 : vector<16xf32>
        %get3A_1762 = arith.constant 3 : i32
        %get3A_1763 = arith.index_cast %get3A_1762 : i32 to index
        %get3A_1764 = arith.constant 0 : index
        %get3A_1765 = tpu.vector_load %arg11[%get3A_1763, %get3A_1764] {strides = array<i32>} : memref<13x32xf32, #tpu.memory_space<vmem>>, vector<1x16xf32>,
        %get3A_1766 = vector.shape_cast %get3A_1765 : vector<1x16xf32> to vector<16xf32>
        %add3A_1767 = arith.addf %mul3A_1761, %get3A_1766 : vector<16xf32>
        %add3A_1768 = arith.constant 3 : i32
        %add3A_1769 = arith.addi %mul3A_1145, %add3A_1768 : i32
        %swap3A_1770 = arith.constant 0 : i32
        %swap3A_1771 = arith.index_cast %swap3A_1770 : i32 to index
        %swap3A_1772 = arith.index_cast %add3A_1769 : i32 to index
        %swap3A_1773 = arith.constant 0 : index
        %swap3A_1774 = tpu.vector_load %arg12[%swap3A_1771, %swap3A_1772, %swap3A_1773] {strides = array<i32>} : memref<1x640x32xf32, #tpu.memory_space<vmem>>, vector<1x1x16xf32>,
        %swap3A_1775 = vector.shape_cast %swap3A_1774 : vector<1x1x16xf32> to vector<16xf32>
        %swap3A_1776 = vector.shape_cast %add3A_1767 : vector<16xf32> to vector<1x1x16xf32>
        tpu.vector_store %arg12[%swap3A_1771, %swap3A_1772, %swap3A_1773], %swap3A_1776 {strides = array<i32>} : memref<1x640x32xf32, #tpu.memory_space<vmem>>, vector<1x1x16xf32>,
        %get3A_1777 = arith.constant 3 : i32
        %get3A_1778 = arith.index_cast %get3A_1777 : i32 to index
        %get3A_1779 = arith.constant 16 : index
        %get3A_1780 = tpu.vector_load %arg10[%get3A_1778, %get3A_1779] {strides = array<i32>} : memref<13x32xf32, #tpu.memory_space<vmem>>, vector<1x16xf32>,
        %get3A_1781 = vector.shape_cast %get3A_1780 : vector<1x16xf32> to vector<16xf32>
        %mul3A_1782 = vector.broadcast %squeeze3A_1754 : f32 to vector<16xf32>
        %mul3A_1783 = arith.mulf %mul3A_1782, %get3A_1781 : vector<16xf32>
        %get3A_1784 = arith.constant 3 : i32
        %get3A_1785 = arith.index_cast %get3A_1784 : i32 to index
        %get3A_1786 = arith.constant 16 : index
        %get3A_1787 = tpu.vector_load %arg11[%get3A_1785, %get3A_1786] {strides = array<i32>} : memref<13x32xf32, #tpu.memory_space<vmem>>, vector<1x16xf32>,
        %get3A_1788 = vector.shape_cast %get3A_1787 : vector<1x16xf32> to vector<16xf32>
        %add3A_1789 = arith.addf %mul3A_1783, %get3A_1788 : vector<16xf32>
        %add3A_1790 = arith.constant 3 : i32
        %add3A_1791 = arith.addi %mul3A_1145, %add3A_1790 : i32
        %swap3A_1792 = arith.constant 0 : i32
        %swap3A_1793 = arith.index_cast %swap3A_1792 : i32 to index
        %swap3A_1794 = arith.index_cast %add3A_1791 : i32 to index
        %swap3A_1795 = arith.constant 16 : index
        %swap3A_1796 = tpu.vector_load %arg12[%swap3A_1793, %swap3A_1794, %swap3A_1795] {strides = array<i32>} : memref<1x640x32xf32, #tpu.memory_space<vmem>>, vector<1x1x16xf32>,
        %swap3A_1797 = vector.shape_cast %swap3A_1796 : vector<1x1x16xf32> to vector<16xf32>
        %swap3A_1798 = vector.shape_cast %add3A_1789 : vector<16xf32> to vector<1x1x16xf32>
        tpu.vector_store %arg12[%swap3A_1793, %swap3A_1794, %swap3A_1795], %swap3A_1798 {strides = array<i32>} : memref<1x640x32xf32, #tpu.memory_space<vmem>>, vector<1x1x16xf32>,
        %slice3A_1799 = vector.extract_strided_slice %get3A_1615 {offsets = [4], sizes = [1], strides = [1]} : vector<16xf32> to vector<1xf32>
        %squeeze3A_1800 = vector.extract %slice3A_1799[0] : f32 from vector<1xf32>
        %get3A_1801 = arith.constant 4 : i32
        %get3A_1802 = arith.index_cast %get3A_1801 : i32 to index
        %get3A_1803 = arith.constant 0 : index
        %get3A_1804 = tpu.vector_load %arg10[%get3A_1802, %get3A_1803] {strides = array<i32>} : memref<13x32xf32, #tpu.memory_space<vmem>>, vector<1x16xf32>,
        %get3A_1805 = vector.shape_cast %get3A_1804 : vector<1x16xf32> to vector<16xf32>
        %mul3A_1806 = vector.broadcast %squeeze3A_1800 : f32 to vector<16xf32>
        %mul3A_1807 = arith.mulf %mul3A_1806, %get3A_1805 : vector<16xf32>
        %get3A_1808 = arith.constant 4 : i32
        %get3A_1809 = arith.index_cast %get3A_1808 : i32 to index
        %get3A_1810 = arith.constant 0 : index
        %get3A_1811 = tpu.vector_load %arg11[%get3A_1809, %get3A_1810] {strides = array<i32>} : memref<13x32xf32, #tpu.memory_space<vmem>>, vector<1x16xf32>,
        %get3A_1812 = vector.shape_cast %get3A_1811 : vector<1x16xf32> to vector<16xf32>
        %add3A_1813 = arith.addf %mul3A_1807, %get3A_1812 : vector<16xf32>
        %add3A_1814 = arith.constant 4 : i32
        %add3A_1815 = arith.addi %mul3A_1145, %add3A_1814 : i32
        %swap3A_1816 = arith.constant 0 : i32
        %swap3A_1817 = arith.index_cast %swap3A_1816 : i32 to index
        %swap3A_1818 = arith.index_cast %add3A_1815 : i32 to index
        %swap3A_1819 = arith.constant 0 : index
        %swap3A_1820 = tpu.vector_load %arg12[%swap3A_1817, %swap3A_1818, %swap3A_1819] {strides = array<i32>} : memref<1x640x32xf32, #tpu.memory_space<vmem>>, vector<1x1x16xf32>,
        %swap3A_1821 = vector.shape_cast %swap3A_1820 : vector<1x1x16xf32> to vector<16xf32>
        %swap3A_1822 = vector.shape_cast %add3A_1813 : vector<16xf32> to vector<1x1x16xf32>
        tpu.vector_store %arg12[%swap3A_1817, %swap3A_1818, %swap3A_1819], %swap3A_1822 {strides = array<i32>} : memref<1x640x32xf32, #tpu.memory_space<vmem>>, vector<1x1x16xf32>,
        %get3A_1823 = arith.constant 4 : i32
        %get3A_1824 = arith.index_cast %get3A_1823 : i32 to index
        %get3A_1825 = arith.constant 16 : index
        %get3A_1826 = tpu.vector_load %arg10[%get3A_1824, %get3A_1825] {strides = array<i32>} : memref<13x32xf32, #tpu.memory_space<vmem>>, vector<1x16xf32>,
        %get3A_1827 = vector.shape_cast %get3A_1826 : vector<1x16xf32> to vector<16xf32>
        %mul3A_1828 = vector.broadcast %squeeze3A_1800 : f32 to vector<16xf32>
        %mul3A_1829 = arith.mulf %mul3A_1828, %get3A_1827 : vector<16xf32>
        %get3A_1830 = arith.constant 4 : i32
        %get3A_1831 = arith.index_cast %get3A_1830 : i32 to index
        %get3A_1832 = arith.constant 16 : index
        %get3A_1833 = tpu.vector_load %arg11[%get3A_1831, %get3A_1832] {strides = array<i32>} : memref<13x32xf32, #tpu.memory_space<vmem>>, vector<1x16xf32>,
        %get3A_1834 = vector.shape_cast %get3A_1833 : vector<1x16xf32> to vector<16xf32>
        %add3A_1835 = arith.addf %mul3A_1829, %get3A_1834 : vector<16xf32>
        %add3A_1836 = arith.constant 4 : i32
        %add3A_1837 = arith.addi %mul3A_1145, %add3A_1836 : i32
        %swap3A_1838 = arith.constant 0 : i32
        %swap3A_1839 = arith.index_cast %swap3A_1838 : i32 to index
        %swap3A_1840 = arith.index_cast %add3A_1837 : i32 to index
        %swap3A_1841 = arith.constant 16 : index
        %swap3A_1842 = tpu.vector_load %arg12[%swap3A_1839, %swap3A_1840, %swap3A_1841] {strides = array<i32>} : memref<1x640x32xf32, #tpu.memory_space<vmem>>, vector<1x1x16xf32>,
        %swap3A_1843 = vector.shape_cast %swap3A_1842 : vector<1x1x16xf32> to vector<16xf32>
        %swap3A_1844 = vector.shape_cast %add3A_1835 : vector<16xf32> to vector<1x1x16xf32>
        tpu.vector_store %arg12[%swap3A_1839, %swap3A_1840, %swap3A_1841], %swap3A_1844 {strides = array<i32>} : memref<1x640x32xf32, #tpu.memory_space<vmem>>, vector<1x1x16xf32>,
        %slice3A_1845 = vector.extract_strided_slice %get3A_1615 {offsets = [5], sizes = [1], strides = [1]} : vector<16xf32> to vector<1xf32>
        %squeeze3A_1846 = vector.extract %slice3A_1845[0] : f32 from vector<1xf32>
        %get3A_1847 = arith.constant 5 : i32
        %get3A_1848 = arith.index_cast %get3A_1847 : i32 to index
        %get3A_1849 = arith.constant 0 : index
        %get3A_1850 = tpu.vector_load %arg10[%get3A_1848, %get3A_1849] {strides = array<i32>} : memref<13x32xf32, #tpu.memory_space<vmem>>, vector<1x16xf32>,
        %get3A_1851 = vector.shape_cast %get3A_1850 : vector<1x16xf32> to vector<16xf32>
        %mul3A_1852 = vector.broadcast %squeeze3A_1846 : f32 to vector<16xf32>
        %mul3A_1853 = arith.mulf %mul3A_1852, %get3A_1851 : vector<16xf32>
        %get3A_1854 = arith.constant 5 : i32
        %get3A_1855 = arith.index_cast %get3A_1854 : i32 to index
        %get3A_1856 = arith.constant 0 : index
        %get3A_1857 = tpu.vector_load %arg11[%get3A_1855, %get3A_1856] {strides = array<i32>} : memref<13x32xf32, #tpu.memory_space<vmem>>, vector<1x16xf32>,
        %get3A_1858 = vector.shape_cast %get3A_1857 : vector<1x16xf32> to vector<16xf32>
        %add3A_1859 = arith.addf %mul3A_1853, %get3A_1858 : vector<16xf32>
        %add3A_1860 = arith.constant 5 : i32
        %add3A_1861 = arith.addi %mul3A_1145, %add3A_1860 : i32
        %swap3A_1862 = arith.constant 0 : i32
        %swap3A_1863 = arith.index_cast %swap3A_1862 : i32 to index
        %swap3A_1864 = arith.index_cast %add3A_1861 : i32 to index
        %swap3A_1865 = arith.constant 0 : index
        %swap3A_1866 = tpu.vector_load %arg12[%swap3A_1863, %swap3A_1864, %swap3A_1865] {strides = array<i32>} : memref<1x640x32xf32, #tpu.memory_space<vmem>>, vector<1x1x16xf32>,
        %swap3A_1867 = vector.shape_cast %swap3A_1866 : vector<1x1x16xf32> to vector<16xf32>
        %swap3A_1868 = vector.shape_cast %add3A_1859 : vector<16xf32> to vector<1x1x16xf32>
        tpu.vector_store %arg12[%swap3A_1863, %swap3A_1864, %swap3A_1865], %swap3A_1868 {strides = array<i32>} : memref<1x640x32xf32, #tpu.memory_space<vmem>>, vector<1x1x16xf32>,
        %get3A_1869 = arith.constant 5 : i32
        %get3A_1870 = arith.index_cast %get3A_1869 : i32 to index
        %get3A_1871 = arith.constant 16 : index
        %get3A_1872 = tpu.vector_load %arg10[%get3A_1870, %get3A_1871] {strides = array<i32>} : memref<13x32xf32, #tpu.memory_space<vmem>>, vector<1x16xf32>,
        %get3A_1873 = vector.shape_cast %get3A_1872 : vector<1x16xf32> to vector<16xf32>
        %mul3A_1874 = vector.broadcast %squeeze3A_1846 : f32 to vector<16xf32>
        %mul3A_1875 = arith.mulf %mul3A_1874, %get3A_1873 : vector<16xf32>
        %get3A_1876 = arith.constant 5 : i32
        %get3A_1877 = arith.index_cast %get3A_1876 : i32 to index
        %get3A_1878 = arith.constant 16 : index
        %get3A_1879 = tpu.vector_load %arg11[%get3A_1877, %get3A_1878] {strides = array<i32>} : memref<13x32xf32, #tpu.memory_space<vmem>>, vector<1x16xf32>,
        %get3A_1880 = vector.shape_cast %get3A_1879 : vector<1x16xf32> to vector<16xf32>
        %add3A_1881 = arith.addf %mul3A_1875, %get3A_1880 : vector<16xf32>
        %add3A_1882 = arith.constant 5 : i32
        %add3A_1883 = arith.addi %mul3A_1145, %add3A_1882 : i32
        %swap3A_1884 = arith.constant 0 : i32
        %swap3A_1885 = arith.index_cast %swap3A_1884 : i32 to index
        %swap3A_1886 = arith.index_cast %add3A_1883 : i32 to index
        %swap3A_1887 = arith.constant 16 : index
        %swap3A_1888 = tpu.vector_load %arg12[%swap3A_1885, %swap3A_1886, %swap3A_1887] {strides = array<i32>} : memref<1x640x32xf32, #tpu.memory_space<vmem>>, vector<1x1x16xf32>,
        %swap3A_1889 = vector.shape_cast %swap3A_1888 : vector<1x1x16xf32> to vector<16xf32>
        %swap3A_1890 = vector.shape_cast %add3A_1881 : vector<16xf32> to vector<1x1x16xf32>
        tpu.vector_store %arg12[%swap3A_1885, %swap3A_1886, %swap3A_1887], %swap3A_1890 {strides = array<i32>} : memref<1x640x32xf32, #tpu.memory_space<vmem>>, vector<1x1x16xf32>,
        %slice3A_1891 = vector.extract_strided_slice %get3A_1615 {offsets = [6], sizes = [1], strides = [1]} : vector<16xf32> to vector<1xf32>
        %squeeze3A_1892 = vector.extract %slice3A_1891[0] : f32 from vector<1xf32>
        %get3A_1893 = arith.constant 6 : i32
        %get3A_1894 = arith.index_cast %get3A_1893 : i32 to index
        %get3A_1895 = arith.constant 0 : index
        %get3A_1896 = tpu.vector_load %arg10[%get3A_1894, %get3A_1895] {strides = array<i32>} : memref<13x32xf32, #tpu.memory_space<vmem>>, vector<1x16xf32>,
        %get3A_1897 = vector.shape_cast %get3A_1896 : vector<1x16xf32> to vector<16xf32>
        %mul3A_1898 = vector.broadcast %squeeze3A_1892 : f32 to vector<16xf32>
        %mul3A_1899 = arith.mulf %mul3A_1898, %get3A_1897 : vector<16xf32>
        %get3A_1900 = arith.constant 6 : i32
        %get3A_1901 = arith.index_cast %get3A_1900 : i32 to index
        %get3A_1902 = arith.constant 0 : index
        %get3A_1903 = tpu.vector_load %arg11[%get3A_1901, %get3A_1902] {strides = array<i32>} : memref<13x32xf32, #tpu.memory_space<vmem>>, vector<1x16xf32>,
        %get3A_1904 = vector.shape_cast %get3A_1903 : vector<1x16xf32> to vector<16xf32>
        %add3A_1905 = arith.addf %mul3A_1899, %get3A_1904 : vector<16xf32>
        %add3A_1906 = arith.constant 6 : i32
        %add3A_1907 = arith.addi %mul3A_1145, %add3A_1906 : i32
        %swap3A_1908 = arith.constant 0 : i32
        %swap3A_1909 = arith.index_cast %swap3A_1908 : i32 to index
        %swap3A_1910 = arith.index_cast %add3A_1907 : i32 to index
        %swap3A_1911 = arith.constant 0 : index
        %swap3A_1912 = tpu.vector_load %arg12[%swap3A_1909, %swap3A_1910, %swap3A_1911] {strides = array<i32>} : memref<1x640x32xf32, #tpu.memory_space<vmem>>, vector<1x1x16xf32>,
        %swap3A_1913 = vector.shape_cast %swap3A_1912 : vector<1x1x16xf32> to vector<16xf32>
        %swap3A_1914 = vector.shape_cast %add3A_1905 : vector<16xf32> to vector<1x1x16xf32>
        tpu.vector_store %arg12[%swap3A_1909, %swap3A_1910, %swap3A_1911], %swap3A_1914 {strides = array<i32>} : memref<1x640x32xf32, #tpu.memory_space<vmem>>, vector<1x1x16xf32>,
        %get3A_1915 = arith.constant 6 : i32
        %get3A_1916 = arith.index_cast %get3A_1915 : i32 to index
        %get3A_1917 = arith.constant 16 : index
        %get3A_1918 = tpu.vector_load %arg10[%get3A_1916, %get3A_1917] {strides = array<i32>} : memref<13x32xf32, #tpu.memory_space<vmem>>, vector<1x16xf32>,
        %get3A_1919 = vector.shape_cast %get3A_1918 : vector<1x16xf32> to vector<16xf32>
        %mul3A_1920 = vector.broadcast %squeeze3A_1892 : f32 to vector<16xf32>
        %mul3A_1921 = arith.mulf %mul3A_1920, %get3A_1919 : vector<16xf32>
        %get3A_1922 = arith.constant 6 : i32
        %get3A_1923 = arith.index_cast %get3A_1922 : i32 to index
        %get3A_1924 = arith.constant 16 : index
        %get3A_1925 = tpu.vector_load %arg11[%get3A_1923, %get3A_1924] {strides = array<i32>} : memref<13x32xf32, #tpu.memory_space<vmem>>, vector<1x16xf32>,
        %get3A_1926 = vector.shape_cast %get3A_1925 : vector<1x16xf32> to vector<16xf32>
        %add3A_1927 = arith.addf %mul3A_1921, %get3A_1926 : vector<16xf32>
        %add3A_1928 = arith.constant 6 : i32
        %add3A_1929 = arith.addi %mul3A_1145, %add3A_1928 : i32
        %swap3A_1930 = arith.constant 0 : i32
        %swap3A_1931 = arith.index_cast %swap3A_1930 : i32 to index
        %swap3A_1932 = arith.index_cast %add3A_1929 : i32 to index
        %swap3A_1933 = arith.constant 16 : index
        %swap3A_1934 = tpu.vector_load %arg12[%swap3A_1931, %swap3A_1932, %swap3A_1933] {strides = array<i32>} : memref<1x640x32xf32, #tpu.memory_space<vmem>>, vector<1x1x16xf32>,
        %swap3A_1935 = vector.shape_cast %swap3A_1934 : vector<1x1x16xf32> to vector<16xf32>
        %swap3A_1936 = vector.shape_cast %add3A_1927 : vector<16xf32> to vector<1x1x16xf32>
        tpu.vector_store %arg12[%swap3A_1931, %swap3A_1932, %swap3A_1933], %swap3A_1936 {strides = array<i32>} : memref<1x640x32xf32, #tpu.memory_space<vmem>>, vector<1x1x16xf32>,
        %slice3A_1937 = vector.extract_strided_slice %get3A_1615 {offsets = [7], sizes = [1], strides = [1]} : vector<16xf32> to vector<1xf32>
        %squeeze3A_1938 = vector.extract %slice3A_1937[0] : f32 from vector<1xf32>
        %get3A_1939 = arith.constant 7 : i32
        %get3A_1940 = arith.index_cast %get3A_1939 : i32 to index
        %get3A_1941 = arith.constant 0 : index
        %get3A_1942 = tpu.vector_load %arg10[%get3A_1940, %get3A_1941] {strides = array<i32>} : memref<13x32xf32, #tpu.memory_space<vmem>>, vector<1x16xf32>,
        %get3A_1943 = vector.shape_cast %get3A_1942 : vector<1x16xf32> to vector<16xf32>
        %mul3A_1944 = vector.broadcast %squeeze3A_1938 : f32 to vector<16xf32>
        %mul3A_1945 = arith.mulf %mul3A_1944, %get3A_1943 : vector<16xf32>
        %get3A_1946 = arith.constant 7 : i32
        %get3A_1947 = arith.index_cast %get3A_1946 : i32 to index
        %get3A_1948 = arith.constant 0 : index
        %get3A_1949 = tpu.vector_load %arg11[%get3A_1947, %get3A_1948] {strides = array<i32>} : memref<13x32xf32, #tpu.memory_space<vmem>>, vector<1x16xf32>,
        %get3A_1950 = vector.shape_cast %get3A_1949 : vector<1x16xf32> to vector<16xf32>
        %add3A_1951 = arith.addf %mul3A_1945, %get3A_1950 : vector<16xf32>
        %add3A_1952 = arith.constant 7 : i32
        %add3A_1953 = arith.addi %mul3A_1145, %add3A_1952 : i32
        %swap3A_1954 = arith.constant 0 : i32
        %swap3A_1955 = arith.index_cast %swap3A_1954 : i32 to index
        %swap3A_1956 = arith.index_cast %add3A_1953 : i32 to index
        %swap3A_1957 = arith.constant 0 : index
        %swap3A_1958 = tpu.vector_load %arg12[%swap3A_1955, %swap3A_1956, %swap3A_1957] {strides = array<i32>} : memref<1x640x32xf32, #tpu.memory_space<vmem>>, vector<1x1x16xf32>,
        %swap3A_1959 = vector.shape_cast %swap3A_1958 : vector<1x1x16xf32> to vector<16xf32>
        %swap3A_1960 = vector.shape_cast %add3A_1951 : vector<16xf32> to vector<1x1x16xf32>
        tpu.vector_store %arg12[%swap3A_1955, %swap3A_1956, %swap3A_1957], %swap3A_1960 {strides = array<i32>} : memref<1x640x32xf32, #tpu.memory_space<vmem>>, vector<1x1x16xf32>,
        %get3A_1961 = arith.constant 7 : i32
        %get3A_1962 = arith.index_cast %get3A_1961 : i32 to index
        %get3A_1963 = arith.constant 16 : index
        %get3A_1964 = tpu.vector_load %arg10[%get3A_1962, %get3A_1963] {strides = array<i32>} : memref<13x32xf32, #tpu.memory_space<vmem>>, vector<1x16xf32>,
        %get3A_1965 = vector.shape_cast %get3A_1964 : vector<1x16xf32> to vector<16xf32>
        %mul3A_1966 = vector.broadcast %squeeze3A_1938 : f32 to vector<16xf32>
        %mul3A_1967 = arith.mulf %mul3A_1966, %get3A_1965 : vector<16xf32>
        %get3A_1968 = arith.constant 7 : i32
        %get3A_1969 = arith.index_cast %get3A_1968 : i32 to index
        %get3A_1970 = arith.constant 16 : index
        %get3A_1971 = tpu.vector_load %arg11[%get3A_1969, %get3A_1970] {strides = array<i32>} : memref<13x32xf32, #tpu.memory_space<vmem>>, vector<1x16xf32>,
        %get3A_1972 = vector.shape_cast %get3A_1971 : vector<1x16xf32> to vector<16xf32>
        %add3A_1973 = arith.addf %mul3A_1967, %get3A_1972 : vector<16xf32>
        %add3A_1974 = arith.constant 7 : i32
        %add3A_1975 = arith.addi %mul3A_1145, %add3A_1974 : i32
        %swap3A_1976 = arith.constant 0 : i32
        %swap3A_1977 = arith.index_cast %swap3A_1976 : i32 to index
        %swap3A_1978 = arith.index_cast %add3A_1975 : i32 to index
        %swap3A_1979 = arith.constant 16 : index
        %swap3A_1980 = tpu.vector_load %arg12[%swap3A_1977, %swap3A_1978, %swap3A_1979] {strides = array<i32>} : memref<1x640x32xf32, #tpu.memory_space<vmem>>, vector<1x1x16xf32>,
        %swap3A_1981 = vector.shape_cast %swap3A_1980 : vector<1x1x16xf32> to vector<16xf32>
        %swap3A_1982 = vector.shape_cast %add3A_1973 : vector<16xf32> to vector<1x1x16xf32>
        tpu.vector_store %arg12[%swap3A_1977, %swap3A_1978, %swap3A_1979], %swap3A_1982 {strides = array<i32>} : memref<1x640x32xf32, #tpu.memory_space<vmem>>, vector<1x1x16xf32>,
        %slice3A_1983 = vector.extract_strided_slice %get3A_1615 {offsets = [8], sizes = [1], strides = [1]} : vector<16xf32> to vector<1xf32>
        %squeeze3A_1984 = vector.extract %slice3A_1983[0] : f32 from vector<1xf32>
        %get3A_1985 = arith.constant 8 : i32
        %get3A_1986 = arith.index_cast %get3A_1985 : i32 to index
        %get3A_1987 = arith.constant 0 : index
        %get3A_1988 = tpu.vector_load %arg10[%get3A_1986, %get3A_1987] {strides = array<i32>} : memref<13x32xf32, #tpu.memory_space<vmem>>, vector<1x16xf32>,
        %get3A_1989 = vector.shape_cast %get3A_1988 : vector<1x16xf32> to vector<16xf32>
        %mul3A_1990 = vector.broadcast %squeeze3A_1984 : f32 to vector<16xf32>
        %mul3A_1991 = arith.mulf %mul3A_1990, %get3A_1989 : vector<16xf32>
        %get3A_1992 = arith.constant 8 : i32
        %get3A_1993 = arith.index_cast %get3A_1992 : i32 to index
        %get3A_1994 = arith.constant 0 : index
        %get3A_1995 = tpu.vector_load %arg11[%get3A_1993, %get3A_1994] {strides = array<i32>} : memref<13x32xf32, #tpu.memory_space<vmem>>, vector<1x16xf32>,
        %get3A_1996 = vector.shape_cast %get3A_1995 : vector<1x16xf32> to vector<16xf32>
        %add3A_1997 = arith.addf %mul3A_1991, %get3A_1996 : vector<16xf32>
        %add3A_1998 = arith.constant 8 : i32
        %add3A_1999 = arith.addi %mul3A_1145, %add3A_1998 : i32
        %swap3A_2000 = arith.constant 0 : i32
        %swap3A_2001 = arith.index_cast %swap3A_2000 : i32 to index
        %swap3A_2002 = arith.index_cast %add3A_1999 : i32 to index
        %swap3A_2003 = arith.constant 0 : index
        %swap3A_2004 = tpu.vector_load %arg12[%swap3A_2001, %swap3A_2002, %swap3A_2003] {strides = array<i32>} : memref<1x640x32xf32, #tpu.memory_space<vmem>>, vector<1x1x16xf32>,
        %swap3A_2005 = vector.shape_cast %swap3A_2004 : vector<1x1x16xf32> to vector<16xf32>
        %swap3A_2006 = vector.shape_cast %add3A_1997 : vector<16xf32> to vector<1x1x16xf32>
        tpu.vector_store %arg12[%swap3A_2001, %swap3A_2002, %swap3A_2003], %swap3A_2006 {strides = array<i32>} : memref<1x640x32xf32, #tpu.memory_space<vmem>>, vector<1x1x16xf32>,
        %get3A_2007 = arith.constant 8 : i32
        %get3A_2008 = arith.index_cast %get3A_2007 : i32 to index
        %get3A_2009 = arith.constant 16 : index
        %get3A_2010 = tpu.vector_load %arg10[%get3A_2008, %get3A_2009] {strides = array<i32>} : memref<13x32xf32, #tpu.memory_space<vmem>>, vector<1x16xf32>,
        %get3A_2011 = vector.shape_cast %get3A_2010 : vector<1x16xf32> to vector<16xf32>
        %mul3A_2012 = vector.broadcast %squeeze3A_1984 : f32 to vector<16xf32>
        %mul3A_2013 = arith.mulf %mul3A_2012, %get3A_2011 : vector<16xf32>
        %get3A_2014 = arith.constant 8 : i32
        %get3A_2015 = arith.index_cast %get3A_2014 : i32 to index
        %get3A_2016 = arith.constant 16 : index
        %get3A_2017 = tpu.vector_load %arg11[%get3A_2015, %get3A_2016] {strides = array<i32>} : memref<13x32xf32, #tpu.memory_space<vmem>>, vector<1x16xf32>,
        %get3A_2018 = vector.shape_cast %get3A_2017 : vector<1x16xf32> to vector<16xf32>
        %add3A_2019 = arith.addf %mul3A_2013, %get3A_2018 : vector<16xf32>
        %add3A_2020 = arith.constant 8 : i32
        %add3A_2021 = arith.addi %mul3A_1145, %add3A_2020 : i32
        %swap3A_2022 = arith.constant 0 : i32
        %swap3A_2023 = arith.index_cast %swap3A_2022 : i32 to index
        %swap3A_2024 = arith.index_cast %add3A_2021 : i32 to index
        %swap3A_2025 = arith.constant 16 : index
        %swap3A_2026 = tpu.vector_load %arg12[%swap3A_2023, %swap3A_2024, %swap3A_2025] {strides = array<i32>} : memref<1x640x32xf32, #tpu.memory_space<vmem>>, vector<1x1x16xf32>,
        %swap3A_2027 = vector.shape_cast %swap3A_2026 : vector<1x1x16xf32> to vector<16xf32>
        %swap3A_2028 = vector.shape_cast %add3A_2019 : vector<16xf32> to vector<1x1x16xf32>
        tpu.vector_store %arg12[%swap3A_2023, %swap3A_2024, %swap3A_2025], %swap3A_2028 {strides = array<i32>} : memref<1x640x32xf32, #tpu.memory_space<vmem>>, vector<1x1x16xf32>,
        %slice3A_2029 = vector.extract_strided_slice %get3A_1615 {offsets = [9], sizes = [1], strides = [1]} : vector<16xf32> to vector<1xf32>
        %squeeze3A_2030 = vector.extract %slice3A_2029[0] : f32 from vector<1xf32>
        %get3A_2031 = arith.constant 9 : i32
        %get3A_2032 = arith.index_cast %get3A_2031 : i32 to index
        %get3A_2033 = arith.constant 0 : index
        %get3A_2034 = tpu.vector_load %arg10[%get3A_2032, %get3A_2033] {strides = array<i32>} : memref<13x32xf32, #tpu.memory_space<vmem>>, vector<1x16xf32>,
        %get3A_2035 = vector.shape_cast %get3A_2034 : vector<1x16xf32> to vector<16xf32>
        %mul3A_2036 = vector.broadcast %squeeze3A_2030 : f32 to vector<16xf32>
        %mul3A_2037 = arith.mulf %mul3A_2036, %get3A_2035 : vector<16xf32>
        %get3A_2038 = arith.constant 9 : i32
        %get3A_2039 = arith.index_cast %get3A_2038 : i32 to index
        %get3A_2040 = arith.constant 0 : index
        %get3A_2041 = tpu.vector_load %arg11[%get3A_2039, %get3A_2040] {strides = array<i32>} : memref<13x32xf32, #tpu.memory_space<vmem>>, vector<1x16xf32>,
        %get3A_2042 = vector.shape_cast %get3A_2041 : vector<1x16xf32> to vector<16xf32>
        %add3A_2043 = arith.addf %mul3A_2037, %get3A_2042 : vector<16xf32>
        %add3A_2044 = arith.constant 9 : i32
        %add3A_2045 = arith.addi %mul3A_1145, %add3A_2044 : i32
        %swap3A_2046 = arith.constant 0 : i32
        %swap3A_2047 = arith.index_cast %swap3A_2046 : i32 to index
        %swap3A_2048 = arith.index_cast %add3A_2045 : i32 to index
        %swap3A_2049 = arith.constant 0 : index
        %swap3A_2050 = tpu.vector_load %arg12[%swap3A_2047, %swap3A_2048, %swap3A_2049] {strides = array<i32>} : memref<1x640x32xf32, #tpu.memory_space<vmem>>, vector<1x1x16xf32>,
        %swap3A_2051 = vector.shape_cast %swap3A_2050 : vector<1x1x16xf32> to vector<16xf32>
        %swap3A_2052 = vector.shape_cast %add3A_2043 : vector<16xf32> to vector<1x1x16xf32>
        tpu.vector_store %arg12[%swap3A_2047, %swap3A_2048, %swap3A_2049], %swap3A_2052 {strides = array<i32>} : memref<1x640x32xf32, #tpu.memory_space<vmem>>, vector<1x1x16xf32>,
        %get3A_2053 = arith.constant 9 : i32
        %get3A_2054 = arith.index_cast %get3A_2053 : i32 to index
        %get3A_2055 = arith.constant 16 : index
        %get3A_2056 = tpu.vector_load %arg10[%get3A_2054, %get3A_2055] {strides = array<i32>} : memref<13x32xf32, #tpu.memory_space<vmem>>, vector<1x16xf32>,
        %get3A_2057 = vector.shape_cast %get3A_2056 : vector<1x16xf32> to vector<16xf32>
        %mul3A_2058 = vector.broadcast %squeeze3A_2030 : f32 to vector<16xf32>
        %mul3A_2059 = arith.mulf %mul3A_2058, %get3A_2057 : vector<16xf32>
        %get3A_2060 = arith.constant 9 : i32
        %get3A_2061 = arith.index_cast %get3A_2060 : i32 to index
        %get3A_2062 = arith.constant 16 : index
        %get3A_2063 = tpu.vector_load %arg11[%get3A_2061, %get3A_2062] {strides = array<i32>} : memref<13x32xf32, #tpu.memory_space<vmem>>, vector<1x16xf32>,
        %get3A_2064 = vector.shape_cast %get3A_2063 : vector<1x16xf32> to vector<16xf32>
        %add3A_2065 = arith.addf %mul3A_2059, %get3A_2064 : vector<16xf32>
        %add3A_2066 = arith.constant 9 : i32
        %add3A_2067 = arith.addi %mul3A_1145, %add3A_2066 : i32
        %swap3A_2068 = arith.constant 0 : i32
        %swap3A_2069 = arith.index_cast %swap3A_2068 : i32 to index
        %swap3A_2070 = arith.index_cast %add3A_2067 : i32 to index
        %swap3A_2071 = arith.constant 16 : index
        %swap3A_2072 = tpu.vector_load %arg12[%swap3A_2069, %swap3A_2070, %swap3A_2071] {strides = array<i32>} : memref<1x640x32xf32, #tpu.memory_space<vmem>>, vector<1x1x16xf32>,
        %swap3A_2073 = vector.shape_cast %swap3A_2072 : vector<1x1x16xf32> to vector<16xf32>
        %swap3A_2074 = vector.shape_cast %add3A_2065 : vector<16xf32> to vector<1x1x16xf32>
        tpu.vector_store %arg12[%swap3A_2069, %swap3A_2070, %swap3A_2071], %swap3A_2074 {strides = array<i32>} : memref<1x640x32xf32, #tpu.memory_space<vmem>>, vector<1x1x16xf32>,
        %slice3A_2075 = vector.extract_strided_slice %get3A_1615 {offsets = [10], sizes = [1], strides = [1]} : vector<16xf32> to vector<1xf32>
        %squeeze3A_2076 = vector.extract %slice3A_2075[0] : f32 from vector<1xf32>
        %get3A_2077 = arith.constant 10 : i32
        %get3A_2078 = arith.index_cast %get3A_2077 : i32 to index
        %get3A_2079 = arith.constant 0 : index
        %get3A_2080 = tpu.vector_load %arg10[%get3A_2078, %get3A_2079] {strides = array<i32>} : memref<13x32xf32, #tpu.memory_space<vmem>>, vector<1x16xf32>,
        %get3A_2081 = vector.shape_cast %get3A_2080 : vector<1x16xf32> to vector<16xf32>
        %mul3A_2082 = vector.broadcast %squeeze3A_2076 : f32 to vector<16xf32>
        %mul3A_2083 = arith.mulf %mul3A_2082, %get3A_2081 : vector<16xf32>
        %get3A_2084 = arith.constant 10 : i32
        %get3A_2085 = arith.index_cast %get3A_2084 : i32 to index
        %get3A_2086 = arith.constant 0 : index
        %get3A_2087 = tpu.vector_load %arg11[%get3A_2085, %get3A_2086] {strides = array<i32>} : memref<13x32xf32, #tpu.memory_space<vmem>>, vector<1x16xf32>,
        %get3A_2088 = vector.shape_cast %get3A_2087 : vector<1x16xf32> to vector<16xf32>
        %add3A_2089 = arith.addf %mul3A_2083, %get3A_2088 : vector<16xf32>
        %add3A_2090 = arith.constant 10 : i32
        %add3A_2091 = arith.addi %mul3A_1145, %add3A_2090 : i32
        %swap3A_2092 = arith.constant 0 : i32
        %swap3A_2093 = arith.index_cast %swap3A_2092 : i32 to index
        %swap3A_2094 = arith.index_cast %add3A_2091 : i32 to index
        %swap3A_2095 = arith.constant 0 : index
        %swap3A_2096 = tpu.vector_load %arg12[%swap3A_2093, %swap3A_2094, %swap3A_2095] {strides = array<i32>} : memref<1x640x32xf32, #tpu.memory_space<vmem>>, vector<1x1x16xf32>,
        %swap3A_2097 = vector.shape_cast %swap3A_2096 : vector<1x1x16xf32> to vector<16xf32>
        %swap3A_2098 = vector.shape_cast %add3A_2089 : vector<16xf32> to vector<1x1x16xf32>
        tpu.vector_store %arg12[%swap3A_2093, %swap3A_2094, %swap3A_2095], %swap3A_2098 {strides = array<i32>} : memref<1x640x32xf32, #tpu.memory_space<vmem>>, vector<1x1x16xf32>,
        %get3A_2099 = arith.constant 10 : i32
        %get3A_2100 = arith.index_cast %get3A_2099 : i32 to index
        %get3A_2101 = arith.constant 16 : index
        %get3A_2102 = tpu.vector_load %arg10[%get3A_2100, %get3A_2101] {strides = array<i32>} : memref<13x32xf32, #tpu.memory_space<vmem>>, vector<1x16xf32>,
        %get3A_2103 = vector.shape_cast %get3A_2102 : vector<1x16xf32> to vector<16xf32>
        %mul3A_2104 = vector.broadcast %squeeze3A_2076 : f32 to vector<16xf32>
        %mul3A_2105 = arith.mulf %mul3A_2104, %get3A_2103 : vector<16xf32>
        %get3A_2106 = arith.constant 10 : i32
        %get3A_2107 = arith.index_cast %get3A_2106 : i32 to index
        %get3A_2108 = arith.constant 16 : index
        %get3A_2109 = tpu.vector_load %arg11[%get3A_2107, %get3A_2108] {strides = array<i32>} : memref<13x32xf32, #tpu.memory_space<vmem>>, vector<1x16xf32>,
        %get3A_2110 = vector.shape_cast %get3A_2109 : vector<1x16xf32> to vector<16xf32>
        %add3A_2111 = arith.addf %mul3A_2105, %get3A_2110 : vector<16xf32>
        %add3A_2112 = arith.constant 10 : i32
        %add3A_2113 = arith.addi %mul3A_1145, %add3A_2112 : i32
        %swap3A_2114 = arith.constant 0 : i32
        %swap3A_2115 = arith.index_cast %swap3A_2114 : i32 to index
        %swap3A_2116 = arith.index_cast %add3A_2113 : i32 to index
        %swap3A_2117 = arith.constant 16 : index
        %swap3A_2118 = tpu.vector_load %arg12[%swap3A_2115, %swap3A_2116, %swap3A_2117] {strides = array<i32>} : memref<1x640x32xf32, #tpu.memory_space<vmem>>, vector<1x1x16xf32>,
        %swap3A_2119 = vector.shape_cast %swap3A_2118 : vector<1x1x16xf32> to vector<16xf32>
        %swap3A_2120 = vector.shape_cast %add3A_2111 : vector<16xf32> to vector<1x1x16xf32>
        tpu.vector_store %arg12[%swap3A_2115, %swap3A_2116, %swap3A_2117], %swap3A_2120 {strides = array<i32>} : memref<1x640x32xf32, #tpu.memory_space<vmem>>, vector<1x1x16xf32>,
        %slice3A_2121 = vector.extract_strided_slice %get3A_1615 {offsets = [11], sizes = [1], strides = [1]} : vector<16xf32> to vector<1xf32>
        %squeeze3A_2122 = vector.extract %slice3A_2121[0] : f32 from vector<1xf32>
        %get3A_2123 = arith.constant 11 : i32
        %get3A_2124 = arith.index_cast %get3A_2123 : i32 to index
        %get3A_2125 = arith.constant 0 : index
        %get3A_2126 = tpu.vector_load %arg10[%get3A_2124, %get3A_2125] {strides = array<i32>} : memref<13x32xf32, #tpu.memory_space<vmem>>, vector<1x16xf32>,
        %get3A_2127 = vector.shape_cast %get3A_2126 : vector<1x16xf32> to vector<16xf32>
        %mul3A_2128 = vector.broadcast %squeeze3A_2122 : f32 to vector<16xf32>
        %mul3A_2129 = arith.mulf %mul3A_2128, %get3A_2127 : vector<16xf32>
        %get3A_2130 = arith.constant 11 : i32
        %get3A_2131 = arith.index_cast %get3A_2130 : i32 to index
        %get3A_2132 = arith.constant 0 : index
        %get3A_2133 = tpu.vector_load %arg11[%get3A_2131, %get3A_2132] {strides = array<i32>} : memref<13x32xf32, #tpu.memory_space<vmem>>, vector<1x16xf32>,
        %get3A_2134 = vector.shape_cast %get3A_2133 : vector<1x16xf32> to vector<16xf32>
        %add3A_2135 = arith.addf %mul3A_2129, %get3A_2134 : vector<16xf32>
        %add3A_2136 = arith.constant 11 : i32
        %add3A_2137 = arith.addi %mul3A_1145, %add3A_2136 : i32
        %swap3A_2138 = arith.constant 0 : i32
        %swap3A_2139 = arith.index_cast %swap3A_2138 : i32 to index
        %swap3A_2140 = arith.index_cast %add3A_2137 : i32 to index
        %swap3A_2141 = arith.constant 0 : index
        %swap3A_2142 = tpu.vector_load %arg12[%swap3A_2139, %swap3A_2140, %swap3A_2141] {strides = array<i32>} : memref<1x640x32xf32, #tpu.memory_space<vmem>>, vector<1x1x16xf32>,
        %swap3A_2143 = vector.shape_cast %swap3A_2142 : vector<1x1x16xf32> to vector<16xf32>
        %swap3A_2144 = vector.shape_cast %add3A_2135 : vector<16xf32> to vector<1x1x16xf32>
        tpu.vector_store %arg12[%swap3A_2139, %swap3A_2140, %swap3A_2141], %swap3A_2144 {strides = array<i32>} : memref<1x640x32xf32, #tpu.memory_space<vmem>>, vector<1x1x16xf32>,
        %get3A_2145 = arith.constant 11 : i32
        %get3A_2146 = arith.index_cast %get3A_2145 : i32 to index
        %get3A_2147 = arith.constant 16 : index
        %get3A_2148 = tpu.vector_load %arg10[%get3A_2146, %get3A_2147] {strides = array<i32>} : memref<13x32xf32, #tpu.memory_space<vmem>>, vector<1x16xf32>,
        %get3A_2149 = vector.shape_cast %get3A_2148 : vector<1x16xf32> to vector<16xf32>
        %mul3A_2150 = vector.broadcast %squeeze3A_2122 : f32 to vector<16xf32>
        %mul3A_2151 = arith.mulf %mul3A_2150, %get3A_2149 : vector<16xf32>
        %get3A_2152 = arith.constant 11 : i32
        %get3A_2153 = arith.index_cast %get3A_2152 : i32 to index
        %get3A_2154 = arith.constant 16 : index
        %get3A_2155 = tpu.vector_load %arg11[%get3A_2153, %get3A_2154] {strides = array<i32>} : memref<13x32xf32, #tpu.memory_space<vmem>>, vector<1x16xf32>,
        %get3A_2156 = vector.shape_cast %get3A_2155 : vector<1x16xf32> to vector<16xf32>
        %add3A_2157 = arith.addf %mul3A_2151, %get3A_2156 : vector<16xf32>
        %add3A_2158 = arith.constant 11 : i32
        %add3A_2159 = arith.addi %mul3A_1145, %add3A_2158 : i32
        %swap3A_2160 = arith.constant 0 : i32
        %swap3A_2161 = arith.index_cast %swap3A_2160 : i32 to index
        %swap3A_2162 = arith.index_cast %add3A_2159 : i32 to index
        %swap3A_2163 = arith.constant 16 : index
        %swap3A_2164 = tpu.vector_load %arg12[%swap3A_2161, %swap3A_2162, %swap3A_2163] {strides = array<i32>} : memref<1x640x32xf32, #tpu.memory_space<vmem>>, vector<1x1x16xf32>,
        %swap3A_2165 = vector.shape_cast %swap3A_2164 : vector<1x1x16xf32> to vector<16xf32>
        %swap3A_2166 = vector.shape_cast %add3A_2157 : vector<16xf32> to vector<1x1x16xf32>
        tpu.vector_store %arg12[%swap3A_2161, %swap3A_2162, %swap3A_2163], %swap3A_2166 {strides = array<i32>} : memref<1x640x32xf32, #tpu.memory_space<vmem>>, vector<1x1x16xf32>,
        %slice3A_2167 = vector.extract_strided_slice %get3A_1615 {offsets = [12], sizes = [1], strides = [1]} : vector<16xf32> to vector<1xf32>
        %squeeze3A_2168 = vector.extract %slice3A_2167[0] : f32 from vector<1xf32>
        %get3A_2169 = arith.constant 12 : i32
        %get3A_2170 = arith.index_cast %get3A_2169 : i32 to index
        %get3A_2171 = arith.constant 0 : index
        %get3A_2172 = tpu.vector_load %arg10[%get3A_2170, %get3A_2171] {strides = array<i32>} : memref<13x32xf32, #tpu.memory_space<vmem>>, vector<1x16xf32>,
        %get3A_2173 = vector.shape_cast %get3A_2172 : vector<1x16xf32> to vector<16xf32>
        %mul3A_2174 = vector.broadcast %squeeze3A_2168 : f32 to vector<16xf32>
        %mul3A_2175 = arith.mulf %mul3A_2174, %get3A_2173 : vector<16xf32>
        %get3A_2176 = arith.constant 12 : i32
        %get3A_2177 = arith.index_cast %get3A_2176 : i32 to index
        %get3A_2178 = arith.constant 0 : index
        %get3A_2179 = tpu.vector_load %arg11[%get3A_2177, %get3A_2178] {strides = array<i32>} : memref<13x32xf32, #tpu.memory_space<vmem>>, vector<1x16xf32>,
        %get3A_2180 = vector.shape_cast %get3A_2179 : vector<1x16xf32> to vector<16xf32>
        %add3A_2181 = arith.addf %mul3A_2175, %get3A_2180 : vector<16xf32>
        %add3A_2182 = arith.constant 12 : i32
        %add3A_2183 = arith.addi %mul3A_1145, %add3A_2182 : i32
        %swap3A_2184 = arith.constant 0 : i32
        %swap3A_2185 = arith.index_cast %swap3A_2184 : i32 to index
        %swap3A_2186 = arith.index_cast %add3A_2183 : i32 to index
        %swap3A_2187 = arith.constant 0 : index
        %swap3A_2188 = tpu.vector_load %arg12[%swap3A_2185, %swap3A_2186, %swap3A_2187] {strides = array<i32>} : memref<1x640x32xf32, #tpu.memory_space<vmem>>, vector<1x1x16xf32>,
        %swap3A_2189 = vector.shape_cast %swap3A_2188 : vector<1x1x16xf32> to vector<16xf32>
        %swap3A_2190 = vector.shape_cast %add3A_2181 : vector<16xf32> to vector<1x1x16xf32>
        tpu.vector_store %arg12[%swap3A_2185, %swap3A_2186, %swap3A_2187], %swap3A_2190 {strides = array<i32>} : memref<1x640x32xf32, #tpu.memory_space<vmem>>, vector<1x1x16xf32>,
        %get3A_2191 = arith.constant 12 : i32
        %get3A_2192 = arith.index_cast %get3A_2191 : i32 to index
        %get3A_2193 = arith.constant 16 : index
        %get3A_2194 = tpu.vector_load %arg10[%get3A_2192, %get3A_2193] {strides = array<i32>} : memref<13x32xf32, #tpu.memory_space<vmem>>, vector<1x16xf32>,
        %get3A_2195 = vector.shape_cast %get3A_2194 : vector<1x16xf32> to vector<16xf32>
        %mul3A_2196 = vector.broadcast %squeeze3A_2168 : f32 to vector<16xf32>
        %mul3A_2197 = arith.mulf %mul3A_2196, %get3A_2195 : vector<16xf32>
        %get3A_2198 = arith.constant 12 : i32
        %get3A_2199 = arith.index_cast %get3A_2198 : i32 to index
        %get3A_2200 = arith.constant 16 : index
        %get3A_2201 = tpu.vector_load %arg11[%get3A_2199, %get3A_2200] {strides = array<i32>} : memref<13x32xf32, #tpu.memory_space<vmem>>, vector<1x16xf32>,
        %get3A_2202 = vector.shape_cast %get3A_2201 : vector<1x16xf32> to vector<16xf32>
        %add3A_2203 = arith.addf %mul3A_2197, %get3A_2202 : vector<16xf32>
        %add3A_2204 = arith.constant 12 : i32
        %add3A_2205 = arith.addi %mul3A_1145, %add3A_2204 : i32
        %swap3A_2206 = arith.constant 0 : i32
        %swap3A_2207 = arith.index_cast %swap3A_2206 : i32 to index
        %swap3A_2208 = arith.index_cast %add3A_2205 : i32 to index
        %swap3A_2209 = arith.constant 16 : index
        %swap3A_2210 = tpu.vector_load %arg12[%swap3A_2207, %swap3A_2208, %swap3A_2209] {strides = array<i32>} : memref<1x640x32xf32, #tpu.memory_space<vmem>>, vector<1x1x16xf32>,
        %swap3A_2211 = vector.shape_cast %swap3A_2210 : vector<1x1x16xf32> to vector<16xf32>
        %swap3A_2212 = vector.shape_cast %add3A_2203 : vector<16xf32> to vector<1x1x16xf32>
        tpu.vector_store %arg12[%swap3A_2207, %swap3A_2208, %swap3A_2209], %swap3A_2212 {strides = array<i32>} : memref<1x640x32xf32, #tpu.memory_space<vmem>>, vector<1x1x16xf32>,
        %gt3A = arith.constant 1 : i32
        %gt3A_2213 = arith.cmpi sgt, %scan3A_1136, %gt3A : i32
        %convert_element_type3A = arith.extui %gt3A_2213 : i1 to i32
        %cond3A = arith.constant 0 : i32
        %cond3A_2214 = arith.cmpi ne, %convert_element_type3A, %cond3A : i32
        scf.if %cond3A_2214 {
          %dma_wait3A_2215 = arith.constant 0 : i32
          %dma_wait3A_2216 = arith.constant 0 : i32
          %dma_wait3A_2217 = arith.constant 0 : i32
          %dma_wait3A_2218 = tpu.memref_slice %arg12[%dma_wait3A_2215, %dma_wait3A_2216, %dma_wait3A_2217] : memref<1x640x32xf32, #tpu.memory_space<vmem>> -> memref<1x1x32xf32, #tpu.memory_space<vmem>>
          %dma_wait3A_2219 = arith.constant 0 : i32
          %dma_wait3A_2220 = arith.constant 0 : i32
          %dma_wait3A_2221 = arith.constant 0 : i32
          %dma_wait3A_2222 = tpu.memref_slice %arg2[%dma_wait3A_2219, %dma_wait3A_2220, %dma_wait3A_2221] : memref<26x100001x32xf32, #tpu.memory_space<hbm>> -> memref<1x1x32xf32, #tpu.memory_space<hbm>>
          %dma_wait3A_2223 = arith.constant 0 : i32
          %dma_wait3A_2224 = arith.constant 0 : i32
          %dma_wait3A_2225 = arith.constant 0 : i32
          %dma_wait3A_2226 = tpu.memref_slice %arg12[%dma_wait3A_2223, %dma_wait3A_2224, %dma_wait3A_2225] : memref<1x640x32xf32, #tpu.memory_space<vmem>> -> memref<1x1x32xf32, #tpu.memory_space<vmem>>
          %dma_wait3A_2227 = arith.constant 0 : i32
          %dma_wait3A_2228 = arith.constant 0 : i32
          %dma_wait3A_2229 = arith.constant 0 : i32
          %dma_wait3A_2230 = tpu.memref_slice %arg2[%dma_wait3A_2227, %dma_wait3A_2228, %dma_wait3A_2229] : memref<26x100001x32xf32, #tpu.memory_space<hbm>> -> memref<1x1x32xf32, #tpu.memory_space<hbm>>
          tpu.wait_dma2 semaphore(%arg13 : memref<!tpu.dma_semaphore, #tpu.memory_space<semaphore_mem>>) src(%dma_wait3A_2230 : memref<1x1x32xf32, #tpu.memory_space<hbm>>) dst(%dma_wait3A_2226 : memref<1x1x32xf32, #tpu.memory_space<vmem>>)
          %dma_wait3A_2231 = arith.constant 0 : i32
          %dma_wait3A_2232 = arith.constant 0 : i32
          %dma_wait3A_2233 = arith.constant 0 : i32
          %dma_wait3A_2234 = tpu.memref_slice %arg12[%dma_wait3A_2231, %dma_wait3A_2232, %dma_wait3A_2233] : memref<1x640x32xf32, #tpu.memory_space<vmem>> -> memref<1x1x32xf32, #tpu.memory_space<vmem>>
          %dma_wait3A_2235 = arith.constant 0 : i32
          %dma_wait3A_2236 = arith.constant 0 : i32
          %dma_wait3A_2237 = arith.constant 0 : i32
          %dma_wait3A_2238 = tpu.memref_slice %arg2[%dma_wait3A_2235, %dma_wait3A_2236, %dma_wait3A_2237] : memref<26x100001x32xf32, #tpu.memory_space<hbm>> -> memref<1x1x32xf32, #tpu.memory_space<hbm>>
          %dma_wait3A_2239 = arith.constant 0 : i32
          %dma_wait3A_2240 = arith.constant 0 : i32
          %dma_wait3A_2241 = arith.constant 0 : i32
          %dma_wait3A_2242 = tpu.memref_slice %arg12[%dma_wait3A_2239, %dma_wait3A_2240, %dma_wait3A_2241] : memref<1x640x32xf32, #tpu.memory_space<vmem>> -> memref<1x1x32xf32, #tpu.memory_space<vmem>>
          %dma_wait3A_2243 = arith.constant 0 : i32
          %dma_wait3A_2244 = arith.constant 0 : i32
          %dma_wait3A_2245 = arith.constant 0 : i32
          %dma_wait3A_2246 = tpu.memref_slice %arg2[%dma_wait3A_2243, %dma_wait3A_2244, %dma_wait3A_2245] : memref<26x100001x32xf32, #tpu.memory_space<hbm>> -> memref<1x1x32xf32, #tpu.memory_space<hbm>>
          tpu.wait_dma2 semaphore(%arg13 : memref<!tpu.dma_semaphore, #tpu.memory_space<semaphore_mem>>) src(%dma_wait3A_2246 : memref<1x1x32xf32, #tpu.memory_space<hbm>>) dst(%dma_wait3A_2242 : memref<1x1x32xf32, #tpu.memory_space<vmem>>)
          %dma_wait3A_2247 = arith.constant 0 : i32
          %dma_wait3A_2248 = arith.constant 0 : i32
          %dma_wait3A_2249 = arith.constant 0 : i32
          %dma_wait3A_2250 = tpu.memref_slice %arg12[%dma_wait3A_2247, %dma_wait3A_2248, %dma_wait3A_2249] : memref<1x640x32xf32, #tpu.memory_space<vmem>> -> memref<1x1x32xf32, #tpu.memory_space<vmem>>
          %dma_wait3A_2251 = arith.constant 0 : i32
          %dma_wait3A_2252 = arith.constant 0 : i32
          %dma_wait3A_2253 = arith.constant 0 : i32
          %dma_wait3A_2254 = tpu.memref_slice %arg2[%dma_wait3A_2251, %dma_wait3A_2252, %dma_wait3A_2253] : memref<26x100001x32xf32, #tpu.memory_space<hbm>> -> memref<1x1x32xf32, #tpu.memory_space<hbm>>
          %dma_wait3A_2255 = arith.constant 0 : i32
          %dma_wait3A_2256 = arith.constant 0 : i32
          %dma_wait3A_2257 = arith.constant 0 : i32
          %dma_wait3A_2258 = tpu.memref_slice %arg12[%dma_wait3A_2255, %dma_wait3A_2256, %dma_wait3A_2257] : memref<1x640x32xf32, #tpu.memory_space<vmem>> -> memref<1x1x32xf32, #tpu.memory_space<vmem>>
          %dma_wait3A_2259 = arith.constant 0 : i32
          %dma_wait3A_2260 = arith.constant 0 : i32
          %dma_wait3A_2261 = arith.constant 0 : i32
          %dma_wait3A_2262 = tpu.memref_slice %arg2[%dma_wait3A_2259, %dma_wait3A_2260, %dma_wait3A_2261] : memref<26x100001x32xf32, #tpu.memory_space<hbm>> -> memref<1x1x32xf32, #tpu.memory_space<hbm>>
          tpu.wait_dma2 semaphore(%arg13 : memref<!tpu.dma_semaphore, #tpu.memory_space<semaphore_mem>>) src(%dma_wait3A_2262 : memref<1x1x32xf32, #tpu.memory_space<hbm>>) dst(%dma_wait3A_2258 : memref<1x1x32xf32, #tpu.memory_space<vmem>>)
          %dma_wait3A_2263 = arith.constant 0 : i32
          %dma_wait3A_2264 = arith.constant 0 : i32
          %dma_wait3A_2265 = arith.constant 0 : i32
          %dma_wait3A_2266 = tpu.memref_slice %arg12[%dma_wait3A_2263, %dma_wait3A_2264, %dma_wait3A_2265] : memref<1x640x32xf32, #tpu.memory_space<vmem>> -> memref<1x1x32xf32, #tpu.memory_space<vmem>>
          %dma_wait3A_2267 = arith.constant 0 : i32
          %dma_wait3A_2268 = arith.constant 0 : i32
          %dma_wait3A_2269 = arith.constant 0 : i32
          %dma_wait3A_2270 = tpu.memref_slice %arg2[%dma_wait3A_2267, %dma_wait3A_2268, %dma_wait3A_2269] : memref<26x100001x32xf32, #tpu.memory_space<hbm>> -> memref<1x1x32xf32, #tpu.memory_space<hbm>>
          %dma_wait3A_2271 = arith.constant 0 : i32
          %dma_wait3A_2272 = arith.constant 0 : i32
          %dma_wait3A_2273 = arith.constant 0 : i32
          %dma_wait3A_2274 = tpu.memref_slice %arg12[%dma_wait3A_2271, %dma_wait3A_2272, %dma_wait3A_2273] : memref<1x640x32xf32, #tpu.memory_space<vmem>> -> memref<1x1x32xf32, #tpu.memory_space<vmem>>
          %dma_wait3A_2275 = arith.constant 0 : i32
          %dma_wait3A_2276 = arith.constant 0 : i32
          %dma_wait3A_2277 = arith.constant 0 : i32
          %dma_wait3A_2278 = tpu.memref_slice %arg2[%dma_wait3A_2275, %dma_wait3A_2276, %dma_wait3A_2277] : memref<26x100001x32xf32, #tpu.memory_space<hbm>> -> memref<1x1x32xf32, #tpu.memory_space<hbm>>
          tpu.wait_dma2 semaphore(%arg13 : memref<!tpu.dma_semaphore, #tpu.memory_space<semaphore_mem>>) src(%dma_wait3A_2278 : memref<1x1x32xf32, #tpu.memory_space<hbm>>) dst(%dma_wait3A_2274 : memref<1x1x32xf32, #tpu.memory_space<vmem>>)
          %dma_wait3A_2279 = arith.constant 0 : i32
          %dma_wait3A_2280 = arith.constant 0 : i32
          %dma_wait3A_2281 = arith.constant 0 : i32
          %dma_wait3A_2282 = tpu.memref_slice %arg12[%dma_wait3A_2279, %dma_wait3A_2280, %dma_wait3A_2281] : memref<1x640x32xf32, #tpu.memory_space<vmem>> -> memref<1x1x32xf32, #tpu.memory_space<vmem>>
          %dma_wait3A_2283 = arith.constant 0 : i32
          %dma_wait3A_2284 = arith.constant 0 : i32
          %dma_wait3A_2285 = arith.constant 0 : i32
          %dma_wait3A_2286 = tpu.memref_slice %arg2[%dma_wait3A_2283, %dma_wait3A_2284, %dma_wait3A_2285] : memref<26x100001x32xf32, #tpu.memory_space<hbm>> -> memref<1x1x32xf32, #tpu.memory_space<hbm>>
          %dma_wait3A_2287 = arith.constant 0 : i32
          %dma_wait3A_2288 = arith.constant 0 : i32
          %dma_wait3A_2289 = arith.constant 0 : i32
          %dma_wait3A_2290 = tpu.memref_slice %arg12[%dma_wait3A_2287, %dma_wait3A_2288, %dma_wait3A_2289] : memref<1x640x32xf32, #tpu.memory_space<vmem>> -> memref<1x1x32xf32, #tpu.memory_space<vmem>>
          %dma_wait3A_2291 = arith.constant 0 : i32
          %dma_wait3A_2292 = arith.constant 0 : i32
          %dma_wait3A_2293 = arith.constant 0 : i32
          %dma_wait3A_2294 = tpu.memref_slice %arg2[%dma_wait3A_2291, %dma_wait3A_2292, %dma_wait3A_2293] : memref<26x100001x32xf32, #tpu.memory_space<hbm>> -> memref<1x1x32xf32, #tpu.memory_space<hbm>>
          tpu.wait_dma2 semaphore(%arg13 : memref<!tpu.dma_semaphore, #tpu.memory_space<semaphore_mem>>) src(%dma_wait3A_2294 : memref<1x1x32xf32, #tpu.memory_space<hbm>>) dst(%dma_wait3A_2290 : memref<1x1x32xf32, #tpu.memory_space<vmem>>)
          %dma_wait3A_2295 = arith.constant 0 : i32
          %dma_wait3A_2296 = arith.constant 0 : i32
          %dma_wait3A_2297 = arith.constant 0 : i32
          %dma_wait3A_2298 = tpu.memref_slice %arg12[%dma_wait3A_2295, %dma_wait3A_2296, %dma_wait3A_2297] : memref<1x640x32xf32, #tpu.memory_space<vmem>> -> memref<1x1x32xf32, #tpu.memory_space<vmem>>
          %dma_wait3A_2299 = arith.constant 0 : i32
          %dma_wait3A_2300 = arith.constant 0 : i32
          %dma_wait3A_2301 = arith.constant 0 : i32
          %dma_wait3A_2302 = tpu.memref_slice %arg2[%dma_wait3A_2299, %dma_wait3A_2300, %dma_wait3A_2301] : memref<26x100001x32xf32, #tpu.memory_space<hbm>> -> memref<1x1x32xf32, #tpu.memory_space<hbm>>
          %dma_wait3A_2303 = arith.constant 0 : i32
          %dma_wait3A_2304 = arith.constant 0 : i32
          %dma_wait3A_2305 = arith.constant 0 : i32
          %dma_wait3A_2306 = tpu.memref_slice %arg12[%dma_wait3A_2303, %dma_wait3A_2304, %dma_wait3A_2305] : memref<1x640x32xf32, #tpu.memory_space<vmem>> -> memref<1x1x32xf32, #tpu.memory_space<vmem>>
          %dma_wait3A_2307 = arith.constant 0 : i32
          %dma_wait3A_2308 = arith.constant 0 : i32
          %dma_wait3A_2309 = arith.constant 0 : i32
          %dma_wait3A_2310 = tpu.memref_slice %arg2[%dma_wait3A_2307, %dma_wait3A_2308, %dma_wait3A_2309] : memref<26x100001x32xf32, #tpu.memory_space<hbm>> -> memref<1x1x32xf32, #tpu.memory_space<hbm>>
          tpu.wait_dma2 semaphore(%arg13 : memref<!tpu.dma_semaphore, #tpu.memory_space<semaphore_mem>>) src(%dma_wait3A_2310 : memref<1x1x32xf32, #tpu.memory_space<hbm>>) dst(%dma_wait3A_2306 : memref<1x1x32xf32, #tpu.memory_space<vmem>>)
          %dma_wait3A_2311 = arith.constant 0 : i32
          %dma_wait3A_2312 = arith.constant 0 : i32
          %dma_wait3A_2313 = arith.constant 0 : i32
          %dma_wait3A_2314 = tpu.memref_slice %arg12[%dma_wait3A_2311, %dma_wait3A_2312, %dma_wait3A_2313] : memref<1x640x32xf32, #tpu.memory_space<vmem>> -> memref<1x1x32xf32, #tpu.memory_space<vmem>>
          %dma_wait3A_2315 = arith.constant 0 : i32
          %dma_wait3A_2316 = arith.constant 0 : i32
          %dma_wait3A_2317 = arith.constant 0 : i32
          %dma_wait3A_2318 = tpu.memref_slice %arg2[%dma_wait3A_2315, %dma_wait3A_2316, %dma_wait3A_2317] : memref<26x100001x32xf32, #tpu.memory_space<hbm>> -> memref<1x1x32xf32, #tpu.memory_space<hbm>>
          %dma_wait3A_2319 = arith.constant 0 : i32
          %dma_wait3A_2320 = arith.constant 0 : i32
          %dma_wait3A_2321 = arith.constant 0 : i32
          %dma_wait3A_2322 = tpu.memref_slice %arg12[%dma_wait3A_2319, %dma_wait3A_2320, %dma_wait3A_2321] : memref<1x640x32xf32, #tpu.memory_space<vmem>> -> memref<1x1x32xf32, #tpu.memory_space<vmem>>
          %dma_wait3A_2323 = arith.constant 0 : i32
          %dma_wait3A_2324 = arith.constant 0 : i32
          %dma_wait3A_2325 = arith.constant 0 : i32
          %dma_wait3A_2326 = tpu.memref_slice %arg2[%dma_wait3A_2323, %dma_wait3A_2324, %dma_wait3A_2325] : memref<26x100001x32xf32, #tpu.memory_space<hbm>> -> memref<1x1x32xf32, #tpu.memory_space<hbm>>
          tpu.wait_dma2 semaphore(%arg13 : memref<!tpu.dma_semaphore, #tpu.memory_space<semaphore_mem>>) src(%dma_wait3A_2326 : memref<1x1x32xf32, #tpu.memory_space<hbm>>) dst(%dma_wait3A_2322 : memref<1x1x32xf32, #tpu.memory_space<vmem>>)
          %dma_wait3A_2327 = arith.constant 0 : i32
          %dma_wait3A_2328 = arith.constant 0 : i32
          %dma_wait3A_2329 = arith.constant 0 : i32
          %dma_wait3A_2330 = tpu.memref_slice %arg12[%dma_wait3A_2327, %dma_wait3A_2328, %dma_wait3A_2329] : memref<1x640x32xf32, #tpu.memory_space<vmem>> -> memref<1x1x32xf32, #tpu.memory_space<vmem>>
          %dma_wait3A_2331 = arith.constant 0 : i32
          %dma_wait3A_2332 = arith.constant 0 : i32
          %dma_wait3A_2333 = arith.constant 0 : i32
          %dma_wait3A_2334 = tpu.memref_slice %arg2[%dma_wait3A_2331, %dma_wait3A_2332, %dma_wait3A_2333] : memref<26x100001x32xf32, #tpu.memory_space<hbm>> -> memref<1x1x32xf32, #tpu.memory_space<hbm>>
          %dma_wait3A_2335 = arith.constant 0 : i32
          %dma_wait3A_2336 = arith.constant 0 : i32
          %dma_wait3A_2337 = arith.constant 0 : i32
          %dma_wait3A_2338 = tpu.memref_slice %arg12[%dma_wait3A_2335, %dma_wait3A_2336, %dma_wait3A_2337] : memref<1x640x32xf32, #tpu.memory_space<vmem>> -> memref<1x1x32xf32, #tpu.memory_space<vmem>>
          %dma_wait3A_2339 = arith.constant 0 : i32
          %dma_wait3A_2340 = arith.constant 0 : i32
          %dma_wait3A_2341 = arith.constant 0 : i32
          %dma_wait3A_2342 = tpu.memref_slice %arg2[%dma_wait3A_2339, %dma_wait3A_2340, %dma_wait3A_2341] : memref<26x100001x32xf32, #tpu.memory_space<hbm>> -> memref<1x1x32xf32, #tpu.memory_space<hbm>>
          tpu.wait_dma2 semaphore(%arg13 : memref<!tpu.dma_semaphore, #tpu.memory_space<semaphore_mem>>) src(%dma_wait3A_2342 : memref<1x1x32xf32, #tpu.memory_space<hbm>>) dst(%dma_wait3A_2338 : memref<1x1x32xf32, #tpu.memory_space<vmem>>)
          %dma_wait3A_2343 = arith.constant 0 : i32
          %dma_wait3A_2344 = arith.constant 0 : i32
          %dma_wait3A_2345 = arith.constant 0 : i32
          %dma_wait3A_2346 = tpu.memref_slice %arg12[%dma_wait3A_2343, %dma_wait3A_2344, %dma_wait3A_2345] : memref<1x640x32xf32, #tpu.memory_space<vmem>> -> memref<1x1x32xf32, #tpu.memory_space<vmem>>
          %dma_wait3A_2347 = arith.constant 0 : i32
          %dma_wait3A_2348 = arith.constant 0 : i32
          %dma_wait3A_2349 = arith.constant 0 : i32
          %dma_wait3A_2350 = tpu.memref_slice %arg2[%dma_wait3A_2347, %dma_wait3A_2348, %dma_wait3A_2349] : memref<26x100001x32xf32, #tpu.memory_space<hbm>> -> memref<1x1x32xf32, #tpu.memory_space<hbm>>
          %dma_wait3A_2351 = arith.constant 0 : i32
          %dma_wait3A_2352 = arith.constant 0 : i32
          %dma_wait3A_2353 = arith.constant 0 : i32
          %dma_wait3A_2354 = tpu.memref_slice %arg12[%dma_wait3A_2351, %dma_wait3A_2352, %dma_wait3A_2353] : memref<1x640x32xf32, #tpu.memory_space<vmem>> -> memref<1x1x32xf32, #tpu.memory_space<vmem>>
          %dma_wait3A_2355 = arith.constant 0 : i32
          %dma_wait3A_2356 = arith.constant 0 : i32
          %dma_wait3A_2357 = arith.constant 0 : i32
          %dma_wait3A_2358 = tpu.memref_slice %arg2[%dma_wait3A_2355, %dma_wait3A_2356, %dma_wait3A_2357] : memref<26x100001x32xf32, #tpu.memory_space<hbm>> -> memref<1x1x32xf32, #tpu.memory_space<hbm>>
          tpu.wait_dma2 semaphore(%arg13 : memref<!tpu.dma_semaphore, #tpu.memory_space<semaphore_mem>>) src(%dma_wait3A_2358 : memref<1x1x32xf32, #tpu.memory_space<hbm>>) dst(%dma_wait3A_2354 : memref<1x1x32xf32, #tpu.memory_space<vmem>>)
          %dma_wait3A_2359 = arith.constant 0 : i32
          %dma_wait3A_2360 = arith.constant 0 : i32
          %dma_wait3A_2361 = arith.constant 0 : i32
          %dma_wait3A_2362 = tpu.memref_slice %arg12[%dma_wait3A_2359, %dma_wait3A_2360, %dma_wait3A_2361] : memref<1x640x32xf32, #tpu.memory_space<vmem>> -> memref<1x1x32xf32, #tpu.memory_space<vmem>>
          %dma_wait3A_2363 = arith.constant 0 : i32
          %dma_wait3A_2364 = arith.constant 0 : i32
          %dma_wait3A_2365 = arith.constant 0 : i32
          %dma_wait3A_2366 = tpu.memref_slice %arg2[%dma_wait3A_2363, %dma_wait3A_2364, %dma_wait3A_2365] : memref<26x100001x32xf32, #tpu.memory_space<hbm>> -> memref<1x1x32xf32, #tpu.memory_space<hbm>>
          %dma_wait3A_2367 = arith.constant 0 : i32
          %dma_wait3A_2368 = arith.constant 0 : i32
          %dma_wait3A_2369 = arith.constant 0 : i32
          %dma_wait3A_2370 = tpu.memref_slice %arg12[%dma_wait3A_2367, %dma_wait3A_2368, %dma_wait3A_2369] : memref<1x640x32xf32, #tpu.memory_space<vmem>> -> memref<1x1x32xf32, #tpu.memory_space<vmem>>
          %dma_wait3A_2371 = arith.constant 0 : i32
          %dma_wait3A_2372 = arith.constant 0 : i32
          %dma_wait3A_2373 = arith.constant 0 : i32
          %dma_wait3A_2374 = tpu.memref_slice %arg2[%dma_wait3A_2371, %dma_wait3A_2372, %dma_wait3A_2373] : memref<26x100001x32xf32, #tpu.memory_space<hbm>> -> memref<1x1x32xf32, #tpu.memory_space<hbm>>
          tpu.wait_dma2 semaphore(%arg13 : memref<!tpu.dma_semaphore, #tpu.memory_space<semaphore_mem>>) src(%dma_wait3A_2374 : memref<1x1x32xf32, #tpu.memory_space<hbm>>) dst(%dma_wait3A_2370 : memref<1x1x32xf32, #tpu.memory_space<vmem>>)
          %dma_wait3A_2375 = arith.constant 0 : i32
          %dma_wait3A_2376 = arith.constant 0 : i32
          %dma_wait3A_2377 = arith.constant 0 : i32
          %dma_wait3A_2378 = tpu.memref_slice %arg12[%dma_wait3A_2375, %dma_wait3A_2376, %dma_wait3A_2377] : memref<1x640x32xf32, #tpu.memory_space<vmem>> -> memref<1x1x32xf32, #tpu.memory_space<vmem>>
          %dma_wait3A_2379 = arith.constant 0 : i32
          %dma_wait3A_2380 = arith.constant 0 : i32
          %dma_wait3A_2381 = arith.constant 0 : i32
          %dma_wait3A_2382 = tpu.memref_slice %arg2[%dma_wait3A_2379, %dma_wait3A_2380, %dma_wait3A_2381] : memref<26x100001x32xf32, #tpu.memory_space<hbm>> -> memref<1x1x32xf32, #tpu.memory_space<hbm>>
          %dma_wait3A_2383 = arith.constant 0 : i32
          %dma_wait3A_2384 = arith.constant 0 : i32
          %dma_wait3A_2385 = arith.constant 0 : i32
          %dma_wait3A_2386 = tpu.memref_slice %arg12[%dma_wait3A_2383, %dma_wait3A_2384, %dma_wait3A_2385] : memref<1x640x32xf32, #tpu.memory_space<vmem>> -> memref<1x1x32xf32, #tpu.memory_space<vmem>>
          %dma_wait3A_2387 = arith.constant 0 : i32
          %dma_wait3A_2388 = arith.constant 0 : i32
          %dma_wait3A_2389 = arith.constant 0 : i32
          %dma_wait3A_2390 = tpu.memref_slice %arg2[%dma_wait3A_2387, %dma_wait3A_2388, %dma_wait3A_2389] : memref<26x100001x32xf32, #tpu.memory_space<hbm>> -> memref<1x1x32xf32, #tpu.memory_space<hbm>>
          tpu.wait_dma2 semaphore(%arg13 : memref<!tpu.dma_semaphore, #tpu.memory_space<semaphore_mem>>) src(%dma_wait3A_2390 : memref<1x1x32xf32, #tpu.memory_space<hbm>>) dst(%dma_wait3A_2386 : memref<1x1x32xf32, #tpu.memory_space<vmem>>)
          %dma_wait3A_2391 = arith.constant 0 : i32
          %dma_wait3A_2392 = arith.constant 0 : i32
          %dma_wait3A_2393 = arith.constant 0 : i32
          %dma_wait3A_2394 = tpu.memref_slice %arg12[%dma_wait3A_2391, %dma_wait3A_2392, %dma_wait3A_2393] : memref<1x640x32xf32, #tpu.memory_space<vmem>> -> memref<1x1x32xf32, #tpu.memory_space<vmem>>
          %dma_wait3A_2395 = arith.constant 0 : i32
          %dma_wait3A_2396 = arith.constant 0 : i32
          %dma_wait3A_2397 = arith.constant 0 : i32
          %dma_wait3A_2398 = tpu.memref_slice %arg2[%dma_wait3A_2395, %dma_wait3A_2396, %dma_wait3A_2397] : memref<26x100001x32xf32, #tpu.memory_space<hbm>> -> memref<1x1x32xf32, #tpu.memory_space<hbm>>
          %dma_wait3A_2399 = arith.constant 0 : i32
          %dma_wait3A_2400 = arith.constant 0 : i32
          %dma_wait3A_2401 = arith.constant 0 : i32
          %dma_wait3A_2402 = tpu.memref_slice %arg12[%dma_wait3A_2399, %dma_wait3A_2400, %dma_wait3A_2401] : memref<1x640x32xf32, #tpu.memory_space<vmem>> -> memref<1x1x32xf32, #tpu.memory_space<vmem>>
          %dma_wait3A_2403 = arith.constant 0 : i32
          %dma_wait3A_2404 = arith.constant 0 : i32
          %dma_wait3A_2405 = arith.constant 0 : i32
          %dma_wait3A_2406 = tpu.memref_slice %arg2[%dma_wait3A_2403, %dma_wait3A_2404, %dma_wait3A_2405] : memref<26x100001x32xf32, #tpu.memory_space<hbm>> -> memref<1x1x32xf32, #tpu.memory_space<hbm>>
          tpu.wait_dma2 semaphore(%arg13 : memref<!tpu.dma_semaphore, #tpu.memory_space<semaphore_mem>>) src(%dma_wait3A_2406 : memref<1x1x32xf32, #tpu.memory_space<hbm>>) dst(%dma_wait3A_2402 : memref<1x1x32xf32, #tpu.memory_space<vmem>>)
          %dma_wait3A_2407 = arith.constant 0 : i32
          %dma_wait3A_2408 = arith.constant 0 : i32
          %dma_wait3A_2409 = arith.constant 0 : i32
          %dma_wait3A_2410 = tpu.memref_slice %arg12[%dma_wait3A_2407, %dma_wait3A_2408, %dma_wait3A_2409] : memref<1x640x32xf32, #tpu.memory_space<vmem>> -> memref<1x1x32xf32, #tpu.memory_space<vmem>>
          %dma_wait3A_2411 = arith.constant 0 : i32
          %dma_wait3A_2412 = arith.constant 0 : i32
          %dma_wait3A_2413 = arith.constant 0 : i32
          %dma_wait3A_2414 = tpu.memref_slice %arg2[%dma_wait3A_2411, %dma_wait3A_2412, %dma_wait3A_2413] : memref<26x100001x32xf32, #tpu.memory_space<hbm>> -> memref<1x1x32xf32, #tpu.memory_space<hbm>>
          %dma_wait3A_2415 = arith.constant 0 : i32
          %dma_wait3A_2416 = arith.constant 0 : i32
          %dma_wait3A_2417 = arith.constant 0 : i32
          %dma_wait3A_2418 = tpu.memref_slice %arg12[%dma_wait3A_2415, %dma_wait3A_2416, %dma_wait3A_2417] : memref<1x640x32xf32, #tpu.memory_space<vmem>> -> memref<1x1x32xf32, #tpu.memory_space<vmem>>
          %dma_wait3A_2419 = arith.constant 0 : i32
          %dma_wait3A_2420 = arith.constant 0 : i32
          %dma_wait3A_2421 = arith.constant 0 : i32
          %dma_wait3A_2422 = tpu.memref_slice %arg2[%dma_wait3A_2419, %dma_wait3A_2420, %dma_wait3A_2421] : memref<26x100001x32xf32, #tpu.memory_space<hbm>> -> memref<1x1x32xf32, #tpu.memory_space<hbm>>
          tpu.wait_dma2 semaphore(%arg13 : memref<!tpu.dma_semaphore, #tpu.memory_space<semaphore_mem>>) src(%dma_wait3A_2422 : memref<1x1x32xf32, #tpu.memory_space<hbm>>) dst(%dma_wait3A_2418 : memref<1x1x32xf32, #tpu.memory_space<vmem>>)
          %dma_wait3A_2423 = arith.constant 0 : i32
          %dma_wait3A_2424 = arith.constant 0 : i32
          %dma_wait3A_2425 = arith.constant 0 : i32
          %dma_wait3A_2426 = tpu.memref_slice %arg12[%dma_wait3A_2423, %dma_wait3A_2424, %dma_wait3A_2425] : memref<1x640x32xf32, #tpu.memory_space<vmem>> -> memref<1x1x32xf32, #tpu.memory_space<vmem>>
          %dma_wait3A_2427 = arith.constant 0 : i32
          %dma_wait3A_2428 = arith.constant 0 : i32
          %dma_wait3A_2429 = arith.constant 0 : i32
          %dma_wait3A_2430 = tpu.memref_slice %arg2[%dma_wait3A_2427, %dma_wait3A_2428, %dma_wait3A_2429] : memref<26x100001x32xf32, #tpu.memory_space<hbm>> -> memref<1x1x32xf32, #tpu.memory_space<hbm>>
          %dma_wait3A_2431 = arith.constant 0 : i32
          %dma_wait3A_2432 = arith.constant 0 : i32
          %dma_wait3A_2433 = arith.constant 0 : i32
          %dma_wait3A_2434 = tpu.memref_slice %arg12[%dma_wait3A_2431, %dma_wait3A_2432, %dma_wait3A_2433] : memref<1x640x32xf32, #tpu.memory_space<vmem>> -> memref<1x1x32xf32, #tpu.memory_space<vmem>>
          %dma_wait3A_2435 = arith.constant 0 : i32
          %dma_wait3A_2436 = arith.constant 0 : i32
          %dma_wait3A_2437 = arith.constant 0 : i32
          %dma_wait3A_2438 = tpu.memref_slice %arg2[%dma_wait3A_2435, %dma_wait3A_2436, %dma_wait3A_2437] : memref<26x100001x32xf32, #tpu.memory_space<hbm>> -> memref<1x1x32xf32, #tpu.memory_space<hbm>>
          tpu.wait_dma2 semaphore(%arg13 : memref<!tpu.dma_semaphore, #tpu.memory_space<semaphore_mem>>) src(%dma_wait3A_2438 : memref<1x1x32xf32, #tpu.memory_space<hbm>>) dst(%dma_wait3A_2434 : memref<1x1x32xf32, #tpu.memory_space<vmem>>)
          %dma_wait3A_2439 = arith.constant 0 : i32
          %dma_wait3A_2440 = arith.constant 0 : i32
          %dma_wait3A_2441 = arith.constant 0 : i32
          %dma_wait3A_2442 = tpu.memref_slice %arg12[%dma_wait3A_2439, %dma_wait3A_2440, %dma_wait3A_2441] : memref<1x640x32xf32, #tpu.memory_space<vmem>> -> memref<1x1x32xf32, #tpu.memory_space<vmem>>
          %dma_wait3A_2443 = arith.constant 0 : i32
          %dma_wait3A_2444 = arith.constant 0 : i32
          %dma_wait3A_2445 = arith.constant 0 : i32
          %dma_wait3A_2446 = tpu.memref_slice %arg2[%dma_wait3A_2443, %dma_wait3A_2444, %dma_wait3A_2445] : memref<26x100001x32xf32, #tpu.memory_space<hbm>> -> memref<1x1x32xf32, #tpu.memory_space<hbm>>
          %dma_wait3A_2447 = arith.constant 0 : i32
          %dma_wait3A_2448 = arith.constant 0 : i32
          %dma_wait3A_2449 = arith.constant 0 : i32
          %dma_wait3A_2450 = tpu.memref_slice %arg12[%dma_wait3A_2447, %dma_wait3A_2448, %dma_wait3A_2449] : memref<1x640x32xf32, #tpu.memory_space<vmem>> -> memref<1x1x32xf32, #tpu.memory_space<vmem>>
          %dma_wait3A_2451 = arith.constant 0 : i32
          %dma_wait3A_2452 = arith.constant 0 : i32
          %dma_wait3A_2453 = arith.constant 0 : i32
          %dma_wait3A_2454 = tpu.memref_slice %arg2[%dma_wait3A_2451, %dma_wait3A_2452, %dma_wait3A_2453] : memref<26x100001x32xf32, #tpu.memory_space<hbm>> -> memref<1x1x32xf32, #tpu.memory_space<hbm>>
          tpu.wait_dma2 semaphore(%arg13 : memref<!tpu.dma_semaphore, #tpu.memory_space<semaphore_mem>>) src(%dma_wait3A_2454 : memref<1x1x32xf32, #tpu.memory_space<hbm>>) dst(%dma_wait3A_2450 : memref<1x1x32xf32, #tpu.memory_space<vmem>>)
          %dma_wait3A_2455 = arith.constant 0 : i32
          %dma_wait3A_2456 = arith.constant 0 : i32
          %dma_wait3A_2457 = arith.constant 0 : i32
          %dma_wait3A_2458 = tpu.memref_slice %arg12[%dma_wait3A_2455, %dma_wait3A_2456, %dma_wait3A_2457] : memref<1x640x32xf32, #tpu.memory_space<vmem>> -> memref<1x1x32xf32, #tpu.memory_space<vmem>>
          %dma_wait3A_2459 = arith.constant 0 : i32
          %dma_wait3A_2460 = arith.constant 0 : i32
          %dma_wait3A_2461 = arith.constant 0 : i32
          %dma_wait3A_2462 = tpu.memref_slice %arg2[%dma_wait3A_2459, %dma_wait3A_2460, %dma_wait3A_2461] : memref<26x100001x32xf32, #tpu.memory_space<hbm>> -> memref<1x1x32xf32, #tpu.memory_space<hbm>>
          %dma_wait3A_2463 = arith.constant 0 : i32
          %dma_wait3A_2464 = arith.constant 0 : i32
          %dma_wait3A_2465 = arith.constant 0 : i32
          %dma_wait3A_2466 = tpu.memref_slice %arg12[%dma_wait3A_2463, %dma_wait3A_2464, %dma_wait3A_2465] : memref<1x640x32xf32, #tpu.memory_space<vmem>> -> memref<1x1x32xf32, #tpu.memory_space<vmem>>
          %dma_wait3A_2467 = arith.constant 0 : i32
          %dma_wait3A_2468 = arith.constant 0 : i32
          %dma_wait3A_2469 = arith.constant 0 : i32
          %dma_wait3A_2470 = tpu.memref_slice %arg2[%dma_wait3A_2467, %dma_wait3A_2468, %dma_wait3A_2469] : memref<26x100001x32xf32, #tpu.memory_space<hbm>> -> memref<1x1x32xf32, #tpu.memory_space<hbm>>
          tpu.wait_dma2 semaphore(%arg13 : memref<!tpu.dma_semaphore, #tpu.memory_space<semaphore_mem>>) src(%dma_wait3A_2470 : memref<1x1x32xf32, #tpu.memory_space<hbm>>) dst(%dma_wait3A_2466 : memref<1x1x32xf32, #tpu.memory_space<vmem>>)
          %dma_wait3A_2471 = arith.constant 0 : i32
          %dma_wait3A_2472 = arith.constant 0 : i32
          %dma_wait3A_2473 = arith.constant 0 : i32
          %dma_wait3A_2474 = tpu.memref_slice %arg12[%dma_wait3A_2471, %dma_wait3A_2472, %dma_wait3A_2473] : memref<1x640x32xf32, #tpu.memory_space<vmem>> -> memref<1x1x32xf32, #tpu.memory_space<vmem>>
          %dma_wait3A_2475 = arith.constant 0 : i32
          %dma_wait3A_2476 = arith.constant 0 : i32
          %dma_wait3A_2477 = arith.constant 0 : i32
          %dma_wait3A_2478 = tpu.memref_slice %arg2[%dma_wait3A_2475, %dma_wait3A_2476, %dma_wait3A_2477] : memref<26x100001x32xf32, #tpu.memory_space<hbm>> -> memref<1x1x32xf32, #tpu.memory_space<hbm>>
          %dma_wait3A_2479 = arith.constant 0 : i32
          %dma_wait3A_2480 = arith.constant 0 : i32
          %dma_wait3A_2481 = arith.constant 0 : i32
          %dma_wait3A_2482 = tpu.memref_slice %arg12[%dma_wait3A_2479, %dma_wait3A_2480, %dma_wait3A_2481] : memref<1x640x32xf32, #tpu.memory_space<vmem>> -> memref<1x1x32xf32, #tpu.memory_space<vmem>>
          %dma_wait3A_2483 = arith.constant 0 : i32
          %dma_wait3A_2484 = arith.constant 0 : i32
          %dma_wait3A_2485 = arith.constant 0 : i32
          %dma_wait3A_2486 = tpu.memref_slice %arg2[%dma_wait3A_2483, %dma_wait3A_2484, %dma_wait3A_2485] : memref<26x100001x32xf32, #tpu.memory_space<hbm>> -> memref<1x1x32xf32, #tpu.memory_space<hbm>>
          tpu.wait_dma2 semaphore(%arg13 : memref<!tpu.dma_semaphore, #tpu.memory_space<semaphore_mem>>) src(%dma_wait3A_2486 : memref<1x1x32xf32, #tpu.memory_space<hbm>>) dst(%dma_wait3A_2482 : memref<1x1x32xf32, #tpu.memory_space<vmem>>)
          %dma_wait3A_2487 = arith.constant 0 : i32
          %dma_wait3A_2488 = arith.constant 0 : i32
          %dma_wait3A_2489 = arith.constant 0 : i32
          %dma_wait3A_2490 = tpu.memref_slice %arg12[%dma_wait3A_2487, %dma_wait3A_2488, %dma_wait3A_2489] : memref<1x640x32xf32, #tpu.memory_space<vmem>> -> memref<1x1x32xf32, #tpu.memory_space<vmem>>
          %dma_wait3A_2491 = arith.constant 0 : i32
          %dma_wait3A_2492 = arith.constant 0 : i32
          %dma_wait3A_2493 = arith.constant 0 : i32
          %dma_wait3A_2494 = tpu.memref_slice %arg2[%dma_wait3A_2491, %dma_wait3A_2492, %dma_wait3A_2493] : memref<26x100001x32xf32, #tpu.memory_space<hbm>> -> memref<1x1x32xf32, #tpu.memory_space<hbm>>
          %dma_wait3A_2495 = arith.constant 0 : i32
          %dma_wait3A_2496 = arith.constant 0 : i32
          %dma_wait3A_2497 = arith.constant 0 : i32
          %dma_wait3A_2498 = tpu.memref_slice %arg12[%dma_wait3A_2495, %dma_wait3A_2496, %dma_wait3A_2497] : memref<1x640x32xf32, #tpu.memory_space<vmem>> -> memref<1x1x32xf32, #tpu.memory_space<vmem>>
          %dma_wait3A_2499 = arith.constant 0 : i32
          %dma_wait3A_2500 = arith.constant 0 : i32
          %dma_wait3A_2501 = arith.constant 0 : i32
          %dma_wait3A_2502 = tpu.memref_slice %arg2[%dma_wait3A_2499, %dma_wait3A_2500, %dma_wait3A_2501] : memref<26x100001x32xf32, #tpu.memory_space<hbm>> -> memref<1x1x32xf32, #tpu.memory_space<hbm>>
          tpu.wait_dma2 semaphore(%arg13 : memref<!tpu.dma_semaphore, #tpu.memory_space<semaphore_mem>>) src(%dma_wait3A_2502 : memref<1x1x32xf32, #tpu.memory_space<hbm>>) dst(%dma_wait3A_2498 : memref<1x1x32xf32, #tpu.memory_space<vmem>>)
          %dma_wait3A_2503 = arith.constant 0 : i32
          %dma_wait3A_2504 = arith.constant 0 : i32
          %dma_wait3A_2505 = arith.constant 0 : i32
          %dma_wait3A_2506 = tpu.memref_slice %arg12[%dma_wait3A_2503, %dma_wait3A_2504, %dma_wait3A_2505] : memref<1x640x32xf32, #tpu.memory_space<vmem>> -> memref<1x1x32xf32, #tpu.memory_space<vmem>>
          %dma_wait3A_2507 = arith.constant 0 : i32
          %dma_wait3A_2508 = arith.constant 0 : i32
          %dma_wait3A_2509 = arith.constant 0 : i32
          %dma_wait3A_2510 = tpu.memref_slice %arg2[%dma_wait3A_2507, %dma_wait3A_2508, %dma_wait3A_2509] : memref<26x100001x32xf32, #tpu.memory_space<hbm>> -> memref<1x1x32xf32, #tpu.memory_space<hbm>>
          %dma_wait3A_2511 = arith.constant 0 : i32
          %dma_wait3A_2512 = arith.constant 0 : i32
          %dma_wait3A_2513 = arith.constant 0 : i32
          %dma_wait3A_2514 = tpu.memref_slice %arg12[%dma_wait3A_2511, %dma_wait3A_2512, %dma_wait3A_2513] : memref<1x640x32xf32, #tpu.memory_space<vmem>> -> memref<1x1x32xf32, #tpu.memory_space<vmem>>
          %dma_wait3A_2515 = arith.constant 0 : i32
          %dma_wait3A_2516 = arith.constant 0 : i32
          %dma_wait3A_2517 = arith.constant 0 : i32
          %dma_wait3A_2518 = tpu.memref_slice %arg2[%dma_wait3A_2515, %dma_wait3A_2516, %dma_wait3A_2517] : memref<26x100001x32xf32, #tpu.memory_space<hbm>> -> memref<1x1x32xf32, #tpu.memory_space<hbm>>
          tpu.wait_dma2 semaphore(%arg13 : memref<!tpu.dma_semaphore, #tpu.memory_space<semaphore_mem>>) src(%dma_wait3A_2518 : memref<1x1x32xf32, #tpu.memory_space<hbm>>) dst(%dma_wait3A_2514 : memref<1x1x32xf32, #tpu.memory_space<vmem>>)
          %dma_wait3A_2519 = arith.constant 0 : i32
          %dma_wait3A_2520 = arith.constant 0 : i32
          %dma_wait3A_2521 = arith.constant 0 : i32
          %dma_wait3A_2522 = tpu.memref_slice %arg12[%dma_wait3A_2519, %dma_wait3A_2520, %dma_wait3A_2521] : memref<1x640x32xf32, #tpu.memory_space<vmem>> -> memref<1x1x32xf32, #tpu.memory_space<vmem>>
          %dma_wait3A_2523 = arith.constant 0 : i32
          %dma_wait3A_2524 = arith.constant 0 : i32
          %dma_wait3A_2525 = arith.constant 0 : i32
          %dma_wait3A_2526 = tpu.memref_slice %arg2[%dma_wait3A_2523, %dma_wait3A_2524, %dma_wait3A_2525] : memref<26x100001x32xf32, #tpu.memory_space<hbm>> -> memref<1x1x32xf32, #tpu.memory_space<hbm>>
          %dma_wait3A_2527 = arith.constant 0 : i32
          %dma_wait3A_2528 = arith.constant 0 : i32
          %dma_wait3A_2529 = arith.constant 0 : i32
          %dma_wait3A_2530 = tpu.memref_slice %arg12[%dma_wait3A_2527, %dma_wait3A_2528, %dma_wait3A_2529] : memref<1x640x32xf32, #tpu.memory_space<vmem>> -> memref<1x1x32xf32, #tpu.memory_space<vmem>>
          %dma_wait3A_2531 = arith.constant 0 : i32
          %dma_wait3A_2532 = arith.constant 0 : i32
          %dma_wait3A_2533 = arith.constant 0 : i32
          %dma_wait3A_2534 = tpu.memref_slice %arg2[%dma_wait3A_2531, %dma_wait3A_2532, %dma_wait3A_2533] : memref<26x100001x32xf32, #tpu.memory_space<hbm>> -> memref<1x1x32xf32, #tpu.memory_space<hbm>>
          tpu.wait_dma2 semaphore(%arg13 : memref<!tpu.dma_semaphore, #tpu.memory_space<semaphore_mem>>) src(%dma_wait3A_2534 : memref<1x1x32xf32, #tpu.memory_space<hbm>>) dst(%dma_wait3A_2530 : memref<1x1x32xf32, #tpu.memory_space<vmem>>)
          %dma_wait3A_2535 = arith.constant 0 : i32
          %dma_wait3A_2536 = arith.constant 0 : i32
          %dma_wait3A_2537 = arith.constant 0 : i32
          %dma_wait3A_2538 = tpu.memref_slice %arg12[%dma_wait3A_2535, %dma_wait3A_2536, %dma_wait3A_2537] : memref<1x640x32xf32, #tpu.memory_space<vmem>> -> memref<1x1x32xf32, #tpu.memory_space<vmem>>
          %dma_wait3A_2539 = arith.constant 0 : i32
          %dma_wait3A_2540 = arith.constant 0 : i32
          %dma_wait3A_2541 = arith.constant 0 : i32
          %dma_wait3A_2542 = tpu.memref_slice %arg2[%dma_wait3A_2539, %dma_wait3A_2540, %dma_wait3A_2541] : memref<26x100001x32xf32, #tpu.memory_space<hbm>> -> memref<1x1x32xf32, #tpu.memory_space<hbm>>
          %dma_wait3A_2543 = arith.constant 0 : i32
          %dma_wait3A_2544 = arith.constant 0 : i32
          %dma_wait3A_2545 = arith.constant 0 : i32
          %dma_wait3A_2546 = tpu.memref_slice %arg12[%dma_wait3A_2543, %dma_wait3A_2544, %dma_wait3A_2545] : memref<1x640x32xf32, #tpu.memory_space<vmem>> -> memref<1x1x32xf32, #tpu.memory_space<vmem>>
          %dma_wait3A_2547 = arith.constant 0 : i32
          %dma_wait3A_2548 = arith.constant 0 : i32
          %dma_wait3A_2549 = arith.constant 0 : i32
          %dma_wait3A_2550 = tpu.memref_slice %arg2[%dma_wait3A_2547, %dma_wait3A_2548, %dma_wait3A_2549] : memref<26x100001x32xf32, #tpu.memory_space<hbm>> -> memref<1x1x32xf32, #tpu.memory_space<hbm>>
          tpu.wait_dma2 semaphore(%arg13 : memref<!tpu.dma_semaphore, #tpu.memory_space<semaphore_mem>>) src(%dma_wait3A_2550 : memref<1x1x32xf32, #tpu.memory_space<hbm>>) dst(%dma_wait3A_2546 : memref<1x1x32xf32, #tpu.memory_space<vmem>>)
          %dma_wait3A_2551 = arith.constant 0 : i32
          %dma_wait3A_2552 = arith.constant 0 : i32
          %dma_wait3A_2553 = arith.constant 0 : i32
          %dma_wait3A_2554 = tpu.memref_slice %arg12[%dma_wait3A_2551, %dma_wait3A_2552, %dma_wait3A_2553] : memref<1x640x32xf32, #tpu.memory_space<vmem>> -> memref<1x1x32xf32, #tpu.memory_space<vmem>>
          %dma_wait3A_2555 = arith.constant 0 : i32
          %dma_wait3A_2556 = arith.constant 0 : i32
          %dma_wait3A_2557 = arith.constant 0 : i32
          %dma_wait3A_2558 = tpu.memref_slice %arg2[%dma_wait3A_2555, %dma_wait3A_2556, %dma_wait3A_2557] : memref<26x100001x32xf32, #tpu.memory_space<hbm>> -> memref<1x1x32xf32, #tpu.memory_space<hbm>>
          %dma_wait3A_2559 = arith.constant 0 : i32
          %dma_wait3A_2560 = arith.constant 0 : i32
          %dma_wait3A_2561 = arith.constant 0 : i32
          %dma_wait3A_2562 = tpu.memref_slice %arg12[%dma_wait3A_2559, %dma_wait3A_2560, %dma_wait3A_2561] : memref<1x640x32xf32, #tpu.memory_space<vmem>> -> memref<1x1x32xf32, #tpu.memory_space<vmem>>
          %dma_wait3A_2563 = arith.constant 0 : i32
          %dma_wait3A_2564 = arith.constant 0 : i32
          %dma_wait3A_2565 = arith.constant 0 : i32
          %dma_wait3A_2566 = tpu.memref_slice %arg2[%dma_wait3A_2563, %dma_wait3A_2564, %dma_wait3A_2565] : memref<26x100001x32xf32, #tpu.memory_space<hbm>> -> memref<1x1x32xf32, #tpu.memory_space<hbm>>
          tpu.wait_dma2 semaphore(%arg13 : memref<!tpu.dma_semaphore, #tpu.memory_space<semaphore_mem>>) src(%dma_wait3A_2566 : memref<1x1x32xf32, #tpu.memory_space<hbm>>) dst(%dma_wait3A_2562 : memref<1x1x32xf32, #tpu.memory_space<vmem>>)
          %dma_wait3A_2567 = arith.constant 0 : i32
          %dma_wait3A_2568 = arith.constant 0 : i32
          %dma_wait3A_2569 = arith.constant 0 : i32
          %dma_wait3A_2570 = tpu.memref_slice %arg12[%dma_wait3A_2567, %dma_wait3A_2568, %dma_wait3A_2569] : memref<1x640x32xf32, #tpu.memory_space<vmem>> -> memref<1x1x32xf32, #tpu.memory_space<vmem>>
          %dma_wait3A_2571 = arith.constant 0 : i32
          %dma_wait3A_2572 = arith.constant 0 : i32
          %dma_wait3A_2573 = arith.constant 0 : i32
          %dma_wait3A_2574 = tpu.memref_slice %arg2[%dma_wait3A_2571, %dma_wait3A_2572, %dma_wait3A_2573] : memref<26x100001x32xf32, #tpu.memory_space<hbm>> -> memref<1x1x32xf32, #tpu.memory_space<hbm>>
          %dma_wait3A_2575 = arith.constant 0 : i32
          %dma_wait3A_2576 = arith.constant 0 : i32
          %dma_wait3A_2577 = arith.constant 0 : i32
          %dma_wait3A_2578 = tpu.memref_slice %arg12[%dma_wait3A_2575, %dma_wait3A_2576, %dma_wait3A_2577] : memref<1x640x32xf32, #tpu.memory_space<vmem>> -> memref<1x1x32xf32, #tpu.memory_space<vmem>>
          %dma_wait3A_2579 = arith.constant 0 : i32
          %dma_wait3A_2580 = arith.constant 0 : i32
          %dma_wait3A_2581 = arith.constant 0 : i32
          %dma_wait3A_2582 = tpu.memref_slice %arg2[%dma_wait3A_2579, %dma_wait3A_2580, %dma_wait3A_2581] : memref<26x100001x32xf32, #tpu.memory_space<hbm>> -> memref<1x1x32xf32, #tpu.memory_space<hbm>>
          tpu.wait_dma2 semaphore(%arg13 : memref<!tpu.dma_semaphore, #tpu.memory_space<semaphore_mem>>) src(%dma_wait3A_2582 : memref<1x1x32xf32, #tpu.memory_space<hbm>>) dst(%dma_wait3A_2578 : memref<1x1x32xf32, #tpu.memory_space<vmem>>)
          %dma_wait3A_2583 = arith.constant 0 : i32
          %dma_wait3A_2584 = arith.constant 0 : i32
          %dma_wait3A_2585 = arith.constant 0 : i32
          %dma_wait3A_2586 = tpu.memref_slice %arg12[%dma_wait3A_2583, %dma_wait3A_2584, %dma_wait3A_2585] : memref<1x640x32xf32, #tpu.memory_space<vmem>> -> memref<1x1x32xf32, #tpu.memory_space<vmem>>
          %dma_wait3A_2587 = arith.constant 0 : i32
          %dma_wait3A_2588 = arith.constant 0 : i32
          %dma_wait3A_2589 = arith.constant 0 : i32
          %dma_wait3A_2590 = tpu.memref_slice %arg2[%dma_wait3A_2587, %dma_wait3A_2588, %dma_wait3A_2589] : memref<26x100001x32xf32, #tpu.memory_space<hbm>> -> memref<1x1x32xf32, #tpu.memory_space<hbm>>
          %dma_wait3A_2591 = arith.constant 0 : i32
          %dma_wait3A_2592 = arith.constant 0 : i32
          %dma_wait3A_2593 = arith.constant 0 : i32
          %dma_wait3A_2594 = tpu.memref_slice %arg12[%dma_wait3A_2591, %dma_wait3A_2592, %dma_wait3A_2593] : memref<1x640x32xf32, #tpu.memory_space<vmem>> -> memref<1x1x32xf32, #tpu.memory_space<vmem>>
          %dma_wait3A_2595 = arith.constant 0 : i32
          %dma_wait3A_2596 = arith.constant 0 : i32
          %dma_wait3A_2597 = arith.constant 0 : i32
          %dma_wait3A_2598 = tpu.memref_slice %arg2[%dma_wait3A_2595, %dma_wait3A_2596, %dma_wait3A_2597] : memref<26x100001x32xf32, #tpu.memory_space<hbm>> -> memref<1x1x32xf32, #tpu.memory_space<hbm>>
          tpu.wait_dma2 semaphore(%arg13 : memref<!tpu.dma_semaphore, #tpu.memory_space<semaphore_mem>>) src(%dma_wait3A_2598 : memref<1x1x32xf32, #tpu.memory_space<hbm>>) dst(%dma_wait3A_2594 : memref<1x1x32xf32, #tpu.memory_space<vmem>>)
          %dma_wait3A_2599 = arith.constant 0 : i32
          %dma_wait3A_2600 = arith.constant 0 : i32
          %dma_wait3A_2601 = arith.constant 0 : i32
          %dma_wait3A_2602 = tpu.memref_slice %arg12[%dma_wait3A_2599, %dma_wait3A_2600, %dma_wait3A_2601] : memref<1x640x32xf32, #tpu.memory_space<vmem>> -> memref<1x1x32xf32, #tpu.memory_space<vmem>>
          %dma_wait3A_2603 = arith.constant 0 : i32
          %dma_wait3A_2604 = arith.constant 0 : i32
          %dma_wait3A_2605 = arith.constant 0 : i32
          %dma_wait3A_2606 = tpu.memref_slice %arg2[%dma_wait3A_2603, %dma_wait3A_2604, %dma_wait3A_2605] : memref<26x100001x32xf32, #tpu.memory_space<hbm>> -> memref<1x1x32xf32, #tpu.memory_space<hbm>>
          %dma_wait3A_2607 = arith.constant 0 : i32
          %dma_wait3A_2608 = arith.constant 0 : i32
          %dma_wait3A_2609 = arith.constant 0 : i32
          %dma_wait3A_2610 = tpu.memref_slice %arg12[%dma_wait3A_2607, %dma_wait3A_2608, %dma_wait3A_2609] : memref<1x640x32xf32, #tpu.memory_space<vmem>> -> memref<1x1x32xf32, #tpu.memory_space<vmem>>
          %dma_wait3A_2611 = arith.constant 0 : i32
          %dma_wait3A_2612 = arith.constant 0 : i32
          %dma_wait3A_2613 = arith.constant 0 : i32
          %dma_wait3A_2614 = tpu.memref_slice %arg2[%dma_wait3A_2611, %dma_wait3A_2612, %dma_wait3A_2613] : memref<26x100001x32xf32, #tpu.memory_space<hbm>> -> memref<1x1x32xf32, #tpu.memory_space<hbm>>
          tpu.wait_dma2 semaphore(%arg13 : memref<!tpu.dma_semaphore, #tpu.memory_space<semaphore_mem>>) src(%dma_wait3A_2614 : memref<1x1x32xf32, #tpu.memory_space<hbm>>) dst(%dma_wait3A_2610 : memref<1x1x32xf32, #tpu.memory_space<vmem>>)
          %dma_wait3A_2615 = arith.constant 0 : i32
          %dma_wait3A_2616 = arith.constant 0 : i32
          %dma_wait3A_2617 = arith.constant 0 : i32
          %dma_wait3A_2618 = tpu.memref_slice %arg12[%dma_wait3A_2615, %dma_wait3A_2616, %dma_wait3A_2617] : memref<1x640x32xf32, #tpu.memory_space<vmem>> -> memref<1x1x32xf32, #tpu.memory_space<vmem>>
          %dma_wait3A_2619 = arith.constant 0 : i32
          %dma_wait3A_2620 = arith.constant 0 : i32
          %dma_wait3A_2621 = arith.constant 0 : i32
          %dma_wait3A_2622 = tpu.memref_slice %arg2[%dma_wait3A_2619, %dma_wait3A_2620, %dma_wait3A_2621] : memref<26x100001x32xf32, #tpu.memory_space<hbm>> -> memref<1x1x32xf32, #tpu.memory_space<hbm>>
          %dma_wait3A_2623 = arith.constant 0 : i32
          %dma_wait3A_2624 = arith.constant 0 : i32
          %dma_wait3A_2625 = arith.constant 0 : i32
          %dma_wait3A_2626 = tpu.memref_slice %arg12[%dma_wait3A_2623, %dma_wait3A_2624, %dma_wait3A_2625] : memref<1x640x32xf32, #tpu.memory_space<vmem>> -> memref<1x1x32xf32, #tpu.memory_space<vmem>>
          %dma_wait3A_2627 = arith.constant 0 : i32
          %dma_wait3A_2628 = arith.constant 0 : i32
          %dma_wait3A_2629 = arith.constant 0 : i32
          %dma_wait3A_2630 = tpu.memref_slice %arg2[%dma_wait3A_2627, %dma_wait3A_2628, %dma_wait3A_2629] : memref<26x100001x32xf32, #tpu.memory_space<hbm>> -> memref<1x1x32xf32, #tpu.memory_space<hbm>>
          tpu.wait_dma2 semaphore(%arg13 : memref<!tpu.dma_semaphore, #tpu.memory_space<semaphore_mem>>) src(%dma_wait3A_2630 : memref<1x1x32xf32, #tpu.memory_space<hbm>>) dst(%dma_wait3A_2626 : memref<1x1x32xf32, #tpu.memory_space<vmem>>)
          %sub3A = arith.constant 2 : i32
          %sub3A_2631 = arith.subi %scan3A_1136, %sub3A : i32
          %mul3A_2632 = arith.constant 40 : i32
          %mul3A_2633 = arith.muli %sub3A_2631, %mul3A_2632 : i32
          %add3A_2634 = arith.addi %add3A_11, %scan3A_1136 : i32
          %sub3A_2635 = arith.constant 2 : i32
          %sub3A_2636 = arith.subi %add3A_2634, %sub3A_2635 : i32
          %dma_start3A_2637 = arith.constant 0 : i32
          %dma_start3A_2638 = arith.constant 0 : i32
          %dma_start3A_2639 = tpu.memref_slice %arg12[%dma_start3A_2637, %mul3A_2633, %dma_start3A_2638] : memref<1x640x32xf32, #tpu.memory_space<vmem>> -> memref<1x39x32xf32, #tpu.memory_space<vmem>>
          %dma_start3A_2640 = arith.constant 0 : i32
          %dma_start3A_2641 = arith.constant 0 : i32
          %dma_start3A_2642 = tpu.memref_slice %arg7[%sub3A_2636, %dma_start3A_2640, %dma_start3A_2641] : memref<16384x39x32xf32, #tpu.memory_space<hbm>> -> memref<1x39x32xf32, #tpu.memory_space<hbm>>
          %dma_start3A_2643 = arith.constant 0 : i32
          %dma_start3A_2644 = arith.constant 0 : i32
          %dma_start3A_2645 = tpu.memref_slice %arg7[%sub3A_2636, %dma_start3A_2643, %dma_start3A_2644] : memref<16384x39x32xf32, #tpu.memory_space<hbm>> -> memref<1x39x32xf32, #tpu.memory_space<hbm>>
          %dma_start3A_2646 = arith.constant 0 : i32
          %dma_start3A_2647 = arith.constant 0 : i32
          %dma_start3A_2648 = tpu.memref_slice %arg12[%dma_start3A_2646, %mul3A_2633, %dma_start3A_2647] : memref<1x640x32xf32, #tpu.memory_space<vmem>> -> memref<1x39x32xf32, #tpu.memory_space<vmem>>
          tpu.enqueue_dma source(%dma_start3A_2648 : memref<1x39x32xf32, #tpu.memory_space<vmem>>) target(%dma_start3A_2645 : memref<1x39x32xf32, #tpu.memory_space<hbm>>) target_semaphore(%arg14 : memref<!tpu.dma_semaphore, #tpu.memory_space<semaphore_mem>>)
        } else {
        }
      }
      %scan3A_17 = arith.constant 16 : i32
      %dma_wait3A = arith.constant 0 : i32
      %dma_wait3A_18 = arith.constant 0 : i32
      %dma_wait3A_19 = arith.constant 0 : i32
      %dma_wait3A_20 = tpu.memref_slice %arg12[%dma_wait3A, %dma_wait3A_18, %dma_wait3A_19] : memref<1x640x32xf32, #tpu.memory_space<vmem>> -> memref<1x1x32xf32, #tpu.memory_space<vmem>>
      %dma_wait3A_21 = arith.constant 0 : i32
      %dma_wait3A_22 = arith.constant 0 : i32
      %dma_wait3A_23 = arith.constant 0 : i32
      %dma_wait3A_24 = tpu.memref_slice %arg2[%dma_wait3A_21, %dma_wait3A_22, %dma_wait3A_23] : memref<26x100001x32xf32, #tpu.memory_space<hbm>> -> memref<1x1x32xf32, #tpu.memory_space<hbm>>
      %dma_wait3A_25 = arith.constant 0 : i32
      %dma_wait3A_26 = arith.constant 0 : i32
      %dma_wait3A_27 = arith.constant 0 : i32
      %dma_wait3A_28 = tpu.memref_slice %arg12[%dma_wait3A_25, %dma_wait3A_26, %dma_wait3A_27] : memref<1x640x32xf32, #tpu.memory_space<vmem>> -> memref<1x1x32xf32, #tpu.memory_space<vmem>>
      %dma_wait3A_29 = arith.constant 0 : i32
      %dma_wait3A_30 = arith.constant 0 : i32
      %dma_wait3A_31 = arith.constant 0 : i32
      %dma_wait3A_32 = tpu.memref_slice %arg2[%dma_wait3A_29, %dma_wait3A_30, %dma_wait3A_31] : memref<26x100001x32xf32, #tpu.memory_space<hbm>> -> memref<1x1x32xf32, #tpu.memory_space<hbm>>
      tpu.wait_dma2 semaphore(%arg13 : memref<!tpu.dma_semaphore, #tpu.memory_space<semaphore_mem>>) src(%dma_wait3A_32 : memref<1x1x32xf32, #tpu.memory_space<hbm>>) dst(%dma_wait3A_28 : memref<1x1x32xf32, #tpu.memory_space<vmem>>)
      %dma_wait3A_33 = arith.constant 0 : i32
      %dma_wait3A_34 = arith.constant 0 : i32
      %dma_wait3A_35 = arith.constant 0 : i32
      %dma_wait3A_36 = tpu.memref_slice %arg12[%dma_wait3A_33, %dma_wait3A_34, %dma_wait3A_35] : memref<1x640x32xf32, #tpu.memory_space<vmem>> -> memref<1x1x32xf32, #tpu.memory_space<vmem>>
      %dma_wait3A_37 = arith.constant 0 : i32
      %dma_wait3A_38 = arith.constant 0 : i32
      %dma_wait3A_39 = arith.constant 0 : i32
      %dma_wait3A_40 = tpu.memref_slice %arg2[%dma_wait3A_37, %dma_wait3A_38, %dma_wait3A_39] : memref<26x100001x32xf32, #tpu.memory_space<hbm>> -> memref<1x1x32xf32, #tpu.memory_space<hbm>>
      %dma_wait3A_41 = arith.constant 0 : i32
      %dma_wait3A_42 = arith.constant 0 : i32
      %dma_wait3A_43 = arith.constant 0 : i32
      %dma_wait3A_44 = tpu.memref_slice %arg12[%dma_wait3A_41, %dma_wait3A_42, %dma_wait3A_43] : memref<1x640x32xf32, #tpu.memory_space<vmem>> -> memref<1x1x32xf32, #tpu.memory_space<vmem>>
      %dma_wait3A_45 = arith.constant 0 : i32
      %dma_wait3A_46 = arith.constant 0 : i32
      %dma_wait3A_47 = arith.constant 0 : i32
      %dma_wait3A_48 = tpu.memref_slice %arg2[%dma_wait3A_45, %dma_wait3A_46, %dma_wait3A_47] : memref<26x100001x32xf32, #tpu.memory_space<hbm>> -> memref<1x1x32xf32, #tpu.memory_space<hbm>>
      tpu.wait_dma2 semaphore(%arg13 : memref<!tpu.dma_semaphore, #tpu.memory_space<semaphore_mem>>) src(%dma_wait3A_48 : memref<1x1x32xf32, #tpu.memory_space<hbm>>) dst(%dma_wait3A_44 : memref<1x1x32xf32, #tpu.memory_space<vmem>>)
      %dma_wait3A_49 = arith.constant 0 : i32
      %dma_wait3A_50 = arith.constant 0 : i32
      %dma_wait3A_51 = arith.constant 0 : i32
      %dma_wait3A_52 = tpu.memref_slice %arg12[%dma_wait3A_49, %dma_wait3A_50, %dma_wait3A_51] : memref<1x640x32xf32, #tpu.memory_space<vmem>> -> memref<1x1x32xf32, #tpu.memory_space<vmem>>
      %dma_wait3A_53 = arith.constant 0 : i32
      %dma_wait3A_54 = arith.constant 0 : i32
      %dma_wait3A_55 = arith.constant 0 : i32
      %dma_wait3A_56 = tpu.memref_slice %arg2[%dma_wait3A_53, %dma_wait3A_54, %dma_wait3A_55] : memref<26x100001x32xf32, #tpu.memory_space<hbm>> -> memref<1x1x32xf32, #tpu.memory_space<hbm>>
      %dma_wait3A_57 = arith.constant 0 : i32
      %dma_wait3A_58 = arith.constant 0 : i32
      %dma_wait3A_59 = arith.constant 0 : i32
      %dma_wait3A_60 = tpu.memref_slice %arg12[%dma_wait3A_57, %dma_wait3A_58, %dma_wait3A_59] : memref<1x640x32xf32, #tpu.memory_space<vmem>> -> memref<1x1x32xf32, #tpu.memory_space<vmem>>
      %dma_wait3A_61 = arith.constant 0 : i32
      %dma_wait3A_62 = arith.constant 0 : i32
      %dma_wait3A_63 = arith.constant 0 : i32
      %dma_wait3A_64 = tpu.memref_slice %arg2[%dma_wait3A_61, %dma_wait3A_62, %dma_wait3A_63] : memref<26x100001x32xf32, #tpu.memory_space<hbm>> -> memref<1x1x32xf32, #tpu.memory_space<hbm>>
      tpu.wait_dma2 semaphore(%arg13 : memref<!tpu.dma_semaphore, #tpu.memory_space<semaphore_mem>>) src(%dma_wait3A_64 : memref<1x1x32xf32, #tpu.memory_space<hbm>>) dst(%dma_wait3A_60 : memref<1x1x32xf32, #tpu.memory_space<vmem>>)
      %dma_wait3A_65 = arith.constant 0 : i32
      %dma_wait3A_66 = arith.constant 0 : i32
      %dma_wait3A_67 = arith.constant 0 : i32
      %dma_wait3A_68 = tpu.memref_slice %arg12[%dma_wait3A_65, %dma_wait3A_66, %dma_wait3A_67] : memref<1x640x32xf32, #tpu.memory_space<vmem>> -> memref<1x1x32xf32, #tpu.memory_space<vmem>>
      %dma_wait3A_69 = arith.constant 0 : i32
      %dma_wait3A_70 = arith.constant 0 : i32
      %dma_wait3A_71 = arith.constant 0 : i32
      %dma_wait3A_72 = tpu.memref_slice %arg2[%dma_wait3A_69, %dma_wait3A_70, %dma_wait3A_71] : memref<26x100001x32xf32, #tpu.memory_space<hbm>> -> memref<1x1x32xf32, #tpu.memory_space<hbm>>
      %dma_wait3A_73 = arith.constant 0 : i32
      %dma_wait3A_74 = arith.constant 0 : i32
      %dma_wait3A_75 = arith.constant 0 : i32
      %dma_wait3A_76 = tpu.memref_slice %arg12[%dma_wait3A_73, %dma_wait3A_74, %dma_wait3A_75] : memref<1x640x32xf32, #tpu.memory_space<vmem>> -> memref<1x1x32xf32, #tpu.memory_space<vmem>>
      %dma_wait3A_77 = arith.constant 0 : i32
      %dma_wait3A_78 = arith.constant 0 : i32
      %dma_wait3A_79 = arith.constant 0 : i32
      %dma_wait3A_80 = tpu.memref_slice %arg2[%dma_wait3A_77, %dma_wait3A_78, %dma_wait3A_79] : memref<26x100001x32xf32, #tpu.memory_space<hbm>> -> memref<1x1x32xf32, #tpu.memory_space<hbm>>
      tpu.wait_dma2 semaphore(%arg13 : memref<!tpu.dma_semaphore, #tpu.memory_space<semaphore_mem>>) src(%dma_wait3A_80 : memref<1x1x32xf32, #tpu.memory_space<hbm>>) dst(%dma_wait3A_76 : memref<1x1x32xf32, #tpu.memory_space<vmem>>)
      %dma_wait3A_81 = arith.constant 0 : i32
      %dma_wait3A_82 = arith.constant 0 : i32
      %dma_wait3A_83 = arith.constant 0 : i32
      %dma_wait3A_84 = tpu.memref_slice %arg12[%dma_wait3A_81, %dma_wait3A_82, %dma_wait3A_83] : memref<1x640x32xf32, #tpu.memory_space<vmem>> -> memref<1x1x32xf32, #tpu.memory_space<vmem>>
      %dma_wait3A_85 = arith.constant 0 : i32
      %dma_wait3A_86 = arith.constant 0 : i32
      %dma_wait3A_87 = arith.constant 0 : i32
      %dma_wait3A_88 = tpu.memref_slice %arg2[%dma_wait3A_85, %dma_wait3A_86, %dma_wait3A_87] : memref<26x100001x32xf32, #tpu.memory_space<hbm>> -> memref<1x1x32xf32, #tpu.memory_space<hbm>>
      %dma_wait3A_89 = arith.constant 0 : i32
      %dma_wait3A_90 = arith.constant 0 : i32
      %dma_wait3A_91 = arith.constant 0 : i32
      %dma_wait3A_92 = tpu.memref_slice %arg12[%dma_wait3A_89, %dma_wait3A_90, %dma_wait3A_91] : memref<1x640x32xf32, #tpu.memory_space<vmem>> -> memref<1x1x32xf32, #tpu.memory_space<vmem>>
      %dma_wait3A_93 = arith.constant 0 : i32
      %dma_wait3A_94 = arith.constant 0 : i32
      %dma_wait3A_95 = arith.constant 0 : i32
      %dma_wait3A_96 = tpu.memref_slice %arg2[%dma_wait3A_93, %dma_wait3A_94, %dma_wait3A_95] : memref<26x100001x32xf32, #tpu.memory_space<hbm>> -> memref<1x1x32xf32, #tpu.memory_space<hbm>>
      tpu.wait_dma2 semaphore(%arg13 : memref<!tpu.dma_semaphore, #tpu.memory_space<semaphore_mem>>) src(%dma_wait3A_96 : memref<1x1x32xf32, #tpu.memory_space<hbm>>) dst(%dma_wait3A_92 : memref<1x1x32xf32, #tpu.memory_space<vmem>>)
      %dma_wait3A_97 = arith.constant 0 : i32
      %dma_wait3A_98 = arith.constant 0 : i32
      %dma_wait3A_99 = arith.constant 0 : i32
      %dma_wait3A_100 = tpu.memref_slice %arg12[%dma_wait3A_97, %dma_wait3A_98, %dma_wait3A_99] : memref<1x640x32xf32, #tpu.memory_space<vmem>> -> memref<1x1x32xf32, #tpu.memory_space<vmem>>
      %dma_wait3A_101 = arith.constant 0 : i32
      %dma_wait3A_102 = arith.constant 0 : i32
      %dma_wait3A_103 = arith.constant 0 : i32
      %dma_wait3A_104 = tpu.memref_slice %arg2[%dma_wait3A_101, %dma_wait3A_102, %dma_wait3A_103] : memref<26x100001x32xf32, #tpu.memory_space<hbm>> -> memref<1x1x32xf32, #tpu.memory_space<hbm>>
      %dma_wait3A_105 = arith.constant 0 : i32
      %dma_wait3A_106 = arith.constant 0 : i32
      %dma_wait3A_107 = arith.constant 0 : i32
      %dma_wait3A_108 = tpu.memref_slice %arg12[%dma_wait3A_105, %dma_wait3A_106, %dma_wait3A_107] : memref<1x640x32xf32, #tpu.memory_space<vmem>> -> memref<1x1x32xf32, #tpu.memory_space<vmem>>
      %dma_wait3A_109 = arith.constant 0 : i32
      %dma_wait3A_110 = arith.constant 0 : i32
      %dma_wait3A_111 = arith.constant 0 : i32
      %dma_wait3A_112 = tpu.memref_slice %arg2[%dma_wait3A_109, %dma_wait3A_110, %dma_wait3A_111] : memref<26x100001x32xf32, #tpu.memory_space<hbm>> -> memref<1x1x32xf32, #tpu.memory_space<hbm>>
      tpu.wait_dma2 semaphore(%arg13 : memref<!tpu.dma_semaphore, #tpu.memory_space<semaphore_mem>>) src(%dma_wait3A_112 : memref<1x1x32xf32, #tpu.memory_space<hbm>>) dst(%dma_wait3A_108 : memref<1x1x32xf32, #tpu.memory_space<vmem>>)
      %dma_wait3A_113 = arith.constant 0 : i32
      %dma_wait3A_114 = arith.constant 0 : i32
      %dma_wait3A_115 = arith.constant 0 : i32
      %dma_wait3A_116 = tpu.memref_slice %arg12[%dma_wait3A_113, %dma_wait3A_114, %dma_wait3A_115] : memref<1x640x32xf32, #tpu.memory_space<vmem>> -> memref<1x1x32xf32, #tpu.memory_space<vmem>>
      %dma_wait3A_117 = arith.constant 0 : i32
      %dma_wait3A_118 = arith.constant 0 : i32
      %dma_wait3A_119 = arith.constant 0 : i32
      %dma_wait3A_120 = tpu.memref_slice %arg2[%dma_wait3A_117, %dma_wait3A_118, %dma_wait3A_119] : memref<26x100001x32xf32, #tpu.memory_space<hbm>> -> memref<1x1x32xf32, #tpu.memory_space<hbm>>
      %dma_wait3A_121 = arith.constant 0 : i32
      %dma_wait3A_122 = arith.constant 0 : i32
      %dma_wait3A_123 = arith.constant 0 : i32
      %dma_wait3A_124 = tpu.memref_slice %arg12[%dma_wait3A_121, %dma_wait3A_122, %dma_wait3A_123] : memref<1x640x32xf32, #tpu.memory_space<vmem>> -> memref<1x1x32xf32, #tpu.memory_space<vmem>>
      %dma_wait3A_125 = arith.constant 0 : i32
      %dma_wait3A_126 = arith.constant 0 : i32
      %dma_wait3A_127 = arith.constant 0 : i32
      %dma_wait3A_128 = tpu.memref_slice %arg2[%dma_wait3A_125, %dma_wait3A_126, %dma_wait3A_127] : memref<26x100001x32xf32, #tpu.memory_space<hbm>> -> memref<1x1x32xf32, #tpu.memory_space<hbm>>
      tpu.wait_dma2 semaphore(%arg13 : memref<!tpu.dma_semaphore, #tpu.memory_space<semaphore_mem>>) src(%dma_wait3A_128 : memref<1x1x32xf32, #tpu.memory_space<hbm>>) dst(%dma_wait3A_124 : memref<1x1x32xf32, #tpu.memory_space<vmem>>)
      %dma_wait3A_129 = arith.constant 0 : i32
      %dma_wait3A_130 = arith.constant 0 : i32
      %dma_wait3A_131 = arith.constant 0 : i32
      %dma_wait3A_132 = tpu.memref_slice %arg12[%dma_wait3A_129, %dma_wait3A_130, %dma_wait3A_131] : memref<1x640x32xf32, #tpu.memory_space<vmem>> -> memref<1x1x32xf32, #tpu.memory_space<vmem>>
      %dma_wait3A_133 = arith.constant 0 : i32
      %dma_wait3A_134 = arith.constant 0 : i32
      %dma_wait3A_135 = arith.constant 0 : i32
      %dma_wait3A_136 = tpu.memref_slice %arg2[%dma_wait3A_133, %dma_wait3A_134, %dma_wait3A_135] : memref<26x100001x32xf32, #tpu.memory_space<hbm>> -> memref<1x1x32xf32, #tpu.memory_space<hbm>>
      %dma_wait3A_137 = arith.constant 0 : i32
      %dma_wait3A_138 = arith.constant 0 : i32
      %dma_wait3A_139 = arith.constant 0 : i32
      %dma_wait3A_140 = tpu.memref_slice %arg12[%dma_wait3A_137, %dma_wait3A_138, %dma_wait3A_139] : memref<1x640x32xf32, #tpu.memory_space<vmem>> -> memref<1x1x32xf32, #tpu.memory_space<vmem>>
      %dma_wait3A_141 = arith.constant 0 : i32
      %dma_wait3A_142 = arith.constant 0 : i32
      %dma_wait3A_143 = arith.constant 0 : i32
      %dma_wait3A_144 = tpu.memref_slice %arg2[%dma_wait3A_141, %dma_wait3A_142, %dma_wait3A_143] : memref<26x100001x32xf32, #tpu.memory_space<hbm>> -> memref<1x1x32xf32, #tpu.memory_space<hbm>>
      tpu.wait_dma2 semaphore(%arg13 : memref<!tpu.dma_semaphore, #tpu.memory_space<semaphore_mem>>) src(%dma_wait3A_144 : memref<1x1x32xf32, #tpu.memory_space<hbm>>) dst(%dma_wait3A_140 : memref<1x1x32xf32, #tpu.memory_space<vmem>>)
      %dma_wait3A_145 = arith.constant 0 : i32
      %dma_wait3A_146 = arith.constant 0 : i32
      %dma_wait3A_147 = arith.constant 0 : i32
      %dma_wait3A_148 = tpu.memref_slice %arg12[%dma_wait3A_145, %dma_wait3A_146, %dma_wait3A_147] : memref<1x640x32xf32, #tpu.memory_space<vmem>> -> memref<1x1x32xf32, #tpu.memory_space<vmem>>
      %dma_wait3A_149 = arith.constant 0 : i32
      %dma_wait3A_150 = arith.constant 0 : i32
      %dma_wait3A_151 = arith.constant 0 : i32
      %dma_wait3A_152 = tpu.memref_slice %arg2[%dma_wait3A_149, %dma_wait3A_150, %dma_wait3A_151] : memref<26x100001x32xf32, #tpu.memory_space<hbm>> -> memref<1x1x32xf32, #tpu.memory_space<hbm>>
      %dma_wait3A_153 = arith.constant 0 : i32
      %dma_wait3A_154 = arith.constant 0 : i32
      %dma_wait3A_155 = arith.constant 0 : i32
      %dma_wait3A_156 = tpu.memref_slice %arg12[%dma_wait3A_153, %dma_wait3A_154, %dma_wait3A_155] : memref<1x640x32xf32, #tpu.memory_space<vmem>> -> memref<1x1x32xf32, #tpu.memory_space<vmem>>
      %dma_wait3A_157 = arith.constant 0 : i32
      %dma_wait3A_158 = arith.constant 0 : i32
      %dma_wait3A_159 = arith.constant 0 : i32
      %dma_wait3A_160 = tpu.memref_slice %arg2[%dma_wait3A_157, %dma_wait3A_158, %dma_wait3A_159] : memref<26x100001x32xf32, #tpu.memory_space<hbm>> -> memref<1x1x32xf32, #tpu.memory_space<hbm>>
      tpu.wait_dma2 semaphore(%arg13 : memref<!tpu.dma_semaphore, #tpu.memory_space<semaphore_mem>>) src(%dma_wait3A_160 : memref<1x1x32xf32, #tpu.memory_space<hbm>>) dst(%dma_wait3A_156 : memref<1x1x32xf32, #tpu.memory_space<vmem>>)
      %dma_wait3A_161 = arith.constant 0 : i32
      %dma_wait3A_162 = arith.constant 0 : i32
      %dma_wait3A_163 = arith.constant 0 : i32
      %dma_wait3A_164 = tpu.memref_slice %arg12[%dma_wait3A_161, %dma_wait3A_162, %dma_wait3A_163] : memref<1x640x32xf32, #tpu.memory_space<vmem>> -> memref<1x1x32xf32, #tpu.memory_space<vmem>>
      %dma_wait3A_165 = arith.constant 0 : i32
      %dma_wait3A_166 = arith.constant 0 : i32
      %dma_wait3A_167 = arith.constant 0 : i32
      %dma_wait3A_168 = tpu.memref_slice %arg2[%dma_wait3A_165, %dma_wait3A_166, %dma_wait3A_167] : memref<26x100001x32xf32, #tpu.memory_space<hbm>> -> memref<1x1x32xf32, #tpu.memory_space<hbm>>
      %dma_wait3A_169 = arith.constant 0 : i32
      %dma_wait3A_170 = arith.constant 0 : i32
      %dma_wait3A_171 = arith.constant 0 : i32
      %dma_wait3A_172 = tpu.memref_slice %arg12[%dma_wait3A_169, %dma_wait3A_170, %dma_wait3A_171] : memref<1x640x32xf32, #tpu.memory_space<vmem>> -> memref<1x1x32xf32, #tpu.memory_space<vmem>>
      %dma_wait3A_173 = arith.constant 0 : i32
      %dma_wait3A_174 = arith.constant 0 : i32
      %dma_wait3A_175 = arith.constant 0 : i32
      %dma_wait3A_176 = tpu.memref_slice %arg2[%dma_wait3A_173, %dma_wait3A_174, %dma_wait3A_175] : memref<26x100001x32xf32, #tpu.memory_space<hbm>> -> memref<1x1x32xf32, #tpu.memory_space<hbm>>
      tpu.wait_dma2 semaphore(%arg13 : memref<!tpu.dma_semaphore, #tpu.memory_space<semaphore_mem>>) src(%dma_wait3A_176 : memref<1x1x32xf32, #tpu.memory_space<hbm>>) dst(%dma_wait3A_172 : memref<1x1x32xf32, #tpu.memory_space<vmem>>)
      %dma_wait3A_177 = arith.constant 0 : i32
      %dma_wait3A_178 = arith.constant 0 : i32
      %dma_wait3A_179 = arith.constant 0 : i32
      %dma_wait3A_180 = tpu.memref_slice %arg12[%dma_wait3A_177, %dma_wait3A_178, %dma_wait3A_179] : memref<1x640x32xf32, #tpu.memory_space<vmem>> -> memref<1x1x32xf32, #tpu.memory_space<vmem>>
      %dma_wait3A_181 = arith.constant 0 : i32
      %dma_wait3A_182 = arith.constant 0 : i32
      %dma_wait3A_183 = arith.constant 0 : i32
      %dma_wait3A_184 = tpu.memref_slice %arg2[%dma_wait3A_181, %dma_wait3A_182, %dma_wait3A_183] : memref<26x100001x32xf32, #tpu.memory_space<hbm>> -> memref<1x1x32xf32, #tpu.memory_space<hbm>>
      %dma_wait3A_185 = arith.constant 0 : i32
      %dma_wait3A_186 = arith.constant 0 : i32
      %dma_wait3A_187 = arith.constant 0 : i32
      %dma_wait3A_188 = tpu.memref_slice %arg12[%dma_wait3A_185, %dma_wait3A_186, %dma_wait3A_187] : memref<1x640x32xf32, #tpu.memory_space<vmem>> -> memref<1x1x32xf32, #tpu.memory_space<vmem>>
      %dma_wait3A_189 = arith.constant 0 : i32
      %dma_wait3A_190 = arith.constant 0 : i32
      %dma_wait3A_191 = arith.constant 0 : i32
      %dma_wait3A_192 = tpu.memref_slice %arg2[%dma_wait3A_189, %dma_wait3A_190, %dma_wait3A_191] : memref<26x100001x32xf32, #tpu.memory_space<hbm>> -> memref<1x1x32xf32, #tpu.memory_space<hbm>>
      tpu.wait_dma2 semaphore(%arg13 : memref<!tpu.dma_semaphore, #tpu.memory_space<semaphore_mem>>) src(%dma_wait3A_192 : memref<1x1x32xf32, #tpu.memory_space<hbm>>) dst(%dma_wait3A_188 : memref<1x1x32xf32, #tpu.memory_space<vmem>>)
      %dma_wait3A_193 = arith.constant 0 : i32
      %dma_wait3A_194 = arith.constant 0 : i32
      %dma_wait3A_195 = arith.constant 0 : i32
      %dma_wait3A_196 = tpu.memref_slice %arg12[%dma_wait3A_193, %dma_wait3A_194, %dma_wait3A_195] : memref<1x640x32xf32, #tpu.memory_space<vmem>> -> memref<1x1x32xf32, #tpu.memory_space<vmem>>
      %dma_wait3A_197 = arith.constant 0 : i32
      %dma_wait3A_198 = arith.constant 0 : i32
      %dma_wait3A_199 = arith.constant 0 : i32
      %dma_wait3A_200 = tpu.memref_slice %arg2[%dma_wait3A_197, %dma_wait3A_198, %dma_wait3A_199] : memref<26x100001x32xf32, #tpu.memory_space<hbm>> -> memref<1x1x32xf32, #tpu.memory_space<hbm>>
      %dma_wait3A_201 = arith.constant 0 : i32
      %dma_wait3A_202 = arith.constant 0 : i32
      %dma_wait3A_203 = arith.constant 0 : i32
      %dma_wait3A_204 = tpu.memref_slice %arg12[%dma_wait3A_201, %dma_wait3A_202, %dma_wait3A_203] : memref<1x640x32xf32, #tpu.memory_space<vmem>> -> memref<1x1x32xf32, #tpu.memory_space<vmem>>
      %dma_wait3A_205 = arith.constant 0 : i32
      %dma_wait3A_206 = arith.constant 0 : i32
      %dma_wait3A_207 = arith.constant 0 : i32
      %dma_wait3A_208 = tpu.memref_slice %arg2[%dma_wait3A_205, %dma_wait3A_206, %dma_wait3A_207] : memref<26x100001x32xf32, #tpu.memory_space<hbm>> -> memref<1x1x32xf32, #tpu.memory_space<hbm>>
      tpu.wait_dma2 semaphore(%arg13 : memref<!tpu.dma_semaphore, #tpu.memory_space<semaphore_mem>>) src(%dma_wait3A_208 : memref<1x1x32xf32, #tpu.memory_space<hbm>>) dst(%dma_wait3A_204 : memref<1x1x32xf32, #tpu.memory_space<vmem>>)
      %dma_wait3A_209 = arith.constant 0 : i32
      %dma_wait3A_210 = arith.constant 0 : i32
      %dma_wait3A_211 = arith.constant 0 : i32
      %dma_wait3A_212 = tpu.memref_slice %arg12[%dma_wait3A_209, %dma_wait3A_210, %dma_wait3A_211] : memref<1x640x32xf32, #tpu.memory_space<vmem>> -> memref<1x1x32xf32, #tpu.memory_space<vmem>>
      %dma_wait3A_213 = arith.constant 0 : i32
      %dma_wait3A_214 = arith.constant 0 : i32
      %dma_wait3A_215 = arith.constant 0 : i32
      %dma_wait3A_216 = tpu.memref_slice %arg2[%dma_wait3A_213, %dma_wait3A_214, %dma_wait3A_215] : memref<26x100001x32xf32, #tpu.memory_space<hbm>> -> memref<1x1x32xf32, #tpu.memory_space<hbm>>
      %dma_wait3A_217 = arith.constant 0 : i32
      %dma_wait3A_218 = arith.constant 0 : i32
      %dma_wait3A_219 = arith.constant 0 : i32
      %dma_wait3A_220 = tpu.memref_slice %arg12[%dma_wait3A_217, %dma_wait3A_218, %dma_wait3A_219] : memref<1x640x32xf32, #tpu.memory_space<vmem>> -> memref<1x1x32xf32, #tpu.memory_space<vmem>>
      %dma_wait3A_221 = arith.constant 0 : i32
      %dma_wait3A_222 = arith.constant 0 : i32
      %dma_wait3A_223 = arith.constant 0 : i32
      %dma_wait3A_224 = tpu.memref_slice %arg2[%dma_wait3A_221, %dma_wait3A_222, %dma_wait3A_223] : memref<26x100001x32xf32, #tpu.memory_space<hbm>> -> memref<1x1x32xf32, #tpu.memory_space<hbm>>
      tpu.wait_dma2 semaphore(%arg13 : memref<!tpu.dma_semaphore, #tpu.memory_space<semaphore_mem>>) src(%dma_wait3A_224 : memref<1x1x32xf32, #tpu.memory_space<hbm>>) dst(%dma_wait3A_220 : memref<1x1x32xf32, #tpu.memory_space<vmem>>)
      %dma_wait3A_225 = arith.constant 0 : i32
      %dma_wait3A_226 = arith.constant 0 : i32
      %dma_wait3A_227 = arith.constant 0 : i32
      %dma_wait3A_228 = tpu.memref_slice %arg12[%dma_wait3A_225, %dma_wait3A_226, %dma_wait3A_227] : memref<1x640x32xf32, #tpu.memory_space<vmem>> -> memref<1x1x32xf32, #tpu.memory_space<vmem>>
      %dma_wait3A_229 = arith.constant 0 : i32
      %dma_wait3A_230 = arith.constant 0 : i32
      %dma_wait3A_231 = arith.constant 0 : i32
      %dma_wait3A_232 = tpu.memref_slice %arg2[%dma_wait3A_229, %dma_wait3A_230, %dma_wait3A_231] : memref<26x100001x32xf32, #tpu.memory_space<hbm>> -> memref<1x1x32xf32, #tpu.memory_space<hbm>>
      %dma_wait3A_233 = arith.constant 0 : i32
      %dma_wait3A_234 = arith.constant 0 : i32
      %dma_wait3A_235 = arith.constant 0 : i32
      %dma_wait3A_236 = tpu.memref_slice %arg12[%dma_wait3A_233, %dma_wait3A_234, %dma_wait3A_235] : memref<1x640x32xf32, #tpu.memory_space<vmem>> -> memref<1x1x32xf32, #tpu.memory_space<vmem>>
      %dma_wait3A_237 = arith.constant 0 : i32
      %dma_wait3A_238 = arith.constant 0 : i32
      %dma_wait3A_239 = arith.constant 0 : i32
      %dma_wait3A_240 = tpu.memref_slice %arg2[%dma_wait3A_237, %dma_wait3A_238, %dma_wait3A_239] : memref<26x100001x32xf32, #tpu.memory_space<hbm>> -> memref<1x1x32xf32, #tpu.memory_space<hbm>>
      tpu.wait_dma2 semaphore(%arg13 : memref<!tpu.dma_semaphore, #tpu.memory_space<semaphore_mem>>) src(%dma_wait3A_240 : memref<1x1x32xf32, #tpu.memory_space<hbm>>) dst(%dma_wait3A_236 : memref<1x1x32xf32, #tpu.memory_space<vmem>>)
      %dma_wait3A_241 = arith.constant 0 : i32
      %dma_wait3A_242 = arith.constant 0 : i32
      %dma_wait3A_243 = arith.constant 0 : i32
      %dma_wait3A_244 = tpu.memref_slice %arg12[%dma_wait3A_241, %dma_wait3A_242, %dma_wait3A_243] : memref<1x640x32xf32, #tpu.memory_space<vmem>> -> memref<1x1x32xf32, #tpu.memory_space<vmem>>
      %dma_wait3A_245 = arith.constant 0 : i32
      %dma_wait3A_246 = arith.constant 0 : i32
      %dma_wait3A_247 = arith.constant 0 : i32
      %dma_wait3A_248 = tpu.memref_slice %arg2[%dma_wait3A_245, %dma_wait3A_246, %dma_wait3A_247] : memref<26x100001x32xf32, #tpu.memory_space<hbm>> -> memref<1x1x32xf32, #tpu.memory_space<hbm>>
      %dma_wait3A_249 = arith.constant 0 : i32
      %dma_wait3A_250 = arith.constant 0 : i32
      %dma_wait3A_251 = arith.constant 0 : i32
      %dma_wait3A_252 = tpu.memref_slice %arg12[%dma_wait3A_249, %dma_wait3A_250, %dma_wait3A_251] : memref<1x640x32xf32, #tpu.memory_space<vmem>> -> memref<1x1x32xf32, #tpu.memory_space<vmem>>
      %dma_wait3A_253 = arith.constant 0 : i32
      %dma_wait3A_254 = arith.constant 0 : i32
      %dma_wait3A_255 = arith.constant 0 : i32
      %dma_wait3A_256 = tpu.memref_slice %arg2[%dma_wait3A_253, %dma_wait3A_254, %dma_wait3A_255] : memref<26x100001x32xf32, #tpu.memory_space<hbm>> -> memref<1x1x32xf32, #tpu.memory_space<hbm>>
      tpu.wait_dma2 semaphore(%arg13 : memref<!tpu.dma_semaphore, #tpu.memory_space<semaphore_mem>>) src(%dma_wait3A_256 : memref<1x1x32xf32, #tpu.memory_space<hbm>>) dst(%dma_wait3A_252 : memref<1x1x32xf32, #tpu.memory_space<vmem>>)
      %dma_wait3A_257 = arith.constant 0 : i32
      %dma_wait3A_258 = arith.constant 0 : i32
      %dma_wait3A_259 = arith.constant 0 : i32
      %dma_wait3A_260 = tpu.memref_slice %arg12[%dma_wait3A_257, %dma_wait3A_258, %dma_wait3A_259] : memref<1x640x32xf32, #tpu.memory_space<vmem>> -> memref<1x1x32xf32, #tpu.memory_space<vmem>>
      %dma_wait3A_261 = arith.constant 0 : i32
      %dma_wait3A_262 = arith.constant 0 : i32
      %dma_wait3A_263 = arith.constant 0 : i32
      %dma_wait3A_264 = tpu.memref_slice %arg2[%dma_wait3A_261, %dma_wait3A_262, %dma_wait3A_263] : memref<26x100001x32xf32, #tpu.memory_space<hbm>> -> memref<1x1x32xf32, #tpu.memory_space<hbm>>
      %dma_wait3A_265 = arith.constant 0 : i32
      %dma_wait3A_266 = arith.constant 0 : i32
      %dma_wait3A_267 = arith.constant 0 : i32
      %dma_wait3A_268 = tpu.memref_slice %arg12[%dma_wait3A_265, %dma_wait3A_266, %dma_wait3A_267] : memref<1x640x32xf32, #tpu.memory_space<vmem>> -> memref<1x1x32xf32, #tpu.memory_space<vmem>>
      %dma_wait3A_269 = arith.constant 0 : i32
      %dma_wait3A_270 = arith.constant 0 : i32
      %dma_wait3A_271 = arith.constant 0 : i32
      %dma_wait3A_272 = tpu.memref_slice %arg2[%dma_wait3A_269, %dma_wait3A_270, %dma_wait3A_271] : memref<26x100001x32xf32, #tpu.memory_space<hbm>> -> memref<1x1x32xf32, #tpu.memory_space<hbm>>
      tpu.wait_dma2 semaphore(%arg13 : memref<!tpu.dma_semaphore, #tpu.memory_space<semaphore_mem>>) src(%dma_wait3A_272 : memref<1x1x32xf32, #tpu.memory_space<hbm>>) dst(%dma_wait3A_268 : memref<1x1x32xf32, #tpu.memory_space<vmem>>)
      %dma_wait3A_273 = arith.constant 0 : i32
      %dma_wait3A_274 = arith.constant 0 : i32
      %dma_wait3A_275 = arith.constant 0 : i32
      %dma_wait3A_276 = tpu.memref_slice %arg12[%dma_wait3A_273, %dma_wait3A_274, %dma_wait3A_275] : memref<1x640x32xf32, #tpu.memory_space<vmem>> -> memref<1x1x32xf32, #tpu.memory_space<vmem>>
      %dma_wait3A_277 = arith.constant 0 : i32
      %dma_wait3A_278 = arith.constant 0 : i32
      %dma_wait3A_279 = arith.constant 0 : i32
      %dma_wait3A_280 = tpu.memref_slice %arg2[%dma_wait3A_277, %dma_wait3A_278, %dma_wait3A_279] : memref<26x100001x32xf32, #tpu.memory_space<hbm>> -> memref<1x1x32xf32, #tpu.memory_space<hbm>>
      %dma_wait3A_281 = arith.constant 0 : i32
      %dma_wait3A_282 = arith.constant 0 : i32
      %dma_wait3A_283 = arith.constant 0 : i32
      %dma_wait3A_284 = tpu.memref_slice %arg12[%dma_wait3A_281, %dma_wait3A_282, %dma_wait3A_283] : memref<1x640x32xf32, #tpu.memory_space<vmem>> -> memref<1x1x32xf32, #tpu.memory_space<vmem>>
      %dma_wait3A_285 = arith.constant 0 : i32
      %dma_wait3A_286 = arith.constant 0 : i32
      %dma_wait3A_287 = arith.constant 0 : i32
      %dma_wait3A_288 = tpu.memref_slice %arg2[%dma_wait3A_285, %dma_wait3A_286, %dma_wait3A_287] : memref<26x100001x32xf32, #tpu.memory_space<hbm>> -> memref<1x1x32xf32, #tpu.memory_space<hbm>>
      tpu.wait_dma2 semaphore(%arg13 : memref<!tpu.dma_semaphore, #tpu.memory_space<semaphore_mem>>) src(%dma_wait3A_288 : memref<1x1x32xf32, #tpu.memory_space<hbm>>) dst(%dma_wait3A_284 : memref<1x1x32xf32, #tpu.memory_space<vmem>>)
      %dma_wait3A_289 = arith.constant 0 : i32
      %dma_wait3A_290 = arith.constant 0 : i32
      %dma_wait3A_291 = arith.constant 0 : i32
      %dma_wait3A_292 = tpu.memref_slice %arg12[%dma_wait3A_289, %dma_wait3A_290, %dma_wait3A_291] : memref<1x640x32xf32, #tpu.memory_space<vmem>> -> memref<1x1x32xf32, #tpu.memory_space<vmem>>
      %dma_wait3A_293 = arith.constant 0 : i32
      %dma_wait3A_294 = arith.constant 0 : i32
      %dma_wait3A_295 = arith.constant 0 : i32
      %dma_wait3A_296 = tpu.memref_slice %arg2[%dma_wait3A_293, %dma_wait3A_294, %dma_wait3A_295] : memref<26x100001x32xf32, #tpu.memory_space<hbm>> -> memref<1x1x32xf32, #tpu.memory_space<hbm>>
      %dma_wait3A_297 = arith.constant 0 : i32
      %dma_wait3A_298 = arith.constant 0 : i32
      %dma_wait3A_299 = arith.constant 0 : i32
      %dma_wait3A_300 = tpu.memref_slice %arg12[%dma_wait3A_297, %dma_wait3A_298, %dma_wait3A_299] : memref<1x640x32xf32, #tpu.memory_space<vmem>> -> memref<1x1x32xf32, #tpu.memory_space<vmem>>
      %dma_wait3A_301 = arith.constant 0 : i32
      %dma_wait3A_302 = arith.constant 0 : i32
      %dma_wait3A_303 = arith.constant 0 : i32
      %dma_wait3A_304 = tpu.memref_slice %arg2[%dma_wait3A_301, %dma_wait3A_302, %dma_wait3A_303] : memref<26x100001x32xf32, #tpu.memory_space<hbm>> -> memref<1x1x32xf32, #tpu.memory_space<hbm>>
      tpu.wait_dma2 semaphore(%arg13 : memref<!tpu.dma_semaphore, #tpu.memory_space<semaphore_mem>>) src(%dma_wait3A_304 : memref<1x1x32xf32, #tpu.memory_space<hbm>>) dst(%dma_wait3A_300 : memref<1x1x32xf32, #tpu.memory_space<vmem>>)
      %dma_wait3A_305 = arith.constant 0 : i32
      %dma_wait3A_306 = arith.constant 0 : i32
      %dma_wait3A_307 = arith.constant 0 : i32
      %dma_wait3A_308 = tpu.memref_slice %arg12[%dma_wait3A_305, %dma_wait3A_306, %dma_wait3A_307] : memref<1x640x32xf32, #tpu.memory_space<vmem>> -> memref<1x1x32xf32, #tpu.memory_space<vmem>>
      %dma_wait3A_309 = arith.constant 0 : i32
      %dma_wait3A_310 = arith.constant 0 : i32
      %dma_wait3A_311 = arith.constant 0 : i32
      %dma_wait3A_312 = tpu.memref_slice %arg2[%dma_wait3A_309, %dma_wait3A_310, %dma_wait3A_311] : memref<26x100001x32xf32, #tpu.memory_space<hbm>> -> memref<1x1x32xf32, #tpu.memory_space<hbm>>
      %dma_wait3A_313 = arith.constant 0 : i32
      %dma_wait3A_314 = arith.constant 0 : i32
      %dma_wait3A_315 = arith.constant 0 : i32
      %dma_wait3A_316 = tpu.memref_slice %arg12[%dma_wait3A_313, %dma_wait3A_314, %dma_wait3A_315] : memref<1x640x32xf32, #tpu.memory_space<vmem>> -> memref<1x1x32xf32, #tpu.memory_space<vmem>>
      %dma_wait3A_317 = arith.constant 0 : i32
      %dma_wait3A_318 = arith.constant 0 : i32
      %dma_wait3A_319 = arith.constant 0 : i32
      %dma_wait3A_320 = tpu.memref_slice %arg2[%dma_wait3A_317, %dma_wait3A_318, %dma_wait3A_319] : memref<26x100001x32xf32, #tpu.memory_space<hbm>> -> memref<1x1x32xf32, #tpu.memory_space<hbm>>
      tpu.wait_dma2 semaphore(%arg13 : memref<!tpu.dma_semaphore, #tpu.memory_space<semaphore_mem>>) src(%dma_wait3A_320 : memref<1x1x32xf32, #tpu.memory_space<hbm>>) dst(%dma_wait3A_316 : memref<1x1x32xf32, #tpu.memory_space<vmem>>)
      %dma_wait3A_321 = arith.constant 0 : i32
      %dma_wait3A_322 = arith.constant 0 : i32
      %dma_wait3A_323 = arith.constant 0 : i32
      %dma_wait3A_324 = tpu.memref_slice %arg12[%dma_wait3A_321, %dma_wait3A_322, %dma_wait3A_323] : memref<1x640x32xf32, #tpu.memory_space<vmem>> -> memref<1x1x32xf32, #tpu.memory_space<vmem>>
      %dma_wait3A_325 = arith.constant 0 : i32
      %dma_wait3A_326 = arith.constant 0 : i32
      %dma_wait3A_327 = arith.constant 0 : i32
      %dma_wait3A_328 = tpu.memref_slice %arg2[%dma_wait3A_325, %dma_wait3A_326, %dma_wait3A_327] : memref<26x100001x32xf32, #tpu.memory_space<hbm>> -> memref<1x1x32xf32, #tpu.memory_space<hbm>>
      %dma_wait3A_329 = arith.constant 0 : i32
      %dma_wait3A_330 = arith.constant 0 : i32
      %dma_wait3A_331 = arith.constant 0 : i32
      %dma_wait3A_332 = tpu.memref_slice %arg12[%dma_wait3A_329, %dma_wait3A_330, %dma_wait3A_331] : memref<1x640x32xf32, #tpu.memory_space<vmem>> -> memref<1x1x32xf32, #tpu.memory_space<vmem>>
      %dma_wait3A_333 = arith.constant 0 : i32
      %dma_wait3A_334 = arith.constant 0 : i32
      %dma_wait3A_335 = arith.constant 0 : i32
      %dma_wait3A_336 = tpu.memref_slice %arg2[%dma_wait3A_333, %dma_wait3A_334, %dma_wait3A_335] : memref<26x100001x32xf32, #tpu.memory_space<hbm>> -> memref<1x1x32xf32, #tpu.memory_space<hbm>>
      tpu.wait_dma2 semaphore(%arg13 : memref<!tpu.dma_semaphore, #tpu.memory_space<semaphore_mem>>) src(%dma_wait3A_336 : memref<1x1x32xf32, #tpu.memory_space<hbm>>) dst(%dma_wait3A_332 : memref<1x1x32xf32, #tpu.memory_space<vmem>>)
      %dma_wait3A_337 = arith.constant 0 : i32
      %dma_wait3A_338 = arith.constant 0 : i32
      %dma_wait3A_339 = arith.constant 0 : i32
      %dma_wait3A_340 = tpu.memref_slice %arg12[%dma_wait3A_337, %dma_wait3A_338, %dma_wait3A_339] : memref<1x640x32xf32, #tpu.memory_space<vmem>> -> memref<1x1x32xf32, #tpu.memory_space<vmem>>
      %dma_wait3A_341 = arith.constant 0 : i32
      %dma_wait3A_342 = arith.constant 0 : i32
      %dma_wait3A_343 = arith.constant 0 : i32
      %dma_wait3A_344 = tpu.memref_slice %arg2[%dma_wait3A_341, %dma_wait3A_342, %dma_wait3A_343] : memref<26x100001x32xf32, #tpu.memory_space<hbm>> -> memref<1x1x32xf32, #tpu.memory_space<hbm>>
      %dma_wait3A_345 = arith.constant 0 : i32
      %dma_wait3A_346 = arith.constant 0 : i32
      %dma_wait3A_347 = arith.constant 0 : i32
      %dma_wait3A_348 = tpu.memref_slice %arg12[%dma_wait3A_345, %dma_wait3A_346, %dma_wait3A_347] : memref<1x640x32xf32, #tpu.memory_space<vmem>> -> memref<1x1x32xf32, #tpu.memory_space<vmem>>
      %dma_wait3A_349 = arith.constant 0 : i32
      %dma_wait3A_350 = arith.constant 0 : i32
      %dma_wait3A_351 = arith.constant 0 : i32
      %dma_wait3A_352 = tpu.memref_slice %arg2[%dma_wait3A_349, %dma_wait3A_350, %dma_wait3A_351] : memref<26x100001x32xf32, #tpu.memory_space<hbm>> -> memref<1x1x32xf32, #tpu.memory_space<hbm>>
      tpu.wait_dma2 semaphore(%arg13 : memref<!tpu.dma_semaphore, #tpu.memory_space<semaphore_mem>>) src(%dma_wait3A_352 : memref<1x1x32xf32, #tpu.memory_space<hbm>>) dst(%dma_wait3A_348 : memref<1x1x32xf32, #tpu.memory_space<vmem>>)
      %dma_wait3A_353 = arith.constant 0 : i32
      %dma_wait3A_354 = arith.constant 0 : i32
      %dma_wait3A_355 = arith.constant 0 : i32
      %dma_wait3A_356 = tpu.memref_slice %arg12[%dma_wait3A_353, %dma_wait3A_354, %dma_wait3A_355] : memref<1x640x32xf32, #tpu.memory_space<vmem>> -> memref<1x1x32xf32, #tpu.memory_space<vmem>>
      %dma_wait3A_357 = arith.constant 0 : i32
      %dma_wait3A_358 = arith.constant 0 : i32
      %dma_wait3A_359 = arith.constant 0 : i32
      %dma_wait3A_360 = tpu.memref_slice %arg2[%dma_wait3A_357, %dma_wait3A_358, %dma_wait3A_359] : memref<26x100001x32xf32, #tpu.memory_space<hbm>> -> memref<1x1x32xf32, #tpu.memory_space<hbm>>
      %dma_wait3A_361 = arith.constant 0 : i32
      %dma_wait3A_362 = arith.constant 0 : i32
      %dma_wait3A_363 = arith.constant 0 : i32
      %dma_wait3A_364 = tpu.memref_slice %arg12[%dma_wait3A_361, %dma_wait3A_362, %dma_wait3A_363] : memref<1x640x32xf32, #tpu.memory_space<vmem>> -> memref<1x1x32xf32, #tpu.memory_space<vmem>>
      %dma_wait3A_365 = arith.constant 0 : i32
      %dma_wait3A_366 = arith.constant 0 : i32
      %dma_wait3A_367 = arith.constant 0 : i32
      %dma_wait3A_368 = tpu.memref_slice %arg2[%dma_wait3A_365, %dma_wait3A_366, %dma_wait3A_367] : memref<26x100001x32xf32, #tpu.memory_space<hbm>> -> memref<1x1x32xf32, #tpu.memory_space<hbm>>
      tpu.wait_dma2 semaphore(%arg13 : memref<!tpu.dma_semaphore, #tpu.memory_space<semaphore_mem>>) src(%dma_wait3A_368 : memref<1x1x32xf32, #tpu.memory_space<hbm>>) dst(%dma_wait3A_364 : memref<1x1x32xf32, #tpu.memory_space<vmem>>)
      %dma_wait3A_369 = arith.constant 0 : i32
      %dma_wait3A_370 = arith.constant 0 : i32
      %dma_wait3A_371 = arith.constant 0 : i32
      %dma_wait3A_372 = tpu.memref_slice %arg12[%dma_wait3A_369, %dma_wait3A_370, %dma_wait3A_371] : memref<1x640x32xf32, #tpu.memory_space<vmem>> -> memref<1x1x32xf32, #tpu.memory_space<vmem>>
      %dma_wait3A_373 = arith.constant 0 : i32
      %dma_wait3A_374 = arith.constant 0 : i32
      %dma_wait3A_375 = arith.constant 0 : i32
      %dma_wait3A_376 = tpu.memref_slice %arg2[%dma_wait3A_373, %dma_wait3A_374, %dma_wait3A_375] : memref<26x100001x32xf32, #tpu.memory_space<hbm>> -> memref<1x1x32xf32, #tpu.memory_space<hbm>>
      %dma_wait3A_377 = arith.constant 0 : i32
      %dma_wait3A_378 = arith.constant 0 : i32
      %dma_wait3A_379 = arith.constant 0 : i32
      %dma_wait3A_380 = tpu.memref_slice %arg12[%dma_wait3A_377, %dma_wait3A_378, %dma_wait3A_379] : memref<1x640x32xf32, #tpu.memory_space<vmem>> -> memref<1x1x32xf32, #tpu.memory_space<vmem>>
      %dma_wait3A_381 = arith.constant 0 : i32
      %dma_wait3A_382 = arith.constant 0 : i32
      %dma_wait3A_383 = arith.constant 0 : i32
      %dma_wait3A_384 = tpu.memref_slice %arg2[%dma_wait3A_381, %dma_wait3A_382, %dma_wait3A_383] : memref<26x100001x32xf32, #tpu.memory_space<hbm>> -> memref<1x1x32xf32, #tpu.memory_space<hbm>>
      tpu.wait_dma2 semaphore(%arg13 : memref<!tpu.dma_semaphore, #tpu.memory_space<semaphore_mem>>) src(%dma_wait3A_384 : memref<1x1x32xf32, #tpu.memory_space<hbm>>) dst(%dma_wait3A_380 : memref<1x1x32xf32, #tpu.memory_space<vmem>>)
      %dma_wait3A_385 = arith.constant 0 : i32
      %dma_wait3A_386 = arith.constant 0 : i32
      %dma_wait3A_387 = arith.constant 0 : i32
      %dma_wait3A_388 = tpu.memref_slice %arg12[%dma_wait3A_385, %dma_wait3A_386, %dma_wait3A_387] : memref<1x640x32xf32, #tpu.memory_space<vmem>> -> memref<1x1x32xf32, #tpu.memory_space<vmem>>
      %dma_wait3A_389 = arith.constant 0 : i32
      %dma_wait3A_390 = arith.constant 0 : i32
      %dma_wait3A_391 = arith.constant 0 : i32
      %dma_wait3A_392 = tpu.memref_slice %arg2[%dma_wait3A_389, %dma_wait3A_390, %dma_wait3A_391] : memref<26x100001x32xf32, #tpu.memory_space<hbm>> -> memref<1x1x32xf32, #tpu.memory_space<hbm>>
      %dma_wait3A_393 = arith.constant 0 : i32
      %dma_wait3A_394 = arith.constant 0 : i32
      %dma_wait3A_395 = arith.constant 0 : i32
      %dma_wait3A_396 = tpu.memref_slice %arg12[%dma_wait3A_393, %dma_wait3A_394, %dma_wait3A_395] : memref<1x640x32xf32, #tpu.memory_space<vmem>> -> memref<1x1x32xf32, #tpu.memory_space<vmem>>
      %dma_wait3A_397 = arith.constant 0 : i32
      %dma_wait3A_398 = arith.constant 0 : i32
      %dma_wait3A_399 = arith.constant 0 : i32
      %dma_wait3A_400 = tpu.memref_slice %arg2[%dma_wait3A_397, %dma_wait3A_398, %dma_wait3A_399] : memref<26x100001x32xf32, #tpu.memory_space<hbm>> -> memref<1x1x32xf32, #tpu.memory_space<hbm>>
      tpu.wait_dma2 semaphore(%arg13 : memref<!tpu.dma_semaphore, #tpu.memory_space<semaphore_mem>>) src(%dma_wait3A_400 : memref<1x1x32xf32, #tpu.memory_space<hbm>>) dst(%dma_wait3A_396 : memref<1x1x32xf32, #tpu.memory_space<vmem>>)
      %dma_wait3A_401 = arith.constant 0 : i32
      %dma_wait3A_402 = arith.constant 0 : i32
      %dma_wait3A_403 = arith.constant 0 : i32
      %dma_wait3A_404 = tpu.memref_slice %arg12[%dma_wait3A_401, %dma_wait3A_402, %dma_wait3A_403] : memref<1x640x32xf32, #tpu.memory_space<vmem>> -> memref<1x1x32xf32, #tpu.memory_space<vmem>>
      %dma_wait3A_405 = arith.constant 0 : i32
      %dma_wait3A_406 = arith.constant 0 : i32
      %dma_wait3A_407 = arith.constant 0 : i32
      %dma_wait3A_408 = tpu.memref_slice %arg2[%dma_wait3A_405, %dma_wait3A_406, %dma_wait3A_407] : memref<26x100001x32xf32, #tpu.memory_space<hbm>> -> memref<1x1x32xf32, #tpu.memory_space<hbm>>
      %dma_wait3A_409 = arith.constant 0 : i32
      %dma_wait3A_410 = arith.constant 0 : i32
      %dma_wait3A_411 = arith.constant 0 : i32
      %dma_wait3A_412 = tpu.memref_slice %arg12[%dma_wait3A_409, %dma_wait3A_410, %dma_wait3A_411] : memref<1x640x32xf32, #tpu.memory_space<vmem>> -> memref<1x1x32xf32, #tpu.memory_space<vmem>>
      %dma_wait3A_413 = arith.constant 0 : i32
      %dma_wait3A_414 = arith.constant 0 : i32
      %dma_wait3A_415 = arith.constant 0 : i32
      %dma_wait3A_416 = tpu.memref_slice %arg2[%dma_wait3A_413, %dma_wait3A_414, %dma_wait3A_415] : memref<26x100001x32xf32, #tpu.memory_space<hbm>> -> memref<1x1x32xf32, #tpu.memory_space<hbm>>
      tpu.wait_dma2 semaphore(%arg13 : memref<!tpu.dma_semaphore, #tpu.memory_space<semaphore_mem>>) src(%dma_wait3A_416 : memref<1x1x32xf32, #tpu.memory_space<hbm>>) dst(%dma_wait3A_412 : memref<1x1x32xf32, #tpu.memory_space<vmem>>)
      %dma_wait3A_417 = arith.constant 0 : i32
      %dma_wait3A_418 = arith.constant 0 : i32
      %dma_wait3A_419 = arith.constant 0 : i32
      %dma_wait3A_420 = tpu.memref_slice %arg12[%dma_wait3A_417, %dma_wait3A_418, %dma_wait3A_419] : memref<1x640x32xf32, #tpu.memory_space<vmem>> -> memref<1x1x32xf32, #tpu.memory_space<vmem>>
      %dma_wait3A_421 = arith.constant 0 : i32
      %dma_wait3A_422 = arith.constant 0 : i32
      %dma_wait3A_423 = arith.constant 0 : i32
      %dma_wait3A_424 = tpu.memref_slice %arg2[%dma_wait3A_421, %dma_wait3A_422, %dma_wait3A_423] : memref<26x100001x32xf32, #tpu.memory_space<hbm>> -> memref<1x1x32xf32, #tpu.memory_space<hbm>>
      %dma_wait3A_425 = arith.constant 0 : i32
      %dma_wait3A_426 = arith.constant 0 : i32
      %dma_wait3A_427 = arith.constant 0 : i32
      %dma_wait3A_428 = tpu.memref_slice %arg12[%dma_wait3A_425, %dma_wait3A_426, %dma_wait3A_427] : memref<1x640x32xf32, #tpu.memory_space<vmem>> -> memref<1x1x32xf32, #tpu.memory_space<vmem>>
      %dma_wait3A_429 = arith.constant 0 : i32
      %dma_wait3A_430 = arith.constant 0 : i32
      %dma_wait3A_431 = arith.constant 0 : i32
      %dma_wait3A_432 = tpu.memref_slice %arg2[%dma_wait3A_429, %dma_wait3A_430, %dma_wait3A_431] : memref<26x100001x32xf32, #tpu.memory_space<hbm>> -> memref<1x1x32xf32, #tpu.memory_space<hbm>>
      tpu.wait_dma2 semaphore(%arg13 : memref<!tpu.dma_semaphore, #tpu.memory_space<semaphore_mem>>) src(%dma_wait3A_432 : memref<1x1x32xf32, #tpu.memory_space<hbm>>) dst(%dma_wait3A_428 : memref<1x1x32xf32, #tpu.memory_space<vmem>>)
      %add3A_433 = arith.constant 14 : i32
      %add3A_434 = arith.addi %add3A_11, %add3A_433 : i32
      %dma_start3A = arith.constant 0 : i32
      %dma_start3A_435 = arith.constant 560 : i32
      %dma_start3A_436 = arith.constant 0 : i32
      %dma_start3A_437 = tpu.memref_slice %arg12[%dma_start3A, %dma_start3A_435, %dma_start3A_436] : memref<1x640x32xf32, #tpu.memory_space<vmem>> -> memref<1x39x32xf32, #tpu.memory_space<vmem>>
      %dma_start3A_438 = arith.constant 0 : i32
      %dma_start3A_439 = arith.constant 0 : i32
      %dma_start3A_440 = tpu.memref_slice %arg7[%add3A_434, %dma_start3A_438, %dma_start3A_439] : memref<16384x39x32xf32, #tpu.memory_space<hbm>> -> memref<1x39x32xf32, #tpu.memory_space<hbm>>
      %dma_start3A_441 = arith.constant 0 : i32
      %dma_start3A_442 = arith.constant 0 : i32
      %dma_start3A_443 = tpu.memref_slice %arg7[%add3A_434, %dma_start3A_441, %dma_start3A_442] : memref<16384x39x32xf32, #tpu.memory_space<hbm>> -> memref<1x39x32xf32, #tpu.memory_space<hbm>>
      %dma_start3A_444 = arith.constant 0 : i32
      %dma_start3A_445 = arith.constant 560 : i32
      %dma_start3A_446 = arith.constant 0 : i32
      %dma_start3A_447 = tpu.memref_slice %arg12[%dma_start3A_444, %dma_start3A_445, %dma_start3A_446] : memref<1x640x32xf32, #tpu.memory_space<vmem>> -> memref<1x39x32xf32, #tpu.memory_space<vmem>>
      tpu.enqueue_dma source(%dma_start3A_447 : memref<1x39x32xf32, #tpu.memory_space<vmem>>) target(%dma_start3A_443 : memref<1x39x32xf32, #tpu.memory_space<hbm>>) target_semaphore(%arg14 : memref<!tpu.dma_semaphore, #tpu.memory_space<semaphore_mem>>)
      %dma_wait3A_448 = arith.constant 0 : i32
      %dma_wait3A_449 = arith.constant 0 : i32
      %dma_wait3A_450 = arith.constant 0 : i32
      %dma_wait3A_451 = tpu.memref_slice %arg12[%dma_wait3A_448, %dma_wait3A_449, %dma_wait3A_450] : memref<1x640x32xf32, #tpu.memory_space<vmem>> -> memref<1x1x32xf32, #tpu.memory_space<vmem>>
      %dma_wait3A_452 = arith.constant 0 : i32
      %dma_wait3A_453 = arith.constant 0 : i32
      %dma_wait3A_454 = arith.constant 0 : i32
      %dma_wait3A_455 = tpu.memref_slice %arg2[%dma_wait3A_452, %dma_wait3A_453, %dma_wait3A_454] : memref<26x100001x32xf32, #tpu.memory_space<hbm>> -> memref<1x1x32xf32, #tpu.memory_space<hbm>>
      %dma_wait3A_456 = arith.constant 0 : i32
      %dma_wait3A_457 = arith.constant 0 : i32
      %dma_wait3A_458 = arith.constant 0 : i32
      %dma_wait3A_459 = tpu.memref_slice %arg12[%dma_wait3A_456, %dma_wait3A_457, %dma_wait3A_458] : memref<1x640x32xf32, #tpu.memory_space<vmem>> -> memref<1x1x32xf32, #tpu.memory_space<vmem>>
      %dma_wait3A_460 = arith.constant 0 : i32
      %dma_wait3A_461 = arith.constant 0 : i32
      %dma_wait3A_462 = arith.constant 0 : i32
      %dma_wait3A_463 = tpu.memref_slice %arg2[%dma_wait3A_460, %dma_wait3A_461, %dma_wait3A_462] : memref<26x100001x32xf32, #tpu.memory_space<hbm>> -> memref<1x1x32xf32, #tpu.memory_space<hbm>>
      tpu.wait_dma2 semaphore(%arg13 : memref<!tpu.dma_semaphore, #tpu.memory_space<semaphore_mem>>) src(%dma_wait3A_463 : memref<1x1x32xf32, #tpu.memory_space<hbm>>) dst(%dma_wait3A_459 : memref<1x1x32xf32, #tpu.memory_space<vmem>>)
      %dma_wait3A_464 = arith.constant 0 : i32
      %dma_wait3A_465 = arith.constant 0 : i32
      %dma_wait3A_466 = arith.constant 0 : i32
      %dma_wait3A_467 = tpu.memref_slice %arg12[%dma_wait3A_464, %dma_wait3A_465, %dma_wait3A_466] : memref<1x640x32xf32, #tpu.memory_space<vmem>> -> memref<1x1x32xf32, #tpu.memory_space<vmem>>
      %dma_wait3A_468 = arith.constant 0 : i32
      %dma_wait3A_469 = arith.constant 0 : i32
      %dma_wait3A_470 = arith.constant 0 : i32
      %dma_wait3A_471 = tpu.memref_slice %arg2[%dma_wait3A_468, %dma_wait3A_469, %dma_wait3A_470] : memref<26x100001x32xf32, #tpu.memory_space<hbm>> -> memref<1x1x32xf32, #tpu.memory_space<hbm>>
      %dma_wait3A_472 = arith.constant 0 : i32
      %dma_wait3A_473 = arith.constant 0 : i32
      %dma_wait3A_474 = arith.constant 0 : i32
      %dma_wait3A_475 = tpu.memref_slice %arg12[%dma_wait3A_472, %dma_wait3A_473, %dma_wait3A_474] : memref<1x640x32xf32, #tpu.memory_space<vmem>> -> memref<1x1x32xf32, #tpu.memory_space<vmem>>
      %dma_wait3A_476 = arith.constant 0 : i32
      %dma_wait3A_477 = arith.constant 0 : i32
      %dma_wait3A_478 = arith.constant 0 : i32
      %dma_wait3A_479 = tpu.memref_slice %arg2[%dma_wait3A_476, %dma_wait3A_477, %dma_wait3A_478] : memref<26x100001x32xf32, #tpu.memory_space<hbm>> -> memref<1x1x32xf32, #tpu.memory_space<hbm>>
      tpu.wait_dma2 semaphore(%arg13 : memref<!tpu.dma_semaphore, #tpu.memory_space<semaphore_mem>>) src(%dma_wait3A_479 : memref<1x1x32xf32, #tpu.memory_space<hbm>>) dst(%dma_wait3A_475 : memref<1x1x32xf32, #tpu.memory_space<vmem>>)
      %dma_wait3A_480 = arith.constant 0 : i32
      %dma_wait3A_481 = arith.constant 0 : i32
      %dma_wait3A_482 = arith.constant 0 : i32
      %dma_wait3A_483 = tpu.memref_slice %arg12[%dma_wait3A_480, %dma_wait3A_481, %dma_wait3A_482] : memref<1x640x32xf32, #tpu.memory_space<vmem>> -> memref<1x1x32xf32, #tpu.memory_space<vmem>>
      %dma_wait3A_484 = arith.constant 0 : i32
      %dma_wait3A_485 = arith.constant 0 : i32
      %dma_wait3A_486 = arith.constant 0 : i32
      %dma_wait3A_487 = tpu.memref_slice %arg2[%dma_wait3A_484, %dma_wait3A_485, %dma_wait3A_486] : memref<26x100001x32xf32, #tpu.memory_space<hbm>> -> memref<1x1x32xf32, #tpu.memory_space<hbm>>
      %dma_wait3A_488 = arith.constant 0 : i32
      %dma_wait3A_489 = arith.constant 0 : i32
      %dma_wait3A_490 = arith.constant 0 : i32
      %dma_wait3A_491 = tpu.memref_slice %arg12[%dma_wait3A_488, %dma_wait3A_489, %dma_wait3A_490] : memref<1x640x32xf32, #tpu.memory_space<vmem>> -> memref<1x1x32xf32, #tpu.memory_space<vmem>>
      %dma_wait3A_492 = arith.constant 0 : i32
      %dma_wait3A_493 = arith.constant 0 : i32
      %dma_wait3A_494 = arith.constant 0 : i32
      %dma_wait3A_495 = tpu.memref_slice %arg2[%dma_wait3A_492, %dma_wait3A_493, %dma_wait3A_494] : memref<26x100001x32xf32, #tpu.memory_space<hbm>> -> memref<1x1x32xf32, #tpu.memory_space<hbm>>
      tpu.wait_dma2 semaphore(%arg13 : memref<!tpu.dma_semaphore, #tpu.memory_space<semaphore_mem>>) src(%dma_wait3A_495 : memref<1x1x32xf32, #tpu.memory_space<hbm>>) dst(%dma_wait3A_491 : memref<1x1x32xf32, #tpu.memory_space<vmem>>)
      %dma_wait3A_496 = arith.constant 0 : i32
      %dma_wait3A_497 = arith.constant 0 : i32
      %dma_wait3A_498 = arith.constant 0 : i32
      %dma_wait3A_499 = tpu.memref_slice %arg12[%dma_wait3A_496, %dma_wait3A_497, %dma_wait3A_498] : memref<1x640x32xf32, #tpu.memory_space<vmem>> -> memref<1x1x32xf32, #tpu.memory_space<vmem>>
      %dma_wait3A_500 = arith.constant 0 : i32
      %dma_wait3A_501 = arith.constant 0 : i32
      %dma_wait3A_502 = arith.constant 0 : i32
      %dma_wait3A_503 = tpu.memref_slice %arg2[%dma_wait3A_500, %dma_wait3A_501, %dma_wait3A_502] : memref<26x100001x32xf32, #tpu.memory_space<hbm>> -> memref<1x1x32xf32, #tpu.memory_space<hbm>>
      %dma_wait3A_504 = arith.constant 0 : i32
      %dma_wait3A_505 = arith.constant 0 : i32
      %dma_wait3A_506 = arith.constant 0 : i32
      %dma_wait3A_507 = tpu.memref_slice %arg12[%dma_wait3A_504, %dma_wait3A_505, %dma_wait3A_506] : memref<1x640x32xf32, #tpu.memory_space<vmem>> -> memref<1x1x32xf32, #tpu.memory_space<vmem>>
      %dma_wait3A_508 = arith.constant 0 : i32
      %dma_wait3A_509 = arith.constant 0 : i32
      %dma_wait3A_510 = arith.constant 0 : i32
      %dma_wait3A_511 = tpu.memref_slice %arg2[%dma_wait3A_508, %dma_wait3A_509, %dma_wait3A_510] : memref<26x100001x32xf32, #tpu.memory_space<hbm>> -> memref<1x1x32xf32, #tpu.memory_space<hbm>>
      tpu.wait_dma2 semaphore(%arg13 : memref<!tpu.dma_semaphore, #tpu.memory_space<semaphore_mem>>) src(%dma_wait3A_511 : memref<1x1x32xf32, #tpu.memory_space<hbm>>) dst(%dma_wait3A_507 : memref<1x1x32xf32, #tpu.memory_space<vmem>>)
      %dma_wait3A_512 = arith.constant 0 : i32
      %dma_wait3A_513 = arith.constant 0 : i32
      %dma_wait3A_514 = arith.constant 0 : i32
      %dma_wait3A_515 = tpu.memref_slice %arg12[%dma_wait3A_512, %dma_wait3A_513, %dma_wait3A_514] : memref<1x640x32xf32, #tpu.memory_space<vmem>> -> memref<1x1x32xf32, #tpu.memory_space<vmem>>
      %dma_wait3A_516 = arith.constant 0 : i32
      %dma_wait3A_517 = arith.constant 0 : i32
      %dma_wait3A_518 = arith.constant 0 : i32
      %dma_wait3A_519 = tpu.memref_slice %arg2[%dma_wait3A_516, %dma_wait3A_517, %dma_wait3A_518] : memref<26x100001x32xf32, #tpu.memory_space<hbm>> -> memref<1x1x32xf32, #tpu.memory_space<hbm>>
      %dma_wait3A_520 = arith.constant 0 : i32
      %dma_wait3A_521 = arith.constant 0 : i32
      %dma_wait3A_522 = arith.constant 0 : i32
      %dma_wait3A_523 = tpu.memref_slice %arg12[%dma_wait3A_520, %dma_wait3A_521, %dma_wait3A_522] : memref<1x640x32xf32, #tpu.memory_space<vmem>> -> memref<1x1x32xf32, #tpu.memory_space<vmem>>
      %dma_wait3A_524 = arith.constant 0 : i32
      %dma_wait3A_525 = arith.constant 0 : i32
      %dma_wait3A_526 = arith.constant 0 : i32
      %dma_wait3A_527 = tpu.memref_slice %arg2[%dma_wait3A_524, %dma_wait3A_525, %dma_wait3A_526] : memref<26x100001x32xf32, #tpu.memory_space<hbm>> -> memref<1x1x32xf32, #tpu.memory_space<hbm>>
      tpu.wait_dma2 semaphore(%arg13 : memref<!tpu.dma_semaphore, #tpu.memory_space<semaphore_mem>>) src(%dma_wait3A_527 : memref<1x1x32xf32, #tpu.memory_space<hbm>>) dst(%dma_wait3A_523 : memref<1x1x32xf32, #tpu.memory_space<vmem>>)
      %dma_wait3A_528 = arith.constant 0 : i32
      %dma_wait3A_529 = arith.constant 0 : i32
      %dma_wait3A_530 = arith.constant 0 : i32
      %dma_wait3A_531 = tpu.memref_slice %arg12[%dma_wait3A_528, %dma_wait3A_529, %dma_wait3A_530] : memref<1x640x32xf32, #tpu.memory_space<vmem>> -> memref<1x1x32xf32, #tpu.memory_space<vmem>>
      %dma_wait3A_532 = arith.constant 0 : i32
      %dma_wait3A_533 = arith.constant 0 : i32
      %dma_wait3A_534 = arith.constant 0 : i32
      %dma_wait3A_535 = tpu.memref_slice %arg2[%dma_wait3A_532, %dma_wait3A_533, %dma_wait3A_534] : memref<26x100001x32xf32, #tpu.memory_space<hbm>> -> memref<1x1x32xf32, #tpu.memory_space<hbm>>
      %dma_wait3A_536 = arith.constant 0 : i32
      %dma_wait3A_537 = arith.constant 0 : i32
      %dma_wait3A_538 = arith.constant 0 : i32
      %dma_wait3A_539 = tpu.memref_slice %arg12[%dma_wait3A_536, %dma_wait3A_537, %dma_wait3A_538] : memref<1x640x32xf32, #tpu.memory_space<vmem>> -> memref<1x1x32xf32, #tpu.memory_space<vmem>>
      %dma_wait3A_540 = arith.constant 0 : i32
      %dma_wait3A_541 = arith.constant 0 : i32
      %dma_wait3A_542 = arith.constant 0 : i32
      %dma_wait3A_543 = tpu.memref_slice %arg2[%dma_wait3A_540, %dma_wait3A_541, %dma_wait3A_542] : memref<26x100001x32xf32, #tpu.memory_space<hbm>> -> memref<1x1x32xf32, #tpu.memory_space<hbm>>
      tpu.wait_dma2 semaphore(%arg13 : memref<!tpu.dma_semaphore, #tpu.memory_space<semaphore_mem>>) src(%dma_wait3A_543 : memref<1x1x32xf32, #tpu.memory_space<hbm>>) dst(%dma_wait3A_539 : memref<1x1x32xf32, #tpu.memory_space<vmem>>)
      %dma_wait3A_544 = arith.constant 0 : i32
      %dma_wait3A_545 = arith.constant 0 : i32
      %dma_wait3A_546 = arith.constant 0 : i32
      %dma_wait3A_547 = tpu.memref_slice %arg12[%dma_wait3A_544, %dma_wait3A_545, %dma_wait3A_546] : memref<1x640x32xf32, #tpu.memory_space<vmem>> -> memref<1x1x32xf32, #tpu.memory_space<vmem>>
      %dma_wait3A_548 = arith.constant 0 : i32
      %dma_wait3A_549 = arith.constant 0 : i32
      %dma_wait3A_550 = arith.constant 0 : i32
      %dma_wait3A_551 = tpu.memref_slice %arg2[%dma_wait3A_548, %dma_wait3A_549, %dma_wait3A_550] : memref<26x100001x32xf32, #tpu.memory_space<hbm>> -> memref<1x1x32xf32, #tpu.memory_space<hbm>>
      %dma_wait3A_552 = arith.constant 0 : i32
      %dma_wait3A_553 = arith.constant 0 : i32
      %dma_wait3A_554 = arith.constant 0 : i32
      %dma_wait3A_555 = tpu.memref_slice %arg12[%dma_wait3A_552, %dma_wait3A_553, %dma_wait3A_554] : memref<1x640x32xf32, #tpu.memory_space<vmem>> -> memref<1x1x32xf32, #tpu.memory_space<vmem>>
      %dma_wait3A_556 = arith.constant 0 : i32
      %dma_wait3A_557 = arith.constant 0 : i32
      %dma_wait3A_558 = arith.constant 0 : i32
      %dma_wait3A_559 = tpu.memref_slice %arg2[%dma_wait3A_556, %dma_wait3A_557, %dma_wait3A_558] : memref<26x100001x32xf32, #tpu.memory_space<hbm>> -> memref<1x1x32xf32, #tpu.memory_space<hbm>>
      tpu.wait_dma2 semaphore(%arg13 : memref<!tpu.dma_semaphore, #tpu.memory_space<semaphore_mem>>) src(%dma_wait3A_559 : memref<1x1x32xf32, #tpu.memory_space<hbm>>) dst(%dma_wait3A_555 : memref<1x1x32xf32, #tpu.memory_space<vmem>>)
      %dma_wait3A_560 = arith.constant 0 : i32
      %dma_wait3A_561 = arith.constant 0 : i32
      %dma_wait3A_562 = arith.constant 0 : i32
      %dma_wait3A_563 = tpu.memref_slice %arg12[%dma_wait3A_560, %dma_wait3A_561, %dma_wait3A_562] : memref<1x640x32xf32, #tpu.memory_space<vmem>> -> memref<1x1x32xf32, #tpu.memory_space<vmem>>
      %dma_wait3A_564 = arith.constant 0 : i32
      %dma_wait3A_565 = arith.constant 0 : i32
      %dma_wait3A_566 = arith.constant 0 : i32
      %dma_wait3A_567 = tpu.memref_slice %arg2[%dma_wait3A_564, %dma_wait3A_565, %dma_wait3A_566] : memref<26x100001x32xf32, #tpu.memory_space<hbm>> -> memref<1x1x32xf32, #tpu.memory_space<hbm>>
      %dma_wait3A_568 = arith.constant 0 : i32
      %dma_wait3A_569 = arith.constant 0 : i32
      %dma_wait3A_570 = arith.constant 0 : i32
      %dma_wait3A_571 = tpu.memref_slice %arg12[%dma_wait3A_568, %dma_wait3A_569, %dma_wait3A_570] : memref<1x640x32xf32, #tpu.memory_space<vmem>> -> memref<1x1x32xf32, #tpu.memory_space<vmem>>
      %dma_wait3A_572 = arith.constant 0 : i32
      %dma_wait3A_573 = arith.constant 0 : i32
      %dma_wait3A_574 = arith.constant 0 : i32
      %dma_wait3A_575 = tpu.memref_slice %arg2[%dma_wait3A_572, %dma_wait3A_573, %dma_wait3A_574] : memref<26x100001x32xf32, #tpu.memory_space<hbm>> -> memref<1x1x32xf32, #tpu.memory_space<hbm>>
      tpu.wait_dma2 semaphore(%arg13 : memref<!tpu.dma_semaphore, #tpu.memory_space<semaphore_mem>>) src(%dma_wait3A_575 : memref<1x1x32xf32, #tpu.memory_space<hbm>>) dst(%dma_wait3A_571 : memref<1x1x32xf32, #tpu.memory_space<vmem>>)
      %dma_wait3A_576 = arith.constant 0 : i32
      %dma_wait3A_577 = arith.constant 0 : i32
      %dma_wait3A_578 = arith.constant 0 : i32
      %dma_wait3A_579 = tpu.memref_slice %arg12[%dma_wait3A_576, %dma_wait3A_577, %dma_wait3A_578] : memref<1x640x32xf32, #tpu.memory_space<vmem>> -> memref<1x1x32xf32, #tpu.memory_space<vmem>>
      %dma_wait3A_580 = arith.constant 0 : i32
      %dma_wait3A_581 = arith.constant 0 : i32
      %dma_wait3A_582 = arith.constant 0 : i32
      %dma_wait3A_583 = tpu.memref_slice %arg2[%dma_wait3A_580, %dma_wait3A_581, %dma_wait3A_582] : memref<26x100001x32xf32, #tpu.memory_space<hbm>> -> memref<1x1x32xf32, #tpu.memory_space<hbm>>
      %dma_wait3A_584 = arith.constant 0 : i32
      %dma_wait3A_585 = arith.constant 0 : i32
      %dma_wait3A_586 = arith.constant 0 : i32
      %dma_wait3A_587 = tpu.memref_slice %arg12[%dma_wait3A_584, %dma_wait3A_585, %dma_wait3A_586] : memref<1x640x32xf32, #tpu.memory_space<vmem>> -> memref<1x1x32xf32, #tpu.memory_space<vmem>>
      %dma_wait3A_588 = arith.constant 0 : i32
      %dma_wait3A_589 = arith.constant 0 : i32
      %dma_wait3A_590 = arith.constant 0 : i32
      %dma_wait3A_591 = tpu.memref_slice %arg2[%dma_wait3A_588, %dma_wait3A_589, %dma_wait3A_590] : memref<26x100001x32xf32, #tpu.memory_space<hbm>> -> memref<1x1x32xf32, #tpu.memory_space<hbm>>
      tpu.wait_dma2 semaphore(%arg13 : memref<!tpu.dma_semaphore, #tpu.memory_space<semaphore_mem>>) src(%dma_wait3A_591 : memref<1x1x32xf32, #tpu.memory_space<hbm>>) dst(%dma_wait3A_587 : memref<1x1x32xf32, #tpu.memory_space<vmem>>)
      %dma_wait3A_592 = arith.constant 0 : i32
      %dma_wait3A_593 = arith.constant 0 : i32
      %dma_wait3A_594 = arith.constant 0 : i32
      %dma_wait3A_595 = tpu.memref_slice %arg12[%dma_wait3A_592, %dma_wait3A_593, %dma_wait3A_594] : memref<1x640x32xf32, #tpu.memory_space<vmem>> -> memref<1x1x32xf32, #tpu.memory_space<vmem>>
      %dma_wait3A_596 = arith.constant 0 : i32
      %dma_wait3A_597 = arith.constant 0 : i32
      %dma_wait3A_598 = arith.constant 0 : i32
      %dma_wait3A_599 = tpu.memref_slice %arg2[%dma_wait3A_596, %dma_wait3A_597, %dma_wait3A_598] : memref<26x100001x32xf32, #tpu.memory_space<hbm>> -> memref<1x1x32xf32, #tpu.memory_space<hbm>>
      %dma_wait3A_600 = arith.constant 0 : i32
      %dma_wait3A_601 = arith.constant 0 : i32
      %dma_wait3A_602 = arith.constant 0 : i32
      %dma_wait3A_603 = tpu.memref_slice %arg12[%dma_wait3A_600, %dma_wait3A_601, %dma_wait3A_602] : memref<1x640x32xf32, #tpu.memory_space<vmem>> -> memref<1x1x32xf32, #tpu.memory_space<vmem>>
      %dma_wait3A_604 = arith.constant 0 : i32
      %dma_wait3A_605 = arith.constant 0 : i32
      %dma_wait3A_606 = arith.constant 0 : i32
      %dma_wait3A_607 = tpu.memref_slice %arg2[%dma_wait3A_604, %dma_wait3A_605, %dma_wait3A_606] : memref<26x100001x32xf32, #tpu.memory_space<hbm>> -> memref<1x1x32xf32, #tpu.memory_space<hbm>>
      tpu.wait_dma2 semaphore(%arg13 : memref<!tpu.dma_semaphore, #tpu.memory_space<semaphore_mem>>) src(%dma_wait3A_607 : memref<1x1x32xf32, #tpu.memory_space<hbm>>) dst(%dma_wait3A_603 : memref<1x1x32xf32, #tpu.memory_space<vmem>>)
      %dma_wait3A_608 = arith.constant 0 : i32
      %dma_wait3A_609 = arith.constant 0 : i32
      %dma_wait3A_610 = arith.constant 0 : i32
      %dma_wait3A_611 = tpu.memref_slice %arg12[%dma_wait3A_608, %dma_wait3A_609, %dma_wait3A_610] : memref<1x640x32xf32, #tpu.memory_space<vmem>> -> memref<1x1x32xf32, #tpu.memory_space<vmem>>
      %dma_wait3A_612 = arith.constant 0 : i32
      %dma_wait3A_613 = arith.constant 0 : i32
      %dma_wait3A_614 = arith.constant 0 : i32
      %dma_wait3A_615 = tpu.memref_slice %arg2[%dma_wait3A_612, %dma_wait3A_613, %dma_wait3A_614] : memref<26x100001x32xf32, #tpu.memory_space<hbm>> -> memref<1x1x32xf32, #tpu.memory_space<hbm>>
      %dma_wait3A_616 = arith.constant 0 : i32
      %dma_wait3A_617 = arith.constant 0 : i32
      %dma_wait3A_618 = arith.constant 0 : i32
      %dma_wait3A_619 = tpu.memref_slice %arg12[%dma_wait3A_616, %dma_wait3A_617, %dma_wait3A_618] : memref<1x640x32xf32, #tpu.memory_space<vmem>> -> memref<1x1x32xf32, #tpu.memory_space<vmem>>
      %dma_wait3A_620 = arith.constant 0 : i32
      %dma_wait3A_621 = arith.constant 0 : i32
      %dma_wait3A_622 = arith.constant 0 : i32
      %dma_wait3A_623 = tpu.memref_slice %arg2[%dma_wait3A_620, %dma_wait3A_621, %dma_wait3A_622] : memref<26x100001x32xf32, #tpu.memory_space<hbm>> -> memref<1x1x32xf32, #tpu.memory_space<hbm>>
      tpu.wait_dma2 semaphore(%arg13 : memref<!tpu.dma_semaphore, #tpu.memory_space<semaphore_mem>>) src(%dma_wait3A_623 : memref<1x1x32xf32, #tpu.memory_space<hbm>>) dst(%dma_wait3A_619 : memref<1x1x32xf32, #tpu.memory_space<vmem>>)
      %dma_wait3A_624 = arith.constant 0 : i32
      %dma_wait3A_625 = arith.constant 0 : i32
      %dma_wait3A_626 = arith.constant 0 : i32
      %dma_wait3A_627 = tpu.memref_slice %arg12[%dma_wait3A_624, %dma_wait3A_625, %dma_wait3A_626] : memref<1x640x32xf32, #tpu.memory_space<vmem>> -> memref<1x1x32xf32, #tpu.memory_space<vmem>>
      %dma_wait3A_628 = arith.constant 0 : i32
      %dma_wait3A_629 = arith.constant 0 : i32
      %dma_wait3A_630 = arith.constant 0 : i32
      %dma_wait3A_631 = tpu.memref_slice %arg2[%dma_wait3A_628, %dma_wait3A_629, %dma_wait3A_630] : memref<26x100001x32xf32, #tpu.memory_space<hbm>> -> memref<1x1x32xf32, #tpu.memory_space<hbm>>
      %dma_wait3A_632 = arith.constant 0 : i32
      %dma_wait3A_633 = arith.constant 0 : i32
      %dma_wait3A_634 = arith.constant 0 : i32
      %dma_wait3A_635 = tpu.memref_slice %arg12[%dma_wait3A_632, %dma_wait3A_633, %dma_wait3A_634] : memref<1x640x32xf32, #tpu.memory_space<vmem>> -> memref<1x1x32xf32, #tpu.memory_space<vmem>>
      %dma_wait3A_636 = arith.constant 0 : i32
      %dma_wait3A_637 = arith.constant 0 : i32
      %dma_wait3A_638 = arith.constant 0 : i32
      %dma_wait3A_639 = tpu.memref_slice %arg2[%dma_wait3A_636, %dma_wait3A_637, %dma_wait3A_638] : memref<26x100001x32xf32, #tpu.memory_space<hbm>> -> memref<1x1x32xf32, #tpu.memory_space<hbm>>
      tpu.wait_dma2 semaphore(%arg13 : memref<!tpu.dma_semaphore, #tpu.memory_space<semaphore_mem>>) src(%dma_wait3A_639 : memref<1x1x32xf32, #tpu.memory_space<hbm>>) dst(%dma_wait3A_635 : memref<1x1x32xf32, #tpu.memory_space<vmem>>)
      %dma_wait3A_640 = arith.constant 0 : i32
      %dma_wait3A_641 = arith.constant 0 : i32
      %dma_wait3A_642 = arith.constant 0 : i32
      %dma_wait3A_643 = tpu.memref_slice %arg12[%dma_wait3A_640, %dma_wait3A_641, %dma_wait3A_642] : memref<1x640x32xf32, #tpu.memory_space<vmem>> -> memref<1x1x32xf32, #tpu.memory_space<vmem>>
      %dma_wait3A_644 = arith.constant 0 : i32
      %dma_wait3A_645 = arith.constant 0 : i32
      %dma_wait3A_646 = arith.constant 0 : i32
      %dma_wait3A_647 = tpu.memref_slice %arg2[%dma_wait3A_644, %dma_wait3A_645, %dma_wait3A_646] : memref<26x100001x32xf32, #tpu.memory_space<hbm>> -> memref<1x1x32xf32, #tpu.memory_space<hbm>>
      %dma_wait3A_648 = arith.constant 0 : i32
      %dma_wait3A_649 = arith.constant 0 : i32
      %dma_wait3A_650 = arith.constant 0 : i32
      %dma_wait3A_651 = tpu.memref_slice %arg12[%dma_wait3A_648, %dma_wait3A_649, %dma_wait3A_650] : memref<1x640x32xf32, #tpu.memory_space<vmem>> -> memref<1x1x32xf32, #tpu.memory_space<vmem>>
      %dma_wait3A_652 = arith.constant 0 : i32
      %dma_wait3A_653 = arith.constant 0 : i32
      %dma_wait3A_654 = arith.constant 0 : i32
      %dma_wait3A_655 = tpu.memref_slice %arg2[%dma_wait3A_652, %dma_wait3A_653, %dma_wait3A_654] : memref<26x100001x32xf32, #tpu.memory_space<hbm>> -> memref<1x1x32xf32, #tpu.memory_space<hbm>>
      tpu.wait_dma2 semaphore(%arg13 : memref<!tpu.dma_semaphore, #tpu.memory_space<semaphore_mem>>) src(%dma_wait3A_655 : memref<1x1x32xf32, #tpu.memory_space<hbm>>) dst(%dma_wait3A_651 : memref<1x1x32xf32, #tpu.memory_space<vmem>>)
      %dma_wait3A_656 = arith.constant 0 : i32
      %dma_wait3A_657 = arith.constant 0 : i32
      %dma_wait3A_658 = arith.constant 0 : i32
      %dma_wait3A_659 = tpu.memref_slice %arg12[%dma_wait3A_656, %dma_wait3A_657, %dma_wait3A_658] : memref<1x640x32xf32, #tpu.memory_space<vmem>> -> memref<1x1x32xf32, #tpu.memory_space<vmem>>
      %dma_wait3A_660 = arith.constant 0 : i32
      %dma_wait3A_661 = arith.constant 0 : i32
      %dma_wait3A_662 = arith.constant 0 : i32
      %dma_wait3A_663 = tpu.memref_slice %arg2[%dma_wait3A_660, %dma_wait3A_661, %dma_wait3A_662] : memref<26x100001x32xf32, #tpu.memory_space<hbm>> -> memref<1x1x32xf32, #tpu.memory_space<hbm>>
      %dma_wait3A_664 = arith.constant 0 : i32
      %dma_wait3A_665 = arith.constant 0 : i32
      %dma_wait3A_666 = arith.constant 0 : i32
      %dma_wait3A_667 = tpu.memref_slice %arg12[%dma_wait3A_664, %dma_wait3A_665, %dma_wait3A_666] : memref<1x640x32xf32, #tpu.memory_space<vmem>> -> memref<1x1x32xf32, #tpu.memory_space<vmem>>
      %dma_wait3A_668 = arith.constant 0 : i32
      %dma_wait3A_669 = arith.constant 0 : i32
      %dma_wait3A_670 = arith.constant 0 : i32
      %dma_wait3A_671 = tpu.memref_slice %arg2[%dma_wait3A_668, %dma_wait3A_669, %dma_wait3A_670] : memref<26x100001x32xf32, #tpu.memory_space<hbm>> -> memref<1x1x32xf32, #tpu.memory_space<hbm>>
      tpu.wait_dma2 semaphore(%arg13 : memref<!tpu.dma_semaphore, #tpu.memory_space<semaphore_mem>>) src(%dma_wait3A_671 : memref<1x1x32xf32, #tpu.memory_space<hbm>>) dst(%dma_wait3A_667 : memref<1x1x32xf32, #tpu.memory_space<vmem>>)
      %dma_wait3A_672 = arith.constant 0 : i32
      %dma_wait3A_673 = arith.constant 0 : i32
      %dma_wait3A_674 = arith.constant 0 : i32
      %dma_wait3A_675 = tpu.memref_slice %arg12[%dma_wait3A_672, %dma_wait3A_673, %dma_wait3A_674] : memref<1x640x32xf32, #tpu.memory_space<vmem>> -> memref<1x1x32xf32, #tpu.memory_space<vmem>>
      %dma_wait3A_676 = arith.constant 0 : i32
      %dma_wait3A_677 = arith.constant 0 : i32
      %dma_wait3A_678 = arith.constant 0 : i32
      %dma_wait3A_679 = tpu.memref_slice %arg2[%dma_wait3A_676, %dma_wait3A_677, %dma_wait3A_678] : memref<26x100001x32xf32, #tpu.memory_space<hbm>> -> memref<1x1x32xf32, #tpu.memory_space<hbm>>
      %dma_wait3A_680 = arith.constant 0 : i32
      %dma_wait3A_681 = arith.constant 0 : i32
      %dma_wait3A_682 = arith.constant 0 : i32
      %dma_wait3A_683 = tpu.memref_slice %arg12[%dma_wait3A_680, %dma_wait3A_681, %dma_wait3A_682] : memref<1x640x32xf32, #tpu.memory_space<vmem>> -> memref<1x1x32xf32, #tpu.memory_space<vmem>>
      %dma_wait3A_684 = arith.constant 0 : i32
      %dma_wait3A_685 = arith.constant 0 : i32
      %dma_wait3A_686 = arith.constant 0 : i32
      %dma_wait3A_687 = tpu.memref_slice %arg2[%dma_wait3A_684, %dma_wait3A_685, %dma_wait3A_686] : memref<26x100001x32xf32, #tpu.memory_space<hbm>> -> memref<1x1x32xf32, #tpu.memory_space<hbm>>
      tpu.wait_dma2 semaphore(%arg13 : memref<!tpu.dma_semaphore, #tpu.memory_space<semaphore_mem>>) src(%dma_wait3A_687 : memref<1x1x32xf32, #tpu.memory_space<hbm>>) dst(%dma_wait3A_683 : memref<1x1x32xf32, #tpu.memory_space<vmem>>)
      %dma_wait3A_688 = arith.constant 0 : i32
      %dma_wait3A_689 = arith.constant 0 : i32
      %dma_wait3A_690 = arith.constant 0 : i32
      %dma_wait3A_691 = tpu.memref_slice %arg12[%dma_wait3A_688, %dma_wait3A_689, %dma_wait3A_690] : memref<1x640x32xf32, #tpu.memory_space<vmem>> -> memref<1x1x32xf32, #tpu.memory_space<vmem>>
      %dma_wait3A_692 = arith.constant 0 : i32
      %dma_wait3A_693 = arith.constant 0 : i32
      %dma_wait3A_694 = arith.constant 0 : i32
      %dma_wait3A_695 = tpu.memref_slice %arg2[%dma_wait3A_692, %dma_wait3A_693, %dma_wait3A_694] : memref<26x100001x32xf32, #tpu.memory_space<hbm>> -> memref<1x1x32xf32, #tpu.memory_space<hbm>>
      %dma_wait3A_696 = arith.constant 0 : i32
      %dma_wait3A_697 = arith.constant 0 : i32
      %dma_wait3A_698 = arith.constant 0 : i32
      %dma_wait3A_699 = tpu.memref_slice %arg12[%dma_wait3A_696, %dma_wait3A_697, %dma_wait3A_698] : memref<1x640x32xf32, #tpu.memory_space<vmem>> -> memref<1x1x32xf32, #tpu.memory_space<vmem>>
      %dma_wait3A_700 = arith.constant 0 : i32
      %dma_wait3A_701 = arith.constant 0 : i32
      %dma_wait3A_702 = arith.constant 0 : i32
      %dma_wait3A_703 = tpu.memref_slice %arg2[%dma_wait3A_700, %dma_wait3A_701, %dma_wait3A_702] : memref<26x100001x32xf32, #tpu.memory_space<hbm>> -> memref<1x1x32xf32, #tpu.memory_space<hbm>>
      tpu.wait_dma2 semaphore(%arg13 : memref<!tpu.dma_semaphore, #tpu.memory_space<semaphore_mem>>) src(%dma_wait3A_703 : memref<1x1x32xf32, #tpu.memory_space<hbm>>) dst(%dma_wait3A_699 : memref<1x1x32xf32, #tpu.memory_space<vmem>>)
      %dma_wait3A_704 = arith.constant 0 : i32
      %dma_wait3A_705 = arith.constant 0 : i32
      %dma_wait3A_706 = arith.constant 0 : i32
      %dma_wait3A_707 = tpu.memref_slice %arg12[%dma_wait3A_704, %dma_wait3A_705, %dma_wait3A_706] : memref<1x640x32xf32, #tpu.memory_space<vmem>> -> memref<1x1x32xf32, #tpu.memory_space<vmem>>
      %dma_wait3A_708 = arith.constant 0 : i32
      %dma_wait3A_709 = arith.constant 0 : i32
      %dma_wait3A_710 = arith.constant 0 : i32
      %dma_wait3A_711 = tpu.memref_slice %arg2[%dma_wait3A_708, %dma_wait3A_709, %dma_wait3A_710] : memref<26x100001x32xf32, #tpu.memory_space<hbm>> -> memref<1x1x32xf32, #tpu.memory_space<hbm>>
      %dma_wait3A_712 = arith.constant 0 : i32
      %dma_wait3A_713 = arith.constant 0 : i32
      %dma_wait3A_714 = arith.constant 0 : i32
      %dma_wait3A_715 = tpu.memref_slice %arg12[%dma_wait3A_712, %dma_wait3A_713, %dma_wait3A_714] : memref<1x640x32xf32, #tpu.memory_space<vmem>> -> memref<1x1x32xf32, #tpu.memory_space<vmem>>
      %dma_wait3A_716 = arith.constant 0 : i32
      %dma_wait3A_717 = arith.constant 0 : i32
      %dma_wait3A_718 = arith.constant 0 : i32
      %dma_wait3A_719 = tpu.memref_slice %arg2[%dma_wait3A_716, %dma_wait3A_717, %dma_wait3A_718] : memref<26x100001x32xf32, #tpu.memory_space<hbm>> -> memref<1x1x32xf32, #tpu.memory_space<hbm>>
      tpu.wait_dma2 semaphore(%arg13 : memref<!tpu.dma_semaphore, #tpu.memory_space<semaphore_mem>>) src(%dma_wait3A_719 : memref<1x1x32xf32, #tpu.memory_space<hbm>>) dst(%dma_wait3A_715 : memref<1x1x32xf32, #tpu.memory_space<vmem>>)
      %dma_wait3A_720 = arith.constant 0 : i32
      %dma_wait3A_721 = arith.constant 0 : i32
      %dma_wait3A_722 = arith.constant 0 : i32
      %dma_wait3A_723 = tpu.memref_slice %arg12[%dma_wait3A_720, %dma_wait3A_721, %dma_wait3A_722] : memref<1x640x32xf32, #tpu.memory_space<vmem>> -> memref<1x1x32xf32, #tpu.memory_space<vmem>>
      %dma_wait3A_724 = arith.constant 0 : i32
      %dma_wait3A_725 = arith.constant 0 : i32
      %dma_wait3A_726 = arith.constant 0 : i32
      %dma_wait3A_727 = tpu.memref_slice %arg2[%dma_wait3A_724, %dma_wait3A_725, %dma_wait3A_726] : memref<26x100001x32xf32, #tpu.memory_space<hbm>> -> memref<1x1x32xf32, #tpu.memory_space<hbm>>
      %dma_wait3A_728 = arith.constant 0 : i32
      %dma_wait3A_729 = arith.constant 0 : i32
      %dma_wait3A_730 = arith.constant 0 : i32
      %dma_wait3A_731 = tpu.memref_slice %arg12[%dma_wait3A_728, %dma_wait3A_729, %dma_wait3A_730] : memref<1x640x32xf32, #tpu.memory_space<vmem>> -> memref<1x1x32xf32, #tpu.memory_space<vmem>>
      %dma_wait3A_732 = arith.constant 0 : i32
      %dma_wait3A_733 = arith.constant 0 : i32
      %dma_wait3A_734 = arith.constant 0 : i32
      %dma_wait3A_735 = tpu.memref_slice %arg2[%dma_wait3A_732, %dma_wait3A_733, %dma_wait3A_734] : memref<26x100001x32xf32, #tpu.memory_space<hbm>> -> memref<1x1x32xf32, #tpu.memory_space<hbm>>
      tpu.wait_dma2 semaphore(%arg13 : memref<!tpu.dma_semaphore, #tpu.memory_space<semaphore_mem>>) src(%dma_wait3A_735 : memref<1x1x32xf32, #tpu.memory_space<hbm>>) dst(%dma_wait3A_731 : memref<1x1x32xf32, #tpu.memory_space<vmem>>)
      %dma_wait3A_736 = arith.constant 0 : i32
      %dma_wait3A_737 = arith.constant 0 : i32
      %dma_wait3A_738 = arith.constant 0 : i32
      %dma_wait3A_739 = tpu.memref_slice %arg12[%dma_wait3A_736, %dma_wait3A_737, %dma_wait3A_738] : memref<1x640x32xf32, #tpu.memory_space<vmem>> -> memref<1x1x32xf32, #tpu.memory_space<vmem>>
      %dma_wait3A_740 = arith.constant 0 : i32
      %dma_wait3A_741 = arith.constant 0 : i32
      %dma_wait3A_742 = arith.constant 0 : i32
      %dma_wait3A_743 = tpu.memref_slice %arg2[%dma_wait3A_740, %dma_wait3A_741, %dma_wait3A_742] : memref<26x100001x32xf32, #tpu.memory_space<hbm>> -> memref<1x1x32xf32, #tpu.memory_space<hbm>>
      %dma_wait3A_744 = arith.constant 0 : i32
      %dma_wait3A_745 = arith.constant 0 : i32
      %dma_wait3A_746 = arith.constant 0 : i32
      %dma_wait3A_747 = tpu.memref_slice %arg12[%dma_wait3A_744, %dma_wait3A_745, %dma_wait3A_746] : memref<1x640x32xf32, #tpu.memory_space<vmem>> -> memref<1x1x32xf32, #tpu.memory_space<vmem>>
      %dma_wait3A_748 = arith.constant 0 : i32
      %dma_wait3A_749 = arith.constant 0 : i32
      %dma_wait3A_750 = arith.constant 0 : i32
      %dma_wait3A_751 = tpu.memref_slice %arg2[%dma_wait3A_748, %dma_wait3A_749, %dma_wait3A_750] : memref<26x100001x32xf32, #tpu.memory_space<hbm>> -> memref<1x1x32xf32, #tpu.memory_space<hbm>>
      tpu.wait_dma2 semaphore(%arg13 : memref<!tpu.dma_semaphore, #tpu.memory_space<semaphore_mem>>) src(%dma_wait3A_751 : memref<1x1x32xf32, #tpu.memory_space<hbm>>) dst(%dma_wait3A_747 : memref<1x1x32xf32, #tpu.memory_space<vmem>>)
      %dma_wait3A_752 = arith.constant 0 : i32
      %dma_wait3A_753 = arith.constant 0 : i32
      %dma_wait3A_754 = arith.constant 0 : i32
      %dma_wait3A_755 = tpu.memref_slice %arg12[%dma_wait3A_752, %dma_wait3A_753, %dma_wait3A_754] : memref<1x640x32xf32, #tpu.memory_space<vmem>> -> memref<1x1x32xf32, #tpu.memory_space<vmem>>
      %dma_wait3A_756 = arith.constant 0 : i32
      %dma_wait3A_757 = arith.constant 0 : i32
      %dma_wait3A_758 = arith.constant 0 : i32
      %dma_wait3A_759 = tpu.memref_slice %arg2[%dma_wait3A_756, %dma_wait3A_757, %dma_wait3A_758] : memref<26x100001x32xf32, #tpu.memory_space<hbm>> -> memref<1x1x32xf32, #tpu.memory_space<hbm>>
      %dma_wait3A_760 = arith.constant 0 : i32
      %dma_wait3A_761 = arith.constant 0 : i32
      %dma_wait3A_762 = arith.constant 0 : i32
      %dma_wait3A_763 = tpu.memref_slice %arg12[%dma_wait3A_760, %dma_wait3A_761, %dma_wait3A_762] : memref<1x640x32xf32, #tpu.memory_space<vmem>> -> memref<1x1x32xf32, #tpu.memory_space<vmem>>
      %dma_wait3A_764 = arith.constant 0 : i32
      %dma_wait3A_765 = arith.constant 0 : i32
      %dma_wait3A_766 = arith.constant 0 : i32
      %dma_wait3A_767 = tpu.memref_slice %arg2[%dma_wait3A_764, %dma_wait3A_765, %dma_wait3A_766] : memref<26x100001x32xf32, #tpu.memory_space<hbm>> -> memref<1x1x32xf32, #tpu.memory_space<hbm>>
      tpu.wait_dma2 semaphore(%arg13 : memref<!tpu.dma_semaphore, #tpu.memory_space<semaphore_mem>>) src(%dma_wait3A_767 : memref<1x1x32xf32, #tpu.memory_space<hbm>>) dst(%dma_wait3A_763 : memref<1x1x32xf32, #tpu.memory_space<vmem>>)
      %dma_wait3A_768 = arith.constant 0 : i32
      %dma_wait3A_769 = arith.constant 0 : i32
      %dma_wait3A_770 = arith.constant 0 : i32
      %dma_wait3A_771 = tpu.memref_slice %arg12[%dma_wait3A_768, %dma_wait3A_769, %dma_wait3A_770] : memref<1x640x32xf32, #tpu.memory_space<vmem>> -> memref<1x1x32xf32, #tpu.memory_space<vmem>>
      %dma_wait3A_772 = arith.constant 0 : i32
      %dma_wait3A_773 = arith.constant 0 : i32
      %dma_wait3A_774 = arith.constant 0 : i32
      %dma_wait3A_775 = tpu.memref_slice %arg2[%dma_wait3A_772, %dma_wait3A_773, %dma_wait3A_774] : memref<26x100001x32xf32, #tpu.memory_space<hbm>> -> memref<1x1x32xf32, #tpu.memory_space<hbm>>
      %dma_wait3A_776 = arith.constant 0 : i32
      %dma_wait3A_777 = arith.constant 0 : i32
      %dma_wait3A_778 = arith.constant 0 : i32
      %dma_wait3A_779 = tpu.memref_slice %arg12[%dma_wait3A_776, %dma_wait3A_777, %dma_wait3A_778] : memref<1x640x32xf32, #tpu.memory_space<vmem>> -> memref<1x1x32xf32, #tpu.memory_space<vmem>>
      %dma_wait3A_780 = arith.constant 0 : i32
      %dma_wait3A_781 = arith.constant 0 : i32
      %dma_wait3A_782 = arith.constant 0 : i32
      %dma_wait3A_783 = tpu.memref_slice %arg2[%dma_wait3A_780, %dma_wait3A_781, %dma_wait3A_782] : memref<26x100001x32xf32, #tpu.memory_space<hbm>> -> memref<1x1x32xf32, #tpu.memory_space<hbm>>
      tpu.wait_dma2 semaphore(%arg13 : memref<!tpu.dma_semaphore, #tpu.memory_space<semaphore_mem>>) src(%dma_wait3A_783 : memref<1x1x32xf32, #tpu.memory_space<hbm>>) dst(%dma_wait3A_779 : memref<1x1x32xf32, #tpu.memory_space<vmem>>)
      %dma_wait3A_784 = arith.constant 0 : i32
      %dma_wait3A_785 = arith.constant 0 : i32
      %dma_wait3A_786 = arith.constant 0 : i32
      %dma_wait3A_787 = tpu.memref_slice %arg12[%dma_wait3A_784, %dma_wait3A_785, %dma_wait3A_786] : memref<1x640x32xf32, #tpu.memory_space<vmem>> -> memref<1x1x32xf32, #tpu.memory_space<vmem>>
      %dma_wait3A_788 = arith.constant 0 : i32
      %dma_wait3A_789 = arith.constant 0 : i32
      %dma_wait3A_790 = arith.constant 0 : i32
      %dma_wait3A_791 = tpu.memref_slice %arg2[%dma_wait3A_788, %dma_wait3A_789, %dma_wait3A_790] : memref<26x100001x32xf32, #tpu.memory_space<hbm>> -> memref<1x1x32xf32, #tpu.memory_space<hbm>>
      %dma_wait3A_792 = arith.constant 0 : i32
      %dma_wait3A_793 = arith.constant 0 : i32
      %dma_wait3A_794 = arith.constant 0 : i32
      %dma_wait3A_795 = tpu.memref_slice %arg12[%dma_wait3A_792, %dma_wait3A_793, %dma_wait3A_794] : memref<1x640x32xf32, #tpu.memory_space<vmem>> -> memref<1x1x32xf32, #tpu.memory_space<vmem>>
      %dma_wait3A_796 = arith.constant 0 : i32
      %dma_wait3A_797 = arith.constant 0 : i32
      %dma_wait3A_798 = arith.constant 0 : i32
      %dma_wait3A_799 = tpu.memref_slice %arg2[%dma_wait3A_796, %dma_wait3A_797, %dma_wait3A_798] : memref<26x100001x32xf32, #tpu.memory_space<hbm>> -> memref<1x1x32xf32, #tpu.memory_space<hbm>>
      tpu.wait_dma2 semaphore(%arg13 : memref<!tpu.dma_semaphore, #tpu.memory_space<semaphore_mem>>) src(%dma_wait3A_799 : memref<1x1x32xf32, #tpu.memory_space<hbm>>) dst(%dma_wait3A_795 : memref<1x1x32xf32, #tpu.memory_space<vmem>>)
      %dma_wait3A_800 = arith.constant 0 : i32
      %dma_wait3A_801 = arith.constant 0 : i32
      %dma_wait3A_802 = arith.constant 0 : i32
      %dma_wait3A_803 = tpu.memref_slice %arg12[%dma_wait3A_800, %dma_wait3A_801, %dma_wait3A_802] : memref<1x640x32xf32, #tpu.memory_space<vmem>> -> memref<1x1x32xf32, #tpu.memory_space<vmem>>
      %dma_wait3A_804 = arith.constant 0 : i32
      %dma_wait3A_805 = arith.constant 0 : i32
      %dma_wait3A_806 = arith.constant 0 : i32
      %dma_wait3A_807 = tpu.memref_slice %arg2[%dma_wait3A_804, %dma_wait3A_805, %dma_wait3A_806] : memref<26x100001x32xf32, #tpu.memory_space<hbm>> -> memref<1x1x32xf32, #tpu.memory_space<hbm>>
      %dma_wait3A_808 = arith.constant 0 : i32
      %dma_wait3A_809 = arith.constant 0 : i32
      %dma_wait3A_810 = arith.constant 0 : i32
      %dma_wait3A_811 = tpu.memref_slice %arg12[%dma_wait3A_808, %dma_wait3A_809, %dma_wait3A_810] : memref<1x640x32xf32, #tpu.memory_space<vmem>> -> memref<1x1x32xf32, #tpu.memory_space<vmem>>
      %dma_wait3A_812 = arith.constant 0 : i32
      %dma_wait3A_813 = arith.constant 0 : i32
      %dma_wait3A_814 = arith.constant 0 : i32
      %dma_wait3A_815 = tpu.memref_slice %arg2[%dma_wait3A_812, %dma_wait3A_813, %dma_wait3A_814] : memref<26x100001x32xf32, #tpu.memory_space<hbm>> -> memref<1x1x32xf32, #tpu.memory_space<hbm>>
      tpu.wait_dma2 semaphore(%arg13 : memref<!tpu.dma_semaphore, #tpu.memory_space<semaphore_mem>>) src(%dma_wait3A_815 : memref<1x1x32xf32, #tpu.memory_space<hbm>>) dst(%dma_wait3A_811 : memref<1x1x32xf32, #tpu.memory_space<vmem>>)
      %dma_wait3A_816 = arith.constant 0 : i32
      %dma_wait3A_817 = arith.constant 0 : i32
      %dma_wait3A_818 = arith.constant 0 : i32
      %dma_wait3A_819 = tpu.memref_slice %arg12[%dma_wait3A_816, %dma_wait3A_817, %dma_wait3A_818] : memref<1x640x32xf32, #tpu.memory_space<vmem>> -> memref<1x1x32xf32, #tpu.memory_space<vmem>>
      %dma_wait3A_820 = arith.constant 0 : i32
      %dma_wait3A_821 = arith.constant 0 : i32
      %dma_wait3A_822 = arith.constant 0 : i32
      %dma_wait3A_823 = tpu.memref_slice %arg2[%dma_wait3A_820, %dma_wait3A_821, %dma_wait3A_822] : memref<26x100001x32xf32, #tpu.memory_space<hbm>> -> memref<1x1x32xf32, #tpu.memory_space<hbm>>
      %dma_wait3A_824 = arith.constant 0 : i32
      %dma_wait3A_825 = arith.constant 0 : i32
      %dma_wait3A_826 = arith.constant 0 : i32
      %dma_wait3A_827 = tpu.memref_slice %arg12[%dma_wait3A_824, %dma_wait3A_825, %dma_wait3A_826] : memref<1x640x32xf32, #tpu.memory_space<vmem>> -> memref<1x1x32xf32, #tpu.memory_space<vmem>>
      %dma_wait3A_828 = arith.constant 0 : i32
      %dma_wait3A_829 = arith.constant 0 : i32
      %dma_wait3A_830 = arith.constant 0 : i32
      %dma_wait3A_831 = tpu.memref_slice %arg2[%dma_wait3A_828, %dma_wait3A_829, %dma_wait3A_830] : memref<26x100001x32xf32, #tpu.memory_space<hbm>> -> memref<1x1x32xf32, #tpu.memory_space<hbm>>
      tpu.wait_dma2 semaphore(%arg13 : memref<!tpu.dma_semaphore, #tpu.memory_space<semaphore_mem>>) src(%dma_wait3A_831 : memref<1x1x32xf32, #tpu.memory_space<hbm>>) dst(%dma_wait3A_827 : memref<1x1x32xf32, #tpu.memory_space<vmem>>)
      %dma_wait3A_832 = arith.constant 0 : i32
      %dma_wait3A_833 = arith.constant 0 : i32
      %dma_wait3A_834 = arith.constant 0 : i32
      %dma_wait3A_835 = tpu.memref_slice %arg12[%dma_wait3A_832, %dma_wait3A_833, %dma_wait3A_834] : memref<1x640x32xf32, #tpu.memory_space<vmem>> -> memref<1x1x32xf32, #tpu.memory_space<vmem>>
      %dma_wait3A_836 = arith.constant 0 : i32
      %dma_wait3A_837 = arith.constant 0 : i32
      %dma_wait3A_838 = arith.constant 0 : i32
      %dma_wait3A_839 = tpu.memref_slice %arg2[%dma_wait3A_836, %dma_wait3A_837, %dma_wait3A_838] : memref<26x100001x32xf32, #tpu.memory_space<hbm>> -> memref<1x1x32xf32, #tpu.memory_space<hbm>>
      %dma_wait3A_840 = arith.constant 0 : i32
      %dma_wait3A_841 = arith.constant 0 : i32
      %dma_wait3A_842 = arith.constant 0 : i32
      %dma_wait3A_843 = tpu.memref_slice %arg12[%dma_wait3A_840, %dma_wait3A_841, %dma_wait3A_842] : memref<1x640x32xf32, #tpu.memory_space<vmem>> -> memref<1x1x32xf32, #tpu.memory_space<vmem>>
      %dma_wait3A_844 = arith.constant 0 : i32
      %dma_wait3A_845 = arith.constant 0 : i32
      %dma_wait3A_846 = arith.constant 0 : i32
      %dma_wait3A_847 = tpu.memref_slice %arg2[%dma_wait3A_844, %dma_wait3A_845, %dma_wait3A_846] : memref<26x100001x32xf32, #tpu.memory_space<hbm>> -> memref<1x1x32xf32, #tpu.memory_space<hbm>>
      tpu.wait_dma2 semaphore(%arg13 : memref<!tpu.dma_semaphore, #tpu.memory_space<semaphore_mem>>) src(%dma_wait3A_847 : memref<1x1x32xf32, #tpu.memory_space<hbm>>) dst(%dma_wait3A_843 : memref<1x1x32xf32, #tpu.memory_space<vmem>>)
      %dma_wait3A_848 = arith.constant 0 : i32
      %dma_wait3A_849 = arith.constant 0 : i32
      %dma_wait3A_850 = arith.constant 0 : i32
      %dma_wait3A_851 = tpu.memref_slice %arg12[%dma_wait3A_848, %dma_wait3A_849, %dma_wait3A_850] : memref<1x640x32xf32, #tpu.memory_space<vmem>> -> memref<1x1x32xf32, #tpu.memory_space<vmem>>
      %dma_wait3A_852 = arith.constant 0 : i32
      %dma_wait3A_853 = arith.constant 0 : i32
      %dma_wait3A_854 = arith.constant 0 : i32
      %dma_wait3A_855 = tpu.memref_slice %arg2[%dma_wait3A_852, %dma_wait3A_853, %dma_wait3A_854] : memref<26x100001x32xf32, #tpu.memory_space<hbm>> -> memref<1x1x32xf32, #tpu.memory_space<hbm>>
      %dma_wait3A_856 = arith.constant 0 : i32
      %dma_wait3A_857 = arith.constant 0 : i32
      %dma_wait3A_858 = arith.constant 0 : i32
      %dma_wait3A_859 = tpu.memref_slice %arg12[%dma_wait3A_856, %dma_wait3A_857, %dma_wait3A_858] : memref<1x640x32xf32, #tpu.memory_space<vmem>> -> memref<1x1x32xf32, #tpu.memory_space<vmem>>
      %dma_wait3A_860 = arith.constant 0 : i32
      %dma_wait3A_861 = arith.constant 0 : i32
      %dma_wait3A_862 = arith.constant 0 : i32
      %dma_wait3A_863 = tpu.memref_slice %arg2[%dma_wait3A_860, %dma_wait3A_861, %dma_wait3A_862] : memref<26x100001x32xf32, #tpu.memory_space<hbm>> -> memref<1x1x32xf32, #tpu.memory_space<hbm>>
      tpu.wait_dma2 semaphore(%arg13 : memref<!tpu.dma_semaphore, #tpu.memory_space<semaphore_mem>>) src(%dma_wait3A_863 : memref<1x1x32xf32, #tpu.memory_space<hbm>>) dst(%dma_wait3A_859 : memref<1x1x32xf32, #tpu.memory_space<vmem>>)
      %add3A_864 = arith.constant 15 : i32
      %add3A_865 = arith.addi %add3A_11, %add3A_864 : i32
      %dma_start3A_866 = arith.constant 0 : i32
      %dma_start3A_867 = arith.constant 600 : i32
      %dma_start3A_868 = arith.constant 0 : i32
      %dma_start3A_869 = tpu.memref_slice %arg12[%dma_start3A_866, %dma_start3A_867, %dma_start3A_868] : memref<1x640x32xf32, #tpu.memory_space<vmem>> -> memref<1x39x32xf32, #tpu.memory_space<vmem>>
      %dma_start3A_870 = arith.constant 0 : i32
      %dma_start3A_871 = arith.constant 0 : i32
      %dma_start3A_872 = tpu.memref_slice %arg7[%add3A_865, %dma_start3A_870, %dma_start3A_871] : memref<16384x39x32xf32, #tpu.memory_space<hbm>> -> memref<1x39x32xf32, #tpu.memory_space<hbm>>
      %dma_start3A_873 = arith.constant 0 : i32
      %dma_start3A_874 = arith.constant 0 : i32
      %dma_start3A_875 = tpu.memref_slice %arg7[%add3A_865, %dma_start3A_873, %dma_start3A_874] : memref<16384x39x32xf32, #tpu.memory_space<hbm>> -> memref<1x39x32xf32, #tpu.memory_space<hbm>>
      %dma_start3A_876 = arith.constant 0 : i32
      %dma_start3A_877 = arith.constant 600 : i32
      %dma_start3A_878 = arith.constant 0 : i32
      %dma_start3A_879 = tpu.memref_slice %arg12[%dma_start3A_876, %dma_start3A_877, %dma_start3A_878] : memref<1x640x32xf32, #tpu.memory_space<vmem>> -> memref<1x39x32xf32, #tpu.memory_space<vmem>>
      tpu.enqueue_dma source(%dma_start3A_879 : memref<1x39x32xf32, #tpu.memory_space<vmem>>) target(%dma_start3A_875 : memref<1x39x32xf32, #tpu.memory_space<hbm>>) target_semaphore(%arg14 : memref<!tpu.dma_semaphore, #tpu.memory_space<semaphore_mem>>)
      %dma_wait3A_880 = arith.constant 0 : i32
      %dma_wait3A_881 = arith.constant 0 : i32
      %dma_wait3A_882 = arith.constant 0 : i32
      %dma_wait3A_883 = tpu.memref_slice %arg12[%dma_wait3A_880, %dma_wait3A_881, %dma_wait3A_882] : memref<1x640x32xf32, #tpu.memory_space<vmem>> -> memref<1x39x32xf32, #tpu.memory_space<vmem>>
      %dma_wait3A_884 = arith.constant 0 : i32
      %dma_wait3A_885 = arith.constant 0 : i32
      %dma_wait3A_886 = arith.constant 0 : i32
      %dma_wait3A_887 = tpu.memref_slice %arg7[%dma_wait3A_884, %dma_wait3A_885, %dma_wait3A_886] : memref<16384x39x32xf32, #tpu.memory_space<hbm>> -> memref<1x39x32xf32, #tpu.memory_space<hbm>>
      %dma_wait3A_888 = arith.constant 0 : i32
      %dma_wait3A_889 = arith.constant 0 : i32
      %dma_wait3A_890 = arith.constant 0 : i32
      %dma_wait3A_891 = tpu.memref_slice %arg7[%dma_wait3A_888, %dma_wait3A_889, %dma_wait3A_890] : memref<16384x39x32xf32, #tpu.memory_space<hbm>> -> memref<1x39x32xf32, #tpu.memory_space<hbm>>
      %dma_wait3A_892 = arith.constant 0 : i32
      %dma_wait3A_893 = arith.constant 0 : i32
      %dma_wait3A_894 = arith.constant 0 : i32
      %dma_wait3A_895 = tpu.memref_slice %arg12[%dma_wait3A_892, %dma_wait3A_893, %dma_wait3A_894] : memref<1x640x32xf32, #tpu.memory_space<vmem>> -> memref<1x39x32xf32, #tpu.memory_space<vmem>>
      tpu.wait_dma2 semaphore(%arg14 : memref<!tpu.dma_semaphore, #tpu.memory_space<semaphore_mem>>) src(%dma_wait3A_895 : memref<1x39x32xf32, #tpu.memory_space<vmem>>) dst(%dma_wait3A_891 : memref<1x39x32xf32, #tpu.memory_space<hbm>>)
      %dma_wait3A_896 = arith.constant 0 : i32
      %dma_wait3A_897 = arith.constant 0 : i32
      %dma_wait3A_898 = arith.constant 0 : i32
      %dma_wait3A_899 = tpu.memref_slice %arg12[%dma_wait3A_896, %dma_wait3A_897, %dma_wait3A_898] : memref<1x640x32xf32, #tpu.memory_space<vmem>> -> memref<1x39x32xf32, #tpu.memory_space<vmem>>
      %dma_wait3A_900 = arith.constant 0 : i32
      %dma_wait3A_901 = arith.constant 0 : i32
      %dma_wait3A_902 = arith.constant 0 : i32
      %dma_wait3A_903 = tpu.memref_slice %arg7[%dma_wait3A_900, %dma_wait3A_901, %dma_wait3A_902] : memref<16384x39x32xf32, #tpu.memory_space<hbm>> -> memref<1x39x32xf32, #tpu.memory_space<hbm>>
      %dma_wait3A_904 = arith.constant 0 : i32
      %dma_wait3A_905 = arith.constant 0 : i32
      %dma_wait3A_906 = arith.constant 0 : i32
      %dma_wait3A_907 = tpu.memref_slice %arg7[%dma_wait3A_904, %dma_wait3A_905, %dma_wait3A_906] : memref<16384x39x32xf32, #tpu.memory_space<hbm>> -> memref<1x39x32xf32, #tpu.memory_space<hbm>>
      %dma_wait3A_908 = arith.constant 0 : i32
      %dma_wait3A_909 = arith.constant 0 : i32
      %dma_wait3A_910 = arith.constant 0 : i32
      %dma_wait3A_911 = tpu.memref_slice %arg12[%dma_wait3A_908, %dma_wait3A_909, %dma_wait3A_910] : memref<1x640x32xf32, #tpu.memory_space<vmem>> -> memref<1x39x32xf32, #tpu.memory_space<vmem>>
      tpu.wait_dma2 semaphore(%arg14 : memref<!tpu.dma_semaphore, #tpu.memory_space<semaphore_mem>>) src(%dma_wait3A_911 : memref<1x39x32xf32, #tpu.memory_space<vmem>>) dst(%dma_wait3A_907 : memref<1x39x32xf32, #tpu.memory_space<hbm>>)
      %dma_wait3A_912 = arith.constant 0 : i32
      %dma_wait3A_913 = arith.constant 0 : i32
      %dma_wait3A_914 = arith.constant 0 : i32
      %dma_wait3A_915 = tpu.memref_slice %arg12[%dma_wait3A_912, %dma_wait3A_913, %dma_wait3A_914] : memref<1x640x32xf32, #tpu.memory_space<vmem>> -> memref<1x39x32xf32, #tpu.memory_space<vmem>>
      %dma_wait3A_916 = arith.constant 0 : i32
      %dma_wait3A_917 = arith.constant 0 : i32
      %dma_wait3A_918 = arith.constant 0 : i32
      %dma_wait3A_919 = tpu.memref_slice %arg7[%dma_wait3A_916, %dma_wait3A_917, %dma_wait3A_918] : memref<16384x39x32xf32, #tpu.memory_space<hbm>> -> memref<1x39x32xf32, #tpu.memory_space<hbm>>
      %dma_wait3A_920 = arith.constant 0 : i32
      %dma_wait3A_921 = arith.constant 0 : i32
      %dma_wait3A_922 = arith.constant 0 : i32
      %dma_wait3A_923 = tpu.memref_slice %arg7[%dma_wait3A_920, %dma_wait3A_921, %dma_wait3A_922] : memref<16384x39x32xf32, #tpu.memory_space<hbm>> -> memref<1x39x32xf32, #tpu.memory_space<hbm>>
      %dma_wait3A_924 = arith.constant 0 : i32
      %dma_wait3A_925 = arith.constant 0 : i32
      %dma_wait3A_926 = arith.constant 0 : i32
      %dma_wait3A_927 = tpu.memref_slice %arg12[%dma_wait3A_924, %dma_wait3A_925, %dma_wait3A_926] : memref<1x640x32xf32, #tpu.memory_space<vmem>> -> memref<1x39x32xf32, #tpu.memory_space<vmem>>
      tpu.wait_dma2 semaphore(%arg14 : memref<!tpu.dma_semaphore, #tpu.memory_space<semaphore_mem>>) src(%dma_wait3A_927 : memref<1x39x32xf32, #tpu.memory_space<vmem>>) dst(%dma_wait3A_923 : memref<1x39x32xf32, #tpu.memory_space<hbm>>)
      %dma_wait3A_928 = arith.constant 0 : i32
      %dma_wait3A_929 = arith.constant 0 : i32
      %dma_wait3A_930 = arith.constant 0 : i32
      %dma_wait3A_931 = tpu.memref_slice %arg12[%dma_wait3A_928, %dma_wait3A_929, %dma_wait3A_930] : memref<1x640x32xf32, #tpu.memory_space<vmem>> -> memref<1x39x32xf32, #tpu.memory_space<vmem>>
      %dma_wait3A_932 = arith.constant 0 : i32
      %dma_wait3A_933 = arith.constant 0 : i32
      %dma_wait3A_934 = arith.constant 0 : i32
      %dma_wait3A_935 = tpu.memref_slice %arg7[%dma_wait3A_932, %dma_wait3A_933, %dma_wait3A_934] : memref<16384x39x32xf32, #tpu.memory_space<hbm>> -> memref<1x39x32xf32, #tpu.memory_space<hbm>>
      %dma_wait3A_936 = arith.constant 0 : i32
      %dma_wait3A_937 = arith.constant 0 : i32
      %dma_wait3A_938 = arith.constant 0 : i32
      %dma_wait3A_939 = tpu.memref_slice %arg7[%dma_wait3A_936, %dma_wait3A_937, %dma_wait3A_938] : memref<16384x39x32xf32, #tpu.memory_space<hbm>> -> memref<1x39x32xf32, #tpu.memory_space<hbm>>
      %dma_wait3A_940 = arith.constant 0 : i32
      %dma_wait3A_941 = arith.constant 0 : i32
      %dma_wait3A_942 = arith.constant 0 : i32
      %dma_wait3A_943 = tpu.memref_slice %arg12[%dma_wait3A_940, %dma_wait3A_941, %dma_wait3A_942] : memref<1x640x32xf32, #tpu.memory_space<vmem>> -> memref<1x39x32xf32, #tpu.memory_space<vmem>>
      tpu.wait_dma2 semaphore(%arg14 : memref<!tpu.dma_semaphore, #tpu.memory_space<semaphore_mem>>) src(%dma_wait3A_943 : memref<1x39x32xf32, #tpu.memory_space<vmem>>) dst(%dma_wait3A_939 : memref<1x39x32xf32, #tpu.memory_space<hbm>>)
      %dma_wait3A_944 = arith.constant 0 : i32
      %dma_wait3A_945 = arith.constant 0 : i32
      %dma_wait3A_946 = arith.constant 0 : i32
      %dma_wait3A_947 = tpu.memref_slice %arg12[%dma_wait3A_944, %dma_wait3A_945, %dma_wait3A_946] : memref<1x640x32xf32, #tpu.memory_space<vmem>> -> memref<1x39x32xf32, #tpu.memory_space<vmem>>
      %dma_wait3A_948 = arith.constant 0 : i32
      %dma_wait3A_949 = arith.constant 0 : i32
      %dma_wait3A_950 = arith.constant 0 : i32
      %dma_wait3A_951 = tpu.memref_slice %arg7[%dma_wait3A_948, %dma_wait3A_949, %dma_wait3A_950] : memref<16384x39x32xf32, #tpu.memory_space<hbm>> -> memref<1x39x32xf32, #tpu.memory_space<hbm>>
      %dma_wait3A_952 = arith.constant 0 : i32
      %dma_wait3A_953 = arith.constant 0 : i32
      %dma_wait3A_954 = arith.constant 0 : i32
      %dma_wait3A_955 = tpu.memref_slice %arg7[%dma_wait3A_952, %dma_wait3A_953, %dma_wait3A_954] : memref<16384x39x32xf32, #tpu.memory_space<hbm>> -> memref<1x39x32xf32, #tpu.memory_space<hbm>>
      %dma_wait3A_956 = arith.constant 0 : i32
      %dma_wait3A_957 = arith.constant 0 : i32
      %dma_wait3A_958 = arith.constant 0 : i32
      %dma_wait3A_959 = tpu.memref_slice %arg12[%dma_wait3A_956, %dma_wait3A_957, %dma_wait3A_958] : memref<1x640x32xf32, #tpu.memory_space<vmem>> -> memref<1x39x32xf32, #tpu.memory_space<vmem>>
      tpu.wait_dma2 semaphore(%arg14 : memref<!tpu.dma_semaphore, #tpu.memory_space<semaphore_mem>>) src(%dma_wait3A_959 : memref<1x39x32xf32, #tpu.memory_space<vmem>>) dst(%dma_wait3A_955 : memref<1x39x32xf32, #tpu.memory_space<hbm>>)
      %dma_wait3A_960 = arith.constant 0 : i32
      %dma_wait3A_961 = arith.constant 0 : i32
      %dma_wait3A_962 = arith.constant 0 : i32
      %dma_wait3A_963 = tpu.memref_slice %arg12[%dma_wait3A_960, %dma_wait3A_961, %dma_wait3A_962] : memref<1x640x32xf32, #tpu.memory_space<vmem>> -> memref<1x39x32xf32, #tpu.memory_space<vmem>>
      %dma_wait3A_964 = arith.constant 0 : i32
      %dma_wait3A_965 = arith.constant 0 : i32
      %dma_wait3A_966 = arith.constant 0 : i32
      %dma_wait3A_967 = tpu.memref_slice %arg7[%dma_wait3A_964, %dma_wait3A_965, %dma_wait3A_966] : memref<16384x39x32xf32, #tpu.memory_space<hbm>> -> memref<1x39x32xf32, #tpu.memory_space<hbm>>
      %dma_wait3A_968 = arith.constant 0 : i32
      %dma_wait3A_969 = arith.constant 0 : i32
      %dma_wait3A_970 = arith.constant 0 : i32
      %dma_wait3A_971 = tpu.memref_slice %arg7[%dma_wait3A_968, %dma_wait3A_969, %dma_wait3A_970] : memref<16384x39x32xf32, #tpu.memory_space<hbm>> -> memref<1x39x32xf32, #tpu.memory_space<hbm>>
      %dma_wait3A_972 = arith.constant 0 : i32
      %dma_wait3A_973 = arith.constant 0 : i32
      %dma_wait3A_974 = arith.constant 0 : i32
      %dma_wait3A_975 = tpu.memref_slice %arg12[%dma_wait3A_972, %dma_wait3A_973, %dma_wait3A_974] : memref<1x640x32xf32, #tpu.memory_space<vmem>> -> memref<1x39x32xf32, #tpu.memory_space<vmem>>
      tpu.wait_dma2 semaphore(%arg14 : memref<!tpu.dma_semaphore, #tpu.memory_space<semaphore_mem>>) src(%dma_wait3A_975 : memref<1x39x32xf32, #tpu.memory_space<vmem>>) dst(%dma_wait3A_971 : memref<1x39x32xf32, #tpu.memory_space<hbm>>)
      %dma_wait3A_976 = arith.constant 0 : i32
      %dma_wait3A_977 = arith.constant 0 : i32
      %dma_wait3A_978 = arith.constant 0 : i32
      %dma_wait3A_979 = tpu.memref_slice %arg12[%dma_wait3A_976, %dma_wait3A_977, %dma_wait3A_978] : memref<1x640x32xf32, #tpu.memory_space<vmem>> -> memref<1x39x32xf32, #tpu.memory_space<vmem>>
      %dma_wait3A_980 = arith.constant 0 : i32
      %dma_wait3A_981 = arith.constant 0 : i32
      %dma_wait3A_982 = arith.constant 0 : i32
      %dma_wait3A_983 = tpu.memref_slice %arg7[%dma_wait3A_980, %dma_wait3A_981, %dma_wait3A_982] : memref<16384x39x32xf32, #tpu.memory_space<hbm>> -> memref<1x39x32xf32, #tpu.memory_space<hbm>>
      %dma_wait3A_984 = arith.constant 0 : i32
      %dma_wait3A_985 = arith.constant 0 : i32
      %dma_wait3A_986 = arith.constant 0 : i32
      %dma_wait3A_987 = tpu.memref_slice %arg7[%dma_wait3A_984, %dma_wait3A_985, %dma_wait3A_986] : memref<16384x39x32xf32, #tpu.memory_space<hbm>> -> memref<1x39x32xf32, #tpu.memory_space<hbm>>
      %dma_wait3A_988 = arith.constant 0 : i32
      %dma_wait3A_989 = arith.constant 0 : i32
      %dma_wait3A_990 = arith.constant 0 : i32
      %dma_wait3A_991 = tpu.memref_slice %arg12[%dma_wait3A_988, %dma_wait3A_989, %dma_wait3A_990] : memref<1x640x32xf32, #tpu.memory_space<vmem>> -> memref<1x39x32xf32, #tpu.memory_space<vmem>>
      tpu.wait_dma2 semaphore(%arg14 : memref<!tpu.dma_semaphore, #tpu.memory_space<semaphore_mem>>) src(%dma_wait3A_991 : memref<1x39x32xf32, #tpu.memory_space<vmem>>) dst(%dma_wait3A_987 : memref<1x39x32xf32, #tpu.memory_space<hbm>>)
      %dma_wait3A_992 = arith.constant 0 : i32
      %dma_wait3A_993 = arith.constant 0 : i32
      %dma_wait3A_994 = arith.constant 0 : i32
      %dma_wait3A_995 = tpu.memref_slice %arg12[%dma_wait3A_992, %dma_wait3A_993, %dma_wait3A_994] : memref<1x640x32xf32, #tpu.memory_space<vmem>> -> memref<1x39x32xf32, #tpu.memory_space<vmem>>
      %dma_wait3A_996 = arith.constant 0 : i32
      %dma_wait3A_997 = arith.constant 0 : i32
      %dma_wait3A_998 = arith.constant 0 : i32
      %dma_wait3A_999 = tpu.memref_slice %arg7[%dma_wait3A_996, %dma_wait3A_997, %dma_wait3A_998] : memref<16384x39x32xf32, #tpu.memory_space<hbm>> -> memref<1x39x32xf32, #tpu.memory_space<hbm>>
      %dma_wait3A_1000 = arith.constant 0 : i32
      %dma_wait3A_1001 = arith.constant 0 : i32
      %dma_wait3A_1002 = arith.constant 0 : i32
      %dma_wait3A_1003 = tpu.memref_slice %arg7[%dma_wait3A_1000, %dma_wait3A_1001, %dma_wait3A_1002] : memref<16384x39x32xf32, #tpu.memory_space<hbm>> -> memref<1x39x32xf32, #tpu.memory_space<hbm>>
      %dma_wait3A_1004 = arith.constant 0 : i32
      %dma_wait3A_1005 = arith.constant 0 : i32
      %dma_wait3A_1006 = arith.constant 0 : i32
      %dma_wait3A_1007 = tpu.memref_slice %arg12[%dma_wait3A_1004, %dma_wait3A_1005, %dma_wait3A_1006] : memref<1x640x32xf32, #tpu.memory_space<vmem>> -> memref<1x39x32xf32, #tpu.memory_space<vmem>>
      tpu.wait_dma2 semaphore(%arg14 : memref<!tpu.dma_semaphore, #tpu.memory_space<semaphore_mem>>) src(%dma_wait3A_1007 : memref<1x39x32xf32, #tpu.memory_space<vmem>>) dst(%dma_wait3A_1003 : memref<1x39x32xf32, #tpu.memory_space<hbm>>)
      %dma_wait3A_1008 = arith.constant 0 : i32
      %dma_wait3A_1009 = arith.constant 0 : i32
      %dma_wait3A_1010 = arith.constant 0 : i32
      %dma_wait3A_1011 = tpu.memref_slice %arg12[%dma_wait3A_1008, %dma_wait3A_1009, %dma_wait3A_1010] : memref<1x640x32xf32, #tpu.memory_space<vmem>> -> memref<1x39x32xf32, #tpu.memory_space<vmem>>
      %dma_wait3A_1012 = arith.constant 0 : i32
      %dma_wait3A_1013 = arith.constant 0 : i32
      %dma_wait3A_1014 = arith.constant 0 : i32
      %dma_wait3A_1015 = tpu.memref_slice %arg7[%dma_wait3A_1012, %dma_wait3A_1013, %dma_wait3A_1014] : memref<16384x39x32xf32, #tpu.memory_space<hbm>> -> memref<1x39x32xf32, #tpu.memory_space<hbm>>
      %dma_wait3A_1016 = arith.constant 0 : i32
      %dma_wait3A_1017 = arith.constant 0 : i32
      %dma_wait3A_1018 = arith.constant 0 : i32
      %dma_wait3A_1019 = tpu.memref_slice %arg7[%dma_wait3A_1016, %dma_wait3A_1017, %dma_wait3A_1018] : memref<16384x39x32xf32, #tpu.memory_space<hbm>> -> memref<1x39x32xf32, #tpu.memory_space<hbm>>
      %dma_wait3A_1020 = arith.constant 0 : i32
      %dma_wait3A_1021 = arith.constant 0 : i32
      %dma_wait3A_1022 = arith.constant 0 : i32
      %dma_wait3A_1023 = tpu.memref_slice %arg12[%dma_wait3A_1020, %dma_wait3A_1021, %dma_wait3A_1022] : memref<1x640x32xf32, #tpu.memory_space<vmem>> -> memref<1x39x32xf32, #tpu.memory_space<vmem>>
      tpu.wait_dma2 semaphore(%arg14 : memref<!tpu.dma_semaphore, #tpu.memory_space<semaphore_mem>>) src(%dma_wait3A_1023 : memref<1x39x32xf32, #tpu.memory_space<vmem>>) dst(%dma_wait3A_1019 : memref<1x39x32xf32, #tpu.memory_space<hbm>>)
      %dma_wait3A_1024 = arith.constant 0 : i32
      %dma_wait3A_1025 = arith.constant 0 : i32
      %dma_wait3A_1026 = arith.constant 0 : i32
      %dma_wait3A_1027 = tpu.memref_slice %arg12[%dma_wait3A_1024, %dma_wait3A_1025, %dma_wait3A_1026] : memref<1x640x32xf32, #tpu.memory_space<vmem>> -> memref<1x39x32xf32, #tpu.memory_space<vmem>>
      %dma_wait3A_1028 = arith.constant 0 : i32
      %dma_wait3A_1029 = arith.constant 0 : i32
      %dma_wait3A_1030 = arith.constant 0 : i32
      %dma_wait3A_1031 = tpu.memref_slice %arg7[%dma_wait3A_1028, %dma_wait3A_1029, %dma_wait3A_1030] : memref<16384x39x32xf32, #tpu.memory_space<hbm>> -> memref<1x39x32xf32, #tpu.memory_space<hbm>>
      %dma_wait3A_1032 = arith.constant 0 : i32
      %dma_wait3A_1033 = arith.constant 0 : i32
      %dma_wait3A_1034 = arith.constant 0 : i32
      %dma_wait3A_1035 = tpu.memref_slice %arg7[%dma_wait3A_1032, %dma_wait3A_1033, %dma_wait3A_1034] : memref<16384x39x32xf32, #tpu.memory_space<hbm>> -> memref<1x39x32xf32, #tpu.memory_space<hbm>>
      %dma_wait3A_1036 = arith.constant 0 : i32
      %dma_wait3A_1037 = arith.constant 0 : i32
      %dma_wait3A_1038 = arith.constant 0 : i32
      %dma_wait3A_1039 = tpu.memref_slice %arg12[%dma_wait3A_1036, %dma_wait3A_1037, %dma_wait3A_1038] : memref<1x640x32xf32, #tpu.memory_space<vmem>> -> memref<1x39x32xf32, #tpu.memory_space<vmem>>
      tpu.wait_dma2 semaphore(%arg14 : memref<!tpu.dma_semaphore, #tpu.memory_space<semaphore_mem>>) src(%dma_wait3A_1039 : memref<1x39x32xf32, #tpu.memory_space<vmem>>) dst(%dma_wait3A_1035 : memref<1x39x32xf32, #tpu.memory_space<hbm>>)
      %dma_wait3A_1040 = arith.constant 0 : i32
      %dma_wait3A_1041 = arith.constant 0 : i32
      %dma_wait3A_1042 = arith.constant 0 : i32
      %dma_wait3A_1043 = tpu.memref_slice %arg12[%dma_wait3A_1040, %dma_wait3A_1041, %dma_wait3A_1042] : memref<1x640x32xf32, #tpu.memory_space<vmem>> -> memref<1x39x32xf32, #tpu.memory_space<vmem>>
      %dma_wait3A_1044 = arith.constant 0 : i32
      %dma_wait3A_1045 = arith.constant 0 : i32
      %dma_wait3A_1046 = arith.constant 0 : i32
      %dma_wait3A_1047 = tpu.memref_slice %arg7[%dma_wait3A_1044, %dma_wait3A_1045, %dma_wait3A_1046] : memref<16384x39x32xf32, #tpu.memory_space<hbm>> -> memref<1x39x32xf32, #tpu.memory_space<hbm>>
      %dma_wait3A_1048 = arith.constant 0 : i32
      %dma_wait3A_1049 = arith.constant 0 : i32
      %dma_wait3A_1050 = arith.constant 0 : i32
      %dma_wait3A_1051 = tpu.memref_slice %arg7[%dma_wait3A_1048, %dma_wait3A_1049, %dma_wait3A_1050] : memref<16384x39x32xf32, #tpu.memory_space<hbm>> -> memref<1x39x32xf32, #tpu.memory_space<hbm>>
      %dma_wait3A_1052 = arith.constant 0 : i32
      %dma_wait3A_1053 = arith.constant 0 : i32
      %dma_wait3A_1054 = arith.constant 0 : i32
      %dma_wait3A_1055 = tpu.memref_slice %arg12[%dma_wait3A_1052, %dma_wait3A_1053, %dma_wait3A_1054] : memref<1x640x32xf32, #tpu.memory_space<vmem>> -> memref<1x39x32xf32, #tpu.memory_space<vmem>>
      tpu.wait_dma2 semaphore(%arg14 : memref<!tpu.dma_semaphore, #tpu.memory_space<semaphore_mem>>) src(%dma_wait3A_1055 : memref<1x39x32xf32, #tpu.memory_space<vmem>>) dst(%dma_wait3A_1051 : memref<1x39x32xf32, #tpu.memory_space<hbm>>)
      %dma_wait3A_1056 = arith.constant 0 : i32
      %dma_wait3A_1057 = arith.constant 0 : i32
      %dma_wait3A_1058 = arith.constant 0 : i32
      %dma_wait3A_1059 = tpu.memref_slice %arg12[%dma_wait3A_1056, %dma_wait3A_1057, %dma_wait3A_1058] : memref<1x640x32xf32, #tpu.memory_space<vmem>> -> memref<1x39x32xf32, #tpu.memory_space<vmem>>
      %dma_wait3A_1060 = arith.constant 0 : i32
      %dma_wait3A_1061 = arith.constant 0 : i32
      %dma_wait3A_1062 = arith.constant 0 : i32
      %dma_wait3A_1063 = tpu.memref_slice %arg7[%dma_wait3A_1060, %dma_wait3A_1061, %dma_wait3A_1062] : memref<16384x39x32xf32, #tpu.memory_space<hbm>> -> memref<1x39x32xf32, #tpu.memory_space<hbm>>
      %dma_wait3A_1064 = arith.constant 0 : i32
      %dma_wait3A_1065 = arith.constant 0 : i32
      %dma_wait3A_1066 = arith.constant 0 : i32
      %dma_wait3A_1067 = tpu.memref_slice %arg7[%dma_wait3A_1064, %dma_wait3A_1065, %dma_wait3A_1066] : memref<16384x39x32xf32, #tpu.memory_space<hbm>> -> memref<1x39x32xf32, #tpu.memory_space<hbm>>
      %dma_wait3A_1068 = arith.constant 0 : i32
      %dma_wait3A_1069 = arith.constant 0 : i32
      %dma_wait3A_1070 = arith.constant 0 : i32
      %dma_wait3A_1071 = tpu.memref_slice %arg12[%dma_wait3A_1068, %dma_wait3A_1069, %dma_wait3A_1070] : memref<1x640x32xf32, #tpu.memory_space<vmem>> -> memref<1x39x32xf32, #tpu.memory_space<vmem>>
      tpu.wait_dma2 semaphore(%arg14 : memref<!tpu.dma_semaphore, #tpu.memory_space<semaphore_mem>>) src(%dma_wait3A_1071 : memref<1x39x32xf32, #tpu.memory_space<vmem>>) dst(%dma_wait3A_1067 : memref<1x39x32xf32, #tpu.memory_space<hbm>>)
      %dma_wait3A_1072 = arith.constant 0 : i32
      %dma_wait3A_1073 = arith.constant 0 : i32
      %dma_wait3A_1074 = arith.constant 0 : i32
      %dma_wait3A_1075 = tpu.memref_slice %arg12[%dma_wait3A_1072, %dma_wait3A_1073, %dma_wait3A_1074] : memref<1x640x32xf32, #tpu.memory_space<vmem>> -> memref<1x39x32xf32, #tpu.memory_space<vmem>>
      %dma_wait3A_1076 = arith.constant 0 : i32
      %dma_wait3A_1077 = arith.constant 0 : i32
      %dma_wait3A_1078 = arith.constant 0 : i32
      %dma_wait3A_1079 = tpu.memref_slice %arg7[%dma_wait3A_1076, %dma_wait3A_1077, %dma_wait3A_1078] : memref<16384x39x32xf32, #tpu.memory_space<hbm>> -> memref<1x39x32xf32, #tpu.memory_space<hbm>>
      %dma_wait3A_1080 = arith.constant 0 : i32
      %dma_wait3A_1081 = arith.constant 0 : i32
      %dma_wait3A_1082 = arith.constant 0 : i32
      %dma_wait3A_1083 = tpu.memref_slice %arg7[%dma_wait3A_1080, %dma_wait3A_1081, %dma_wait3A_1082] : memref<16384x39x32xf32, #tpu.memory_space<hbm>> -> memref<1x39x32xf32, #tpu.memory_space<hbm>>
      %dma_wait3A_1084 = arith.constant 0 : i32
      %dma_wait3A_1085 = arith.constant 0 : i32
      %dma_wait3A_1086 = arith.constant 0 : i32
      %dma_wait3A_1087 = tpu.memref_slice %arg12[%dma_wait3A_1084, %dma_wait3A_1085, %dma_wait3A_1086] : memref<1x640x32xf32, #tpu.memory_space<vmem>> -> memref<1x39x32xf32, #tpu.memory_space<vmem>>
      tpu.wait_dma2 semaphore(%arg14 : memref<!tpu.dma_semaphore, #tpu.memory_space<semaphore_mem>>) src(%dma_wait3A_1087 : memref<1x39x32xf32, #tpu.memory_space<vmem>>) dst(%dma_wait3A_1083 : memref<1x39x32xf32, #tpu.memory_space<hbm>>)
      %dma_wait3A_1088 = arith.constant 0 : i32
      %dma_wait3A_1089 = arith.constant 0 : i32
      %dma_wait3A_1090 = arith.constant 0 : i32
      %dma_wait3A_1091 = tpu.memref_slice %arg12[%dma_wait3A_1088, %dma_wait3A_1089, %dma_wait3A_1090] : memref<1x640x32xf32, #tpu.memory_space<vmem>> -> memref<1x39x32xf32, #tpu.memory_space<vmem>>
      %dma_wait3A_1092 = arith.constant 0 : i32
      %dma_wait3A_1093 = arith.constant 0 : i32
      %dma_wait3A_1094 = arith.constant 0 : i32
      %dma_wait3A_1095 = tpu.memref_slice %arg7[%dma_wait3A_1092, %dma_wait3A_1093, %dma_wait3A_1094] : memref<16384x39x32xf32, #tpu.memory_space<hbm>> -> memref<1x39x32xf32, #tpu.memory_space<hbm>>
      %dma_wait3A_1096 = arith.constant 0 : i32
      %dma_wait3A_1097 = arith.constant 0 : i32
      %dma_wait3A_1098 = arith.constant 0 : i32
      %dma_wait3A_1099 = tpu.memref_slice %arg7[%dma_wait3A_1096, %dma_wait3A_1097, %dma_wait3A_1098] : memref<16384x39x32xf32, #tpu.memory_space<hbm>> -> memref<1x39x32xf32, #tpu.memory_space<hbm>>
      %dma_wait3A_1100 = arith.constant 0 : i32
      %dma_wait3A_1101 = arith.constant 0 : i32
      %dma_wait3A_1102 = arith.constant 0 : i32
      %dma_wait3A_1103 = tpu.memref_slice %arg12[%dma_wait3A_1100, %dma_wait3A_1101, %dma_wait3A_1102] : memref<1x640x32xf32, #tpu.memory_space<vmem>> -> memref<1x39x32xf32, #tpu.memory_space<vmem>>
      tpu.wait_dma2 semaphore(%arg14 : memref<!tpu.dma_semaphore, #tpu.memory_space<semaphore_mem>>) src(%dma_wait3A_1103 : memref<1x39x32xf32, #tpu.memory_space<vmem>>) dst(%dma_wait3A_1099 : memref<1x39x32xf32, #tpu.memory_space<hbm>>)
      %dma_wait3A_1104 = arith.constant 0 : i32
      %dma_wait3A_1105 = arith.constant 0 : i32
      %dma_wait3A_1106 = arith.constant 0 : i32
      %dma_wait3A_1107 = tpu.memref_slice %arg12[%dma_wait3A_1104, %dma_wait3A_1105, %dma_wait3A_1106] : memref<1x640x32xf32, #tpu.memory_space<vmem>> -> memref<1x39x32xf32, #tpu.memory_space<vmem>>
      %dma_wait3A_1108 = arith.constant 0 : i32
      %dma_wait3A_1109 = arith.constant 0 : i32
      %dma_wait3A_1110 = arith.constant 0 : i32
      %dma_wait3A_1111 = tpu.memref_slice %arg7[%dma_wait3A_1108, %dma_wait3A_1109, %dma_wait3A_1110] : memref<16384x39x32xf32, #tpu.memory_space<hbm>> -> memref<1x39x32xf32, #tpu.memory_space<hbm>>
      %dma_wait3A_1112 = arith.constant 0 : i32
      %dma_wait3A_1113 = arith.constant 0 : i32
      %dma_wait3A_1114 = arith.constant 0 : i32
      %dma_wait3A_1115 = tpu.memref_slice %arg7[%dma_wait3A_1112, %dma_wait3A_1113, %dma_wait3A_1114] : memref<16384x39x32xf32, #tpu.memory_space<hbm>> -> memref<1x39x32xf32, #tpu.memory_space<hbm>>
      %dma_wait3A_1116 = arith.constant 0 : i32
      %dma_wait3A_1117 = arith.constant 0 : i32
      %dma_wait3A_1118 = arith.constant 0 : i32
      %dma_wait3A_1119 = tpu.memref_slice %arg12[%dma_wait3A_1116, %dma_wait3A_1117, %dma_wait3A_1118] : memref<1x640x32xf32, #tpu.memory_space<vmem>> -> memref<1x39x32xf32, #tpu.memory_space<vmem>>
      tpu.wait_dma2 semaphore(%arg14 : memref<!tpu.dma_semaphore, #tpu.memory_space<semaphore_mem>>) src(%dma_wait3A_1119 : memref<1x39x32xf32, #tpu.memory_space<vmem>>) dst(%dma_wait3A_1115 : memref<1x39x32xf32, #tpu.memory_space<hbm>>)
      %dma_wait3A_1120 = arith.constant 0 : i32
      %dma_wait3A_1121 = arith.constant 0 : i32
      %dma_wait3A_1122 = arith.constant 0 : i32
      %dma_wait3A_1123 = tpu.memref_slice %arg12[%dma_wait3A_1120, %dma_wait3A_1121, %dma_wait3A_1122] : memref<1x640x32xf32, #tpu.memory_space<vmem>> -> memref<1x39x32xf32, #tpu.memory_space<vmem>>
      %dma_wait3A_1124 = arith.constant 0 : i32
      %dma_wait3A_1125 = arith.constant 0 : i32
      %dma_wait3A_1126 = arith.constant 0 : i32
      %dma_wait3A_1127 = tpu.memref_slice %arg7[%dma_wait3A_1124, %dma_wait3A_1125, %dma_wait3A_1126] : memref<16384x39x32xf32, #tpu.memory_space<hbm>> -> memref<1x39x32xf32, #tpu.memory_space<hbm>>
      %dma_wait3A_1128 = arith.constant 0 : i32
      %dma_wait3A_1129 = arith.constant 0 : i32
      %dma_wait3A_1130 = arith.constant 0 : i32
      %dma_wait3A_1131 = tpu.memref_slice %arg7[%dma_wait3A_1128, %dma_wait3A_1129, %dma_wait3A_1130] : memref<16384x39x32xf32, #tpu.memory_space<hbm>> -> memref<1x39x32xf32, #tpu.memory_space<hbm>>
      %dma_wait3A_1132 = arith.constant 0 : i32
      %dma_wait3A_1133 = arith.constant 0 : i32
      %dma_wait3A_1134 = arith.constant 0 : i32
      %dma_wait3A_1135 = tpu.memref_slice %arg12[%dma_wait3A_1132, %dma_wait3A_1133, %dma_wait3A_1134] : memref<1x640x32xf32, #tpu.memory_space<vmem>> -> memref<1x39x32xf32, #tpu.memory_space<vmem>>
      tpu.wait_dma2 semaphore(%arg14 : memref<!tpu.dma_semaphore, #tpu.memory_space<semaphore_mem>>) src(%dma_wait3A_1135 : memref<1x39x32xf32, #tpu.memory_space<vmem>>) dst(%dma_wait3A_1131 : memref<1x39x32xf32, #tpu.memory_space<hbm>>)
    }
    %scan3A_7 = arith.constant 32 : i32
    return
  }
}

module attributes {stable_mosaic.version = 14 : i64} {
  func.func @_stats_body(%arg0: memref<13x16384xf32, #tpu.memory_space<vmem>>, %arg1: memref<13x32xf32, #tpu.memory_space<vmem>>, %arg2: memref<13x32xf32, #tpu.memory_space<vmem>>, %arg3: memref<13x32xf32, #tpu.memory_space<vmem>>, %arg4: memref<13x32xf32, #tpu.memory_space<vmem>>) attributes {dimension_semantics = [], scalar_prefetch = 0 : i64, scratch_operands = 0 : i64, tpu.core_type = #tpu.core_type<tc>} {
    %get3A = arith.constant 0 : index
    %get3A_0 = arith.constant 0 : index
    %get3A_1 = vector.load %arg0[%get3A, %get3A_0] : memref<13x16384xf32, #tpu.memory_space<vmem>>, vector<13x16384xf32>
    %reduce_sum3A = arith.constant dense<0.000000e+00> : vector<13xf32>
    %reduce_sum3A_2 = vector.multi_reduction <add>, %get3A_1, %reduce_sum3A [1] : vector<13x16384xf32> to vector<13xf32>
    %broadcast_in_dim3A = vector.shape_cast %reduce_sum3A_2 : vector<13xf32> to vector<13x1xf32>
    %div3A = arith.constant 1.638400e+04 : f32
    %div3A_3 = vector.broadcast %div3A : f32 to vector<13x1xf32>
    %div3A_4 = arith.divf %broadcast_in_dim3A, %div3A_3 : vector<13x1xf32>
    %mul3A = arith.mulf %get3A_1, %get3A_1 : vector<13x16384xf32>
    %reduce_sum3A_5 = arith.constant dense<0.000000e+00> : vector<13xf32>
    %reduce_sum3A_6 = vector.multi_reduction <add>, %mul3A, %reduce_sum3A_5 [1] : vector<13x16384xf32> to vector<13xf32>
    %broadcast_in_dim3A_7 = vector.shape_cast %reduce_sum3A_6 : vector<13xf32> to vector<13x1xf32>
    %div3A_8 = arith.constant 1.638400e+04 : f32
    %div3A_9 = vector.broadcast %div3A_8 : f32 to vector<13x1xf32>
    %div3A_10 = arith.divf %broadcast_in_dim3A_7, %div3A_9 : vector<13x1xf32>
    %mul3A_11 = arith.mulf %div3A_4, %div3A_4 : vector<13x1xf32>
    %sub3A = arith.subf %div3A_10, %mul3A_11 : vector<13x1xf32>
    %add3A = arith.constant 9.99999974E-6 : f32
    %add3A_12 = vector.broadcast %add3A : f32 to vector<13x1xf32>
    %add3A_13 = arith.addf %sub3A, %add3A_12 : vector<13x1xf32>
    %rsqrt3A = math.rsqrt %add3A_13 : vector<13x1xf32>
    %get3A_14 = arith.constant 0 : index
    %get3A_15 = arith.constant 0 : index
    %get3A_16 = vector.load %arg1[%get3A_14, %get3A_15] : memref<13x32xf32, #tpu.memory_space<vmem>>, vector<13x32xf32>
    %mul3A_17 = vector.broadcast %rsqrt3A : vector<13x1xf32> to vector<13x32xf32>
    %mul3A_18 = arith.mulf %get3A_16, %mul3A_17 : vector<13x32xf32>
    %swap3A = arith.constant 0 : index
    %swap3A_19 = arith.constant 0 : index
    %swap3A_20 = vector.load %arg3[%swap3A, %swap3A_19] : memref<13x32xf32, #tpu.memory_space<vmem>>, vector<13x32xf32>
    tpu.vector_store %arg3[%swap3A, %swap3A_19], %mul3A_18 {strides = array<i32>} : memref<13x32xf32, #tpu.memory_space<vmem>>, vector<13x32xf32>,
    %get3A_21 = arith.constant 0 : index
    %get3A_22 = arith.constant 0 : index
    %get3A_23 = vector.load %arg2[%get3A_21, %get3A_22] : memref<13x32xf32, #tpu.memory_space<vmem>>, vector<13x32xf32>
    %mul3A_24 = vector.broadcast %div3A_4 : vector<13x1xf32> to vector<13x32xf32>
    %mul3A_25 = arith.mulf %mul3A_18, %mul3A_24 : vector<13x32xf32>
    %sub3A_26 = arith.subf %get3A_23, %mul3A_25 : vector<13x32xf32>
    %swap3A_27 = arith.constant 0 : index
    %swap3A_28 = arith.constant 0 : index
    %swap3A_29 = vector.load %arg4[%swap3A_27, %swap3A_28] : memref<13x32xf32, #tpu.memory_space<vmem>>, vector<13x32xf32>
    tpu.vector_store %arg4[%swap3A_27, %swap3A_28], %sub3A_26 {strides = array<i32>} : memref<13x32xf32, #tpu.memory_space<vmem>>, vector<13x32xf32>,
    return
  }
}

</mosaic_0001>

<sc_bundles>
// kernel: kernel.4.cloned.1.call-start
scs
__scs_entry_jumppad:
0x0: {  	(pc) =	sbr.rel $0x88, $3  }
0x1: {  	(tag) =	ssettag $0x0;
	lr =	simm.s32 $0x1  }
0x2: {  	[smem:$0x3F9C] =	sst lr;
	_ =	strace $0xD0000000  }
0x3: {  	_ = 	snop  }
0x4: {  	_ = 	snop  }
0x5: {  	_ = 	snop  }
0x6: {  	_ = 	snop  }
0x7: {  	_ = 	snop  }
__scs_overlays_trampoline_lowered:
0x8: {  	[smem:$0x3FAB] =	sst s0  }
0x9: {  	[smem:$0x3FAC] =	sst s1  }
0xa: {  	[smem:$0x3FAD] =	sst s2  }
0xb: {  	[smem:$0x3FAE] =	sst s3  }
0xc: {  	[smem:$0x3FAF] =	sst s4  }
0xd: {  	[smem:$0x3FB0] =	sst s5  }
0xe: {  	[smem:$0x3FB1] =	sst s6  }
0xf: {  	[smem:$0x3FB2] =	sst s7  }
0x10: {  	[smem:$0x3FB3] =	sst s8  }
0x11: {  	[smem:$0x3FB4] =	sst s9;
	s0 =	simm.s32 @!p0 $0x0  }
0x12: {  	s1 =	sld [smem:$0x3F9A];
	s0 =	simm.s32 @p0 $0x1  }
0x13: {  	[smem:$0x3FB5] =	sst s0;
	s0 =	simm.s32 @!p1 $0x0  }
0x14: {  	s2 =	sld [smem:$0x3F99];
	s0 =	simm.s32 @p1 $0x1  }
0x15: {  	[smem:$0x3FB6] =	sst s0;
	s0 =	simm.s32 @!p2 $0x0  }
0x16: {  	s3 =	sld [smem:$0x3FDB];
	s0 =	simm.s32 @p2 $0x1  }
0x17: {  	s4 =	simm.s32 $0x1BF5;
	[smem:$0x3FB8] =	sst s0  }
0x18: {  	s0 =	sld [smem:$0x3F9B];
	_ =	swait.ge [sflag:s4], $0x0  }
0x19: {  	s7 =	sld [smem:$0x3F9C]  }
0x1a: {  	s8 =	sadd.s32 $0xFFFFE003, lr  }
0x1b: {  	s9 =	sadd.s32 $0xFFFFFEF7, lr;
	s5 =	simm.s32 $0xFFFFFFFF;
	p2 =	slt.u32 s8, $0xFFFFF086  }
0x1c: {  	p1 =	slt.u32 s9, $0xF7A;
	s5 =	simm.s32 @!p2 $0x0  }
0x1d: {  	s5 =	simm.s32 @p1 $0x1;
	p0 =	seq.s32 s7, s2  }
0x1e: {  	s7 =	smul.u32 @!p0 $0xF7A, s2;
	p2 =	seq.s32 @!p0 s5, $0x0  }
0x1f: {  	s9 =	smul.u32 $0xF7A, s1;
	s8 =	simm.s32 @!p0 $0x1BF5;
	p2 =	por !p2, p0  }
0x20: {  	[sflag:s8] =	ssyncset.s32 @!p0 $0xFFFFF086;
	s6 =	sadd.s32 @!p0 s3, s7;
	s7 =	simm.s32 @!p0 $0x108  }
0x21: {  	s3 =	sadd.s32 s3, s9;
	s6 =	sadd.s32 @!p0 $0x88, s6;
	s7 =	simm.s32 @p2 $0x1082  }
0x22: {  	[simem:s7], [sflag:s8] =	dma.local @!p0 [hbm:s6], $0xF7A  }
0x23: {  	s9 =	sor.u32 $0xD0000000, s2;
	s6 =	simm.s32 $0x108;
	_ =	swait.ge @!p0 [sflag:s8], $0x0  }
0x24: {  	s3 =	sadd.s32 $0x88, s3;
	s6 =	simm.s32 @!p1 $0x1082;
	[sflag:s4] =	ssyncset.s32 $0xFFFFF086  }
0x25: {  	[simem:s6], [sflag:s4] =	dma.local [hbm:s3], $0xF7A  }
0x26: {  	[smem:$0x3F9C] =	sst s1;
	(tag) =	ssettag s2;
	_ =	strace s9  }
0x27: {  	s1 =	sld [smem:$0x3FAC]  }
0x28: {  	s2 =	sld [smem:$0x3FAD]  }
0x29: {  	s4 =	sld [smem:$0x3FAF]  }
0x2a: {  	p0 =	seq.s32 s5, $0x0;
	s5 =	sld [smem:$0x3FB0]  }
0x2b: {  	s6 =	sld [smem:$0x3FB1]  }
0x2c: {  	s7 =	sld [smem:$0x3FB2]  }
0x2d: {  	s3 =	simm.s32 $0x108;
	s8 =	sld [smem:$0x3FB3]  }
0x2e: {  	s3 =	simm.s32 @!p0 $0x1082;
	s9 =	sld [smem:$0x3FB4]  }
0x2f: {  	lr =	sadd.s32 s0, s3;
	s0 =	sld [smem:$0x3FAB]  }
0x30: {  	s3 =	sld [smem:$0x3FAE]  }
0x31: {  	[smem:$0x3FB7] =	sst s10  }
0x32: {  	s10 =	sld [smem:$0x3FB5];
	_ =	sdelay $0x3  }
0x33: {  	p0 =	seq.s32 s10, $0x1;
	s10 =	sld [smem:$0x3FB7];
	_ =	sdelay $0x3  }
0x34: {  	[smem:$0x3FB7] =	sst s10  }
0x35: {  	s10 =	sld [smem:$0x3FB6];
	_ =	sdelay $0x3  }
0x36: {  	p1 =	seq.s32 s10, $0x1;
	s10 =	sld [smem:$0x3FB7];
	_ =	sdelay $0x3  }
0x37: {  	[smem:$0x3FB7] =	sst s10  }
0x38: {  	s10 =	sld [smem:$0x3FB8]  }
0x39: {  	_ = 	snop;
	(pc) =	sbr.ind lr, $3  }
0x3a: {  	_ = 	snop  }
0x3b: {  	_ = 	snop  }
0x3c: {  	p2 =	seq.s32 s10, $0x1;
	s10 =	sld [smem:$0x3FB7]  }
0x3d: {  	_ =	shalt  }
0x3e: {  	_ =	shalt  }
0x3f: {  	_ =	shalt  }
0x40: {  	_ =	shalt  }
0x41: {  	_ =	shalt  }
0x42: {  	_ =	shalt  }
0x43: {  	_ =	shalt  }
0x44: {  	_ =	shalt  }
0x45: {  	_ =	shalt  }
0x46: {  	_ =	shalt  }
0x47: {  	_ =	shalt  }
0x48: {  	_ =	shalt  }
0x49: {  	_ =	shalt  }
0x4a: {  	_ =	shalt  }
0x4b: {  	_ =	shalt  }
0x4c: {  	_ =	shalt  }
0x4d: {  	_ =	shalt  }
0x4e: {  	_ =	shalt  }
0x4f: {  	_ =	shalt  }
0x50: {  	_ =	shalt  }
0x51: {  	_ =	shalt  }
0x52: {  	_ =	shalt  }
0x53: {  	_ =	shalt  }
0x54: {  	_ =	shalt  }
0x55: {  	_ =	shalt  }
0x56: {  	_ =	shalt  }
0x57: {  	_ =	shalt  }
0x58: {  	_ =	shalt  }
0x59: {  	_ =	shalt  }
0x5a: {  	_ =	shalt  }
0x5b: {  	_ =	shalt  }
0x5c: {  	_ =	shalt  }
0x5d: {  	_ =	shalt  }
0x5e: {  	_ =	shalt  }
0x5f: {  	_ =	shalt  }
0x60: {  	_ =	shalt  }
0x61: {  	_ =	shalt  }
0x62: {  	_ =	shalt  }
0x63: {  	_ =	shalt  }
0x64: {  	_ =	shalt  }
0x65: {  	_ =	shalt  }
0x66: {  	_ =	shalt  }
0x67: {  	_ =	shalt  }
0x68: {  	_ =	shalt  }
0x69: {  	_ =	shalt  }
0x6a: {  	_ =	shalt  }
0x6b: {  	_ =	shalt  }
0x6c: {  	_ =	shalt  }
0x6d: {  	_ =	shalt  }
0x6e: {  	_ =	shalt  }
0x6f: {  	_ =	shalt  }
0x70: {  	_ =	shalt  }
0x71: {  	_ =	shalt  }
0x72: {  	_ =	shalt  }
0x73: {  	_ =	shalt  }
0x74: {  	_ =	shalt  }
0x75: {  	_ =	shalt  }
0x76: {  	_ =	shalt  }
0x77: {  	_ =	shalt  }
0x78: {  	_ =	shalt  }
0x79: {  	_ =	shalt  }
0x7a: {  	_ =	shalt  }
0x7b: {  	_ =	shalt  }
0x7c: {  	_ =	shalt  }
0x7d: {  	_ =	shalt  }
0x7e: {  	_ =	shalt  }
0x7f: {  	_ =	shalt  }
0x80: {  	_ =	shalt  }
0x81: {  	_ =	shalt  }
0x82: {  	_ =	shalt  }
0x83: {  	_ =	shalt  }
0x84: {  	_ =	shalt  }
0x85: {  	_ =	shalt  }
0x86: {  	_ =	shalt  }
0x87: {  	_ =	shalt  }
.Lfunc_end0:
.L_simem_size_0:
called_computation_lowered:
.L_overlay_start_0:
0x88: {  	s2 =	sld [smem:$0x3FD9]  }
0x89: {  	s3 =	sld [smem:$0x3FFE];
	_ =	sdelay $0x1  }
0x8a: {  	s1 =	srdreg.scid  }
0x8b: {  	s0 =	sand.u32 $0x1, s1  }
0x8c: {  	s17 =	sshll.u32 s0, $0xA;
	s2 =	sadd.s32 s3, s2  }
0x8d: {  	s2 =	sadd.s32 s2, s17  }
0x8e: {  	[smem:$0x3FC3] =	sst s2  }
0x8f: {  	_ = 	snop  }
0x90: {  	s2 =	sld [smem:$0x3FD0];
	(tm) =	ssettm $0x1  }
0x91: {  	s18 =	sld [smem:$0x3FFB];
	_ =	sdelay $0x3  }
0x92: {  	_ =	strace s18  }
0x93: {  	s3 =	sld [smem:$0x3FFC];
	_ =	sdelay $0x3  }
0x94: {  	_ =	strace s3  }
0x95: {  	s3 =	sld [smem:$0x3FFD];
	_ =	sdelay $0x3  }
0x96: {  	_ =	strace s3  }
0x97: {  	_ =	strace $0x8FFFFFFF  }
0x98: {  	s19 =	sld [smem:$0x3FDB];
	_ =	sdelay $0x1  }
0x99: {  	s4 =	simm.s32 $_scs_section_size  }
0x9a: {  	s5 =	simm.s32 $_size__tile_overlayer_lowered;
	s6 =	simm.s32 $_tile_overlayer_lowered  }
0x9b: {  	s22 =	simm.s32 $0x1BFF;
	s21 =	sshll.u32 s6, $0x1;
	s3 =	sadd.s32 s4, s19  }
0x9c: {  	s7 =	simm.s32 $0x0;
	s20 =	sshll.u32 s5, $0x1;
	s5 =	sadd.s32 s21, s3  }
0x9d: {  	[timem:s7], [sflag:s22] =	dma.local [hbm:s5], s20  }
0x9e: {  	_ =	swait.ge [sflag:s22], s20  }
0x9f: {  	s4 =	ssub.s32 $0x0, s20;
	[sflag:s22] =	ssyncset.done $0x0  }
0xa0: {  	[sflag:s22] =	ssyncadd.s32 s4;
	_ =	sdelay $0x1  }
0xa1: {  	s23 =	simm.s32 $0x1B8B  }
0xa2: {  	_ =	swait.ge [sflag:s23], $0x1  }
0xa3: {  	[sflag:s23] =	ssyncset.done $0x0  }
0xa4: {  	s25 =	simm.s32 $0x1B8E;
	s24 =	sld [smem:$0x3FFE];
	[sflag:s23] =	ssyncadd.s32 $0xFFFFFFFF  }
0xa5: {  	s26 =	simm.s32 $execute0_lowered;
	[smem:$0x3FD2] =	sst s25  }
0xa6: {  	s5 =	sshll.u32 s26, $0x1;
	_ =	strace $0x80000046;
	[dreg:$0x1] =	wrdreg $0xFFFFFFFF  }
0xa7: {  	s28 =	simm.s32 $_size_execute0_lowered;
	s3 =	sadd.s32 s3, s5;
	[dreg:$0x0] =	wrdreg $0x0  }
0xa8: {  	s5 =	sshll.u32 s28, $0x1;
	[dreg:$0x2] =	wrdreg s3  }
0xa9: {  	[dreg:$0x3] =	wrdreg s5  }
0xaa: {  	[dreg:$0x4] =	wrdreg $0xC0  }
0xab: {  	_ =	task [dreg:s7], $0x5FFFF  }
0xac: {  	[dreg:$0x1] =	wrdreg $0xFFFFFFFF  }
0xad: {  	[dreg:$0x0] =	wrdreg $0x60  }
0xae: {  	[dreg:$0x2] =	wrdreg s24  }
0xaf: {  	[dreg:$0x3] =	wrdreg s2  }
0xb0: {  	[dreg:$0x4] =	wrdreg $0x9  }
0xb1: {  	_ =	task.clear_ibuf [dreg:s7], $0x5FFFF;
	_ =	strace $0x90000046  }
0xb2: {  	s29 =	simm.s32 $0x9;
	_ =	strace $0x80000048  }
0xb3: {  	_ =	swait.ge [sflag:s29], $0x1  }
0xb4: {  	[sflag:s29] =	ssyncadd.s32 $0xFFFFFFFF  }
0xb5: {  	_ =	strace $0x90000048  }
0xb6: {  	_ =	sfence  }
0xb7: {  	s30 =	sld [smem:$0x0];
	_ =	sdelay $0x2  }
0xb8: {  	s31 =	sshll.u32 s1, $0xD;
	s1 =	sshrl.u32 s1, $0x2  }
0xb9: {  	s3 =	sand.u32 $0x4000, s31;
	s1 =	sadd.s32 s1, s30  }
0xba: {  	s0 =	sor.u32 s3, s0;
	s1 =	sshll.u32 s1, $0x11  }
0xbb: {  	s0 =	sor.u32 s1, s0  }
0xbc: {  	s0 =	sadd.s32 $0x8F2B, s0  }
0xbd: {  	[sflag:s0] =	ssyncadd.remote.s32 $0x1  }
0xbe: {  	_ =	sfence.sel $0xFFFF  }
0xbf: {  	[dreg:$0x0] =	wrdreg $0xFFFFFFFF;
	(pc) =	sbr.abs _section_cstart, $3  }
0xc0: {  	[dreg:$0x1] =	wrdreg $0xFFFFFFFF  }
0xc1: {  	_ =	task.clear_ibuf [dreg:s7], $0x2FFFF;
	_ =	strace $0x9FFFFFFF  }
0xc2: {  	(tm) =	ssettm $0x7FFFFFFF  }
0xc3: {  	_ =	shalt  }
tec
execute0_lowered:
.L_overlay_start_1:
0x0: {  	(tag) =	ssettag $0x1  }
0x1: {  	s8 =	rddreg [dreg:$0x0]  }
0x2: {  	s1 =	rddreg [dreg:$0x1]  }
0x3: {  	s0 =	rddreg [dreg:$0x2];
	s2 =	simm.s32 $0x0  }
0x4: {  	s7 =	srdreg.scid;
	s3 =	stileid.u32;
	s14 =	simm.s32 $0x1800  }
0x5: {  	s15 =	simm.s32 $0x1;
	s16 =	simm.s32 $0x13800;
	s17 =	simm.s32 $0x14C00  }
0x6: {  	s18 =	simm.s32 $0x2;
	s19 =	simm.s32 $0x0;
	[smem:$0x7FF] =	sst s2  }
0x7: {  	s4 =	sadd.s32 $0x41200, s8;
	s5 =	sadd.s32 $0x1200, s8;
	s6 =	sadd.s32 $0x27EE400, s8  }
0x8: {  	s9 =	sand.u32 $0x1, s7;
	s7 =	sadd.s32 $0x27EE600, s8;
	s11 =	smul.u32 $0x500000, s3  }
.Ltmp0:
0x9: {  	s8 =	sadd.s32 $0x27EE800, s8;
	s31 =	sshll.u32 s3, $0xA;
	(pc) =	sbr.rel .LBB2_1-.Ltmp0, $4  }
0xa: {  	s10 =	ssub.s32 $0x2, s9;
	s13 =	smul.u32 $0x280000, s9;
	s9 =	sshll.u32 s9, $0x9  }
0xb: {  	_ =	strace $0x80000047;
	s12 =	sshrl.u32 s10, $0x1;
	s9 =	sor.u32 s9, s31  }
0xc: {  	s10 =	ssub.s32 s10, s12;
	s11 =	sadd.s32 s13, s11;
	s12 =	simm.s32 $0x1000  }
0xd: {  	s13 =	simm.s32 $0x3;
	s10 =	smax.u32 s10, $0x1;
	s11 =	sadd.s32 $0xFFFFD800, s11  }
.LBB2_7:
0xe: {  	s19 =	sadd.s32 $0x1, s19  }
0xf: {  	p0 =	sne.s32 s19, s10  }
.Ltmp1:
0x10: {  	_ = 	snop;
	(pc) =	sbr.rel @!p0 .LBB2_8-.Ltmp1, $1  }
0x11: {  	_ =	sdelay $0x3  }
.LBB2_1:
0x12: {  	[tilespmem:s12], [sflag:$0x3] =	stream.linear.gather [hbm4b:s6+s2], $0x680, $0x38;
	[tilespmem:$0x16000] =	vst v63  }
0x13: {  	_ =	swait.ge [sflag:s13], $0x680  }
0x14: {  	[sflag:s13] =	ssyncset.done $0x0  }
.Ltmp2:
0x15: {  	[sflag:s13] =	ssyncadd.s32 $0xFFFFF980;
	(pc) =	sbr.rel .LBB2_2-.Ltmp2, $4  }
0x16: {  	[tilespmem:s14], [sflag:$0x3] =	stream.linear.gather [hbm4b:s7+s2], $0x680, $0x38;
	[tilespmem:$0x16000] =	vst v63  }
0x17: {  	_ =	swait.ge [sflag:s13], $0x680  }
0x18: {  	[sflag:s13] =	ssyncset.done $0x0  }
0x19: {  	s20 =	smov.u32 s11;
	s21 =	simm.s32 $0x0;
	[sflag:s13] =	ssyncadd.s32 $0xFFFFF980  }
.LBB2_6:
0x1a: {  	_ =	swait.ge [sflag:s15], $0x80  }
0x1b: {  	[sflag:s15] =	ssyncset.done $0x0  }
0x1c: {  	[sflag:s15] =	ssyncadd.s32 $0xFFFFFF80  }
0x1d: {  	_ =	swait.ge [sflag:s15], $0x80  }
0x1e: {  	[sflag:s15] =	ssyncset.done $0x0  }
0x1f: {  	[sflag:s15] =	ssyncadd.s32 $0xFFFFFF80  }
0x20: {  	_ =	swait.ge [sflag:s15], $0x80  }
0x21: {  	[sflag:s15] =	ssyncset.done $0x0  }
0x22: {  	[sflag:s15] =	ssyncadd.s32 $0xFFFFFF80  }
0x23: {  	_ =	swait.ge [sflag:s15], $0x80  }
0x24: {  	[sflag:s15] =	ssyncset.done $0x0  }
0x25: {  	[sflag:s15] =	ssyncadd.s32 $0xFFFFFF80  }
0x26: {  	_ =	swait.ge [sflag:s15], $0x80  }
0x27: {  	[sflag:s15] =	ssyncset.done $0x0  }
0x28: {  	[sflag:s15] =	ssyncadd.s32 $0xFFFFFF80  }
0x29: {  	_ =	swait.ge [sflag:s15], $0x80  }
0x2a: {  	[sflag:s15] =	ssyncset.done $0x0  }
0x2b: {  	[sflag:s15] =	ssyncadd.s32 $0xFFFFFF80  }
0x2c: {  	_ =	swait.ge [sflag:s15], $0x80  }
0x2d: {  	[sflag:s15] =	ssyncset.done $0x0  }
0x2e: {  	[sflag:s15] =	ssyncadd.s32 $0xFFFFFF80  }
0x2f: {  	_ =	swait.ge [sflag:s15], $0x80  }
0x30: {  	[sflag:s15] =	ssyncset.done $0x0  }
0x31: {  	[sflag:s15] =	ssyncadd.s32 $0xFFFFFF80  }
0x32: {  	_ =	swait.ge [sflag:s15], $0x80  }
0x33: {  	[sflag:s15] =	ssyncset.done $0x0  }
0x34: {  	[sflag:s15] =	ssyncadd.s32 $0xFFFFFF80  }
0x35: {  	_ =	swait.ge [sflag:s15], $0x80  }
0x36: {  	[sflag:s15] =	ssyncset.done $0x0  }
0x37: {  	[sflag:s15] =	ssyncadd.s32 $0xFFFFFF80  }
0x38: {  	_ =	swait.ge [sflag:s15], $0x80  }
0x39: {  	[sflag:s15] =	ssyncset.done $0x0  }
0x3a: {  	[sflag:s15] =	ssyncadd.s32 $0xFFFFFF80  }
0x3b: {  	_ =	swait.ge [sflag:s15], $0x80  }
0x3c: {  	[sflag:s15] =	ssyncset.done $0x0  }
0x3d: {  	[sflag:s15] =	ssyncadd.s32 $0xFFFFFF80  }
0x3e: {  	_ =	swait.ge [sflag:s15], $0x80  }
0x3f: {  	[sflag:s15] =	ssyncset.done $0x0  }
0x40: {  	[sflag:s15] =	ssyncadd.s32 $0xFFFFFF80  }
0x41: {  	_ =	swait.ge [sflag:s15], $0x80  }
0x42: {  	[sflag:s15] =	ssyncset.done $0x0  }
0x43: {  	[sflag:s15] =	ssyncadd.s32 $0xFFFFFF80  }
0x44: {  	_ =	swait.ge [sflag:s15], $0x80  }
0x45: {  	[sflag:s15] =	ssyncset.done $0x0  }
0x46: {  	[sflag:s15] =	ssyncadd.s32 $0xFFFFFF80  }
0x47: {  	_ =	swait.ge [sflag:s15], $0x80  }
0x48: {  	[sflag:s15] =	ssyncset.done $0x0  }
0x49: {  	[sflag:s15] =	ssyncadd.s32 $0xFFFFFF80  }
0x4a: {  	_ =	swait.ge [sflag:s15], $0x80  }
0x4b: {  	[sflag:s15] =	ssyncset.done $0x0  }
0x4c: {  	[sflag:s15] =	ssyncadd.s32 $0xFFFFFF80  }
0x4d: {  	_ =	swait.ge [sflag:s15], $0x80  }
0x4e: {  	[sflag:s15] =	ssyncset.done $0x0  }
0x4f: {  	[sflag:s15] =	ssyncadd.s32 $0xFFFFFF80  }
0x50: {  	_ =	swait.ge [sflag:s15], $0x80  }
0x51: {  	[sflag:s15] =	ssyncset.done $0x0  }
0x52: {  	[sflag:s15] =	ssyncadd.s32 $0xFFFFFF80  }
0x53: {  	_ =	swait.ge [sflag:s15], $0x80  }
0x54: {  	[sflag:s15] =	ssyncset.done $0x0  }
0x55: {  	[sflag:s15] =	ssyncadd.s32 $0xFFFFFF80  }
0x56: {  	_ =	swait.ge [sflag:s15], $0x80  }
0x57: {  	[sflag:s15] =	ssyncset.done $0x0  }
0x58: {  	[sflag:s15] =	ssyncadd.s32 $0xFFFFFF80  }
0x59: {  	_ =	swait.ge [sflag:s15], $0x80  }
0x5a: {  	[sflag:s15] =	ssyncset.done $0x0  }
0x5b: {  	[sflag:s15] =	ssyncadd.s32 $0xFFFFFF80  }
0x5c: {  	_ =	swait.ge [sflag:s15], $0x80  }
0x5d: {  	[sflag:s15] =	ssyncset.done $0x0  }
0x5e: {  	[sflag:s15] =	ssyncadd.s32 $0xFFFFFF80  }
0x5f: {  	_ =	swait.ge [sflag:s15], $0x80  }
0x60: {  	[sflag:s15] =	ssyncset.done $0x0  }
0x61: {  	[sflag:s15] =	ssyncadd.s32 $0xFFFFFF80  }
0x62: {  	_ =	swait.ge [sflag:s15], $0x80  }
0x63: {  	s22 =	smul.u32 $0x1400, s22;
	[sflag:s15] =	ssyncset.done $0x0  }
0x64: {  	[sflag:s15] =	ssyncadd.s32 $0xFFFFFF80  }
0x65: {  	s22 =	sshrl.u32 s22, $0x3;
	_ =	swait.ge [sflag:s15], $0x80  }
0x66: {  	s22 =	sadd.s32 s8, s22;
	[sflag:s15] =	ssyncset.done $0x0  }
0x67: {  	s23 =	sadd.s32 $0x2300, s22;
	[sflag:s15] =	ssyncadd.s32 $0xFFFFFF80  }
0x68: {  	[hbm4b:s23+s2] =	stream.linear.scatter [tilespmem:s16], [sflag:$0x2], $0x1380, $0x38;
	[tilespmem:$0x16000] =	vst v63  }
0x69: {  	_ =	swait.ge [sflag:s15], $0x80  }
0x6a: {  	[sflag:s15] =	ssyncset.done $0x0  }
0x6b: {  	[sflag:s15] =	ssyncadd.s32 $0xFFFFFF80  }
0x6c: {  	_ =	swait.ge [sflag:s15], $0x80  }
0x6d: {  	[sflag:s15] =	ssyncset.done $0x0  }
0x6e: {  	[sflag:s15] =	ssyncadd.s32 $0xFFFFFF80  }
0x6f: {  	_ =	swait.ge [sflag:s15], $0x80  }
0x70: {  	[sflag:s15] =	ssyncset.done $0x0  }
0x71: {  	[sflag:s15] =	ssyncadd.s32 $0xFFFFFF80  }
0x72: {  	_ =	swait.ge [sflag:s15], $0x80  }
0x73: {  	[sflag:s15] =	ssyncset.done $0x0  }
0x74: {  	[sflag:s15] =	ssyncadd.s32 $0xFFFFFF80  }
0x75: {  	_ =	swait.ge [sflag:s15], $0x80  }
0x76: {  	[sflag:s15] =	ssyncset.done $0x0  }
0x77: {  	[sflag:s15] =	ssyncadd.s32 $0xFFFFFF80  }
0x78: {  	_ =	swait.ge [sflag:s15], $0x80  }
0x79: {  	[sflag:s15] =	ssyncset.done $0x0  }
0x7a: {  	[sflag:s15] =	ssyncadd.s32 $0xFFFFFF80  }
0x7b: {  	_ =	swait.ge [sflag:s15], $0x80  }
0x7c: {  	[sflag:s15] =	ssyncset.done $0x0  }
0x7d: {  	[sflag:s15] =	ssyncadd.s32 $0xFFFFFF80  }
0x7e: {  	_ =	swait.ge [sflag:s15], $0x80  }
0x7f: {  	[sflag:s15] =	ssyncset.done $0x0  }
0x80: {  	[sflag:s15] =	ssyncadd.s32 $0xFFFFFF80  }
0x81: {  	_ =	swait.ge [sflag:s15], $0x80  }
0x82: {  	[sflag:s15] =	ssyncset.done $0x0  }
0x83: {  	[sflag:s15] =	ssyncadd.s32 $0xFFFFFF80  }
0x84: {  	_ =	swait.ge [sflag:s15], $0x80  }
0x85: {  	[sflag:s15] =	ssyncset.done $0x0  }
0x86: {  	[sflag:s15] =	ssyncadd.s32 $0xFFFFFF80  }
0x87: {  	_ =	swait.ge [sflag:s15], $0x80  }
0x88: {  	[sflag:s15] =	ssyncset.done $0x0  }
0x89: {  	[sflag:s15] =	ssyncadd.s32 $0xFFFFFF80  }
0x8a: {  	_ =	swait.ge [sflag:s15], $0x80  }
0x8b: {  	[sflag:s15] =	ssyncset.done $0x0  }
0x8c: {  	[sflag:s15] =	ssyncadd.s32 $0xFFFFFF80  }
0x8d: {  	_ =	swait.ge [sflag:s15], $0x80  }
0x8e: {  	[sflag:s15] =	ssyncset.done $0x0  }
0x8f: {  	[sflag:s15] =	ssyncadd.s32 $0xFFFFFF80  }
0x90: {  	_ =	swait.ge [sflag:s15], $0x80  }
0x91: {  	[sflag:s15] =	ssyncset.done $0x0  }
0x92: {  	[sflag:s15] =	ssyncadd.s32 $0xFFFFFF80  }
0x93: {  	_ =	swait.ge [sflag:s15], $0x80  }
0x94: {  	[sflag:s15] =	ssyncset.done $0x0  }
0x95: {  	[sflag:s15] =	ssyncadd.s32 $0xFFFFFF80  }
0x96: {  	_ =	swait.ge [sflag:s15], $0x80  }
0x97: {  	[sflag:s15] =	ssyncset.done $0x0  }
0x98: {  	[sflag:s15] =	ssyncadd.s32 $0xFFFFFF80  }
0x99: {  	_ =	swait.ge [sflag:s15], $0x80  }
0x9a: {  	[sflag:s15] =	ssyncset.done $0x0  }
0x9b: {  	[sflag:s15] =	ssyncadd.s32 $0xFFFFFF80  }
0x9c: {  	_ =	swait.ge [sflag:s15], $0x80  }
0x9d: {  	[sflag:s15] =	ssyncset.done $0x0  }
0x9e: {  	[sflag:s15] =	ssyncadd.s32 $0xFFFFFF80  }
0x9f: {  	_ =	swait.ge [sflag:s15], $0x80  }
0xa0: {  	[sflag:s15] =	ssyncset.done $0x0  }
0xa1: {  	[sflag:s15] =	ssyncadd.s32 $0xFFFFFF80  }
0xa2: {  	_ =	swait.ge [sflag:s15], $0x80  }
0xa3: {  	[sflag:s15] =	ssyncset.done $0x0  }
0xa4: {  	[sflag:s15] =	ssyncadd.s32 $0xFFFFFF80  }
0xa5: {  	_ =	swait.ge [sflag:s15], $0x80  }
0xa6: {  	[sflag:s15] =	ssyncset.done $0x0  }
0xa7: {  	[sflag:s15] =	ssyncadd.s32 $0xFFFFFF80  }
0xa8: {  	_ =	swait.ge [sflag:s15], $0x80  }
0xa9: {  	[sflag:s15] =	ssyncset.done $0x0  }
0xaa: {  	[sflag:s15] =	ssyncadd.s32 $0xFFFFFF80  }
0xab: {  	_ =	swait.ge [sflag:s15], $0x80  }
0xac: {  	[sflag:s15] =	ssyncset.done $0x0  }
0xad: {  	[sflag:s15] =	ssyncadd.s32 $0xFFFFFF80  }
0xae: {  	_ =	swait.ge [sflag:s15], $0x80  }
0xaf: {  	[sflag:s15] =	ssyncset.done $0x0  }
0xb0: {  	[sflag:s15] =	ssyncadd.s32 $0xFFFFFF80  }
0xb1: {  	_ =	swait.ge [sflag:s15], $0x80  }
0xb2: {  	[sflag:s15] =	ssyncset.done $0x0  }
0xb3: {  	[sflag:s15] =	ssyncadd.s32 $0xFFFFFF80  }
0xb4: {  	_ =	swait.ge [sflag:s15], $0x80  }
0xb5: {  	[sflag:s15] =	ssyncset.done $0x0  }
0xb6: {  	s22 =	sadd.s32 $0x2580, s22;
	[sflag:s15] =	ssyncadd.s32 $0xFFFFFF80  }
0xb7: {  	[hbm4b:s22+s2] =	stream.linear.scatter [tilespmem:s17], [sflag:$0x2], $0x1380, $0x38;
	[tilespmem:$0x16000] =	vst v63  }
0xb8: {  	_ =	swait.ge [sflag:s18], $0x1380  }
0xb9: {  	[sflag:s18] =	ssyncset.done $0x0  }
0xba: {  	[sflag:s18] =	ssyncadd.s32 $0xFFFFEC80  }
0xbb: {  	_ =	swait.ge [sflag:s18], $0x1380  }
0xbc: {  	[sflag:s18] =	ssyncset.done $0x0  }
0xbd: {  	[sflag:s18] =	ssyncadd.s32 $0xFFFFEC80  }
0xbe: {  	_ =	swait.ge [sflag:s18], $0x1380  }
0xbf: {  	[sflag:s18] =	ssyncset.done $0x0  }
0xc0: {  	[sflag:s18] =	ssyncadd.s32 $0xFFFFEC80  }
0xc1: {  	_ =	swait.ge [sflag:s18], $0x1380  }
0xc2: {  	[sflag:s18] =	ssyncset.done $0x0  }
0xc3: {  	[sflag:s18] =	ssyncadd.s32 $0xFFFFEC80  }
0xc4: {  	_ =	swait.ge [sflag:s18], $0x1380  }
0xc5: {  	[sflag:s18] =	ssyncset.done $0x0  }
0xc6: {  	[sflag:s18] =	ssyncadd.s32 $0xFFFFEC80  }
0xc7: {  	_ =	swait.ge [sflag:s18], $0x1380  }
0xc8: {  	[sflag:s18] =	ssyncset.done $0x0  }
0xc9: {  	[sflag:s18] =	ssyncadd.s32 $0xFFFFEC80  }
0xca: {  	_ =	swait.ge [sflag:s18], $0x1380  }
0xcb: {  	[sflag:s18] =	ssyncset.done $0x0  }
0xcc: {  	[sflag:s18] =	ssyncadd.s32 $0xFFFFEC80  }
0xcd: {  	_ =	swait.ge [sflag:s18], $0x1380  }
0xce: {  	[sflag:s18] =	ssyncset.done $0x0  }
0xcf: {  	[sflag:s18] =	ssyncadd.s32 $0xFFFFEC80  }
0xd0: {  	_ =	swait.ge [sflag:s18], $0x1380  }
0xd1: {  	[sflag:s18] =	ssyncset.done $0x0  }
0xd2: {  	[sflag:s18] =	ssyncadd.s32 $0xFFFFEC80  }
0xd3: {  	_ =	swait.ge [sflag:s18], $0x1380  }
0xd4: {  	[sflag:s18] =	ssyncset.done $0x0  }
0xd5: {  	[sflag:s18] =	ssyncadd.s32 $0xFFFFEC80  }
0xd6: {  	_ =	swait.ge [sflag:s18], $0x1380  }
0xd7: {  	[sflag:s18] =	ssyncset.done $0x0  }
0xd8: {  	[sflag:s18] =	ssyncadd.s32 $0xFFFFEC80  }
0xd9: {  	_ =	swait.ge [sflag:s18], $0x1380  }
0xda: {  	[sflag:s18] =	ssyncset.done $0x0  }
0xdb: {  	[sflag:s18] =	ssyncadd.s32 $0xFFFFEC80  }
0xdc: {  	_ =	swait.ge [sflag:s18], $0x1380  }
0xdd: {  	[sflag:s18] =	ssyncset.done $0x0  }
0xde: {  	[sflag:s18] =	ssyncadd.s32 $0xFFFFEC80  }
0xdf: {  	_ =	swait.ge [sflag:s18], $0x1380  }
0xe0: {  	[sflag:s18] =	ssyncset.done $0x0  }
0xe1: {  	s21 =	sadd.s32 $0x1, s21;
	[sflag:s18] =	ssyncadd.s32 $0xFFFFEC80  }
0xe2: {  	p0 =	sne.s32 s21, $0x20;
	_ =	swait.ge [sflag:s18], $0x1380  }
.Ltmp3:
0xe3: {  	[sflag:s18] =	ssyncset.done $0x0;
	(pc) =	sbr.rel @!p0 .LBB2_7-.Ltmp3, $4  }
0xe4: {  	[sflag:s18] =	ssyncadd.s32 $0xFFFFEC80  }
0xe5: {  	_ =	swait.ge [sflag:s18], $0x1380  }
0xe6: {  	[sflag:s18] =	ssyncset.done $0x0  }
0xe7: {  	s20 =	sadd.s32 $0x14000, s20;
	[sflag:s18] =	ssyncadd.s32 $0xFFFFEC80  }
.LBB2_2:
0xe8: {  	s22 =	sshll.u32 s21, $0x4  }
0xe9: {  	s22 =	sadd.s32 s9, s22  }
0xea: {  	s24 =	sshll.u32 s22, $0x4  }
0xeb: {  	s23 =	simm.s32 $0x0;
	s25 =	sadd.s32 s1, s24  }
0xec: {  	[tilespmem:s23], [sflag:$0x3] =	stream.linear.gather [hbm4b:s25+s23], $0x800, $0x38;
	[tilespmem:$0x16000] =	vst v63  }
0xed: {  	_ =	swait.ge [sflag:s13], $0x800  }
0xee: {  	s31 =	sadd.s32 s5, s24;
	[sflag:s13] =	ssyncset.done $0x0  }
.Ltmp4:
0xef: {  	s24 =	simm.s32 $0x800;
	[sflag:s13] =	ssyncadd.s32 $0xFFFFF800;
	(pc) =	sbr.rel .LBB2_3-.Ltmp4, $4  }
0xf0: {  	[tilespmem:s24], [sflag:$0x3] =	stream.linear.gather [hbm4b:s31+s23], $0x800, $0x38;
	[tilespmem:$0x16000] =	vst v63  }
0xf1: {  	_ =	swait.ge [sflag:s13], $0x800  }
0xf2: {  	s26 =	smov.u32 s20;
	[sflag:s13] =	ssyncset.done $0x0  }
0xf3: {  	s28 =	simm.s32 $0x0;
	s25 =	simm.s32 $0xA;
	[sflag:s13] =	ssyncadd.s32 $0xFFFFF800  }
.LBB2_5:
0xf4: {  	s23 =	sadd.s32 $0x5000, s23  }
0xf5: {  	p0 =	sne.s32 s23, $0x50000  }
.Ltmp5:
0xf6: {  	_ = 	snop;
	(pc) =	sbr.rel @!p0 .LBB2_6-.Ltmp5, $3  }
0xf7: {  	_ =	sdelay $0x1  }
0xf8: {  	s28 =	sadd.s32 $0x1, s28  }
0xf9: {  	s26 =	sadd.s32 $0x1400, s26;
	s24 =	sadd.s32 $0x80, s24;
	s25 =	sadd.s32 $0x80, s25  }
.LBB2_3:
0xfa: {  	v0 =	vld [tilespmem:s25+$0xFFFFFFF6];
	_ =	sdelay $0x4  }
0xfb: {  	(v2sf) =	vpush v0, $0x0;
	_ =	sdelay $0x3  }
0xfc: {  	v0 =	vshll.u32 v0, $0x7  }
0xfd: {  	(v2sf) =	vpush v0, $0x1;
	_ =	sdelay $0x4  }
0xfe: {  	(v2sf) =	vpush v0, $0x2;
	_ =	sdelay $0x4  }
0xff: {  	s29 =	spop (v2sf);
	(v2sf) =	vpush v0, $0x3  }
0x100: {  	s30 =	sshll.u32 s29, $0x4  }
0x101: {  	s29 =	sshra.s32 s23, $0x2;
	s30 =	sand.u32 $0x1FFFFFF0, s30  }
0x102: {  	s31 =	sadd.s32 $0x2680, s29;
	s30 =	sadd.s32 s4, s30  }
0x103: {  	v1 =	vld [tilespmem:s25+$0x0];
	[tilespmem:s31], [sflag:$0x1] =	stream.linear.gather [hbm4b:s30+s2], $0x80, $0x38  }
0x104: {  	s31 =	spop (v2sf);
	(v2sf) =	vpush v0, $0x4  }
0x105: {  	s30 =	sadd.s32 $0xC35400, s31  }
0x106: {  	s30 =	sshrl.u32 s30, $0x3  }
0x107: {  	s31 =	sadd.s32 $0x2700, s29;
	s30 =	sadd.s32 s4, s30  }
0x108: {  	[tilespmem:s31], [sflag:$0x1] =	stream.linear.gather [hbm4b:s30+s2], $0x80, $0x38;
	[tilespmem:$0x16000] =	vst v63  }
0x109: {  	s31 =	spop (v2sf);
	(v2sf) =	vpush v0, $0x5  }
0x10a: {  	s30 =	sadd.s32 $0x186A800, s31  }
0x10b: {  	s30 =	sshrl.u32 s30, $0x3  }
0x10c: {  	s31 =	sadd.s32 $0x2780, s29;
	s30 =	sadd.s32 s4, s30  }
0x10d: {  	[tilespmem:s31], [sflag:$0x1] =	stream.linear.gather [hbm4b:s30+s2], $0x80, $0x38;
	[tilespmem:$0x16000] =	vst v63  }
0x10e: {  	s31 =	spop (v2sf);
	(v2sf) =	vpush v0, $0x6  }
0x10f: {  	s30 =	sadd.s32 $0x249FC00, s31  }
0x110: {  	s30 =	sshrl.u32 s30, $0x3  }
0x111: {  	s31 =	sadd.s32 $0x2800, s29;
	s30 =	sadd.s32 s4, s30  }
0x112: {  	[tilespmem:s31], [sflag:$0x1] =	stream.linear.gather [hbm4b:s30+s2], $0x80, $0x38;
	[tilespmem:$0x16000] =	vst v63  }
0x113: {  	s31 =	spop (v2sf);
	(v2sf) =	vpush v0, $0x7  }
0x114: {  	s30 =	sadd.s32 $0x30D5000, s31  }
0x115: {  	s30 =	sshrl.u32 s30, $0x3  }
0x116: {  	s31 =	sadd.s32 $0x2880, s29;
	s30 =	sadd.s32 s4, s30  }
0x117: {  	[tilespmem:s31], [sflag:$0x1] =	stream.linear.gather [hbm4b:s30+s2], $0x80, $0x38;
	[tilespmem:$0x16000] =	vst v63  }
0x118: {  	s31 =	spop (v2sf);
	(v2sf) =	vpush v0, $0x8  }
0x119: {  	s30 =	sadd.s32 $0x3D0A400, s31  }
0x11a: {  	s30 =	sshrl.u32 s30, $0x3  }
0x11b: {  	s31 =	sadd.s32 $0x2900, s29;
	s30 =	sadd.s32 s4, s30  }
0x11c: {  	[tilespmem:s31], [sflag:$0x1] =	stream.linear.gather [hbm4b:s30+s2], $0x80, $0x38;
	[tilespmem:$0x16000] =	vst v63  }
0x11d: {  	s31 =	spop (v2sf);
	(v2sf) =	vpush v0, $0x9  }
0x11e: {  	s30 =	sadd.s32 $0x493F800, s31  }
0x11f: {  	s30 =	sshrl.u32 s30, $0x3  }
0x120: {  	s31 =	sadd.s32 $0x2980, s29;
	s30 =	sadd.s32 s4, s30  }
0x121: {  	[tilespmem:s31], [sflag:$0x1] =	stream.linear.gather [hbm4b:s30+s2], $0x80, $0x38;
	[tilespmem:$0x16000] =	vst v63  }
0x122: {  	s31 =	spop (v2sf);
	(v2sf) =	vpush v0, $0xA  }
0x123: {  	s30 =	sadd.s32 $0x5574C00, s31  }
0x124: {  	s30 =	sshrl.u32 s30, $0x3  }
0x125: {  	s31 =	sadd.s32 $0x2A00, s29;
	s30 =	sadd.s32 s4, s30  }
0x126: {  	[tilespmem:s31], [sflag:$0x1] =	stream.linear.gather [hbm4b:s30+s2], $0x80, $0x38;
	[tilespmem:$0x16000] =	vst v63  }
0x127: {  	s31 =	spop (v2sf);
	(v2sf) =	vpush v0, $0xB  }
0x128: {  	s30 =	sadd.s32 $0x61AA000, s31  }
0x129: {  	s30 =	sshrl.u32 s30, $0x3  }
0x12a: {  	s31 =	sadd.s32 $0x2A80, s29;
	s30 =	sadd.s32 s4, s30  }
0x12b: {  	[tilespmem:s31], [sflag:$0x1] =	stream.linear.gather [hbm4b:s30+s2], $0x80, $0x38;
	[tilespmem:$0x16000] =	vst v63  }
0x12c: {  	s31 =	spop (v2sf);
	(v2sf) =	vpush v0, $0xC  }
0x12d: {  	s30 =	sadd.s32 $0x6DDF400, s31  }
0x12e: {  	s30 =	sshrl.u32 s30, $0x3  }
0x12f: {  	s31 =	sadd.s32 $0x2B00, s29;
	s30 =	sadd.s32 s4, s30  }
0x130: {  	[tilespmem:s31], [sflag:$0x1] =	stream.linear.gather [hbm4b:s30+s2], $0x80, $0x38;
	[tilespmem:$0x16000] =	vst v63  }
0x131: {  	s31 =	spop (v2sf);
	(v2sf) =	vpush v0, $0xD  }
0x132: {  	s30 =	sadd.s32 $0x7A14800, s31  }
0x133: {  	s30 =	sshrl.u32 s30, $0x3  }
0x134: {  	s31 =	sadd.s32 $0x2B80, s29;
	s30 =	sadd.s32 s4, s30  }
0x135: {  	[tilespmem:s31], [sflag:$0x1] =	stream.linear.gather [hbm4b:s30+s2], $0x80, $0x38;
	[tilespmem:$0x16000] =	vst v63  }
0x136: {  	s31 =	spop (v2sf);
	(v2sf) =	vpush v0, $0xE  }
0x137: {  	s30 =	sadd.s32 $0x8649C00, s31  }
0x138: {  	s30 =	sshrl.u32 s30, $0x3  }
0x139: {  	s31 =	sadd.s32 $0x2C00, s29;
	s30 =	sadd.s32 s4, s30  }
0x13a: {  	[tilespmem:s31], [sflag:$0x1] =	stream.linear.gather [hbm4b:s30+s2], $0x80, $0x38;
	[tilespmem:$0x16000] =	vst v63  }
0x13b: {  	s31 =	spop (v2sf);
	(v2sf) =	vpush v0, $0xF  }
0x13c: {  	s30 =	sadd.s32 $0x927F000, s31  }
0x13d: {  	s30 =	sshrl.u32 s30, $0x3  }
0x13e: {  	s31 =	sadd.s32 $0x2C80, s29;
	s30 =	sadd.s32 s4, s30  }
0x13f: {  	v25 =	vshll.u32 v1, $0x7;
	[tilespmem:s31], [sflag:$0x1] =	stream.linear.gather [hbm4b:s30+s2], $0x80, $0x38;
	[tilespmem:$0x16000] =	vst v63  }
0x140: {  	s31 =	spop (v2sf);
	(v2sf) =	vpush v25, $0x6  }
0x141: {  	s30 =	sadd.s32 $0x9EB4400, s31  }
0x142: {  	s30 =	sshrl.u32 s30, $0x3  }
0x143: {  	s31 =	sadd.s32 $0x2D00, s29;
	s30 =	sadd.s32 s4, s30  }
0x144: {  	[tilespmem:s31], [sflag:$0x1] =	stream.linear.gather [hbm4b:s30+s2], $0x80, $0x38;
	[tilespmem:$0x16000] =	vst v63  }
0x145: {  	s31 =	spop (v2sf);
	(v2sf) =	vpush v25, $0x7  }
0x146: {  	s30 =	sadd.s32 $0xAAE9800, s31  }
0x147: {  	s30 =	sshrl.u32 s30, $0x3  }
0x148: {  	s31 =	sadd.s32 $0x2D80, s29;
	s30 =	sadd.s32 s4, s30  }
0x149: {  	[tilespmem:s31], [sflag:$0x1] =	stream.linear.gather [hbm4b:s30+s2], $0x80, $0x38;
	[tilespmem:$0x16000] =	vst v63  }
0x14a: {  	s31 =	spop (v2sf);
	(v2sf) =	vpush v25, $0x8  }
0x14b: {  	s30 =	sadd.s32 $0xB71EC00, s31  }
0x14c: {  	s30 =	sshrl.u32 s30, $0x3  }
0x14d: {  	s31 =	sadd.s32 $0x2E00, s29;
	s30 =	sadd.s32 s4, s30  }
0x14e: {  	[tilespmem:s31], [sflag:$0x1] =	stream.linear.gather [hbm4b:s30+s2], $0x80, $0x38;
	[tilespmem:$0x16000] =	vst v63  }
0x14f: {  	s31 =	spop (v2sf);
	(v2sf) =	vpush v25, $0x9  }
0x150: {  	s30 =	sadd.s32 $0xC354000, s31  }
0x151: {  	s30 =	sshrl.u32 s30, $0x3  }
0x152: {  	s31 =	sadd.s32 $0x2E80, s29;
	s30 =	sadd.s32 s4, s30  }
0x153: {  	[tilespmem:s31], [sflag:$0x1] =	stream.linear.gather [hbm4b:s30+s2], $0x80, $0x38;
	[tilespmem:$0x16000] =	vst v63  }
0x154: {  	s31 =	spop (v2sf);
	(v2sf) =	vpush v25, $0xA  }
0x155: {  	s30 =	sadd.s32 $0xCF89400, s31  }
0x156: {  	s30 =	sshrl.u32 s30, $0x3  }
0x157: {  	s31 =	sadd.s32 $0x2F00, s29;
	s30 =	sadd.s32 s4, s30  }
0x158: {  	[tilespmem:s31], [sflag:$0x1] =	stream.linear.gather [hbm4b:s30+s2], $0x80, $0x38;
	[tilespmem:$0x16000] =	vst v63  }
0x159: {  	s31 =	spop (v2sf);
	(v2sf) =	vpush v25, $0xB  }
0x15a: {  	s30 =	sadd.s32 $0xDBBE800, s31  }
0x15b: {  	s30 =	sshrl.u32 s30, $0x3  }
0x15c: {  	s31 =	sadd.s32 $0x2F80, s29;
	s30 =	sadd.s32 s4, s30  }
0x15d: {  	[tilespmem:s31], [sflag:$0x1] =	stream.linear.gather [hbm4b:s30+s2], $0x80, $0x38;
	[tilespmem:$0x16000] =	vst v63  }
0x15e: {  	s31 =	spop (v2sf);
	(v2sf) =	vpush v25, $0xC  }
0x15f: {  	s30 =	sadd.s32 $0xE7F3C00, s31  }
0x160: {  	s30 =	sshrl.u32 s30, $0x3  }
0x161: {  	s31 =	sadd.s32 $0x3000, s29;
	s30 =	sadd.s32 s4, s30  }
0x162: {  	[tilespmem:s31], [sflag:$0x1] =	stream.linear.gather [hbm4b:s30+s2], $0x80, $0x38;
	[tilespmem:$0x16000] =	vst v63  }
0x163: {  	s31 =	spop (v2sf);
	(v2sf) =	vpush v25, $0xD  }
0x164: {  	s30 =	sadd.s32 $0xF429000, s31  }
0x165: {  	s30 =	sshrl.u32 s30, $0x3  }
0x166: {  	s31 =	sadd.s32 $0x3080, s29;
	s30 =	sadd.s32 s4, s30  }
0x167: {  	[tilespmem:s31], [sflag:$0x1] =	stream.linear.gather [hbm4b:s30+s2], $0x80, $0x38;
	[tilespmem:$0x16000] =	vst v63  }
0x168: {  	s31 =	spop (v2sf);
	(v2sf) =	vpush v25, $0xE  }
0x169: {  	s30 =	sadd.s32 $0x1005E400, s31  }
0x16a: {  	s30 =	sshrl.u32 s30, $0x3  }
0x16b: {  	s31 =	sadd.s32 $0x3100, s29;
	s30 =	sadd.s32 s4, s30  }
0x16c: {  	[tilespmem:s31], [sflag:$0x1] =	stream.linear.gather [hbm4b:s30+s2], $0x80, $0x38;
	[tilespmem:$0x16000] =	vst v63  }
0x16d: {  	s31 =	spop (v2sf);
	(v2sf) =	vpush v25, $0xF  }
0x16e: {  	s30 =	sadd.s32 $0x10C93800, s31  }
0x16f: {  	s30 =	sshrl.u32 s30, $0x3  }
0x170: {  	s31 =	sadd.s32 $0x3180, s29;
	s30 =	sadd.s32 s4, s30  }
0x171: {  	[tilespmem:s31], [sflag:$0x1] =	stream.linear.gather [hbm4b:s30+s2], $0x80, $0x38;
	[tilespmem:$0x16000] =	vst v63  }
0x172: {  	s31 =	spop (v2sf)  }
0x173: {  	s30 =	sadd.s32 $0x118C8C00, s31  }
0x174: {  	s30 =	sshrl.u32 s30, $0x3  }
0x175: {  	s31 =	sadd.s32 $0x3200, s29;
	s30 =	sadd.s32 s4, s30  }
0x176: {  	[tilespmem:s31], [sflag:$0x1] =	stream.linear.gather [hbm4b:s30+s2], $0x80, $0x38;
	[tilespmem:$0x16000] =	vst v63  }
0x177: {  	s31 =	spop (v2sf)  }
0x178: {  	s30 =	sadd.s32 $0x124FE000, s31  }
0x179: {  	s30 =	sshrl.u32 s30, $0x3  }
0x17a: {  	s31 =	sadd.s32 $0x3280, s29;
	s30 =	sadd.s32 s4, s30  }
0x17b: {  	[tilespmem:s31], [sflag:$0x1] =	stream.linear.gather [hbm4b:s30+s2], $0x80, $0x38;
	[tilespmem:$0x16000] =	vst v63  }
0x17c: {  	s31 =	spop (v2sf)  }
0x17d: {  	s30 =	sadd.s32 $0x13133400, s31  }
0x17e: {  	s30 =	sshrl.u32 s30, $0x3  }
0x17f: {  	s31 =	sadd.s32 $0x3300, s29;
	s30 =	sadd.s32 s4, s30  }
0x180: {  	[tilespmem:s31], [sflag:$0x1] =	stream.linear.gather [hbm4b:s30+s2], $0x80, $0x38;
	[tilespmem:$0x16000] =	vst v63  }
0x181: {  	v26 =	vld [tilespmem:s24+$0x0];
	_ =	sdelay $0x1  }
0x182: {  	v27 =	vld [tilespmem:$0x1000];
	_ =	sdelay $0x1  }
0x183: {  	v2 =	vld [tilespmem:$0x1800]  }
0x184: {  	v3 =	vbroadcast v26, $0x0;
	_ =	sdelay $0x1  }
0x185: {  	v1 =	vmul.f32 v27, v3;
	_ =	sdelay $0x1  }
0x186: {  	v1 =	vadd.f32 v2, v1;
	_ =	sdelay $0x1  }
0x187: {  	[tilespmem:s29+$0x2000] =	vst v1  }
0x188: {  	v1 =	vld [tilespmem:$0x1010];
	_ =	sdelay $0x1  }
0x189: {  	v28 =	vld [tilespmem:$0x1810];
	_ =	sdelay $0x2  }
0x18a: {  	v1 =	vmul.f32 v1, v3;
	_ =	sdelay $0x1  }
0x18b: {  	v1 =	vadd.f32 v28, v1;
	_ =	sdelay $0x1  }
0x18c: {  	[tilespmem:s29+$0x2010] =	vst v1  }
0x18d: {  	v1 =	vld [tilespmem:$0x1080];
	_ =	sdelay $0x1  }
0x18e: {  	v29 =	vld [tilespmem:$0x1880]  }
0x18f: {  	v30 =	vbroadcast v26, $0x1;
	_ =	sdelay $0x1  }
0x190: {  	v1 =	vmul.f32 v1, v30;
	_ =	sdelay $0x1  }
0x191: {  	v1 =	vadd.f32 v29, v1;
	_ =	sdelay $0x1  }
0x192: {  	[tilespmem:s29+$0x2080] =	vst v1  }
0x193: {  	v1 =	vld [tilespmem:$0x1090];
	_ =	sdelay $0x1  }
0x194: {  	v31 =	vld [tilespmem:$0x1890];
	_ =	sdelay $0x2  }
0x195: {  	v1 =	vmul.f32 v1, v30;
	_ =	sdelay $0x1  }
0x196: {  	v1 =	vadd.f32 v31, v1;
	_ =	sdelay $0x1  }
0x197: {  	[tilespmem:s29+$0x2090] =	vst v1  }
0x198: {  	v1 =	vld [tilespmem:$0x1100];
	_ =	sdelay $0x1  }
0x199: {  	v32 =	vld [tilespmem:$0x1900]  }
0x19a: {  	v33 =	vbroadcast v26, $0x2;
	_ =	sdelay $0x1  }
0x19b: {  	v1 =	vmul.f32 v1, v33;
	_ =	sdelay $0x1  }
0x19c: {  	v1 =	vadd.f32 v32, v1;
	_ =	sdelay $0x1  }
0x19d: {  	[tilespmem:s29+$0x2100] =	vst v1  }
0x19e: {  	v1 =	vld [tilespmem:$0x1110];
	_ =	sdelay $0x1  }
0x19f: {  	v34 =	vld [tilespmem:$0x1910];
	_ =	sdelay $0x2  }
0x1a0: {  	v1 =	vmul.f32 v1, v33;
	_ =	sdelay $0x1  }
0x1a1: {  	v1 =	vadd.f32 v34, v1;
	_ =	sdelay $0x1  }
0x1a2: {  	[tilespmem:s29+$0x2110] =	vst v1  }
0x1a3: {  	v1 =	vld [tilespmem:$0x1180];
	_ =	sdelay $0x1  }
0x1a4: {  	v35 =	vld [tilespmem:$0x1980]  }
0x1a5: {  	v36 =	vbroadcast v26, $0x3;
	_ =	sdelay $0x1  }
0x1a6: {  	v1 =	vmul.f32 v1, v36;
	_ =	sdelay $0x1  }
0x1a7: {  	v1 =	vadd.f32 v35, v1;
	_ =	sdelay $0x1  }
0x1a8: {  	[tilespmem:s29+$0x2180] =	vst v1  }
0x1a9: {  	v1 =	vld [tilespmem:$0x1190];
	_ =	sdelay $0x1  }
0x1aa: {  	v37 =	vld [tilespmem:$0x1990];
	_ =	sdelay $0x2  }
0x1ab: {  	v1 =	vmul.f32 v1, v36;
	_ =	sdelay $0x1  }
0x1ac: {  	v1 =	vadd.f32 v37, v1;
	_ =	sdelay $0x1  }
0x1ad: {  	[tilespmem:s29+$0x2190] =	vst v1  }
0x1ae: {  	v1 =	vld [tilespmem:$0x1200];
	_ =	sdelay $0x1  }
0x1af: {  	v38 =	vld [tilespmem:$0x1A00]  }
0x1b0: {  	v39 =	vbroadcast v26, $0x4;
	_ =	sdelay $0x1  }
0x1b1: {  	v1 =	vmul.f32 v1, v39;
	_ =	sdelay $0x1  }
0x1b2: {  	v1 =	vadd.f32 v38, v1;
	_ =	sdelay $0x1  }
0x1b3: {  	[tilespmem:s29+$0x2200] =	vst v1  }
0x1b4: {  	v1 =	vld [tilespmem:$0x1210];
	_ =	sdelay $0x1  }
0x1b5: {  	v40 =	vld [tilespmem:$0x1A10];
	_ =	sdelay $0x2  }
0x1b6: {  	v1 =	vmul.f32 v1, v39;
	_ =	sdelay $0x1  }
0x1b7: {  	v1 =	vadd.f32 v40, v1;
	_ =	sdelay $0x1  }
0x1b8: {  	[tilespmem:s29+$0x2210] =	vst v1  }
0x1b9: {  	v1 =	vld [tilespmem:$0x1280];
	_ =	sdelay $0x1  }
0x1ba: {  	v41 =	vld [tilespmem:$0x1A80]  }
0x1bb: {  	v42 =	vbroadcast v26, $0x5;
	_ =	sdelay $0x1  }
0x1bc: {  	v1 =	vmul.f32 v1, v42;
	_ =	sdelay $0x1  }
0x1bd: {  	v1 =	vadd.f32 v41, v1;
	_ =	sdelay $0x1  }
0x1be: {  	[tilespmem:s29+$0x2280] =	vst v1  }
0x1bf: {  	v1 =	vld [tilespmem:$0x1290];
	_ =	sdelay $0x1  }
0x1c0: {  	v43 =	vld [tilespmem:$0x1A90];
	_ =	sdelay $0x2  }
0x1c1: {  	v1 =	vmul.f32 v1, v42;
	_ =	sdelay $0x1  }
0x1c2: {  	v1 =	vadd.f32 v43, v1;
	_ =	sdelay $0x1  }
0x1c3: {  	[tilespmem:s29+$0x2290] =	vst v1  }
0x1c4: {  	v1 =	vld [tilespmem:$0x1300];
	_ =	sdelay $0x1  }
0x1c5: {  	v44 =	vld [tilespmem:$0x1B00]  }
0x1c6: {  	v45 =	vbroadcast v26, $0x6;
	_ =	sdelay $0x1  }
0x1c7: {  	v1 =	vmul.f32 v1, v45;
	_ =	sdelay $0x1  }
0x1c8: {  	v1 =	vadd.f32 v44, v1;
	_ =	sdelay $0x1  }
0x1c9: {  	[tilespmem:s29+$0x2300] =	vst v1  }
0x1ca: {  	v1 =	vld [tilespmem:$0x1310];
	_ =	sdelay $0x1  }
0x1cb: {  	v46 =	vld [tilespmem:$0x1B10];
	_ =	sdelay $0x2  }
0x1cc: {  	v1 =	vmul.f32 v1, v45;
	_ =	sdelay $0x1  }
0x1cd: {  	v1 =	vadd.f32 v46, v1;
	_ =	sdelay $0x1  }
0x1ce: {  	[tilespmem:s29+$0x2310] =	vst v1  }
0x1cf: {  	v1 =	vld [tilespmem:$0x1380];
	_ =	sdelay $0x1  }
0x1d0: {  	v47 =	vld [tilespmem:$0x1B80]  }
0x1d1: {  	v48 =	vbroadcast v26, $0x7;
	_ =	sdelay $0x1  }
0x1d2: {  	v1 =	vmul.f32 v1, v48;
	_ =	sdelay $0x1  }
0x1d3: {  	v1 =	vadd.f32 v47, v1;
	_ =	sdelay $0x1  }
0x1d4: {  	[tilespmem:s29+$0x2380] =	vst v1  }
0x1d5: {  	v1 =	vld [tilespmem:$0x1390];
	_ =	sdelay $0x1  }
0x1d6: {  	v49 =	vld [tilespmem:$0x1B90];
	_ =	sdelay $0x2  }
0x1d7: {  	v1 =	vmul.f32 v1, v48;
	_ =	sdelay $0x1  }
0x1d8: {  	v1 =	vadd.f32 v49, v1;
	_ =	sdelay $0x1  }
0x1d9: {  	[tilespmem:s29+$0x2390] =	vst v1  }
0x1da: {  	v1 =	vld [tilespmem:$0x1400];
	_ =	sdelay $0x1  }
0x1db: {  	v50 =	vld [tilespmem:$0x1C00]  }
0x1dc: {  	v51 =	vbroadcast v26, $0x8;
	_ =	sdelay $0x1  }
0x1dd: {  	v1 =	vmul.f32 v1, v51;
	_ =	sdelay $0x1  }
0x1de: {  	v1 =	vadd.f32 v50, v1;
	_ =	sdelay $0x1  }
0x1df: {  	[tilespmem:s29+$0x2400] =	vst v1  }
0x1e0: {  	v1 =	vld [tilespmem:$0x1410];
	_ =	sdelay $0x1  }
0x1e1: {  	v52 =	vld [tilespmem:$0x1C10];
	_ =	sdelay $0x2  }
0x1e2: {  	v1 =	vmul.f32 v1, v51;
	_ =	sdelay $0x1  }
0x1e3: {  	v1 =	vadd.f32 v52, v1;
	_ =	sdelay $0x1  }
0x1e4: {  	[tilespmem:s29+$0x2410] =	vst v1  }
0x1e5: {  	v1 =	vld [tilespmem:$0x1480];
	_ =	sdelay $0x1  }
0x1e6: {  	v53 =	vld [tilespmem:$0x1C80]  }
0x1e7: {  	v54 =	vbroadcast v26, $0x9;
	_ =	sdelay $0x1  }
0x1e8: {  	v1 =	vmul.f32 v1, v54;
	_ =	sdelay $0x1  }
0x1e9: {  	v1 =	vadd.f32 v53, v1;
	_ =	sdelay $0x1  }
0x1ea: {  	[tilespmem:s29+$0x2480] =	vst v1  }
0x1eb: {  	v1 =	vld [tilespmem:$0x1490];
	_ =	sdelay $0x1  }
0x1ec: {  	v55 =	vld [tilespmem:$0x1C90];
	_ =	sdelay $0x2  }
0x1ed: {  	v1 =	vmul.f32 v1, v54;
	_ =	sdelay $0x1  }
0x1ee: {  	v1 =	vadd.f32 v55, v1;
	_ =	sdelay $0x1  }
0x1ef: {  	[tilespmem:s29+$0x2490] =	vst v1  }
0x1f0: {  	v1 =	vld [tilespmem:$0x1500];
	_ =	sdelay $0x1  }
0x1f1: {  	v56 =	vld [tilespmem:$0x1D00]  }
0x1f2: {  	v57 =	vbroadcast v26, $0xA;
	_ =	sdelay $0x1  }
0x1f3: {  	v1 =	vmul.f32 v1, v57;
	_ =	sdelay $0x1  }
0x1f4: {  	v1 =	vadd.f32 v56, v1;
	_ =	sdelay $0x1  }
0x1f5: {  	[tilespmem:s29+$0x2500] =	vst v1  }
0x1f6: {  	v1 =	vld [tilespmem:$0x1510];
	_ =	sdelay $0x1  }
0x1f7: {  	v58 =	vld [tilespmem:$0x1D10];
	_ =	sdelay $0x2  }
0x1f8: {  	v1 =	vmul.f32 v1, v57;
	_ =	sdelay $0x1  }
0x1f9: {  	v1 =	vadd.f32 v58, v1;
	_ =	sdelay $0x1  }
0x1fa: {  	[tilespmem:s29+$0x2510] =	vst v1  }
0x1fb: {  	v1 =	vld [tilespmem:$0x1580];
	_ =	sdelay $0x1  }
0x1fc: {  	v59 =	vld [tilespmem:$0x1D80]  }
0x1fd: {  	v60 =	vbroadcast v26, $0xB;
	_ =	sdelay $0x1  }
0x1fe: {  	v1 =	vmul.f32 v1, v60;
	_ =	sdelay $0x1  }
0x1ff: {  	v1 =	vadd.f32 v59, v1;
	_ =	sdelay $0x1  }
0x200: {  	[tilespmem:s29+$0x2580] =	vst v1  }
0x201: {  	v1 =	vld [tilespmem:$0x1590];
	_ =	sdelay $0x1  }
0x202: {  	v61 =	vld [tilespmem:$0x1D90];
	_ =	sdelay $0x2  }
0x203: {  	v1 =	vmul.f32 v1, v60;
	_ =	sdelay $0x1  }
0x204: {  	v1 =	vadd.f32 v61, v1;
	_ =	sdelay $0x1  }
0x205: {  	[tilespmem:s29+$0x2590] =	vst v1  }
0x206: {  	v1 =	vld [tilespmem:$0x1600];
	_ =	sdelay $0x1  }
0x207: {  	v62 =	vld [tilespmem:$0x1E00]  }
0x208: {  	v0 =	vbroadcast v26, $0xC;
	_ =	sdelay $0x1  }
0x209: {  	v1 =	vmul.f32 v1, v0;
	_ =	sdelay $0x1  }
0x20a: {  	v1 =	vadd.f32 v62, v1;
	_ =	sdelay $0x1  }
0x20b: {  	[tilespmem:s29+$0x2600] =	vst v1  }
0x20c: {  	v1 =	vld [tilespmem:$0x1610];
	_ =	sdelay $0x1  }
0x20d: {  	v63 =	vld [tilespmem:$0x1E10];
	_ =	sdelay $0x1  }
0x20e: {  	p0 =	slt.u32 s28, $0x2  }
.Ltmp6:
0x20f: {  	v0 =	vmul.f32 v1, v0;
	(pc) =	sbr.rel @p0 .LBB2_5-.Ltmp6, $3  }
0x210: {  	_ = 	snop  }
0x211: {  	v0 =	vadd.f32 v63, v0;
	_ =	sdelay $0x1  }
0x212: {  	[tilespmem:s29+$0x2610] =	vst v0  }
0x213: {  	_ =	swait.ge [sflag:s15], $0x80  }
0x214: {  	[sflag:s15] =	ssyncset.done $0x0  }
0x215: {  	[sflag:s15] =	ssyncadd.s32 $0xFFFFFF80  }
0x216: {  	_ =	swait.ge [sflag:s15], $0x80  }
0x217: {  	[sflag:s15] =	ssyncset.done $0x0  }
0x218: {  	[sflag:s15] =	ssyncadd.s32 $0xFFFFFF80  }
0x219: {  	_ =	swait.ge [sflag:s15], $0x80  }
0x21a: {  	[sflag:s15] =	ssyncset.done $0x0  }
0x21b: {  	[sflag:s15] =	ssyncadd.s32 $0xFFFFFF80  }
0x21c: {  	_ =	swait.ge [sflag:s15], $0x80  }
0x21d: {  	[sflag:s15] =	ssyncset.done $0x0  }
0x21e: {  	[sflag:s15] =	ssyncadd.s32 $0xFFFFFF80  }
0x21f: {  	_ =	swait.ge [sflag:s15], $0x80  }
0x220: {  	[sflag:s15] =	ssyncset.done $0x0  }
0x221: {  	[sflag:s15] =	ssyncadd.s32 $0xFFFFFF80  }
0x222: {  	_ =	swait.ge [sflag:s15], $0x80  }
0x223: {  	[sflag:s15] =	ssyncset.done $0x0  }
0x224: {  	[sflag:s15] =	ssyncadd.s32 $0xFFFFFF80  }
0x225: {  	_ =	swait.ge [sflag:s15], $0x80  }
0x226: {  	[sflag:s15] =	ssyncset.done $0x0  }
0x227: {  	[sflag:s15] =	ssyncadd.s32 $0xFFFFFF80  }
0x228: {  	_ =	swait.ge [sflag:s15], $0x80  }
0x229: {  	[sflag:s15] =	ssyncset.done $0x0  }
0x22a: {  	[sflag:s15] =	ssyncadd.s32 $0xFFFFFF80  }
0x22b: {  	_ =	swait.ge [sflag:s15], $0x80  }
0x22c: {  	[sflag:s15] =	ssyncset.done $0x0  }
0x22d: {  	[sflag:s15] =	ssyncadd.s32 $0xFFFFFF80  }
0x22e: {  	_ =	swait.ge [sflag:s15], $0x80  }
0x22f: {  	[sflag:s15] =	ssyncset.done $0x0  }
0x230: {  	[sflag:s15] =	ssyncadd.s32 $0xFFFFFF80  }
0x231: {  	_ =	swait.ge [sflag:s15], $0x80  }
0x232: {  	[sflag:s15] =	ssyncset.done $0x0  }
0x233: {  	[sflag:s15] =	ssyncadd.s32 $0xFFFFFF80  }
0x234: {  	_ =	swait.ge [sflag:s15], $0x80  }
0x235: {  	[sflag:s15] =	ssyncset.done $0x0  }
0x236: {  	[sflag:s15] =	ssyncadd.s32 $0xFFFFFF80  }
0x237: {  	_ =	swait.ge [sflag:s15], $0x80  }
0x238: {  	[sflag:s15] =	ssyncset.done $0x0  }
0x239: {  	[sflag:s15] =	ssyncadd.s32 $0xFFFFFF80  }
0x23a: {  	_ =	swait.ge [sflag:s15], $0x80  }
0x23b: {  	[sflag:s15] =	ssyncset.done $0x0  }
0x23c: {  	[sflag:s15] =	ssyncadd.s32 $0xFFFFFF80  }
0x23d: {  	_ =	swait.ge [sflag:s15], $0x80  }
0x23e: {  	[sflag:s15] =	ssyncset.done $0x0  }
0x23f: {  	[sflag:s15] =	ssyncadd.s32 $0xFFFFFF80  }
0x240: {  	_ =	swait.ge [sflag:s15], $0x80  }
0x241: {  	[sflag:s15] =	ssyncset.done $0x0  }
0x242: {  	[sflag:s15] =	ssyncadd.s32 $0xFFFFFF80  }
0x243: {  	_ =	swait.ge [sflag:s15], $0x80  }
0x244: {  	[sflag:s15] =	ssyncset.done $0x0  }
0x245: {  	[sflag:s15] =	ssyncadd.s32 $0xFFFFFF80  }
0x246: {  	_ =	swait.ge [sflag:s15], $0x80  }
0x247: {  	[sflag:s15] =	ssyncset.done $0x0  }
0x248: {  	[sflag:s15] =	ssyncadd.s32 $0xFFFFFF80  }
0x249: {  	_ =	swait.ge [sflag:s15], $0x80  }
0x24a: {  	[sflag:s15] =	ssyncset.done $0x0  }
0x24b: {  	[sflag:s15] =	ssyncadd.s32 $0xFFFFFF80  }
0x24c: {  	_ =	swait.ge [sflag:s15], $0x80  }
0x24d: {  	[sflag:s15] =	ssyncset.done $0x0  }
0x24e: {  	[sflag:s15] =	ssyncadd.s32 $0xFFFFFF80  }
0x24f: {  	_ =	swait.ge [sflag:s15], $0x80  }
0x250: {  	[sflag:s15] =	ssyncset.done $0x0  }
0x251: {  	[sflag:s15] =	ssyncadd.s32 $0xFFFFFF80  }
0x252: {  	_ =	swait.ge [sflag:s15], $0x80  }
0x253: {  	[sflag:s15] =	ssyncset.done $0x0  }
0x254: {  	[sflag:s15] =	ssyncadd.s32 $0xFFFFFF80  }
0x255: {  	_ =	swait.ge [sflag:s15], $0x80  }
0x256: {  	[sflag:s15] =	ssyncset.done $0x0  }
0x257: {  	[sflag:s15] =	ssyncadd.s32 $0xFFFFFF80  }
0x258: {  	_ =	swait.ge [sflag:s15], $0x80  }
0x259: {  	[sflag:s15] =	ssyncset.done $0x0  }
0x25a: {  	[sflag:s15] =	ssyncadd.s32 $0xFFFFFF80  }
0x25b: {  	_ =	swait.ge [sflag:s15], $0x80  }
0x25c: {  	[sflag:s15] =	ssyncset.done $0x0  }
.Ltmp7:
0x25d: {  	[sflag:s15] =	ssyncadd.s32 $0xFFFFFF80;
	(pc) =	sbr.rel .LBB2_5-.Ltmp7, $4  }
0x25e: {  	_ =	swait.ge [sflag:s15], $0x80  }
0x25f: {  	s30 =	sshrl.u32 s26, $0x3;
	[sflag:s15] =	ssyncset.done $0x0  }
0x260: {  	s29 =	sadd.s32 $0xFFFFF800, s29;
	s30 =	sadd.s32 s8, s30;
	[sflag:s15] =	ssyncadd.s32 $0xFFFFFF80  }
0x261: {  	[hbm4b:s30+s2] =	stream.linear.scatter [tilespmem:s29], [sflag:$0x2], $0x1380, $0x38;
	[tilespmem:$0x16000] =	vst v63  }
.LBB2_8:
0x262: {  	_ =	sfence.sel $0x180000  }
0x263: {  	[bflag:$0x0] =	sbarrier.arrive $0xFFFF  }
0x264: {  	p0 =	sne.s32 s3, $0x0;
	_ =	strace $0x90000047  }
0x265: {  	s0 =	sadd.s32 @!p0 $0x100000, s0;
	[bflag:$0x2] =	sbarrier.arrive $0xFFFF  }
0x266: {  	[sflag:s0] =	ssyncadd.tile.s32 @!p0 $0x1;
	_ =	shalt  }
.Lfunc_end2:
_tile_overlayer_lowered:
.L_overlay_start_2:
0x267: {  	(tag) =	ssettag $0x2  }
0x268: {  	s0 =	rddreg [dreg:$0x0];
	s2 =	stileid.u32  }
0x269: {  	s1 =	rddreg [dreg:$0x1];
	p0 =	sne.s32 s2, $0x0  }
0x26a: {  	s3 =	rddreg [dreg:$0x2];
	[bflag:$0x3] =	sbarrier.arrive $0xFFFF;
	s2 =	simm.s32 @!p0 $0x1C03  }
0x26b: {  	[timem:s3], [sflag:s2] =	dma.local @!p0 [hbm:s0], s1  }
0x26c: {  	s0 =	simm.s32 @!p0 $0x3  }
0x26d: {  	_ =	swait.ge @!p0 [sflag:s0], s1  }
0x26e: {  	s1 =	ssub.s32 @!p0 $0x0, s1;
	[sflag:s0] =	ssyncset.done @!p0 $0x0  }
0x26f: {  	[sflag:s0] =	ssyncadd.s32 @!p0 s1  }
0x270: {  	[bflag:$0x3] =	sbarrier.arrive $0xFFFF  }
0x271: {  	_ =	shalt  }

</sc_bundles>
